<compile_context>
chip_gen: v7x
topology: tpu7x:2x2x1
jax: 0.10.2.dev20260603
libtpu: 0.0.44.dev20260713+nightly
codegen_flags: <defaults>
</compile_context>

<pallas_src>
import functools

import jax
import jax.numpy as jnp
from jax import lax
from jax.experimental import pallas as pl
from jax.experimental.pallas import tpu as pltpu
from jax.experimental.pallas import tpu_sc as plsc

N = 10000
NP = 10240
E = 320000
F = 128

NC = 2
NS = 16
NW = NC * NS
CH = 128
NCHUNK = NP // CH
EPW = NCHUNK * CH
EPAD = NW * EPW
RPT = NP // NS
RZ = RPT // CH

_MESH = plsc.VectorSubcoreMesh(
    core_axis_name="c", subcore_axis_name="s", num_cores=NC, num_subcores=NS
)


PAIR_CHUNKS = 2 * NCHUNK
SLAB = 40
NSLAB = PAIR_CHUNKS // SLAB


@functools.partial(
    pl.kernel,
    out_type=jax.ShapeDtypeStruct((NC, NP, F), jnp.float32),
    mesh=_MESH,
    scratch_types=[
        pltpu.VMEM((SLAB, CH), jnp.int32),
        pltpu.VMEM((CH, F), jnp.float32),
        pltpu.VMEM_SHARED((NP, F), jnp.float32),
    ],
)
def _deg(src_hbm, dst_hbm, out_hbm, idx, ones, agg_sh):
    cid = lax.axis_index("c")
    sid = lax.axis_index("s")

    def zero_row(i, _):
        for j in range(F // 16):
            ones[i, pl.ds(j * 16, 16)] = jnp.zeros((16,), jnp.float32)
        return 0

    lax.fori_loop(0, CH, zero_row, 0)
    for r in range(RZ):
        pltpu.sync_copy(ones, agg_sh.at[pl.ds(sid * RPT + r * CH, CH)])

    def one_row(i, _):
        for j in range(F // 16):
            ones[i, pl.ds(j * 16, 16)] = jnp.ones((16,), jnp.float32)
        return 0

    lax.fori_loop(0, CH, one_row, 0)
    plsc.subcore_barrier()

    for s in range(NSLAB):
        @pl.when(cid == 0)
        def _(s=s):
            pltpu.sync_copy(src_hbm.at[sid, pl.ds(s * SLAB, SLAB)], idx)

        @pl.when(cid == 1)
        def _(s=s):
            pltpu.sync_copy(dst_hbm.at[sid, pl.ds(s * SLAB, SLAB)], idx)

        def body(k, _):
            pltpu.sync_copy(ones, agg_sh.at[idx.at[k]], add=True)
            return 0

        lax.fori_loop(0, SLAB, body, 0)

    plsc.subcore_barrier()
    sl = pl.ds(sid * RPT, RPT)
    pltpu.sync_copy(agg_sh.at[sl], out_hbm.at[cid, sl])


C0_SLABS = 2


@functools.partial(
    pl.kernel,
    out_type=jax.ShapeDtypeStruct((NC, NP, F), jnp.float32),
    mesh=_MESH,
    scratch_types=[
        pltpu.VMEM((SLAB, CH), jnp.int32),
        pltpu.VMEM((SLAB, CH), jnp.int32),
        pltpu.VMEM((CH, F), jnp.float32),
        pltpu.VMEM((CH, F), jnp.float32),
        pltpu.VMEM_SHARED((NP, F), jnp.float32),
        pltpu.SemaphoreType.DMA,
        pltpu.SemaphoreType.DMA,
    ],
)
def _scat(h_hbm, src_hbm, dst_hbm, out_hbm, sidx, didx, rows0, rows1, agg_sh,
          sem0, sem1):
    cid = lax.axis_index("c")
    sid = lax.axis_index("s")

    def zero_row(i, _):
        for j in range(F // 16):
            rows0[i, pl.ds(j * 16, 16)] = jnp.zeros((16,), jnp.float32)
        return 0

    lax.fori_loop(0, CH, zero_row, 0)
    for r in range(RZ):
        pltpu.sync_copy(rows0, agg_sh.at[pl.ds(sid * RPT + r * CH, CH)])
    plsc.subcore_barrier()

    NPAIR = SLAB // 2
    for s in range(NSLAB):
        owner = 0 if s < C0_SLABS else 1

        @pl.when(cid == owner)
        def _(s=s):
            pltpu.sync_copy(src_hbm.at[sid, pl.ds(s * SLAB, SLAB)], sidx)
            pltpu.sync_copy(dst_hbm.at[sid, pl.ds(s * SLAB, SLAB)], didx)
            pltpu.async_copy(h_hbm.at[sidx.at[0]], rows0, sem0)
            pltpu.async_copy(h_hbm.at[sidx.at[1]], rows1, sem1)

            def body(i, _):
                k0 = 2 * i
                pltpu.make_async_copy(h_hbm.at[sidx.at[k0]], rows0, sem0).wait()
                pltpu.sync_copy(rows0, agg_sh.at[didx.at[k0]], add=True)

                @pl.when(i + 1 < NPAIR)
                def _():
                    pltpu.async_copy(h_hbm.at[sidx.at[k0 + 2]], rows0, sem0)

                pltpu.make_async_copy(h_hbm.at[sidx.at[k0 + 1]], rows1, sem1).wait()
                pltpu.sync_copy(rows1, agg_sh.at[didx.at[k0 + 1]], add=True)

                @pl.when(i + 1 < NPAIR)
                def _():
                    pltpu.async_copy(h_hbm.at[sidx.at[k0 + 3]], rows1, sem1)

                return 0

            lax.fori_loop(0, NPAIR, body, 0)

    plsc.subcore_barrier()

    sl = pl.ds(sid * RPT, RPT)
    pltpu.sync_copy(agg_sh.at[sl], out_hbm.at[cid, sl])


_BLK = 1024
_GRID = NP // _BLK


def _tc_a_body(x_ref, w_ref, d_ref, h_ref, no_ref, ni_ref):
    dd = d_ref[...]
    nor = lax.rsqrt(jnp.clip(dd[0:1], 1.0, None))
    nir = lax.rsqrt(jnp.clip(dd[1:2], 1.0, None))
    ii = lax.broadcasted_iota(jnp.int32, (_BLK, _BLK), 0)
    jj = lax.broadcasted_iota(jnp.int32, (_BLK, _BLK), 1)
    ee = (ii == jj).astype(jnp.float32)
    dn = (((1,), (1,)), ((), ()))
    no = lax.dot_general(ee, nor, dn, preferred_element_type=jnp.float32)
    ni = lax.dot_general(ee, nir, dn, preferred_element_type=jnp.float32)
    y = jnp.dot(x_ref[...], w_ref[...], preferred_element_type=jnp.float32)
    h_ref[...] = y * no
    no_ref[...] = no
    ni_ref[...] = ni


def _tc_a(x, w1, degp):
    return pl.pallas_call(
        _tc_a_body,
        grid=(_GRID,),
        in_specs=[
            pl.BlockSpec((_BLK, F), lambda i: (i, 0)),
            pl.BlockSpec((F, F), lambda i: (0, 0)),
            pl.BlockSpec((2, _BLK), lambda i: (0, i)),
        ],
        out_specs=[
            pl.BlockSpec((_BLK, F), lambda i: (i, 0)),
            pl.BlockSpec((_BLK, 1), lambda i: (i, 0)),
            pl.BlockSpec((_BLK, 1), lambda i: (i, 0)),
        ],
        out_shape=[
            jax.ShapeDtypeStruct((NP, F), jnp.float32),
            jax.ShapeDtypeStruct((NP, 1), jnp.float32),
            jax.ShapeDtypeStruct((NP, 1), jnp.float32),
        ],
    )(x, w1, degp)


def _tc_b_body(a_ref, ni_ref, no_ref, b_ref, w_ref, h_ref):
    a = a_ref[0] + a_ref[1]
    z = jnp.maximum(a * ni_ref[...] + b_ref[...], 0.0) * no_ref[...]
    h_ref[...] = jnp.dot(z, w_ref[...], preferred_element_type=jnp.float32)


def _tc_b(agg, ni, no, b1, w2):
    return pl.pallas_call(
        _tc_b_body,
        grid=(_GRID,),
        in_specs=[
            pl.BlockSpec((NC, _BLK, F), lambda i: (0, i, 0)),
            pl.BlockSpec((_BLK, 1), lambda i: (i, 0)),
            pl.BlockSpec((_BLK, 1), lambda i: (i, 0)),
            pl.BlockSpec((1, F), lambda i: (0, 0)),
            pl.BlockSpec((F, F), lambda i: (0, 0)),
        ],
        out_specs=pl.BlockSpec((_BLK, F), lambda i: (i, 0)),
        out_shape=jax.ShapeDtypeStruct((NP, F), jnp.float32),
    )(agg, ni, no, b1, w2)


def _tc_c_body(a_ref, ni_ref, b_ref, o_ref):
    a = a_ref[0] + a_ref[1]
    o_ref[...] = a * ni_ref[...] + b_ref[...]


def _tc_c(agg, ni, b2):
    return pl.pallas_call(
        _tc_c_body,
        grid=(_GRID,),
        in_specs=[
            pl.BlockSpec((NC, _BLK, F), lambda i: (0, i, 0)),
            pl.BlockSpec((_BLK, 1), lambda i: (i, 0)),
            pl.BlockSpec((1, F), lambda i: (0, 0)),
        ],
        out_specs=pl.BlockSpec((_BLK, F), lambda i: (i, 0)),
        out_shape=jax.ShapeDtypeStruct((NP, F), jnp.float32),
    )(agg, ni, b2)


def kernel(x, edge_index, W1, b1, W2, b2):
    pad = N + (jnp.arange(EPAD - E, dtype=jnp.int32) % (NP - N))
    src = jnp.concatenate([edge_index[0].astype(jnp.int32), pad])
    dst = jnp.concatenate([edge_index[1].astype(jnp.int32), pad])
    src = src.reshape(NW, NCHUNK, CH)
    dst = dst.reshape(NW, NCHUNK, CH)
    srcp = src.reshape(NS, PAIR_CHUNKS, CH)
    dstp = dst.reshape(NS, PAIR_CHUNKS, CH)
    xp = jnp.pad(x, ((0, NP - N), (0, 0)))

    deg = _deg(srcp, dstp)
    degp = jnp.stack([deg[0, :, 0], deg[1, :, 0]])
    h1s, no, ni = _tc_a(xp, W1, degp)
    agg1 = _scat(h1s, srcp, dstp)
    h2s = _tc_b(agg1, ni, no, b1.reshape(1, F), W2)
    agg2 = _scat(h2s, srcp, dstp)
    out = _tc_c(agg2, ni, b2.reshape(1, F))
    return out[:N]

# --- scband reference (transcript-rebuilt; emitter-appended) ---
"""Pipeline reference for scband-gcn-13589276525102 (READ-ONLY COPY).

The authoritative reference and input builder live on the scoring server;
editing this copy changes nothing except your own understanding.
"""

import jax, jax.numpy as jnp
import numpy as np

N_NODES = 10000
N_EDGES = 320000
IN_FEATS = 128
H_FEATS = 128


def setup_inputs(seed: int = 0) -> dict:
    key = jax.random.key(seed)
    k_x, k_e, k_w1, k_w2 = jax.random.split(key, 4)
    x = jax.random.normal(k_x, (N_NODES, IN_FEATS), dtype=jnp.float32)
    edge_index = jax.random.randint(k_e, (2, N_EDGES), 0, N_NODES, dtype=jnp.int64)
    # Glorot-initialized weights like DGL GraphConv
    W1 = jax.random.normal(k_w1, (IN_FEATS, H_FEATS), dtype=jnp.float32) * (1.0 / np.sqrt(IN_FEATS))
    b1 = jnp.zeros((H_FEATS,), dtype=jnp.float32)
    W2 = jax.random.normal(k_w2, (H_FEATS, H_FEATS), dtype=jnp.float32) * (1.0 / np.sqrt(H_FEATS))
    b2 = jnp.zeros((H_FEATS,), dtype=jnp.float32)
    return {"x": x, "edge_index": edge_index, "W1": W1, "b1": b1, "W2": W2, "b2": b2}


def _graph_conv(x, W, b, src, dst, n_nodes):
    # DGL GraphConv with norm='both':
    # h = D_in^{-1/2} * A * D_out^{-1/2} * X * W + b
    ones = jnp.ones((src.shape[0],), dtype=x.dtype)
    deg_out = jax.ops.segment_sum(ones, src, num_segments=n_nodes)
    deg_in = jax.ops.segment_sum(ones, dst, num_segments=n_nodes)
    norm_out = jnp.power(jnp.clip(deg_out, 1.0, None), -0.5)
    norm_in = jnp.power(jnp.clip(deg_in, 1.0, None), -0.5)
    h = x * norm_out[:, None]
    h = h @ W  # project before aggregation (in_feats >= out_feats path)
    msg = jnp.take(h, src, axis=0)          # gather: src features per edge
    agg = jax.ops.segment_sum(msg, dst, num_segments=n_nodes)  # scatter-add
    agg = agg * norm_in[:, None]
    return agg + b


def reference(x, edge_index, W1, b1, W2, b2):
    src = edge_index[0]
    dst = edge_index[1]
    h = _graph_conv(x, W1, b1, src, dst, N_NODES)
    h = jax.nn.relu(h)
    h = _graph_conv(h, W2, b2, src, dst, N_NODES)
    return h

if __name__ == "__main__":
    import jax
    _d = setup_inputs()
    print(jax.jit(kernel)(*tuple(_d.values())))

</pallas_src>

<mosaic_0001>
#map = affine_map<(d0, d1) -> (0, 0)>
#map1 = affine_map<(d0, d1) -> (0, 0, 0)>
module attributes {stable_mosaic.version = 14 : i64} {
  func.func @_scat(%arg0: i32, %arg1: i32, %arg2: memref<10240x128xf32, #tpu.memory_space<hbm>>, %arg3: memref<16x160x128xi32, #tpu.memory_space<hbm>>, %arg4: memref<16x160x128xi32, #tpu.memory_space<hbm>>, %arg5: memref<2x10240x128xf32, #tpu.memory_space<hbm>>, %arg6: memref<40x128xi32, #tpu.memory_space<vmem>>, %arg7: memref<40x128xi32, #tpu.memory_space<vmem>>, %arg8: memref<128x128xf32, #tpu.memory_space<vmem>>, %arg9: memref<128x128xf32, #tpu.memory_space<vmem>>, %arg10: memref<10240x128xf32, #tpu.memory_space<vmem_shared>>, %arg11: memref<!tpu.dma_semaphore, #tpu.memory_space<semaphore_mem>>, %arg12: memref<!tpu.dma_semaphore, #tpu.memory_space<semaphore_mem>>) attributes {dimension_semantics = [#tpu.dimension_semantics<core_parallel>, #tpu.dimension_semantics<subcore_parallel>], iteration_bounds = array<i64: 2, 16>, scalar_prefetch = 0 : i64, scratch_operands = 7 : i64, tpu.core_type = #tpu.core_type<sc_vector_subcore>, window_params = [{transform_indices = #map}, {transform_indices = #map1}, {transform_indices = #map1}, {transform_indices = #map1}]} {
    %scan3A = arith.constant 0 : i32
    %scan3A_0 = arith.constant 0 : i32
    %scan3A_1 = arith.constant 128 : i32
    %scan3A_2 = arith.addi %scan3A_0, %scan3A_1 : i32
    %scan3A_3 = arith.constant 1 : i32
    %scan3A_4 = scf.for %scan3A_44 = %scan3A_0 to %scan3A_2 step %scan3A_3 iter_args(%scan3A_45 = %scan3A) -> (i32)  : i32 {
      %broadcast_in_dim3A = arith.constant 0.000000e+00 : f32
      %broadcast_in_dim3A_46 = vector.broadcast %broadcast_in_dim3A : f32 to vector<16xf32>
      %swap3A = arith.index_cast %scan3A_44 : i32 to index
      %swap3A_47 = arith.constant 0 : index
      %swap3A_48 = tpu.vector_load %arg8[%swap3A, %swap3A_47] {strides = array<i32>} : memref<128x128xf32, #tpu.memory_space<vmem>>, vector<1x16xf32>,
      %swap3A_49 = vector.shape_cast %swap3A_48 : vector<1x16xf32> to vector<16xf32>
      %swap3A_50 = vector.shape_cast %broadcast_in_dim3A_46 : vector<16xf32> to vector<1x16xf32>
      tpu.vector_store %arg8[%swap3A, %swap3A_47], %swap3A_50 {strides = array<i32>} : memref<128x128xf32, #tpu.memory_space<vmem>>, vector<1x16xf32>,
      %broadcast_in_dim3A_51 = arith.constant 0.000000e+00 : f32
      %broadcast_in_dim3A_52 = vector.broadcast %broadcast_in_dim3A_51 : f32 to vector<16xf32>
      %swap3A_53 = arith.index_cast %scan3A_44 : i32 to index
      %swap3A_54 = arith.constant 16 : index
      %swap3A_55 = tpu.vector_load %arg8[%swap3A_53, %swap3A_54] {strides = array<i32>} : memref<128x128xf32, #tpu.memory_space<vmem>>, vector<1x16xf32>,
      %swap3A_56 = vector.shape_cast %swap3A_55 : vector<1x16xf32> to vector<16xf32>
      %swap3A_57 = vector.shape_cast %broadcast_in_dim3A_52 : vector<16xf32> to vector<1x16xf32>
      tpu.vector_store %arg8[%swap3A_53, %swap3A_54], %swap3A_57 {strides = array<i32>} : memref<128x128xf32, #tpu.memory_space<vmem>>, vector<1x16xf32>,
      %broadcast_in_dim3A_58 = arith.constant 0.000000e+00 : f32
      %broadcast_in_dim3A_59 = vector.broadcast %broadcast_in_dim3A_58 : f32 to vector<16xf32>
      %swap3A_60 = arith.index_cast %scan3A_44 : i32 to index
      %swap3A_61 = arith.constant 32 : index
      %swap3A_62 = tpu.vector_load %arg8[%swap3A_60, %swap3A_61] {strides = array<i32>} : memref<128x128xf32, #tpu.memory_space<vmem>>, vector<1x16xf32>,
      %swap3A_63 = vector.shape_cast %swap3A_62 : vector<1x16xf32> to vector<16xf32>
      %swap3A_64 = vector.shape_cast %broadcast_in_dim3A_59 : vector<16xf32> to vector<1x16xf32>
      tpu.vector_store %arg8[%swap3A_60, %swap3A_61], %swap3A_64 {strides = array<i32>} : memref<128x128xf32, #tpu.memory_space<vmem>>, vector<1x16xf32>,
      %broadcast_in_dim3A_65 = arith.constant 0.000000e+00 : f32
      %broadcast_in_dim3A_66 = vector.broadcast %broadcast_in_dim3A_65 : f32 to vector<16xf32>
      %swap3A_67 = arith.index_cast %scan3A_44 : i32 to index
      %swap3A_68 = arith.constant 48 : index
      %swap3A_69 = tpu.vector_load %arg8[%swap3A_67, %swap3A_68] {strides = array<i32>} : memref<128x128xf32, #tpu.memory_space<vmem>>, vector<1x16xf32>,
      %swap3A_70 = vector.shape_cast %swap3A_69 : vector<1x16xf32> to vector<16xf32>
      %swap3A_71 = vector.shape_cast %broadcast_in_dim3A_66 : vector<16xf32> to vector<1x16xf32>
      tpu.vector_store %arg8[%swap3A_67, %swap3A_68], %swap3A_71 {strides = array<i32>} : memref<128x128xf32, #tpu.memory_space<vmem>>, vector<1x16xf32>,
      %broadcast_in_dim3A_72 = arith.constant 0.000000e+00 : f32
      %broadcast_in_dim3A_73 = vector.broadcast %broadcast_in_dim3A_72 : f32 to vector<16xf32>
      %swap3A_74 = arith.index_cast %scan3A_44 : i32 to index
      %swap3A_75 = arith.constant 64 : index
      %swap3A_76 = tpu.vector_load %arg8[%swap3A_74, %swap3A_75] {strides = array<i32>} : memref<128x128xf32, #tpu.memory_space<vmem>>, vector<1x16xf32>,
      %swap3A_77 = vector.shape_cast %swap3A_76 : vector<1x16xf32> to vector<16xf32>
      %swap3A_78 = vector.shape_cast %broadcast_in_dim3A_73 : vector<16xf32> to vector<1x16xf32>
      tpu.vector_store %arg8[%swap3A_74, %swap3A_75], %swap3A_78 {strides = array<i32>} : memref<128x128xf32, #tpu.memory_space<vmem>>, vector<1x16xf32>,
      %broadcast_in_dim3A_79 = arith.constant 0.000000e+00 : f32
      %broadcast_in_dim3A_80 = vector.broadcast %broadcast_in_dim3A_79 : f32 to vector<16xf32>
      %swap3A_81 = arith.index_cast %scan3A_44 : i32 to index
      %swap3A_82 = arith.constant 80 : index
      %swap3A_83 = tpu.vector_load %arg8[%swap3A_81, %swap3A_82] {strides = array<i32>} : memref<128x128xf32, #tpu.memory_space<vmem>>, vector<1x16xf32>,
      %swap3A_84 = vector.shape_cast %swap3A_83 : vector<1x16xf32> to vector<16xf32>
      %swap3A_85 = vector.shape_cast %broadcast_in_dim3A_80 : vector<16xf32> to vector<1x16xf32>
      tpu.vector_store %arg8[%swap3A_81, %swap3A_82], %swap3A_85 {strides = array<i32>} : memref<128x128xf32, #tpu.memory_space<vmem>>, vector<1x16xf32>,
      %broadcast_in_dim3A_86 = arith.constant 0.000000e+00 : f32
      %broadcast_in_dim3A_87 = vector.broadcast %broadcast_in_dim3A_86 : f32 to vector<16xf32>
      %swap3A_88 = arith.index_cast %scan3A_44 : i32 to index
      %swap3A_89 = arith.constant 96 : index
      %swap3A_90 = tpu.vector_load %arg8[%swap3A_88, %swap3A_89] {strides = array<i32>} : memref<128x128xf32, #tpu.memory_space<vmem>>, vector<1x16xf32>,
      %swap3A_91 = vector.shape_cast %swap3A_90 : vector<1x16xf32> to vector<16xf32>
      %swap3A_92 = vector.shape_cast %broadcast_in_dim3A_87 : vector<16xf32> to vector<1x16xf32>
      tpu.vector_store %arg8[%swap3A_88, %swap3A_89], %swap3A_92 {strides = array<i32>} : memref<128x128xf32, #tpu.memory_space<vmem>>, vector<1x16xf32>,
      %broadcast_in_dim3A_93 = arith.constant 0.000000e+00 : f32
      %broadcast_in_dim3A_94 = vector.broadcast %broadcast_in_dim3A_93 : f32 to vector<16xf32>
      %swap3A_95 = arith.index_cast %scan3A_44 : i32 to index
      %swap3A_96 = arith.constant 112 : index
      %swap3A_97 = tpu.vector_load %arg8[%swap3A_95, %swap3A_96] {strides = array<i32>} : memref<128x128xf32, #tpu.memory_space<vmem>>, vector<1x16xf32>,
      %swap3A_98 = vector.shape_cast %swap3A_97 : vector<1x16xf32> to vector<16xf32>
      %swap3A_99 = vector.shape_cast %broadcast_in_dim3A_94 : vector<16xf32> to vector<1x16xf32>
      tpu.vector_store %arg8[%swap3A_95, %swap3A_96], %swap3A_99 {strides = array<i32>} : memref<128x128xf32, #tpu.memory_space<vmem>>, vector<1x16xf32>,
      %scan3A_100 = arith.constant 0 : i32
      scf.yield %scan3A_100 : i32
    }
    %scan3A_5 = arith.constant 128 : i32
    %mul3A = arith.constant 640 : i32
    %mul3A_6 = arith.muli %arg1, %mul3A : i32
    %add3A = arith.constant 0 : i32
    %add3A_7 = arith.addi %mul3A_6, %add3A : i32
    "tpu.region"() ({
      %run_scoped3A = tpu.sem_alloc : memref<!tpu.dma_semaphore, #tpu.memory_space<semaphore_mem>>
      %dma_start3A = arith.constant 0 : i32
      %dma_start3A_44 = tpu.memref_slice %arg10[%add3A_7, %dma_start3A] : memref<10240x128xf32, #tpu.memory_space<vmem_shared>> -> memref<128x128xf32, #tpu.memory_space<vmem_shared>>
      %dma_start3A_45 = arith.constant 0 : i32
      %dma_start3A_46 = tpu.memref_slice %arg10[%add3A_7, %dma_start3A_45] : memref<10240x128xf32, #tpu.memory_space<vmem_shared>> -> memref<128x128xf32, #tpu.memory_space<vmem_shared>>
      tpu.enqueue_dma source(%arg8 : memref<128x128xf32, #tpu.memory_space<vmem>>) target(%dma_start3A_46 : memref<128x128xf32, #tpu.memory_space<vmem_shared>>) target_semaphore(%run_scoped3A : memref<!tpu.dma_semaphore, #tpu.memory_space<semaphore_mem>>)
      %dma_wait3A = arith.constant 0 : i32
      %dma_wait3A_47 = tpu.memref_slice %arg10[%add3A_7, %dma_wait3A] : memref<10240x128xf32, #tpu.memory_space<vmem_shared>> -> memref<128x128xf32, #tpu.memory_space<vmem_shared>>
      %dma_wait3A_48 = arith.constant 0 : i32
      %dma_wait3A_49 = tpu.memref_slice %arg10[%add3A_7, %dma_wait3A_48] : memref<10240x128xf32, #tpu.memory_space<vmem_shared>> -> memref<128x128xf32, #tpu.memory_space<vmem_shared>>
      tpu.wait_dma2 semaphore(%run_scoped3A : memref<!tpu.dma_semaphore, #tpu.memory_space<semaphore_mem>>) src(%arg8 : memref<128x128xf32, #tpu.memory_space<vmem>>) dst(%dma_wait3A_49 : memref<128x128xf32, #tpu.memory_space<vmem_shared>>)
      tpu.yield
    }) : () -> ()
    %mul3A_8 = arith.constant 640 : i32
    %mul3A_9 = arith.muli %arg1, %mul3A_8 : i32
    %add3A_10 = arith.constant 128 : i32
    %add3A_11 = arith.addi %mul3A_9, %add3A_10 : i32
    "tpu.region"() ({
      %run_scoped3A = tpu.sem_alloc : memref<!tpu.dma_semaphore, #tpu.memory_space<semaphore_mem>>
      %dma_start3A = arith.constant 0 : i32
      %dma_start3A_44 = tpu.memref_slice %arg10[%add3A_11, %dma_start3A] : memref<10240x128xf32, #tpu.memory_space<vmem_shared>> -> memref<128x128xf32, #tpu.memory_space<vmem_shared>>
      %dma_start3A_45 = arith.constant 0 : i32
      %dma_start3A_46 = tpu.memref_slice %arg10[%add3A_11, %dma_start3A_45] : memref<10240x128xf32, #tpu.memory_space<vmem_shared>> -> memref<128x128xf32, #tpu.memory_space<vmem_shared>>
      tpu.enqueue_dma source(%arg8 : memref<128x128xf32, #tpu.memory_space<vmem>>) target(%dma_start3A_46 : memref<128x128xf32, #tpu.memory_space<vmem_shared>>) target_semaphore(%run_scoped3A : memref<!tpu.dma_semaphore, #tpu.memory_space<semaphore_mem>>)
      %dma_wait3A = arith.constant 0 : i32
      %dma_wait3A_47 = tpu.memref_slice %arg10[%add3A_11, %dma_wait3A] : memref<10240x128xf32, #tpu.memory_space<vmem_shared>> -> memref<128x128xf32, #tpu.memory_space<vmem_shared>>
      %dma_wait3A_48 = arith.constant 0 : i32
      %dma_wait3A_49 = tpu.memref_slice %arg10[%add3A_11, %dma_wait3A_48] : memref<10240x128xf32, #tpu.memory_space<vmem_shared>> -> memref<128x128xf32, #tpu.memory_space<vmem_shared>>
      tpu.wait_dma2 semaphore(%run_scoped3A : memref<!tpu.dma_semaphore, #tpu.memory_space<semaphore_mem>>) src(%arg8 : memref<128x128xf32, #tpu.memory_space<vmem>>) dst(%dma_wait3A_49 : memref<128x128xf32, #tpu.memory_space<vmem_shared>>)
      tpu.yield
    }) : () -> ()
    %mul3A_12 = arith.constant 640 : i32
    %mul3A_13 = arith.muli %arg1, %mul3A_12 : i32
    %add3A_14 = arith.constant 256 : i32
    %add3A_15 = arith.addi %mul3A_13, %add3A_14 : i32
    "tpu.region"() ({
      %run_scoped3A = tpu.sem_alloc : memref<!tpu.dma_semaphore, #tpu.memory_space<semaphore_mem>>
      %dma_start3A = arith.constant 0 : i32
      %dma_start3A_44 = tpu.memref_slice %arg10[%add3A_15, %dma_start3A] : memref<10240x128xf32, #tpu.memory_space<vmem_shared>> -> memref<128x128xf32, #tpu.memory_space<vmem_shared>>
      %dma_start3A_45 = arith.constant 0 : i32
      %dma_start3A_46 = tpu.memref_slice %arg10[%add3A_15, %dma_start3A_45] : memref<10240x128xf32, #tpu.memory_space<vmem_shared>> -> memref<128x128xf32, #tpu.memory_space<vmem_shared>>
      tpu.enqueue_dma source(%arg8 : memref<128x128xf32, #tpu.memory_space<vmem>>) target(%dma_start3A_46 : memref<128x128xf32, #tpu.memory_space<vmem_shared>>) target_semaphore(%run_scoped3A : memref<!tpu.dma_semaphore, #tpu.memory_space<semaphore_mem>>)
      %dma_wait3A = arith.constant 0 : i32
      %dma_wait3A_47 = tpu.memref_slice %arg10[%add3A_15, %dma_wait3A] : memref<10240x128xf32, #tpu.memory_space<vmem_shared>> -> memref<128x128xf32, #tpu.memory_space<vmem_shared>>
      %dma_wait3A_48 = arith.constant 0 : i32
      %dma_wait3A_49 = tpu.memref_slice %arg10[%add3A_15, %dma_wait3A_48] : memref<10240x128xf32, #tpu.memory_space<vmem_shared>> -> memref<128x128xf32, #tpu.memory_space<vmem_shared>>
      tpu.wait_dma2 semaphore(%run_scoped3A : memref<!tpu.dma_semaphore, #tpu.memory_space<semaphore_mem>>) src(%arg8 : memref<128x128xf32, #tpu.memory_space<vmem>>) dst(%dma_wait3A_49 : memref<128x128xf32, #tpu.memory_space<vmem_shared>>)
      tpu.yield
    }) : () -> ()
    %mul3A_16 = arith.constant 640 : i32
    %mul3A_17 = arith.muli %arg1, %mul3A_16 : i32
    %add3A_18 = arith.constant 384 : i32
    %add3A_19 = arith.addi %mul3A_17, %add3A_18 : i32
    "tpu.region"() ({
      %run_scoped3A = tpu.sem_alloc : memref<!tpu.dma_semaphore, #tpu.memory_space<semaphore_mem>>
      %dma_start3A = arith.constant 0 : i32
      %dma_start3A_44 = tpu.memref_slice %arg10[%add3A_19, %dma_start3A] : memref<10240x128xf32, #tpu.memory_space<vmem_shared>> -> memref<128x128xf32, #tpu.memory_space<vmem_shared>>
      %dma_start3A_45 = arith.constant 0 : i32
      %dma_start3A_46 = tpu.memref_slice %arg10[%add3A_19, %dma_start3A_45] : memref<10240x128xf32, #tpu.memory_space<vmem_shared>> -> memref<128x128xf32, #tpu.memory_space<vmem_shared>>
      tpu.enqueue_dma source(%arg8 : memref<128x128xf32, #tpu.memory_space<vmem>>) target(%dma_start3A_46 : memref<128x128xf32, #tpu.memory_space<vmem_shared>>) target_semaphore(%run_scoped3A : memref<!tpu.dma_semaphore, #tpu.memory_space<semaphore_mem>>)
      %dma_wait3A = arith.constant 0 : i32
      %dma_wait3A_47 = tpu.memref_slice %arg10[%add3A_19, %dma_wait3A] : memref<10240x128xf32, #tpu.memory_space<vmem_shared>> -> memref<128x128xf32, #tpu.memory_space<vmem_shared>>
      %dma_wait3A_48 = arith.constant 0 : i32
      %dma_wait3A_49 = tpu.memref_slice %arg10[%add3A_19, %dma_wait3A_48] : memref<10240x128xf32, #tpu.memory_space<vmem_shared>> -> memref<128x128xf32, #tpu.memory_space<vmem_shared>>
      tpu.wait_dma2 semaphore(%run_scoped3A : memref<!tpu.dma_semaphore, #tpu.memory_space<semaphore_mem>>) src(%arg8 : memref<128x128xf32, #tpu.memory_space<vmem>>) dst(%dma_wait3A_49 : memref<128x128xf32, #tpu.memory_space<vmem_shared>>)
      tpu.yield
    }) : () -> ()
    %mul3A_20 = arith.constant 640 : i32
    %mul3A_21 = arith.muli %arg1, %mul3A_20 : i32
    %add3A_22 = arith.constant 512 : i32
    %add3A_23 = arith.addi %mul3A_21, %add3A_22 : i32
    "tpu.region"() ({
      %run_scoped3A = tpu.sem_alloc : memref<!tpu.dma_semaphore, #tpu.memory_space<semaphore_mem>>
      %dma_start3A = arith.constant 0 : i32
      %dma_start3A_44 = tpu.memref_slice %arg10[%add3A_23, %dma_start3A] : memref<10240x128xf32, #tpu.memory_space<vmem_shared>> -> memref<128x128xf32, #tpu.memory_space<vmem_shared>>
      %dma_start3A_45 = arith.constant 0 : i32
      %dma_start3A_46 = tpu.memref_slice %arg10[%add3A_23, %dma_start3A_45] : memref<10240x128xf32, #tpu.memory_space<vmem_shared>> -> memref<128x128xf32, #tpu.memory_space<vmem_shared>>
      tpu.enqueue_dma source(%arg8 : memref<128x128xf32, #tpu.memory_space<vmem>>) target(%dma_start3A_46 : memref<128x128xf32, #tpu.memory_space<vmem_shared>>) target_semaphore(%run_scoped3A : memref<!tpu.dma_semaphore, #tpu.memory_space<semaphore_mem>>)
      %dma_wait3A = arith.constant 0 : i32
      %dma_wait3A_47 = tpu.memref_slice %arg10[%add3A_23, %dma_wait3A] : memref<10240x128xf32, #tpu.memory_space<vmem_shared>> -> memref<128x128xf32, #tpu.memory_space<vmem_shared>>
      %dma_wait3A_48 = arith.constant 0 : i32
      %dma_wait3A_49 = tpu.memref_slice %arg10[%add3A_23, %dma_wait3A_48] : memref<10240x128xf32, #tpu.memory_space<vmem_shared>> -> memref<128x128xf32, #tpu.memory_space<vmem_shared>>
      tpu.wait_dma2 semaphore(%run_scoped3A : memref<!tpu.dma_semaphore, #tpu.memory_space<semaphore_mem>>) src(%arg8 : memref<128x128xf32, #tpu.memory_space<vmem>>) dst(%dma_wait3A_49 : memref<128x128xf32, #tpu.memory_space<vmem_shared>>)
      tpu.yield
    }) : () -> ()
    %barrier3A = arith.constant 0 : index
    tpu.barrier barrier_id(%barrier3A)
    %eq3A = arith.constant 0 : i32
    %eq3A_24 = arith.cmpi eq, %arg0, %eq3A : i32
    %convert_element_type3A = arith.extui %eq3A_24 : i1 to i32
    %cond3A = arith.constant 0 : i32
    %cond3A_25 = arith.cmpi ne, %convert_element_type3A, %cond3A : i32
    scf.if %cond3A_25 {
      "tpu.region"() ({
        %run_scoped3A = tpu.sem_alloc : memref<!tpu.dma_semaphore, #tpu.memory_space<semaphore_mem>>
        %dma_start3A_64 = arith.constant 0 : i32
        %dma_start3A_65 = arith.constant 0 : i32
        %dma_start3A_66 = tpu.memref_slice %arg3[%arg1, %dma_start3A_64, %dma_start3A_65] : memref<16x160x128xi32, #tpu.memory_space<hbm>> -> memref<1x40x128xi32, #tpu.memory_space<hbm>>
        %dma_start3A_67 = tpu.memref_squeeze %dma_start3A_66 : memref<1x40x128xi32, #tpu.memory_space<hbm>> -> memref<40x128xi32, #tpu.memory_space<hbm>>
        %dma_start3A_68 = arith.constant 0 : i32
        %dma_start3A_69 = arith.constant 0 : i32
        %dma_start3A_70 = tpu.memref_slice %arg3[%arg1, %dma_start3A_68, %dma_start3A_69] : memref<16x160x128xi32, #tpu.memory_space<hbm>> -> memref<1x40x128xi32, #tpu.memory_space<hbm>>
        %dma_start3A_71 = tpu.memref_squeeze %dma_start3A_70 : memref<1x40x128xi32, #tpu.memory_space<hbm>> -> memref<40x128xi32, #tpu.memory_space<hbm>>
        tpu.enqueue_dma source(%dma_start3A_71 : memref<40x128xi32, #tpu.memory_space<hbm>>) target(%arg6 : memref<40x128xi32, #tpu.memory_space<vmem>>) target_semaphore(%run_scoped3A : memref<!tpu.dma_semaphore, #tpu.memory_space<semaphore_mem>>)
        %dma_wait3A = arith.constant 0 : i32
        %dma_wait3A_72 = arith.constant 0 : i32
        %dma_wait3A_73 = tpu.memref_slice %arg3[%arg1, %dma_wait3A, %dma_wait3A_72] : memref<16x160x128xi32, #tpu.memory_space<hbm>> -> memref<1x40x128xi32, #tpu.memory_space<hbm>>
        %dma_wait3A_74 = tpu.memref_squeeze %dma_wait3A_73 : memref<1x40x128xi32, #tpu.memory_space<hbm>> -> memref<40x128xi32, #tpu.memory_space<hbm>>
        %dma_wait3A_75 = arith.constant 0 : i32
        %dma_wait3A_76 = arith.constant 0 : i32
        %dma_wait3A_77 = tpu.memref_slice %arg3[%arg1, %dma_wait3A_75, %dma_wait3A_76] : memref<16x160x128xi32, #tpu.memory_space<hbm>> -> memref<1x40x128xi32, #tpu.memory_space<hbm>>
        %dma_wait3A_78 = tpu.memref_squeeze %dma_wait3A_77 : memref<1x40x128xi32, #tpu.memory_space<hbm>> -> memref<40x128xi32, #tpu.memory_space<hbm>>
        tpu.wait_dma2 semaphore(%run_scoped3A : memref<!tpu.dma_semaphore, #tpu.memory_space<semaphore_mem>>) src(%dma_wait3A_78 : memref<40x128xi32, #tpu.memory_space<hbm>>) dst(%arg6 : memref<40x128xi32, #tpu.memory_space<vmem>>)
        tpu.yield
      }) : () -> ()
      "tpu.region"() ({
        %run_scoped3A = tpu.sem_alloc : memref<!tpu.dma_semaphore, #tpu.memory_space<semaphore_mem>>
        %dma_start3A_64 = arith.constant 0 : i32
        %dma_start3A_65 = arith.constant 0 : i32
        %dma_start3A_66 = tpu.memref_slice %arg4[%arg1, %dma_start3A_64, %dma_start3A_65] : memref<16x160x128xi32, #tpu.memory_space<hbm>> -> memref<1x40x128xi32, #tpu.memory_space<hbm>>
        %dma_start3A_67 = tpu.memref_squeeze %dma_start3A_66 : memref<1x40x128xi32, #tpu.memory_space<hbm>> -> memref<40x128xi32, #tpu.memory_space<hbm>>
        %dma_start3A_68 = arith.constant 0 : i32
        %dma_start3A_69 = arith.constant 0 : i32
        %dma_start3A_70 = tpu.memref_slice %arg4[%arg1, %dma_start3A_68, %dma_start3A_69] : memref<16x160x128xi32, #tpu.memory_space<hbm>> -> memref<1x40x128xi32, #tpu.memory_space<hbm>>
        %dma_start3A_71 = tpu.memref_squeeze %dma_start3A_70 : memref<1x40x128xi32, #tpu.memory_space<hbm>> -> memref<40x128xi32, #tpu.memory_space<hbm>>
        tpu.enqueue_dma source(%dma_start3A_71 : memref<40x128xi32, #tpu.memory_space<hbm>>) target(%arg7 : memref<40x128xi32, #tpu.memory_space<vmem>>) target_semaphore(%run_scoped3A : memref<!tpu.dma_semaphore, #tpu.memory_space<semaphore_mem>>)
        %dma_wait3A = arith.constant 0 : i32
        %dma_wait3A_72 = arith.constant 0 : i32
        %dma_wait3A_73 = tpu.memref_slice %arg4[%arg1, %dma_wait3A, %dma_wait3A_72] : memref<16x160x128xi32, #tpu.memory_space<hbm>> -> memref<1x40x128xi32, #tpu.memory_space<hbm>>
        %dma_wait3A_74 = tpu.memref_squeeze %dma_wait3A_73 : memref<1x40x128xi32, #tpu.memory_space<hbm>> -> memref<40x128xi32, #tpu.memory_space<hbm>>
        %dma_wait3A_75 = arith.constant 0 : i32
        %dma_wait3A_76 = arith.constant 0 : i32
        %dma_wait3A_77 = tpu.memref_slice %arg4[%arg1, %dma_wait3A_75, %dma_wait3A_76] : memref<16x160x128xi32, #tpu.memory_space<hbm>> -> memref<1x40x128xi32, #tpu.memory_space<hbm>>
        %dma_wait3A_78 = tpu.memref_squeeze %dma_wait3A_77 : memref<1x40x128xi32, #tpu.memory_space<hbm>> -> memref<40x128xi32, #tpu.memory_space<hbm>>
        tpu.wait_dma2 semaphore(%run_scoped3A : memref<!tpu.dma_semaphore, #tpu.memory_space<semaphore_mem>>) src(%dma_wait3A_78 : memref<40x128xi32, #tpu.memory_space<hbm>>) dst(%arg7 : memref<40x128xi32, #tpu.memory_space<vmem>>)
        tpu.yield
      }) : () -> ()
      %dma_start3A = arith.constant 0 : i32
      %dma_start3A_44 = arith.constant 0 : i32
      %dma_start3A_45 = tpu.memref_slice %arg6[%dma_start3A, %dma_start3A_44] : memref<40x128xi32, #tpu.memory_space<vmem>> -> memref<1x128xi32, #tpu.memory_space<vmem>>
      %dma_start3A_46 = tpu.memref_squeeze %dma_start3A_45 : memref<1x128xi32, #tpu.memory_space<vmem>> -> memref<128xi32, #tpu.memory_space<vmem>>
      %dma_start3A_47 = arith.constant 0 : i32
      %dma_start3A_48 = arith.constant 0 : i32
      %dma_start3A_49 = tpu.memref_slice %arg2[%dma_start3A_47, %dma_start3A_48] : memref<10240x128xf32, #tpu.memory_space<hbm>> -> memref<10240x128xf32, #tpu.memory_space<hbm>>
      tpu.enqueue_indirect_dma source(%dma_start3A_49 : memref<10240x128xf32, #tpu.memory_space<hbm>>) target(%arg8 : memref<128x128xf32, #tpu.memory_space<vmem>>) offsets(%dma_start3A_46 : memref<128xi32, #tpu.memory_space<vmem>>) semaphore(%arg11 : memref<!tpu.dma_semaphore, #tpu.memory_space<semaphore_mem>>)
      %dma_start3A_50 = arith.constant 1 : i32
      %dma_start3A_51 = arith.constant 0 : i32
      %dma_start3A_52 = tpu.memref_slice %arg6[%dma_start3A_50, %dma_start3A_51] : memref<40x128xi32, #tpu.memory_space<vmem>> -> memref<1x128xi32, #tpu.memory_space<vmem>>
      %dma_start3A_53 = tpu.memref_squeeze %dma_start3A_52 : memref<1x128xi32, #tpu.memory_space<vmem>> -> memref<128xi32, #tpu.memory_space<vmem>>
      %dma_start3A_54 = arith.constant 0 : i32
      %dma_start3A_55 = arith.constant 0 : i32
      %dma_start3A_56 = tpu.memref_slice %arg2[%dma_start3A_54, %dma_start3A_55] : memref<10240x128xf32, #tpu.memory_space<hbm>> -> memref<10240x128xf32, #tpu.memory_space<hbm>>
      tpu.enqueue_indirect_dma source(%dma_start3A_56 : memref<10240x128xf32, #tpu.memory_space<hbm>>) target(%arg9 : memref<128x128xf32, #tpu.memory_space<vmem>>) offsets(%dma_start3A_53 : memref<128xi32, #tpu.memory_space<vmem>>) semaphore(%arg12 : memref<!tpu.dma_semaphore, #tpu.memory_space<semaphore_mem>>)
      %scan3A_57 = arith.constant 0 : i32
      %scan3A_58 = arith.constant 0 : i32
      %scan3A_59 = arith.constant 20 : i32
      %scan3A_60 = arith.addi %scan3A_58, %scan3A_59 : i32
      %scan3A_61 = arith.constant 1 : i32
      %scan3A_62 = scf.for %scan3A_64 = %scan3A_58 to %scan3A_60 step %scan3A_61 iter_args(%scan3A_65 = %scan3A_57) -> (i32)  : i32 {
        %mul3A_66 = arith.constant 2 : i32
        %mul3A_67 = arith.muli %mul3A_66, %scan3A_64 : i32
        %dma_wait3A = arith.constant 0 : i32
        %dma_wait3A_68 = tpu.memref_slice %arg6[%mul3A_67, %dma_wait3A] : memref<40x128xi32, #tpu.memory_space<vmem>> -> memref<1x128xi32, #tpu.memory_space<vmem>>
        %dma_wait3A_69 = tpu.memref_squeeze %dma_wait3A_68 : memref<1x128xi32, #tpu.memory_space<vmem>> -> memref<128xi32, #tpu.memory_space<vmem>>
        %dma_wait3A_70 = arith.constant 0 : i32
        %dma_wait3A_71 = arith.constant 0 : i32
        %dma_wait3A_72 = tpu.memref_slice %arg2[%dma_wait3A_70, %dma_wait3A_71] : memref<10240x128xf32, #tpu.memory_space<hbm>> -> memref<10240x128xf32, #tpu.memory_space<hbm>>
        tpu.wait_indirect_dma semaphore(%arg11 : memref<!tpu.dma_semaphore, #tpu.memory_space<semaphore_mem>>) src(%dma_wait3A_72 : memref<10240x128xf32, #tpu.memory_space<hbm>>) dst(%arg8 : memref<128x128xf32, #tpu.memory_space<vmem>>)
        "tpu.region"() ({
          %run_scoped3A = tpu.sem_alloc : memref<!tpu.dma_semaphore, #tpu.memory_space<semaphore_mem>>
          %dma_start3A_97 = arith.constant 0 : i32
          %dma_start3A_98 = tpu.memref_slice %arg7[%mul3A_67, %dma_start3A_97] : memref<40x128xi32, #tpu.memory_space<vmem>> -> memref<1x128xi32, #tpu.memory_space<vmem>>
          %dma_start3A_99 = tpu.memref_squeeze %dma_start3A_98 : memref<1x128xi32, #tpu.memory_space<vmem>> -> memref<128xi32, #tpu.memory_space<vmem>>
          %dma_start3A_100 = arith.constant 0 : i32
          %dma_start3A_101 = arith.constant 0 : i32
          %dma_start3A_102 = tpu.memref_slice %arg10[%dma_start3A_100, %dma_start3A_101] : memref<10240x128xf32, #tpu.memory_space<vmem_shared>> -> memref<10240x128xf32, #tpu.memory_space<vmem_shared>>
          tpu.enqueue_indirect_dma source(%arg8 : memref<128x128xf32, #tpu.memory_space<vmem>>) target(%dma_start3A_102 : memref<10240x128xf32, #tpu.memory_space<vmem_shared>>) offsets(%dma_start3A_99 : memref<128xi32, #tpu.memory_space<vmem>>) semaphore(%run_scoped3A : memref<!tpu.dma_semaphore, #tpu.memory_space<semaphore_mem>>) {add = true}
          %dma_wait3A_103 = arith.constant 0 : i32
          %dma_wait3A_104 = tpu.memref_slice %arg7[%mul3A_67, %dma_wait3A_103] : memref<40x128xi32, #tpu.memory_space<vmem>> -> memref<1x128xi32, #tpu.memory_space<vmem>>
          %dma_wait3A_105 = tpu.memref_squeeze %dma_wait3A_104 : memref<1x128xi32, #tpu.memory_space<vmem>> -> memref<128xi32, #tpu.memory_space<vmem>>
          %dma_wait3A_106 = arith.constant 0 : i32
          %dma_wait3A_107 = arith.constant 0 : i32
          %dma_wait3A_108 = tpu.memref_slice %arg10[%dma_wait3A_106, %dma_wait3A_107] : memref<10240x128xf32, #tpu.memory_space<vmem_shared>> -> memref<10240x128xf32, #tpu.memory_space<vmem_shared>>
          tpu.wait_indirect_dma semaphore(%run_scoped3A : memref<!tpu.dma_semaphore, #tpu.memory_space<semaphore_mem>>) src(%arg8 : memref<128x128xf32, #tpu.memory_space<vmem>>) dst(%dma_wait3A_108 : memref<10240x128xf32, #tpu.memory_space<vmem_shared>>)
          tpu.yield
        }) : () -> ()
        %add3A_73 = arith.constant 1 : i32
        %add3A_74 = arith.addi %scan3A_64, %add3A_73 : i32
        %lt3A = arith.constant 20 : i32
        %lt3A_75 = arith.cmpi slt, %add3A_74, %lt3A : i32
        %convert_element_type3A_76 = arith.extui %lt3A_75 : i1 to i32
        %cond3A_77 = arith.constant 0 : i32
        %cond3A_78 = arith.cmpi ne, %convert_element_type3A_76, %cond3A_77 : i32
        scf.if %cond3A_78 {
          %add3A_97 = arith.constant 2 : i32
          %add3A_98 = arith.addi %mul3A_67, %add3A_97 : i32
          %dma_start3A_99 = arith.constant 0 : i32
          %dma_start3A_100 = tpu.memref_slice %arg6[%add3A_98, %dma_start3A_99] : memref<40x128xi32, #tpu.memory_space<vmem>> -> memref<1x128xi32, #tpu.memory_space<vmem>>
          %dma_start3A_101 = tpu.memref_squeeze %dma_start3A_100 : memref<1x128xi32, #tpu.memory_space<vmem>> -> memref<128xi32, #tpu.memory_space<vmem>>
          %dma_start3A_102 = arith.constant 0 : i32
          %dma_start3A_103 = arith.constant 0 : i32
          %dma_start3A_104 = tpu.memref_slice %arg2[%dma_start3A_102, %dma_start3A_103] : memref<10240x128xf32, #tpu.memory_space<hbm>> -> memref<10240x128xf32, #tpu.memory_space<hbm>>
          tpu.enqueue_indirect_dma source(%dma_start3A_104 : memref<10240x128xf32, #tpu.memory_space<hbm>>) target(%arg8 : memref<128x128xf32, #tpu.memory_space<vmem>>) offsets(%dma_start3A_101 : memref<128xi32, #tpu.memory_space<vmem>>) semaphore(%arg11 : memref<!tpu.dma_semaphore, #tpu.memory_space<semaphore_mem>>)
        } else {
        }
        %add3A_79 = arith.constant 1 : i32
        %add3A_80 = arith.addi %mul3A_67, %add3A_79 : i32
        %dma_wait3A_81 = arith.constant 0 : i32
        %dma_wait3A_82 = tpu.memref_slice %arg6[%add3A_80, %dma_wait3A_81] : memref<40x128xi32, #tpu.memory_space<vmem>> -> memref<1x128xi32, #tpu.memory_space<vmem>>
        %dma_wait3A_83 = tpu.memref_squeeze %dma_wait3A_82 : memref<1x128xi32, #tpu.memory_space<vmem>> -> memref<128xi32, #tpu.memory_space<vmem>>
        %dma_wait3A_84 = arith.constant 0 : i32
        %dma_wait3A_85 = arith.constant 0 : i32
        %dma_wait3A_86 = tpu.memref_slice %arg2[%dma_wait3A_84, %dma_wait3A_85] : memref<10240x128xf32, #tpu.memory_space<hbm>> -> memref<10240x128xf32, #tpu.memory_space<hbm>>
        tpu.wait_indirect_dma semaphore(%arg12 : memref<!tpu.dma_semaphore, #tpu.memory_space<semaphore_mem>>) src(%dma_wait3A_86 : memref<10240x128xf32, #tpu.memory_space<hbm>>) dst(%arg9 : memref<128x128xf32, #tpu.memory_space<vmem>>)
        %add3A_87 = arith.constant 1 : i32
        %add3A_88 = arith.addi %mul3A_67, %add3A_87 : i32
        "tpu.region"() ({
          %run_scoped3A = tpu.sem_alloc : memref<!tpu.dma_semaphore, #tpu.memory_space<semaphore_mem>>
          %dma_start3A_97 = arith.constant 0 : i32
          %dma_start3A_98 = tpu.memref_slice %arg7[%add3A_88, %dma_start3A_97] : memref<40x128xi32, #tpu.memory_space<vmem>> -> memref<1x128xi32, #tpu.memory_space<vmem>>
          %dma_start3A_99 = tpu.memref_squeeze %dma_start3A_98 : memref<1x128xi32, #tpu.memory_space<vmem>> -> memref<128xi32, #tpu.memory_space<vmem>>
          %dma_start3A_100 = arith.constant 0 : i32
          %dma_start3A_101 = arith.constant 0 : i32
          %dma_start3A_102 = tpu.memref_slice %arg10[%dma_start3A_100, %dma_start3A_101] : memref<10240x128xf32, #tpu.memory_space<vmem_shared>> -> memref<10240x128xf32, #tpu.memory_space<vmem_shared>>
          tpu.enqueue_indirect_dma source(%arg9 : memref<128x128xf32, #tpu.memory_space<vmem>>) target(%dma_start3A_102 : memref<10240x128xf32, #tpu.memory_space<vmem_shared>>) offsets(%dma_start3A_99 : memref<128xi32, #tpu.memory_space<vmem>>) semaphore(%run_scoped3A : memref<!tpu.dma_semaphore, #tpu.memory_space<semaphore_mem>>) {add = true}
          %dma_wait3A_103 = arith.constant 0 : i32
          %dma_wait3A_104 = tpu.memref_slice %arg7[%add3A_88, %dma_wait3A_103] : memref<40x128xi32, #tpu.memory_space<vmem>> -> memref<1x128xi32, #tpu.memory_space<vmem>>
          %dma_wait3A_105 = tpu.memref_squeeze %dma_wait3A_104 : memref<1x128xi32, #tpu.memory_space<vmem>> -> memref<128xi32, #tpu.memory_space<vmem>>
          %dma_wait3A_106 = arith.constant 0 : i32
          %dma_wait3A_107 = arith.constant 0 : i32
          %dma_wait3A_108 = tpu.memref_slice %arg10[%dma_wait3A_106, %dma_wait3A_107] : memref<10240x128xf32, #tpu.memory_space<vmem_shared>> -> memref<10240x128xf32, #tpu.memory_space<vmem_shared>>
          tpu.wait_indirect_dma semaphore(%run_scoped3A : memref<!tpu.dma_semaphore, #tpu.memory_space<semaphore_mem>>) src(%arg9 : memref<128x128xf32, #tpu.memory_space<vmem>>) dst(%dma_wait3A_108 : memref<10240x128xf32, #tpu.memory_space<vmem_shared>>)
          tpu.yield
        }) : () -> ()
        %add3A_89 = arith.constant 1 : i32
        %add3A_90 = arith.addi %scan3A_64, %add3A_89 : i32
        %lt3A_91 = arith.constant 20 : i32
        %lt3A_92 = arith.cmpi slt, %add3A_90, %lt3A_91 : i32
        %convert_element_type3A_93 = arith.extui %lt3A_92 : i1 to i32
        %cond3A_94 = arith.constant 0 : i32
        %cond3A_95 = arith.cmpi ne, %convert_element_type3A_93, %cond3A_94 : i32
        scf.if %cond3A_95 {
          %add3A_97 = arith.constant 3 : i32
          %add3A_98 = arith.addi %mul3A_67, %add3A_97 : i32
          %dma_start3A_99 = arith.constant 0 : i32
          %dma_start3A_100 = tpu.memref_slice %arg6[%add3A_98, %dma_start3A_99] : memref<40x128xi32, #tpu.memory_space<vmem>> -> memref<1x128xi32, #tpu.memory_space<vmem>>
          %dma_start3A_101 = tpu.memref_squeeze %dma_start3A_100 : memref<1x128xi32, #tpu.memory_space<vmem>> -> memref<128xi32, #tpu.memory_space<vmem>>
          %dma_start3A_102 = arith.constant 0 : i32
          %dma_start3A_103 = arith.constant 0 : i32
          %dma_start3A_104 = tpu.memref_slice %arg2[%dma_start3A_102, %dma_start3A_103] : memref<10240x128xf32, #tpu.memory_space<hbm>> -> memref<10240x128xf32, #tpu.memory_space<hbm>>
          tpu.enqueue_indirect_dma source(%dma_start3A_104 : memref<10240x128xf32, #tpu.memory_space<hbm>>) target(%arg9 : memref<128x128xf32, #tpu.memory_space<vmem>>) offsets(%dma_start3A_101 : memref<128xi32, #tpu.memory_space<vmem>>) semaphore(%arg12 : memref<!tpu.dma_semaphore, #tpu.memory_space<semaphore_mem>>)
        } else {
        }
        %scan3A_96 = arith.constant 0 : i32
        scf.yield %scan3A_96 : i32
      }
      %scan3A_63 = arith.constant 20 : i32
    } else {
    }
    %eq3A_26 = arith.constant 0 : i32
    %eq3A_27 = arith.cmpi eq, %arg0, %eq3A_26 : i32
    %convert_element_type3A_28 = arith.extui %eq3A_27 : i1 to i32
    %cond3A_29 = arith.constant 0 : i32
    %cond3A_30 = arith.cmpi ne, %convert_element_type3A_28, %cond3A_29 : i32
    scf.if %cond3A_30 {
      "tpu.region"() ({
        %run_scoped3A = tpu.sem_alloc : memref<!tpu.dma_semaphore, #tpu.memory_space<semaphore_mem>>
        %dma_start3A_64 = arith.constant 40 : i32
        %dma_start3A_65 = arith.constant 0 : i32
        %dma_start3A_66 = tpu.memref_slice %arg3[%arg1, %dma_start3A_64, %dma_start3A_65] : memref<16x160x128xi32, #tpu.memory_space<hbm>> -> memref<1x40x128xi32, #tpu.memory_space<hbm>>
        %dma_start3A_67 = tpu.memref_squeeze %dma_start3A_66 : memref<1x40x128xi32, #tpu.memory_space<hbm>> -> memref<40x128xi32, #tpu.memory_space<hbm>>
        %dma_start3A_68 = arith.constant 40 : i32
        %dma_start3A_69 = arith.constant 0 : i32
        %dma_start3A_70 = tpu.memref_slice %arg3[%arg1, %dma_start3A_68, %dma_start3A_69] : memref<16x160x128xi32, #tpu.memory_space<hbm>> -> memref<1x40x128xi32, #tpu.memory_space<hbm>>
        %dma_start3A_71 = tpu.memref_squeeze %dma_start3A_70 : memref<1x40x128xi32, #tpu.memory_space<hbm>> -> memref<40x128xi32, #tpu.memory_space<hbm>>
        tpu.enqueue_dma source(%dma_start3A_71 : memref<40x128xi32, #tpu.memory_space<hbm>>) target(%arg6 : memref<40x128xi32, #tpu.memory_space<vmem>>) target_semaphore(%run_scoped3A : memref<!tpu.dma_semaphore, #tpu.memory_space<semaphore_mem>>)
        %dma_wait3A = arith.constant 40 : i32
        %dma_wait3A_72 = arith.constant 0 : i32
        %dma_wait3A_73 = tpu.memref_slice %arg3[%arg1, %dma_wait3A, %dma_wait3A_72] : memref<16x160x128xi32, #tpu.memory_space<hbm>> -> memref<1x40x128xi32, #tpu.memory_space<hbm>>
        %dma_wait3A_74 = tpu.memref_squeeze %dma_wait3A_73 : memref<1x40x128xi32, #tpu.memory_space<hbm>> -> memref<40x128xi32, #tpu.memory_space<hbm>>
        %dma_wait3A_75 = arith.constant 40 : i32
        %dma_wait3A_76 = arith.constant 0 : i32
        %dma_wait3A_77 = tpu.memref_slice %arg3[%arg1, %dma_wait3A_75, %dma_wait3A_76] : memref<16x160x128xi32, #tpu.memory_space<hbm>> -> memref<1x40x128xi32, #tpu.memory_space<hbm>>
        %dma_wait3A_78 = tpu.memref_squeeze %dma_wait3A_77 : memref<1x40x128xi32, #tpu.memory_space<hbm>> -> memref<40x128xi32, #tpu.memory_space<hbm>>
        tpu.wait_dma2 semaphore(%run_scoped3A : memref<!tpu.dma_semaphore, #tpu.memory_space<semaphore_mem>>) src(%dma_wait3A_78 : memref<40x128xi32, #tpu.memory_space<hbm>>) dst(%arg6 : memref<40x128xi32, #tpu.memory_space<vmem>>)
        tpu.yield
      }) : () -> ()
      "tpu.region"() ({
        %run_scoped3A = tpu.sem_alloc : memref<!tpu.dma_semaphore, #tpu.memory_space<semaphore_mem>>
        %dma_start3A_64 = arith.constant 40 : i32
        %dma_start3A_65 = arith.constant 0 : i32
        %dma_start3A_66 = tpu.memref_slice %arg4[%arg1, %dma_start3A_64, %dma_start3A_65] : memref<16x160x128xi32, #tpu.memory_space<hbm>> -> memref<1x40x128xi32, #tpu.memory_space<hbm>>
        %dma_start3A_67 = tpu.memref_squeeze %dma_start3A_66 : memref<1x40x128xi32, #tpu.memory_space<hbm>> -> memref<40x128xi32, #tpu.memory_space<hbm>>
        %dma_start3A_68 = arith.constant 40 : i32
        %dma_start3A_69 = arith.constant 0 : i32
        %dma_start3A_70 = tpu.memref_slice %arg4[%arg1, %dma_start3A_68, %dma_start3A_69] : memref<16x160x128xi32, #tpu.memory_space<hbm>> -> memref<1x40x128xi32, #tpu.memory_space<hbm>>
        %dma_start3A_71 = tpu.memref_squeeze %dma_start3A_70 : memref<1x40x128xi32, #tpu.memory_space<hbm>> -> memref<40x128xi32, #tpu.memory_space<hbm>>
        tpu.enqueue_dma source(%dma_start3A_71 : memref<40x128xi32, #tpu.memory_space<hbm>>) target(%arg7 : memref<40x128xi32, #tpu.memory_space<vmem>>) target_semaphore(%run_scoped3A : memref<!tpu.dma_semaphore, #tpu.memory_space<semaphore_mem>>)
        %dma_wait3A = arith.constant 40 : i32
        %dma_wait3A_72 = arith.constant 0 : i32
        %dma_wait3A_73 = tpu.memref_slice %arg4[%arg1, %dma_wait3A, %dma_wait3A_72] : memref<16x160x128xi32, #tpu.memory_space<hbm>> -> memref<1x40x128xi32, #tpu.memory_space<hbm>>
        %dma_wait3A_74 = tpu.memref_squeeze %dma_wait3A_73 : memref<1x40x128xi32, #tpu.memory_space<hbm>> -> memref<40x128xi32, #tpu.memory_space<hbm>>
        %dma_wait3A_75 = arith.constant 40 : i32
        %dma_wait3A_76 = arith.constant 0 : i32
        %dma_wait3A_77 = tpu.memref_slice %arg4[%arg1, %dma_wait3A_75, %dma_wait3A_76] : memref<16x160x128xi32, #tpu.memory_space<hbm>> -> memref<1x40x128xi32, #tpu.memory_space<hbm>>
        %dma_wait3A_78 = tpu.memref_squeeze %dma_wait3A_77 : memref<1x40x128xi32, #tpu.memory_space<hbm>> -> memref<40x128xi32, #tpu.memory_space<hbm>>
        tpu.wait_dma2 semaphore(%run_scoped3A : memref<!tpu.dma_semaphore, #tpu.memory_space<semaphore_mem>>) src(%dma_wait3A_78 : memref<40x128xi32, #tpu.memory_space<hbm>>) dst(%arg7 : memref<40x128xi32, #tpu.memory_space<vmem>>)
        tpu.yield
      }) : () -> ()
      %dma_start3A = arith.constant 0 : i32
      %dma_start3A_44 = arith.constant 0 : i32
      %dma_start3A_45 = tpu.memref_slice %arg6[%dma_start3A, %dma_start3A_44] : memref<40x128xi32, #tpu.memory_space<vmem>> -> memref<1x128xi32, #tpu.memory_space<vmem>>
      %dma_start3A_46 = tpu.memref_squeeze %dma_start3A_45 : memref<1x128xi32, #tpu.memory_space<vmem>> -> memref<128xi32, #tpu.memory_space<vmem>>
      %dma_start3A_47 = arith.constant 0 : i32
      %dma_start3A_48 = arith.constant 0 : i32
      %dma_start3A_49 = tpu.memref_slice %arg2[%dma_start3A_47, %dma_start3A_48] : memref<10240x128xf32, #tpu.memory_space<hbm>> -> memref<10240x128xf32, #tpu.memory_space<hbm>>
      tpu.enqueue_indirect_dma source(%dma_start3A_49 : memref<10240x128xf32, #tpu.memory_space<hbm>>) target(%arg8 : memref<128x128xf32, #tpu.memory_space<vmem>>) offsets(%dma_start3A_46 : memref<128xi32, #tpu.memory_space<vmem>>) semaphore(%arg11 : memref<!tpu.dma_semaphore, #tpu.memory_space<semaphore_mem>>)
      %dma_start3A_50 = arith.constant 1 : i32
      %dma_start3A_51 = arith.constant 0 : i32
      %dma_start3A_52 = tpu.memref_slice %arg6[%dma_start3A_50, %dma_start3A_51] : memref<40x128xi32, #tpu.memory_space<vmem>> -> memref<1x128xi32, #tpu.memory_space<vmem>>
      %dma_start3A_53 = tpu.memref_squeeze %dma_start3A_52 : memref<1x128xi32, #tpu.memory_space<vmem>> -> memref<128xi32, #tpu.memory_space<vmem>>
      %dma_start3A_54 = arith.constant 0 : i32
      %dma_start3A_55 = arith.constant 0 : i32
      %dma_start3A_56 = tpu.memref_slice %arg2[%dma_start3A_54, %dma_start3A_55] : memref<10240x128xf32, #tpu.memory_space<hbm>> -> memref<10240x128xf32, #tpu.memory_space<hbm>>
      tpu.enqueue_indirect_dma source(%dma_start3A_56 : memref<10240x128xf32, #tpu.memory_space<hbm>>) target(%arg9 : memref<128x128xf32, #tpu.memory_space<vmem>>) offsets(%dma_start3A_53 : memref<128xi32, #tpu.memory_space<vmem>>) semaphore(%arg12 : memref<!tpu.dma_semaphore, #tpu.memory_space<semaphore_mem>>)
      %scan3A_57 = arith.constant 0 : i32
      %scan3A_58 = arith.constant 0 : i32
      %scan3A_59 = arith.constant 20 : i32
      %scan3A_60 = arith.addi %scan3A_58, %scan3A_59 : i32
      %scan3A_61 = arith.constant 1 : i32
      %scan3A_62 = scf.for %scan3A_64 = %scan3A_58 to %scan3A_60 step %scan3A_61 iter_args(%scan3A_65 = %scan3A_57) -> (i32)  : i32 {
        %mul3A_66 = arith.constant 2 : i32
        %mul3A_67 = arith.muli %mul3A_66, %scan3A_64 : i32
        %dma_wait3A = arith.constant 0 : i32
        %dma_wait3A_68 = tpu.memref_slice %arg6[%mul3A_67, %dma_wait3A] : memref<40x128xi32, #tpu.memory_space<vmem>> -> memref<1x128xi32, #tpu.memory_space<vmem>>
        %dma_wait3A_69 = tpu.memref_squeeze %dma_wait3A_68 : memref<1x128xi32, #tpu.memory_space<vmem>> -> memref<128xi32, #tpu.memory_space<vmem>>
        %dma_wait3A_70 = arith.constant 0 : i32
        %dma_wait3A_71 = arith.constant 0 : i32
        %dma_wait3A_72 = tpu.memref_slice %arg2[%dma_wait3A_70, %dma_wait3A_71] : memref<10240x128xf32, #tpu.memory_space<hbm>> -> memref<10240x128xf32, #tpu.memory_space<hbm>>
        tpu.wait_indirect_dma semaphore(%arg11 : memref<!tpu.dma_semaphore, #tpu.memory_space<semaphore_mem>>) src(%dma_wait3A_72 : memref<10240x128xf32, #tpu.memory_space<hbm>>) dst(%arg8 : memref<128x128xf32, #tpu.memory_space<vmem>>)
        "tpu.region"() ({
          %run_scoped3A = tpu.sem_alloc : memref<!tpu.dma_semaphore, #tpu.memory_space<semaphore_mem>>
          %dma_start3A_97 = arith.constant 0 : i32
          %dma_start3A_98 = tpu.memref_slice %arg7[%mul3A_67, %dma_start3A_97] : memref<40x128xi32, #tpu.memory_space<vmem>> -> memref<1x128xi32, #tpu.memory_space<vmem>>
          %dma_start3A_99 = tpu.memref_squeeze %dma_start3A_98 : memref<1x128xi32, #tpu.memory_space<vmem>> -> memref<128xi32, #tpu.memory_space<vmem>>
          %dma_start3A_100 = arith.constant 0 : i32
          %dma_start3A_101 = arith.constant 0 : i32
          %dma_start3A_102 = tpu.memref_slice %arg10[%dma_start3A_100, %dma_start3A_101] : memref<10240x128xf32, #tpu.memory_space<vmem_shared>> -> memref<10240x128xf32, #tpu.memory_space<vmem_shared>>
          tpu.enqueue_indirect_dma source(%arg8 : memref<128x128xf32, #tpu.memory_space<vmem>>) target(%dma_start3A_102 : memref<10240x128xf32, #tpu.memory_space<vmem_shared>>) offsets(%dma_start3A_99 : memref<128xi32, #tpu.memory_space<vmem>>) semaphore(%run_scoped3A : memref<!tpu.dma_semaphore, #tpu.memory_space<semaphore_mem>>) {add = true}
          %dma_wait3A_103 = arith.constant 0 : i32
          %dma_wait3A_104 = tpu.memref_slice %arg7[%mul3A_67, %dma_wait3A_103] : memref<40x128xi32, #tpu.memory_space<vmem>> -> memref<1x128xi32, #tpu.memory_space<vmem>>
          %dma_wait3A_105 = tpu.memref_squeeze %dma_wait3A_104 : memref<1x128xi32, #tpu.memory_space<vmem>> -> memref<128xi32, #tpu.memory_space<vmem>>
          %dma_wait3A_106 = arith.constant 0 : i32
          %dma_wait3A_107 = arith.constant 0 : i32
          %dma_wait3A_108 = tpu.memref_slice %arg10[%dma_wait3A_106, %dma_wait3A_107] : memref<10240x128xf32, #tpu.memory_space<vmem_shared>> -> memref<10240x128xf32, #tpu.memory_space<vmem_shared>>
          tpu.wait_indirect_dma semaphore(%run_scoped3A : memref<!tpu.dma_semaphore, #tpu.memory_space<semaphore_mem>>) src(%arg8 : memref<128x128xf32, #tpu.memory_space<vmem>>) dst(%dma_wait3A_108 : memref<10240x128xf32, #tpu.memory_space<vmem_shared>>)
          tpu.yield
        }) : () -> ()
        %add3A_73 = arith.constant 1 : i32
        %add3A_74 = arith.addi %scan3A_64, %add3A_73 : i32
        %lt3A = arith.constant 20 : i32
        %lt3A_75 = arith.cmpi slt, %add3A_74, %lt3A : i32
        %convert_element_type3A_76 = arith.extui %lt3A_75 : i1 to i32
        %cond3A_77 = arith.constant 0 : i32
        %cond3A_78 = arith.cmpi ne, %convert_element_type3A_76, %cond3A_77 : i32
        scf.if %cond3A_78 {
          %add3A_97 = arith.constant 2 : i32
          %add3A_98 = arith.addi %mul3A_67, %add3A_97 : i32
          %dma_start3A_99 = arith.constant 0 : i32
          %dma_start3A_100 = tpu.memref_slice %arg6[%add3A_98, %dma_start3A_99] : memref<40x128xi32, #tpu.memory_space<vmem>> -> memref<1x128xi32, #tpu.memory_space<vmem>>
          %dma_start3A_101 = tpu.memref_squeeze %dma_start3A_100 : memref<1x128xi32, #tpu.memory_space<vmem>> -> memref<128xi32, #tpu.memory_space<vmem>>
          %dma_start3A_102 = arith.constant 0 : i32
          %dma_start3A_103 = arith.constant 0 : i32
          %dma_start3A_104 = tpu.memref_slice %arg2[%dma_start3A_102, %dma_start3A_103] : memref<10240x128xf32, #tpu.memory_space<hbm>> -> memref<10240x128xf32, #tpu.memory_space<hbm>>
          tpu.enqueue_indirect_dma source(%dma_start3A_104 : memref<10240x128xf32, #tpu.memory_space<hbm>>) target(%arg8 : memref<128x128xf32, #tpu.memory_space<vmem>>) offsets(%dma_start3A_101 : memref<128xi32, #tpu.memory_space<vmem>>) semaphore(%arg11 : memref<!tpu.dma_semaphore, #tpu.memory_space<semaphore_mem>>)
        } else {
        }
        %add3A_79 = arith.constant 1 : i32
        %add3A_80 = arith.addi %mul3A_67, %add3A_79 : i32
        %dma_wait3A_81 = arith.constant 0 : i32
        %dma_wait3A_82 = tpu.memref_slice %arg6[%add3A_80, %dma_wait3A_81] : memref<40x128xi32, #tpu.memory_space<vmem>> -> memref<1x128xi32, #tpu.memory_space<vmem>>
        %dma_wait3A_83 = tpu.memref_squeeze %dma_wait3A_82 : memref<1x128xi32, #tpu.memory_space<vmem>> -> memref<128xi32, #tpu.memory_space<vmem>>
        %dma_wait3A_84 = arith.constant 0 : i32
        %dma_wait3A_85 = arith.constant 0 : i32
        %dma_wait3A_86 = tpu.memref_slice %arg2[%dma_wait3A_84, %dma_wait3A_85] : memref<10240x128xf32, #tpu.memory_space<hbm>> -> memref<10240x128xf32, #tpu.memory_space<hbm>>
        tpu.wait_indirect_dma semaphore(%arg12 : memref<!tpu.dma_semaphore, #tpu.memory_space<semaphore_mem>>) src(%dma_wait3A_86 : memref<10240x128xf32, #tpu.memory_space<hbm>>) dst(%arg9 : memref<128x128xf32, #tpu.memory_space<vmem>>)
        %add3A_87 = arith.constant 1 : i32
        %add3A_88 = arith.addi %mul3A_67, %add3A_87 : i32
        "tpu.region"() ({
          %run_scoped3A = tpu.sem_alloc : memref<!tpu.dma_semaphore, #tpu.memory_space<semaphore_mem>>
          %dma_start3A_97 = arith.constant 0 : i32
          %dma_start3A_98 = tpu.memref_slice %arg7[%add3A_88, %dma_start3A_97] : memref<40x128xi32, #tpu.memory_space<vmem>> -> memref<1x128xi32, #tpu.memory_space<vmem>>
          %dma_start3A_99 = tpu.memref_squeeze %dma_start3A_98 : memref<1x128xi32, #tpu.memory_space<vmem>> -> memref<128xi32, #tpu.memory_space<vmem>>
          %dma_start3A_100 = arith.constant 0 : i32
          %dma_start3A_101 = arith.constant 0 : i32
          %dma_start3A_102 = tpu.memref_slice %arg10[%dma_start3A_100, %dma_start3A_101] : memref<10240x128xf32, #tpu.memory_space<vmem_shared>> -> memref<10240x128xf32, #tpu.memory_space<vmem_shared>>
          tpu.enqueue_indirect_dma source(%arg9 : memref<128x128xf32, #tpu.memory_space<vmem>>) target(%dma_start3A_102 : memref<10240x128xf32, #tpu.memory_space<vmem_shared>>) offsets(%dma_start3A_99 : memref<128xi32, #tpu.memory_space<vmem>>) semaphore(%run_scoped3A : memref<!tpu.dma_semaphore, #tpu.memory_space<semaphore_mem>>) {add = true}
          %dma_wait3A_103 = arith.constant 0 : i32
          %dma_wait3A_104 = tpu.memref_slice %arg7[%add3A_88, %dma_wait3A_103] : memref<40x128xi32, #tpu.memory_space<vmem>> -> memref<1x128xi32, #tpu.memory_space<vmem>>
          %dma_wait3A_105 = tpu.memref_squeeze %dma_wait3A_104 : memref<1x128xi32, #tpu.memory_space<vmem>> -> memref<128xi32, #tpu.memory_space<vmem>>
          %dma_wait3A_106 = arith.constant 0 : i32
          %dma_wait3A_107 = arith.constant 0 : i32
          %dma_wait3A_108 = tpu.memref_slice %arg10[%dma_wait3A_106, %dma_wait3A_107] : memref<10240x128xf32, #tpu.memory_space<vmem_shared>> -> memref<10240x128xf32, #tpu.memory_space<vmem_shared>>
          tpu.wait_indirect_dma semaphore(%run_scoped3A : memref<!tpu.dma_semaphore, #tpu.memory_space<semaphore_mem>>) src(%arg9 : memref<128x128xf32, #tpu.memory_space<vmem>>) dst(%dma_wait3A_108 : memref<10240x128xf32, #tpu.memory_space<vmem_shared>>)
          tpu.yield
        }) : () -> ()
        %add3A_89 = arith.constant 1 : i32
        %add3A_90 = arith.addi %scan3A_64, %add3A_89 : i32
        %lt3A_91 = arith.constant 20 : i32
        %lt3A_92 = arith.cmpi slt, %add3A_90, %lt3A_91 : i32
        %convert_element_type3A_93 = arith.extui %lt3A_92 : i1 to i32
        %cond3A_94 = arith.constant 0 : i32
        %cond3A_95 = arith.cmpi ne, %convert_element_type3A_93, %cond3A_94 : i32
        scf.if %cond3A_95 {
          %add3A_97 = arith.constant 3 : i32
          %add3A_98 = arith.addi %mul3A_67, %add3A_97 : i32
          %dma_start3A_99 = arith.constant 0 : i32
          %dma_start3A_100 = tpu.memref_slice %arg6[%add3A_98, %dma_start3A_99] : memref<40x128xi32, #tpu.memory_space<vmem>> -> memref<1x128xi32, #tpu.memory_space<vmem>>
          %dma_start3A_101 = tpu.memref_squeeze %dma_start3A_100 : memref<1x128xi32, #tpu.memory_space<vmem>> -> memref<128xi32, #tpu.memory_space<vmem>>
          %dma_start3A_102 = arith.constant 0 : i32
          %dma_start3A_103 = arith.constant 0 : i32
          %dma_start3A_104 = tpu.memref_slice %arg2[%dma_start3A_102, %dma_start3A_103] : memref<10240x128xf32, #tpu.memory_space<hbm>> -> memref<10240x128xf32, #tpu.memory_space<hbm>>
          tpu.enqueue_indirect_dma source(%dma_start3A_104 : memref<10240x128xf32, #tpu.memory_space<hbm>>) target(%arg9 : memref<128x128xf32, #tpu.memory_space<vmem>>) offsets(%dma_start3A_101 : memref<128xi32, #tpu.memory_space<vmem>>) semaphore(%arg12 : memref<!tpu.dma_semaphore, #tpu.memory_space<semaphore_mem>>)
        } else {
        }
        %scan3A_96 = arith.constant 0 : i32
        scf.yield %scan3A_96 : i32
      }
      %scan3A_63 = arith.constant 20 : i32
    } else {
    }
    %eq3A_31 = arith.constant 1 : i32
    %eq3A_32 = arith.cmpi eq, %arg0, %eq3A_31 : i32
    %convert_element_type3A_33 = arith.extui %eq3A_32 : i1 to i32
    %cond3A_34 = arith.constant 0 : i32
    %cond3A_35 = arith.cmpi ne, %convert_element_type3A_33, %cond3A_34 : i32
    scf.if %cond3A_35 {
      "tpu.region"() ({
        %run_scoped3A = tpu.sem_alloc : memref<!tpu.dma_semaphore, #tpu.memory_space<semaphore_mem>>
        %dma_start3A_64 = arith.constant 80 : i32
        %dma_start3A_65 = arith.constant 0 : i32
        %dma_start3A_66 = tpu.memref_slice %arg3[%arg1, %dma_start3A_64, %dma_start3A_65] : memref<16x160x128xi32, #tpu.memory_space<hbm>> -> memref<1x40x128xi32, #tpu.memory_space<hbm>>
        %dma_start3A_67 = tpu.memref_squeeze %dma_start3A_66 : memref<1x40x128xi32, #tpu.memory_space<hbm>> -> memref<40x128xi32, #tpu.memory_space<hbm>>
        %dma_start3A_68 = arith.constant 80 : i32
        %dma_start3A_69 = arith.constant 0 : i32
        %dma_start3A_70 = tpu.memref_slice %arg3[%arg1, %dma_start3A_68, %dma_start3A_69] : memref<16x160x128xi32, #tpu.memory_space<hbm>> -> memref<1x40x128xi32, #tpu.memory_space<hbm>>
        %dma_start3A_71 = tpu.memref_squeeze %dma_start3A_70 : memref<1x40x128xi32, #tpu.memory_space<hbm>> -> memref<40x128xi32, #tpu.memory_space<hbm>>
        tpu.enqueue_dma source(%dma_start3A_71 : memref<40x128xi32, #tpu.memory_space<hbm>>) target(%arg6 : memref<40x128xi32, #tpu.memory_space<vmem>>) target_semaphore(%run_scoped3A : memref<!tpu.dma_semaphore, #tpu.memory_space<semaphore_mem>>)
        %dma_wait3A = arith.constant 80 : i32
        %dma_wait3A_72 = arith.constant 0 : i32
        %dma_wait3A_73 = tpu.memref_slice %arg3[%arg1, %dma_wait3A, %dma_wait3A_72] : memref<16x160x128xi32, #tpu.memory_space<hbm>> -> memref<1x40x128xi32, #tpu.memory_space<hbm>>
        %dma_wait3A_74 = tpu.memref_squeeze %dma_wait3A_73 : memref<1x40x128xi32, #tpu.memory_space<hbm>> -> memref<40x128xi32, #tpu.memory_space<hbm>>
        %dma_wait3A_75 = arith.constant 80 : i32
        %dma_wait3A_76 = arith.constant 0 : i32
        %dma_wait3A_77 = tpu.memref_slice %arg3[%arg1, %dma_wait3A_75, %dma_wait3A_76] : memref<16x160x128xi32, #tpu.memory_space<hbm>> -> memref<1x40x128xi32, #tpu.memory_space<hbm>>
        %dma_wait3A_78 = tpu.memref_squeeze %dma_wait3A_77 : memref<1x40x128xi32, #tpu.memory_space<hbm>> -> memref<40x128xi32, #tpu.memory_space<hbm>>
        tpu.wait_dma2 semaphore(%run_scoped3A : memref<!tpu.dma_semaphore, #tpu.memory_space<semaphore_mem>>) src(%dma_wait3A_78 : memref<40x128xi32, #tpu.memory_space<hbm>>) dst(%arg6 : memref<40x128xi32, #tpu.memory_space<vmem>>)
        tpu.yield
      }) : () -> ()
      "tpu.region"() ({
        %run_scoped3A = tpu.sem_alloc : memref<!tpu.dma_semaphore, #tpu.memory_space<semaphore_mem>>
        %dma_start3A_64 = arith.constant 80 : i32
        %dma_start3A_65 = arith.constant 0 : i32
        %dma_start3A_66 = tpu.memref_slice %arg4[%arg1, %dma_start3A_64, %dma_start3A_65] : memref<16x160x128xi32, #tpu.memory_space<hbm>> -> memref<1x40x128xi32, #tpu.memory_space<hbm>>
        %dma_start3A_67 = tpu.memref_squeeze %dma_start3A_66 : memref<1x40x128xi32, #tpu.memory_space<hbm>> -> memref<40x128xi32, #tpu.memory_space<hbm>>
        %dma_start3A_68 = arith.constant 80 : i32
        %dma_start3A_69 = arith.constant 0 : i32
        %dma_start3A_70 = tpu.memref_slice %arg4[%arg1, %dma_start3A_68, %dma_start3A_69] : memref<16x160x128xi32, #tpu.memory_space<hbm>> -> memref<1x40x128xi32, #tpu.memory_space<hbm>>
        %dma_start3A_71 = tpu.memref_squeeze %dma_start3A_70 : memref<1x40x128xi32, #tpu.memory_space<hbm>> -> memref<40x128xi32, #tpu.memory_space<hbm>>
        tpu.enqueue_dma source(%dma_start3A_71 : memref<40x128xi32, #tpu.memory_space<hbm>>) target(%arg7 : memref<40x128xi32, #tpu.memory_space<vmem>>) target_semaphore(%run_scoped3A : memref<!tpu.dma_semaphore, #tpu.memory_space<semaphore_mem>>)
        %dma_wait3A = arith.constant 80 : i32
        %dma_wait3A_72 = arith.constant 0 : i32
        %dma_wait3A_73 = tpu.memref_slice %arg4[%arg1, %dma_wait3A, %dma_wait3A_72] : memref<16x160x128xi32, #tpu.memory_space<hbm>> -> memref<1x40x128xi32, #tpu.memory_space<hbm>>
        %dma_wait3A_74 = tpu.memref_squeeze %dma_wait3A_73 : memref<1x40x128xi32, #tpu.memory_space<hbm>> -> memref<40x128xi32, #tpu.memory_space<hbm>>
        %dma_wait3A_75 = arith.constant 80 : i32
        %dma_wait3A_76 = arith.constant 0 : i32
        %dma_wait3A_77 = tpu.memref_slice %arg4[%arg1, %dma_wait3A_75, %dma_wait3A_76] : memref<16x160x128xi32, #tpu.memory_space<hbm>> -> memref<1x40x128xi32, #tpu.memory_space<hbm>>
        %dma_wait3A_78 = tpu.memref_squeeze %dma_wait3A_77 : memref<1x40x128xi32, #tpu.memory_space<hbm>> -> memref<40x128xi32, #tpu.memory_space<hbm>>
        tpu.wait_dma2 semaphore(%run_scoped3A : memref<!tpu.dma_semaphore, #tpu.memory_space<semaphore_mem>>) src(%dma_wait3A_78 : memref<40x128xi32, #tpu.memory_space<hbm>>) dst(%arg7 : memref<40x128xi32, #tpu.memory_space<vmem>>)
        tpu.yield
      }) : () -> ()
      %dma_start3A = arith.constant 0 : i32
      %dma_start3A_44 = arith.constant 0 : i32
      %dma_start3A_45 = tpu.memref_slice %arg6[%dma_start3A, %dma_start3A_44] : memref<40x128xi32, #tpu.memory_space<vmem>> -> memref<1x128xi32, #tpu.memory_space<vmem>>
      %dma_start3A_46 = tpu.memref_squeeze %dma_start3A_45 : memref<1x128xi32, #tpu.memory_space<vmem>> -> memref<128xi32, #tpu.memory_space<vmem>>
      %dma_start3A_47 = arith.constant 0 : i32
      %dma_start3A_48 = arith.constant 0 : i32
      %dma_start3A_49 = tpu.memref_slice %arg2[%dma_start3A_47, %dma_start3A_48] : memref<10240x128xf32, #tpu.memory_space<hbm>> -> memref<10240x128xf32, #tpu.memory_space<hbm>>
      tpu.enqueue_indirect_dma source(%dma_start3A_49 : memref<10240x128xf32, #tpu.memory_space<hbm>>) target(%arg8 : memref<128x128xf32, #tpu.memory_space<vmem>>) offsets(%dma_start3A_46 : memref<128xi32, #tpu.memory_space<vmem>>) semaphore(%arg11 : memref<!tpu.dma_semaphore, #tpu.memory_space<semaphore_mem>>)
      %dma_start3A_50 = arith.constant 1 : i32
      %dma_start3A_51 = arith.constant 0 : i32
      %dma_start3A_52 = tpu.memref_slice %arg6[%dma_start3A_50, %dma_start3A_51] : memref<40x128xi32, #tpu.memory_space<vmem>> -> memref<1x128xi32, #tpu.memory_space<vmem>>
      %dma_start3A_53 = tpu.memref_squeeze %dma_start3A_52 : memref<1x128xi32, #tpu.memory_space<vmem>> -> memref<128xi32, #tpu.memory_space<vmem>>
      %dma_start3A_54 = arith.constant 0 : i32
      %dma_start3A_55 = arith.constant 0 : i32
      %dma_start3A_56 = tpu.memref_slice %arg2[%dma_start3A_54, %dma_start3A_55] : memref<10240x128xf32, #tpu.memory_space<hbm>> -> memref<10240x128xf32, #tpu.memory_space<hbm>>
      tpu.enqueue_indirect_dma source(%dma_start3A_56 : memref<10240x128xf32, #tpu.memory_space<hbm>>) target(%arg9 : memref<128x128xf32, #tpu.memory_space<vmem>>) offsets(%dma_start3A_53 : memref<128xi32, #tpu.memory_space<vmem>>) semaphore(%arg12 : memref<!tpu.dma_semaphore, #tpu.memory_space<semaphore_mem>>)
      %scan3A_57 = arith.constant 0 : i32
      %scan3A_58 = arith.constant 0 : i32
      %scan3A_59 = arith.constant 20 : i32
      %scan3A_60 = arith.addi %scan3A_58, %scan3A_59 : i32
      %scan3A_61 = arith.constant 1 : i32
      %scan3A_62 = scf.for %scan3A_64 = %scan3A_58 to %scan3A_60 step %scan3A_61 iter_args(%scan3A_65 = %scan3A_57) -> (i32)  : i32 {
        %mul3A_66 = arith.constant 2 : i32
        %mul3A_67 = arith.muli %mul3A_66, %scan3A_64 : i32
        %dma_wait3A = arith.constant 0 : i32
        %dma_wait3A_68 = tpu.memref_slice %arg6[%mul3A_67, %dma_wait3A] : memref<40x128xi32, #tpu.memory_space<vmem>> -> memref<1x128xi32, #tpu.memory_space<vmem>>
        %dma_wait3A_69 = tpu.memref_squeeze %dma_wait3A_68 : memref<1x128xi32, #tpu.memory_space<vmem>> -> memref<128xi32, #tpu.memory_space<vmem>>
        %dma_wait3A_70 = arith.constant 0 : i32
        %dma_wait3A_71 = arith.constant 0 : i32
        %dma_wait3A_72 = tpu.memref_slice %arg2[%dma_wait3A_70, %dma_wait3A_71] : memref<10240x128xf32, #tpu.memory_space<hbm>> -> memref<10240x128xf32, #tpu.memory_space<hbm>>
        tpu.wait_indirect_dma semaphore(%arg11 : memref<!tpu.dma_semaphore, #tpu.memory_space<semaphore_mem>>) src(%dma_wait3A_72 : memref<10240x128xf32, #tpu.memory_space<hbm>>) dst(%arg8 : memref<128x128xf32, #tpu.memory_space<vmem>>)
        "tpu.region"() ({
          %run_scoped3A = tpu.sem_alloc : memref<!tpu.dma_semaphore, #tpu.memory_space<semaphore_mem>>
          %dma_start3A_97 = arith.constant 0 : i32
          %dma_start3A_98 = tpu.memref_slice %arg7[%mul3A_67, %dma_start3A_97] : memref<40x128xi32, #tpu.memory_space<vmem>> -> memref<1x128xi32, #tpu.memory_space<vmem>>
          %dma_start3A_99 = tpu.memref_squeeze %dma_start3A_98 : memref<1x128xi32, #tpu.memory_space<vmem>> -> memref<128xi32, #tpu.memory_space<vmem>>
          %dma_start3A_100 = arith.constant 0 : i32
          %dma_start3A_101 = arith.constant 0 : i32
          %dma_start3A_102 = tpu.memref_slice %arg10[%dma_start3A_100, %dma_start3A_101] : memref<10240x128xf32, #tpu.memory_space<vmem_shared>> -> memref<10240x128xf32, #tpu.memory_space<vmem_shared>>
          tpu.enqueue_indirect_dma source(%arg8 : memref<128x128xf32, #tpu.memory_space<vmem>>) target(%dma_start3A_102 : memref<10240x128xf32, #tpu.memory_space<vmem_shared>>) offsets(%dma_start3A_99 : memref<128xi32, #tpu.memory_space<vmem>>) semaphore(%run_scoped3A : memref<!tpu.dma_semaphore, #tpu.memory_space<semaphore_mem>>) {add = true}
          %dma_wait3A_103 = arith.constant 0 : i32
          %dma_wait3A_104 = tpu.memref_slice %arg7[%mul3A_67, %dma_wait3A_103] : memref<40x128xi32, #tpu.memory_space<vmem>> -> memref<1x128xi32, #tpu.memory_space<vmem>>
          %dma_wait3A_105 = tpu.memref_squeeze %dma_wait3A_104 : memref<1x128xi32, #tpu.memory_space<vmem>> -> memref<128xi32, #tpu.memory_space<vmem>>
          %dma_wait3A_106 = arith.constant 0 : i32
          %dma_wait3A_107 = arith.constant 0 : i32
          %dma_wait3A_108 = tpu.memref_slice %arg10[%dma_wait3A_106, %dma_wait3A_107] : memref<10240x128xf32, #tpu.memory_space<vmem_shared>> -> memref<10240x128xf32, #tpu.memory_space<vmem_shared>>
          tpu.wait_indirect_dma semaphore(%run_scoped3A : memref<!tpu.dma_semaphore, #tpu.memory_space<semaphore_mem>>) src(%arg8 : memref<128x128xf32, #tpu.memory_space<vmem>>) dst(%dma_wait3A_108 : memref<10240x128xf32, #tpu.memory_space<vmem_shared>>)
          tpu.yield
        }) : () -> ()
        %add3A_73 = arith.constant 1 : i32
        %add3A_74 = arith.addi %scan3A_64, %add3A_73 : i32
        %lt3A = arith.constant 20 : i32
        %lt3A_75 = arith.cmpi slt, %add3A_74, %lt3A : i32
        %convert_element_type3A_76 = arith.extui %lt3A_75 : i1 to i32
        %cond3A_77 = arith.constant 0 : i32
        %cond3A_78 = arith.cmpi ne, %convert_element_type3A_76, %cond3A_77 : i32
        scf.if %cond3A_78 {
          %add3A_97 = arith.constant 2 : i32
          %add3A_98 = arith.addi %mul3A_67, %add3A_97 : i32
          %dma_start3A_99 = arith.constant 0 : i32
          %dma_start3A_100 = tpu.memref_slice %arg6[%add3A_98, %dma_start3A_99] : memref<40x128xi32, #tpu.memory_space<vmem>> -> memref<1x128xi32, #tpu.memory_space<vmem>>
          %dma_start3A_101 = tpu.memref_squeeze %dma_start3A_100 : memref<1x128xi32, #tpu.memory_space<vmem>> -> memref<128xi32, #tpu.memory_space<vmem>>
          %dma_start3A_102 = arith.constant 0 : i32
          %dma_start3A_103 = arith.constant 0 : i32
          %dma_start3A_104 = tpu.memref_slice %arg2[%dma_start3A_102, %dma_start3A_103] : memref<10240x128xf32, #tpu.memory_space<hbm>> -> memref<10240x128xf32, #tpu.memory_space<hbm>>
          tpu.enqueue_indirect_dma source(%dma_start3A_104 : memref<10240x128xf32, #tpu.memory_space<hbm>>) target(%arg8 : memref<128x128xf32, #tpu.memory_space<vmem>>) offsets(%dma_start3A_101 : memref<128xi32, #tpu.memory_space<vmem>>) semaphore(%arg11 : memref<!tpu.dma_semaphore, #tpu.memory_space<semaphore_mem>>)
        } else {
        }
        %add3A_79 = arith.constant 1 : i32
        %add3A_80 = arith.addi %mul3A_67, %add3A_79 : i32
        %dma_wait3A_81 = arith.constant 0 : i32
        %dma_wait3A_82 = tpu.memref_slice %arg6[%add3A_80, %dma_wait3A_81] : memref<40x128xi32, #tpu.memory_space<vmem>> -> memref<1x128xi32, #tpu.memory_space<vmem>>
        %dma_wait3A_83 = tpu.memref_squeeze %dma_wait3A_82 : memref<1x128xi32, #tpu.memory_space<vmem>> -> memref<128xi32, #tpu.memory_space<vmem>>
        %dma_wait3A_84 = arith.constant 0 : i32
        %dma_wait3A_85 = arith.constant 0 : i32
        %dma_wait3A_86 = tpu.memref_slice %arg2[%dma_wait3A_84, %dma_wait3A_85] : memref<10240x128xf32, #tpu.memory_space<hbm>> -> memref<10240x128xf32, #tpu.memory_space<hbm>>
        tpu.wait_indirect_dma semaphore(%arg12 : memref<!tpu.dma_semaphore, #tpu.memory_space<semaphore_mem>>) src(%dma_wait3A_86 : memref<10240x128xf32, #tpu.memory_space<hbm>>) dst(%arg9 : memref<128x128xf32, #tpu.memory_space<vmem>>)
        %add3A_87 = arith.constant 1 : i32
        %add3A_88 = arith.addi %mul3A_67, %add3A_87 : i32
        "tpu.region"() ({
          %run_scoped3A = tpu.sem_alloc : memref<!tpu.dma_semaphore, #tpu.memory_space<semaphore_mem>>
          %dma_start3A_97 = arith.constant 0 : i32
          %dma_start3A_98 = tpu.memref_slice %arg7[%add3A_88, %dma_start3A_97] : memref<40x128xi32, #tpu.memory_space<vmem>> -> memref<1x128xi32, #tpu.memory_space<vmem>>
          %dma_start3A_99 = tpu.memref_squeeze %dma_start3A_98 : memref<1x128xi32, #tpu.memory_space<vmem>> -> memref<128xi32, #tpu.memory_space<vmem>>
          %dma_start3A_100 = arith.constant 0 : i32
          %dma_start3A_101 = arith.constant 0 : i32
          %dma_start3A_102 = tpu.memref_slice %arg10[%dma_start3A_100, %dma_start3A_101] : memref<10240x128xf32, #tpu.memory_space<vmem_shared>> -> memref<10240x128xf32, #tpu.memory_space<vmem_shared>>
          tpu.enqueue_indirect_dma source(%arg9 : memref<128x128xf32, #tpu.memory_space<vmem>>) target(%dma_start3A_102 : memref<10240x128xf32, #tpu.memory_space<vmem_shared>>) offsets(%dma_start3A_99 : memref<128xi32, #tpu.memory_space<vmem>>) semaphore(%run_scoped3A : memref<!tpu.dma_semaphore, #tpu.memory_space<semaphore_mem>>) {add = true}
          %dma_wait3A_103 = arith.constant 0 : i32
          %dma_wait3A_104 = tpu.memref_slice %arg7[%add3A_88, %dma_wait3A_103] : memref<40x128xi32, #tpu.memory_space<vmem>> -> memref<1x128xi32, #tpu.memory_space<vmem>>
          %dma_wait3A_105 = tpu.memref_squeeze %dma_wait3A_104 : memref<1x128xi32, #tpu.memory_space<vmem>> -> memref<128xi32, #tpu.memory_space<vmem>>
          %dma_wait3A_106 = arith.constant 0 : i32
          %dma_wait3A_107 = arith.constant 0 : i32
          %dma_wait3A_108 = tpu.memref_slice %arg10[%dma_wait3A_106, %dma_wait3A_107] : memref<10240x128xf32, #tpu.memory_space<vmem_shared>> -> memref<10240x128xf32, #tpu.memory_space<vmem_shared>>
          tpu.wait_indirect_dma semaphore(%run_scoped3A : memref<!tpu.dma_semaphore, #tpu.memory_space<semaphore_mem>>) src(%arg9 : memref<128x128xf32, #tpu.memory_space<vmem>>) dst(%dma_wait3A_108 : memref<10240x128xf32, #tpu.memory_space<vmem_shared>>)
          tpu.yield
        }) : () -> ()
        %add3A_89 = arith.constant 1 : i32
        %add3A_90 = arith.addi %scan3A_64, %add3A_89 : i32
        %lt3A_91 = arith.constant 20 : i32
        %lt3A_92 = arith.cmpi slt, %add3A_90, %lt3A_91 : i32
        %convert_element_type3A_93 = arith.extui %lt3A_92 : i1 to i32
        %cond3A_94 = arith.constant 0 : i32
        %cond3A_95 = arith.cmpi ne, %convert_element_type3A_93, %cond3A_94 : i32
        scf.if %cond3A_95 {
          %add3A_97 = arith.constant 3 : i32
          %add3A_98 = arith.addi %mul3A_67, %add3A_97 : i32
          %dma_start3A_99 = arith.constant 0 : i32
          %dma_start3A_100 = tpu.memref_slice %arg6[%add3A_98, %dma_start3A_99] : memref<40x128xi32, #tpu.memory_space<vmem>> -> memref<1x128xi32, #tpu.memory_space<vmem>>
          %dma_start3A_101 = tpu.memref_squeeze %dma_start3A_100 : memref<1x128xi32, #tpu.memory_space<vmem>> -> memref<128xi32, #tpu.memory_space<vmem>>
          %dma_start3A_102 = arith.constant 0 : i32
          %dma_start3A_103 = arith.constant 0 : i32
          %dma_start3A_104 = tpu.memref_slice %arg2[%dma_start3A_102, %dma_start3A_103] : memref<10240x128xf32, #tpu.memory_space<hbm>> -> memref<10240x128xf32, #tpu.memory_space<hbm>>
          tpu.enqueue_indirect_dma source(%dma_start3A_104 : memref<10240x128xf32, #tpu.memory_space<hbm>>) target(%arg9 : memref<128x128xf32, #tpu.memory_space<vmem>>) offsets(%dma_start3A_101 : memref<128xi32, #tpu.memory_space<vmem>>) semaphore(%arg12 : memref<!tpu.dma_semaphore, #tpu.memory_space<semaphore_mem>>)
        } else {
        }
        %scan3A_96 = arith.constant 0 : i32
        scf.yield %scan3A_96 : i32
      }
      %scan3A_63 = arith.constant 20 : i32
    } else {
    }
    %eq3A_36 = arith.constant 1 : i32
    %eq3A_37 = arith.cmpi eq, %arg0, %eq3A_36 : i32
    %convert_element_type3A_38 = arith.extui %eq3A_37 : i1 to i32
    %cond3A_39 = arith.constant 0 : i32
    %cond3A_40 = arith.cmpi ne, %convert_element_type3A_38, %cond3A_39 : i32
    scf.if %cond3A_40 {
      "tpu.region"() ({
        %run_scoped3A = tpu.sem_alloc : memref<!tpu.dma_semaphore, #tpu.memory_space<semaphore_mem>>
        %dma_start3A_64 = arith.constant 120 : i32
        %dma_start3A_65 = arith.constant 0 : i32
        %dma_start3A_66 = tpu.memref_slice %arg3[%arg1, %dma_start3A_64, %dma_start3A_65] : memref<16x160x128xi32, #tpu.memory_space<hbm>> -> memref<1x40x128xi32, #tpu.memory_space<hbm>>
        %dma_start3A_67 = tpu.memref_squeeze %dma_start3A_66 : memref<1x40x128xi32, #tpu.memory_space<hbm>> -> memref<40x128xi32, #tpu.memory_space<hbm>>
        %dma_start3A_68 = arith.constant 120 : i32
        %dma_start3A_69 = arith.constant 0 : i32
        %dma_start3A_70 = tpu.memref_slice %arg3[%arg1, %dma_start3A_68, %dma_start3A_69] : memref<16x160x128xi32, #tpu.memory_space<hbm>> -> memref<1x40x128xi32, #tpu.memory_space<hbm>>
        %dma_start3A_71 = tpu.memref_squeeze %dma_start3A_70 : memref<1x40x128xi32, #tpu.memory_space<hbm>> -> memref<40x128xi32, #tpu.memory_space<hbm>>
        tpu.enqueue_dma source(%dma_start3A_71 : memref<40x128xi32, #tpu.memory_space<hbm>>) target(%arg6 : memref<40x128xi32, #tpu.memory_space<vmem>>) target_semaphore(%run_scoped3A : memref<!tpu.dma_semaphore, #tpu.memory_space<semaphore_mem>>)
        %dma_wait3A = arith.constant 120 : i32
        %dma_wait3A_72 = arith.constant 0 : i32
        %dma_wait3A_73 = tpu.memref_slice %arg3[%arg1, %dma_wait3A, %dma_wait3A_72] : memref<16x160x128xi32, #tpu.memory_space<hbm>> -> memref<1x40x128xi32, #tpu.memory_space<hbm>>
        %dma_wait3A_74 = tpu.memref_squeeze %dma_wait3A_73 : memref<1x40x128xi32, #tpu.memory_space<hbm>> -> memref<40x128xi32, #tpu.memory_space<hbm>>
        %dma_wait3A_75 = arith.constant 120 : i32
        %dma_wait3A_76 = arith.constant 0 : i32
        %dma_wait3A_77 = tpu.memref_slice %arg3[%arg1, %dma_wait3A_75, %dma_wait3A_76] : memref<16x160x128xi32, #tpu.memory_space<hbm>> -> memref<1x40x128xi32, #tpu.memory_space<hbm>>
        %dma_wait3A_78 = tpu.memref_squeeze %dma_wait3A_77 : memref<1x40x128xi32, #tpu.memory_space<hbm>> -> memref<40x128xi32, #tpu.memory_space<hbm>>
        tpu.wait_dma2 semaphore(%run_scoped3A : memref<!tpu.dma_semaphore, #tpu.memory_space<semaphore_mem>>) src(%dma_wait3A_78 : memref<40x128xi32, #tpu.memory_space<hbm>>) dst(%arg6 : memref<40x128xi32, #tpu.memory_space<vmem>>)
        tpu.yield
      }) : () -> ()
      "tpu.region"() ({
        %run_scoped3A = tpu.sem_alloc : memref<!tpu.dma_semaphore, #tpu.memory_space<semaphore_mem>>
        %dma_start3A_64 = arith.constant 120 : i32
        %dma_start3A_65 = arith.constant 0 : i32
        %dma_start3A_66 = tpu.memref_slice %arg4[%arg1, %dma_start3A_64, %dma_start3A_65] : memref<16x160x128xi32, #tpu.memory_space<hbm>> -> memref<1x40x128xi32, #tpu.memory_space<hbm>>
        %dma_start3A_67 = tpu.memref_squeeze %dma_start3A_66 : memref<1x40x128xi32, #tpu.memory_space<hbm>> -> memref<40x128xi32, #tpu.memory_space<hbm>>
        %dma_start3A_68 = arith.constant 120 : i32
        %dma_start3A_69 = arith.constant 0 : i32
        %dma_start3A_70 = tpu.memref_slice %arg4[%arg1, %dma_start3A_68, %dma_start3A_69] : memref<16x160x128xi32, #tpu.memory_space<hbm>> -> memref<1x40x128xi32, #tpu.memory_space<hbm>>
        %dma_start3A_71 = tpu.memref_squeeze %dma_start3A_70 : memref<1x40x128xi32, #tpu.memory_space<hbm>> -> memref<40x128xi32, #tpu.memory_space<hbm>>
        tpu.enqueue_dma source(%dma_start3A_71 : memref<40x128xi32, #tpu.memory_space<hbm>>) target(%arg7 : memref<40x128xi32, #tpu.memory_space<vmem>>) target_semaphore(%run_scoped3A : memref<!tpu.dma_semaphore, #tpu.memory_space<semaphore_mem>>)
        %dma_wait3A = arith.constant 120 : i32
        %dma_wait3A_72 = arith.constant 0 : i32
        %dma_wait3A_73 = tpu.memref_slice %arg4[%arg1, %dma_wait3A, %dma_wait3A_72] : memref<16x160x128xi32, #tpu.memory_space<hbm>> -> memref<1x40x128xi32, #tpu.memory_space<hbm>>
        %dma_wait3A_74 = tpu.memref_squeeze %dma_wait3A_73 : memref<1x40x128xi32, #tpu.memory_space<hbm>> -> memref<40x128xi32, #tpu.memory_space<hbm>>
        %dma_wait3A_75 = arith.constant 120 : i32
        %dma_wait3A_76 = arith.constant 0 : i32
        %dma_wait3A_77 = tpu.memref_slice %arg4[%arg1, %dma_wait3A_75, %dma_wait3A_76] : memref<16x160x128xi32, #tpu.memory_space<hbm>> -> memref<1x40x128xi32, #tpu.memory_space<hbm>>
        %dma_wait3A_78 = tpu.memref_squeeze %dma_wait3A_77 : memref<1x40x128xi32, #tpu.memory_space<hbm>> -> memref<40x128xi32, #tpu.memory_space<hbm>>
        tpu.wait_dma2 semaphore(%run_scoped3A : memref<!tpu.dma_semaphore, #tpu.memory_space<semaphore_mem>>) src(%dma_wait3A_78 : memref<40x128xi32, #tpu.memory_space<hbm>>) dst(%arg7 : memref<40x128xi32, #tpu.memory_space<vmem>>)
        tpu.yield
      }) : () -> ()
      %dma_start3A = arith.constant 0 : i32
      %dma_start3A_44 = arith.constant 0 : i32
      %dma_start3A_45 = tpu.memref_slice %arg6[%dma_start3A, %dma_start3A_44] : memref<40x128xi32, #tpu.memory_space<vmem>> -> memref<1x128xi32, #tpu.memory_space<vmem>>
      %dma_start3A_46 = tpu.memref_squeeze %dma_start3A_45 : memref<1x128xi32, #tpu.memory_space<vmem>> -> memref<128xi32, #tpu.memory_space<vmem>>
      %dma_start3A_47 = arith.constant 0 : i32
      %dma_start3A_48 = arith.constant 0 : i32
      %dma_start3A_49 = tpu.memref_slice %arg2[%dma_start3A_47, %dma_start3A_48] : memref<10240x128xf32, #tpu.memory_space<hbm>> -> memref<10240x128xf32, #tpu.memory_space<hbm>>
      tpu.enqueue_indirect_dma source(%dma_start3A_49 : memref<10240x128xf32, #tpu.memory_space<hbm>>) target(%arg8 : memref<128x128xf32, #tpu.memory_space<vmem>>) offsets(%dma_start3A_46 : memref<128xi32, #tpu.memory_space<vmem>>) semaphore(%arg11 : memref<!tpu.dma_semaphore, #tpu.memory_space<semaphore_mem>>)
      %dma_start3A_50 = arith.constant 1 : i32
      %dma_start3A_51 = arith.constant 0 : i32
      %dma_start3A_52 = tpu.memref_slice %arg6[%dma_start3A_50, %dma_start3A_51] : memref<40x128xi32, #tpu.memory_space<vmem>> -> memref<1x128xi32, #tpu.memory_space<vmem>>
      %dma_start3A_53 = tpu.memref_squeeze %dma_start3A_52 : memref<1x128xi32, #tpu.memory_space<vmem>> -> memref<128xi32, #tpu.memory_space<vmem>>
      %dma_start3A_54 = arith.constant 0 : i32
      %dma_start3A_55 = arith.constant 0 : i32
      %dma_start3A_56 = tpu.memref_slice %arg2[%dma_start3A_54, %dma_start3A_55] : memref<10240x128xf32, #tpu.memory_space<hbm>> -> memref<10240x128xf32, #tpu.memory_space<hbm>>
      tpu.enqueue_indirect_dma source(%dma_start3A_56 : memref<10240x128xf32, #tpu.memory_space<hbm>>) target(%arg9 : memref<128x128xf32, #tpu.memory_space<vmem>>) offsets(%dma_start3A_53 : memref<128xi32, #tpu.memory_space<vmem>>) semaphore(%arg12 : memref<!tpu.dma_semaphore, #tpu.memory_space<semaphore_mem>>)
      %scan3A_57 = arith.constant 0 : i32
      %scan3A_58 = arith.constant 0 : i32
      %scan3A_59 = arith.constant 20 : i32
      %scan3A_60 = arith.addi %scan3A_58, %scan3A_59 : i32
      %scan3A_61 = arith.constant 1 : i32
      %scan3A_62 = scf.for %scan3A_64 = %scan3A_58 to %scan3A_60 step %scan3A_61 iter_args(%scan3A_65 = %scan3A_57) -> (i32)  : i32 {
        %mul3A_66 = arith.constant 2 : i32
        %mul3A_67 = arith.muli %mul3A_66, %scan3A_64 : i32
        %dma_wait3A = arith.constant 0 : i32
        %dma_wait3A_68 = tpu.memref_slice %arg6[%mul3A_67, %dma_wait3A] : memref<40x128xi32, #tpu.memory_space<vmem>> -> memref<1x128xi32, #tpu.memory_space<vmem>>
        %dma_wait3A_69 = tpu.memref_squeeze %dma_wait3A_68 : memref<1x128xi32, #tpu.memory_space<vmem>> -> memref<128xi32, #tpu.memory_space<vmem>>
        %dma_wait3A_70 = arith.constant 0 : i32
        %dma_wait3A_71 = arith.constant 0 : i32
        %dma_wait3A_72 = tpu.memref_slice %arg2[%dma_wait3A_70, %dma_wait3A_71] : memref<10240x128xf32, #tpu.memory_space<hbm>> -> memref<10240x128xf32, #tpu.memory_space<hbm>>
        tpu.wait_indirect_dma semaphore(%arg11 : memref<!tpu.dma_semaphore, #tpu.memory_space<semaphore_mem>>) src(%dma_wait3A_72 : memref<10240x128xf32, #tpu.memory_space<hbm>>) dst(%arg8 : memref<128x128xf32, #tpu.memory_space<vmem>>)
        "tpu.region"() ({
          %run_scoped3A = tpu.sem_alloc : memref<!tpu.dma_semaphore, #tpu.memory_space<semaphore_mem>>
          %dma_start3A_97 = arith.constant 0 : i32
          %dma_start3A_98 = tpu.memref_slice %arg7[%mul3A_67, %dma_start3A_97] : memref<40x128xi32, #tpu.memory_space<vmem>> -> memref<1x128xi32, #tpu.memory_space<vmem>>
          %dma_start3A_99 = tpu.memref_squeeze %dma_start3A_98 : memref<1x128xi32, #tpu.memory_space<vmem>> -> memref<128xi32, #tpu.memory_space<vmem>>
          %dma_start3A_100 = arith.constant 0 : i32
          %dma_start3A_101 = arith.constant 0 : i32
          %dma_start3A_102 = tpu.memref_slice %arg10[%dma_start3A_100, %dma_start3A_101] : memref<10240x128xf32, #tpu.memory_space<vmem_shared>> -> memref<10240x128xf32, #tpu.memory_space<vmem_shared>>
          tpu.enqueue_indirect_dma source(%arg8 : memref<128x128xf32, #tpu.memory_space<vmem>>) target(%dma_start3A_102 : memref<10240x128xf32, #tpu.memory_space<vmem_shared>>) offsets(%dma_start3A_99 : memref<128xi32, #tpu.memory_space<vmem>>) semaphore(%run_scoped3A : memref<!tpu.dma_semaphore, #tpu.memory_space<semaphore_mem>>) {add = true}
          %dma_wait3A_103 = arith.constant 0 : i32
          %dma_wait3A_104 = tpu.memref_slice %arg7[%mul3A_67, %dma_wait3A_103] : memref<40x128xi32, #tpu.memory_space<vmem>> -> memref<1x128xi32, #tpu.memory_space<vmem>>
          %dma_wait3A_105 = tpu.memref_squeeze %dma_wait3A_104 : memref<1x128xi32, #tpu.memory_space<vmem>> -> memref<128xi32, #tpu.memory_space<vmem>>
          %dma_wait3A_106 = arith.constant 0 : i32
          %dma_wait3A_107 = arith.constant 0 : i32
          %dma_wait3A_108 = tpu.memref_slice %arg10[%dma_wait3A_106, %dma_wait3A_107] : memref<10240x128xf32, #tpu.memory_space<vmem_shared>> -> memref<10240x128xf32, #tpu.memory_space<vmem_shared>>
          tpu.wait_indirect_dma semaphore(%run_scoped3A : memref<!tpu.dma_semaphore, #tpu.memory_space<semaphore_mem>>) src(%arg8 : memref<128x128xf32, #tpu.memory_space<vmem>>) dst(%dma_wait3A_108 : memref<10240x128xf32, #tpu.memory_space<vmem_shared>>)
          tpu.yield
        }) : () -> ()
        %add3A_73 = arith.constant 1 : i32
        %add3A_74 = arith.addi %scan3A_64, %add3A_73 : i32
        %lt3A = arith.constant 20 : i32
        %lt3A_75 = arith.cmpi slt, %add3A_74, %lt3A : i32
        %convert_element_type3A_76 = arith.extui %lt3A_75 : i1 to i32
        %cond3A_77 = arith.constant 0 : i32
        %cond3A_78 = arith.cmpi ne, %convert_element_type3A_76, %cond3A_77 : i32
        scf.if %cond3A_78 {
          %add3A_97 = arith.constant 2 : i32
          %add3A_98 = arith.addi %mul3A_67, %add3A_97 : i32
          %dma_start3A_99 = arith.constant 0 : i32
          %dma_start3A_100 = tpu.memref_slice %arg6[%add3A_98, %dma_start3A_99] : memref<40x128xi32, #tpu.memory_space<vmem>> -> memref<1x128xi32, #tpu.memory_space<vmem>>
          %dma_start3A_101 = tpu.memref_squeeze %dma_start3A_100 : memref<1x128xi32, #tpu.memory_space<vmem>> -> memref<128xi32, #tpu.memory_space<vmem>>
          %dma_start3A_102 = arith.constant 0 : i32
          %dma_start3A_103 = arith.constant 0 : i32
          %dma_start3A_104 = tpu.memref_slice %arg2[%dma_start3A_102, %dma_start3A_103] : memref<10240x128xf32, #tpu.memory_space<hbm>> -> memref<10240x128xf32, #tpu.memory_space<hbm>>
          tpu.enqueue_indirect_dma source(%dma_start3A_104 : memref<10240x128xf32, #tpu.memory_space<hbm>>) target(%arg8 : memref<128x128xf32, #tpu.memory_space<vmem>>) offsets(%dma_start3A_101 : memref<128xi32, #tpu.memory_space<vmem>>) semaphore(%arg11 : memref<!tpu.dma_semaphore, #tpu.memory_space<semaphore_mem>>)
        } else {
        }
        %add3A_79 = arith.constant 1 : i32
        %add3A_80 = arith.addi %mul3A_67, %add3A_79 : i32
        %dma_wait3A_81 = arith.constant 0 : i32
        %dma_wait3A_82 = tpu.memref_slice %arg6[%add3A_80, %dma_wait3A_81] : memref<40x128xi32, #tpu.memory_space<vmem>> -> memref<1x128xi32, #tpu.memory_space<vmem>>
        %dma_wait3A_83 = tpu.memref_squeeze %dma_wait3A_82 : memref<1x128xi32, #tpu.memory_space<vmem>> -> memref<128xi32, #tpu.memory_space<vmem>>
        %dma_wait3A_84 = arith.constant 0 : i32
        %dma_wait3A_85 = arith.constant 0 : i32
        %dma_wait3A_86 = tpu.memref_slice %arg2[%dma_wait3A_84, %dma_wait3A_85] : memref<10240x128xf32, #tpu.memory_space<hbm>> -> memref<10240x128xf32, #tpu.memory_space<hbm>>
        tpu.wait_indirect_dma semaphore(%arg12 : memref<!tpu.dma_semaphore, #tpu.memory_space<semaphore_mem>>) src(%dma_wait3A_86 : memref<10240x128xf32, #tpu.memory_space<hbm>>) dst(%arg9 : memref<128x128xf32, #tpu.memory_space<vmem>>)
        %add3A_87 = arith.constant 1 : i32
        %add3A_88 = arith.addi %mul3A_67, %add3A_87 : i32
        "tpu.region"() ({
          %run_scoped3A = tpu.sem_alloc : memref<!tpu.dma_semaphore, #tpu.memory_space<semaphore_mem>>
          %dma_start3A_97 = arith.constant 0 : i32
          %dma_start3A_98 = tpu.memref_slice %arg7[%add3A_88, %dma_start3A_97] : memref<40x128xi32, #tpu.memory_space<vmem>> -> memref<1x128xi32, #tpu.memory_space<vmem>>
          %dma_start3A_99 = tpu.memref_squeeze %dma_start3A_98 : memref<1x128xi32, #tpu.memory_space<vmem>> -> memref<128xi32, #tpu.memory_space<vmem>>
          %dma_start3A_100 = arith.constant 0 : i32
          %dma_start3A_101 = arith.constant 0 : i32
          %dma_start3A_102 = tpu.memref_slice %arg10[%dma_start3A_100, %dma_start3A_101] : memref<10240x128xf32, #tpu.memory_space<vmem_shared>> -> memref<10240x128xf32, #tpu.memory_space<vmem_shared>>
          tpu.enqueue_indirect_dma source(%arg9 : memref<128x128xf32, #tpu.memory_space<vmem>>) target(%dma_start3A_102 : memref<10240x128xf32, #tpu.memory_space<vmem_shared>>) offsets(%dma_start3A_99 : memref<128xi32, #tpu.memory_space<vmem>>) semaphore(%run_scoped3A : memref<!tpu.dma_semaphore, #tpu.memory_space<semaphore_mem>>) {add = true}
          %dma_wait3A_103 = arith.constant 0 : i32
          %dma_wait3A_104 = tpu.memref_slice %arg7[%add3A_88, %dma_wait3A_103] : memref<40x128xi32, #tpu.memory_space<vmem>> -> memref<1x128xi32, #tpu.memory_space<vmem>>
          %dma_wait3A_105 = tpu.memref_squeeze %dma_wait3A_104 : memref<1x128xi32, #tpu.memory_space<vmem>> -> memref<128xi32, #tpu.memory_space<vmem>>
          %dma_wait3A_106 = arith.constant 0 : i32
          %dma_wait3A_107 = arith.constant 0 : i32
          %dma_wait3A_108 = tpu.memref_slice %arg10[%dma_wait3A_106, %dma_wait3A_107] : memref<10240x128xf32, #tpu.memory_space<vmem_shared>> -> memref<10240x128xf32, #tpu.memory_space<vmem_shared>>
          tpu.wait_indirect_dma semaphore(%run_scoped3A : memref<!tpu.dma_semaphore, #tpu.memory_space<semaphore_mem>>) src(%arg9 : memref<128x128xf32, #tpu.memory_space<vmem>>) dst(%dma_wait3A_108 : memref<10240x128xf32, #tpu.memory_space<vmem_shared>>)
          tpu.yield
        }) : () -> ()
        %add3A_89 = arith.constant 1 : i32
        %add3A_90 = arith.addi %scan3A_64, %add3A_89 : i32
        %lt3A_91 = arith.constant 20 : i32
        %lt3A_92 = arith.cmpi slt, %add3A_90, %lt3A_91 : i32
        %convert_element_type3A_93 = arith.extui %lt3A_92 : i1 to i32
        %cond3A_94 = arith.constant 0 : i32
        %cond3A_95 = arith.cmpi ne, %convert_element_type3A_93, %cond3A_94 : i32
        scf.if %cond3A_95 {
          %add3A_97 = arith.constant 3 : i32
          %add3A_98 = arith.addi %mul3A_67, %add3A_97 : i32
          %dma_start3A_99 = arith.constant 0 : i32
          %dma_start3A_100 = tpu.memref_slice %arg6[%add3A_98, %dma_start3A_99] : memref<40x128xi32, #tpu.memory_space<vmem>> -> memref<1x128xi32, #tpu.memory_space<vmem>>
          %dma_start3A_101 = tpu.memref_squeeze %dma_start3A_100 : memref<1x128xi32, #tpu.memory_space<vmem>> -> memref<128xi32, #tpu.memory_space<vmem>>
          %dma_start3A_102 = arith.constant 0 : i32
          %dma_start3A_103 = arith.constant 0 : i32
          %dma_start3A_104 = tpu.memref_slice %arg2[%dma_start3A_102, %dma_start3A_103] : memref<10240x128xf32, #tpu.memory_space<hbm>> -> memref<10240x128xf32, #tpu.memory_space<hbm>>
          tpu.enqueue_indirect_dma source(%dma_start3A_104 : memref<10240x128xf32, #tpu.memory_space<hbm>>) target(%arg9 : memref<128x128xf32, #tpu.memory_space<vmem>>) offsets(%dma_start3A_101 : memref<128xi32, #tpu.memory_space<vmem>>) semaphore(%arg12 : memref<!tpu.dma_semaphore, #tpu.memory_space<semaphore_mem>>)
        } else {
        }
        %scan3A_96 = arith.constant 0 : i32
        scf.yield %scan3A_96 : i32
      }
      %scan3A_63 = arith.constant 20 : i32
    } else {
    }
    %barrier3A_41 = arith.constant 0 : index
    tpu.barrier barrier_id(%barrier3A_41)
    %mul3A_42 = arith.constant 640 : i32
    %mul3A_43 = arith.muli %arg1, %mul3A_42 : i32
    "tpu.region"() ({
      %run_scoped3A = tpu.sem_alloc : memref<!tpu.dma_semaphore, #tpu.memory_space<semaphore_mem>>
      %dma_start3A = arith.constant 0 : i32
      %dma_start3A_44 = tpu.memref_slice %arg5[%arg0, %mul3A_43, %dma_start3A] : memref<2x10240x128xf32, #tpu.memory_space<hbm>> -> memref<1x640x128xf32, #tpu.memory_space<hbm>>
      %dma_start3A_45 = tpu.memref_squeeze %dma_start3A_44 : memref<1x640x128xf32, #tpu.memory_space<hbm>> -> memref<640x128xf32, #tpu.memory_space<hbm>>
      %dma_start3A_46 = arith.constant 0 : i32
      %dma_start3A_47 = tpu.memref_slice %arg10[%mul3A_43, %dma_start3A_46] : memref<10240x128xf32, #tpu.memory_space<vmem_shared>> -> memref<640x128xf32, #tpu.memory_space<vmem_shared>>
      tpu.enqueue_dma source(%dma_start3A_47 : memref<640x128xf32, #tpu.memory_space<vmem_shared>>) target(%dma_start3A_45 : memref<640x128xf32, #tpu.memory_space<hbm>>) target_semaphore(%run_scoped3A : memref<!tpu.dma_semaphore, #tpu.memory_space<semaphore_mem>>)
      %dma_wait3A = arith.constant 0 : i32
      %dma_wait3A_48 = tpu.memref_slice %arg5[%arg0, %mul3A_43, %dma_wait3A] : memref<2x10240x128xf32, #tpu.memory_space<hbm>> -> memref<1x640x128xf32, #tpu.memory_space<hbm>>
      %dma_wait3A_49 = tpu.memref_squeeze %dma_wait3A_48 : memref<1x640x128xf32, #tpu.memory_space<hbm>> -> memref<640x128xf32, #tpu.memory_space<hbm>>
      %dma_wait3A_50 = arith.constant 0 : i32
      %dma_wait3A_51 = tpu.memref_slice %arg10[%mul3A_43, %dma_wait3A_50] : memref<10240x128xf32, #tpu.memory_space<vmem_shared>> -> memref<640x128xf32, #tpu.memory_space<vmem_shared>>
      tpu.wait_dma2 semaphore(%run_scoped3A : memref<!tpu.dma_semaphore, #tpu.memory_space<semaphore_mem>>) src(%dma_wait3A_51 : memref<640x128xf32, #tpu.memory_space<vmem_shared>>) dst(%dma_wait3A_49 : memref<640x128xf32, #tpu.memory_space<hbm>>)
      tpu.yield
    }) : () -> ()
    return
  }
}

#map = affine_map<(d0, d1) -> (0, 0)>
#map1 = affine_map<(d0, d1) -> (0, 0, 0)>
module attributes {stable_mosaic.version = 14 : i64} {
  func.func @_scat(%arg0: i32, %arg1: i32, %arg2: memref<10240x128xf32, #tpu.memory_space<hbm>>, %arg3: memref<16x160x128xi32, #tpu.memory_space<hbm>>, %arg4: memref<16x160x128xi32, #tpu.memory_space<hbm>>, %arg5: memref<2x10240x128xf32, #tpu.memory_space<hbm>>, %arg6: memref<40x128xi32, #tpu.memory_space<vmem>>, %arg7: memref<40x128xi32, #tpu.memory_space<vmem>>, %arg8: memref<128x128xf32, #tpu.memory_space<vmem>>, %arg9: memref<128x128xf32, #tpu.memory_space<vmem>>, %arg10: memref<10240x128xf32, #tpu.memory_space<vmem_shared>>, %arg11: memref<!tpu.dma_semaphore, #tpu.memory_space<semaphore_mem>>, %arg12: memref<!tpu.dma_semaphore, #tpu.memory_space<semaphore_mem>>) attributes {dimension_semantics = [#tpu.dimension_semantics<core_parallel>, #tpu.dimension_semantics<subcore_parallel>], iteration_bounds = array<i64: 2, 16>, scalar_prefetch = 0 : i64, scratch_operands = 7 : i64, tpu.core_type = #tpu.core_type<sc_vector_subcore>, window_params = [{transform_indices = #map}, {transform_indices = #map1}, {transform_indices = #map1}, {transform_indices = #map1}]} {
    %scan3A = arith.constant 0 : i32
    %scan3A_0 = arith.constant 0 : i32
    %scan3A_1 = arith.constant 128 : i32
    %scan3A_2 = arith.addi %scan3A_0, %scan3A_1 : i32
    %scan3A_3 = arith.constant 1 : i32
    %scan3A_4 = scf.for %scan3A_44 = %scan3A_0 to %scan3A_2 step %scan3A_3 iter_args(%scan3A_45 = %scan3A) -> (i32)  : i32 {
      %broadcast_in_dim3A = arith.constant 0.000000e+00 : f32
      %broadcast_in_dim3A_46 = vector.broadcast %broadcast_in_dim3A : f32 to vector<16xf32>
      %swap3A = arith.index_cast %scan3A_44 : i32 to index
      %swap3A_47 = arith.constant 0 : index
      %swap3A_48 = tpu.vector_load %arg8[%swap3A, %swap3A_47] {strides = array<i32>} : memref<128x128xf32, #tpu.memory_space<vmem>>, vector<1x16xf32>,
      %swap3A_49 = vector.shape_cast %swap3A_48 : vector<1x16xf32> to vector<16xf32>
      %swap3A_50 = vector.shape_cast %broadcast_in_dim3A_46 : vector<16xf32> to vector<1x16xf32>
      tpu.vector_store %arg8[%swap3A, %swap3A_47], %swap3A_50 {strides = array<i32>} : memref<128x128xf32, #tpu.memory_space<vmem>>, vector<1x16xf32>,
      %broadcast_in_dim3A_51 = arith.constant 0.000000e+00 : f32
      %broadcast_in_dim3A_52 = vector.broadcast %broadcast_in_dim3A_51 : f32 to vector<16xf32>
      %swap3A_53 = arith.index_cast %scan3A_44 : i32 to index
      %swap3A_54 = arith.constant 16 : index
      %swap3A_55 = tpu.vector_load %arg8[%swap3A_53, %swap3A_54] {strides = array<i32>} : memref<128x128xf32, #tpu.memory_space<vmem>>, vector<1x16xf32>,
      %swap3A_56 = vector.shape_cast %swap3A_55 : vector<1x16xf32> to vector<16xf32>
      %swap3A_57 = vector.shape_cast %broadcast_in_dim3A_52 : vector<16xf32> to vector<1x16xf32>
      tpu.vector_store %arg8[%swap3A_53, %swap3A_54], %swap3A_57 {strides = array<i32>} : memref<128x128xf32, #tpu.memory_space<vmem>>, vector<1x16xf32>,
      %broadcast_in_dim3A_58 = arith.constant 0.000000e+00 : f32
      %broadcast_in_dim3A_59 = vector.broadcast %broadcast_in_dim3A_58 : f32 to vector<16xf32>
      %swap3A_60 = arith.index_cast %scan3A_44 : i32 to index
      %swap3A_61 = arith.constant 32 : index
      %swap3A_62 = tpu.vector_load %arg8[%swap3A_60, %swap3A_61] {strides = array<i32>} : memref<128x128xf32, #tpu.memory_space<vmem>>, vector<1x16xf32>,
      %swap3A_63 = vector.shape_cast %swap3A_62 : vector<1x16xf32> to vector<16xf32>
      %swap3A_64 = vector.shape_cast %broadcast_in_dim3A_59 : vector<16xf32> to vector<1x16xf32>
      tpu.vector_store %arg8[%swap3A_60, %swap3A_61], %swap3A_64 {strides = array<i32>} : memref<128x128xf32, #tpu.memory_space<vmem>>, vector<1x16xf32>,
      %broadcast_in_dim3A_65 = arith.constant 0.000000e+00 : f32
      %broadcast_in_dim3A_66 = vector.broadcast %broadcast_in_dim3A_65 : f32 to vector<16xf32>
      %swap3A_67 = arith.index_cast %scan3A_44 : i32 to index
      %swap3A_68 = arith.constant 48 : index
      %swap3A_69 = tpu.vector_load %arg8[%swap3A_67, %swap3A_68] {strides = array<i32>} : memref<128x128xf32, #tpu.memory_space<vmem>>, vector<1x16xf32>,
      %swap3A_70 = vector.shape_cast %swap3A_69 : vector<1x16xf32> to vector<16xf32>
      %swap3A_71 = vector.shape_cast %broadcast_in_dim3A_66 : vector<16xf32> to vector<1x16xf32>
      tpu.vector_store %arg8[%swap3A_67, %swap3A_68], %swap3A_71 {strides = array<i32>} : memref<128x128xf32, #tpu.memory_space<vmem>>, vector<1x16xf32>,
      %broadcast_in_dim3A_72 = arith.constant 0.000000e+00 : f32
      %broadcast_in_dim3A_73 = vector.broadcast %broadcast_in_dim3A_72 : f32 to vector<16xf32>
      %swap3A_74 = arith.index_cast %scan3A_44 : i32 to index
      %swap3A_75 = arith.constant 64 : index
      %swap3A_76 = tpu.vector_load %arg8[%swap3A_74, %swap3A_75] {strides = array<i32>} : memref<128x128xf32, #tpu.memory_space<vmem>>, vector<1x16xf32>,
      %swap3A_77 = vector.shape_cast %swap3A_76 : vector<1x16xf32> to vector<16xf32>
      %swap3A_78 = vector.shape_cast %broadcast_in_dim3A_73 : vector<16xf32> to vector<1x16xf32>
      tpu.vector_store %arg8[%swap3A_74, %swap3A_75], %swap3A_78 {strides = array<i32>} : memref<128x128xf32, #tpu.memory_space<vmem>>, vector<1x16xf32>,
      %broadcast_in_dim3A_79 = arith.constant 0.000000e+00 : f32
      %broadcast_in_dim3A_80 = vector.broadcast %broadcast_in_dim3A_79 : f32 to vector<16xf32>
      %swap3A_81 = arith.index_cast %scan3A_44 : i32 to index
      %swap3A_82 = arith.constant 80 : index
      %swap3A_83 = tpu.vector_load %arg8[%swap3A_81, %swap3A_82] {strides = array<i32>} : memref<128x128xf32, #tpu.memory_space<vmem>>, vector<1x16xf32>,
      %swap3A_84 = vector.shape_cast %swap3A_83 : vector<1x16xf32> to vector<16xf32>
      %swap3A_85 = vector.shape_cast %broadcast_in_dim3A_80 : vector<16xf32> to vector<1x16xf32>
      tpu.vector_store %arg8[%swap3A_81, %swap3A_82], %swap3A_85 {strides = array<i32>} : memref<128x128xf32, #tpu.memory_space<vmem>>, vector<1x16xf32>,
      %broadcast_in_dim3A_86 = arith.constant 0.000000e+00 : f32
      %broadcast_in_dim3A_87 = vector.broadcast %broadcast_in_dim3A_86 : f32 to vector<16xf32>
      %swap3A_88 = arith.index_cast %scan3A_44 : i32 to index
      %swap3A_89 = arith.constant 96 : index
      %swap3A_90 = tpu.vector_load %arg8[%swap3A_88, %swap3A_89] {strides = array<i32>} : memref<128x128xf32, #tpu.memory_space<vmem>>, vector<1x16xf32>,
      %swap3A_91 = vector.shape_cast %swap3A_90 : vector<1x16xf32> to vector<16xf32>
      %swap3A_92 = vector.shape_cast %broadcast_in_dim3A_87 : vector<16xf32> to vector<1x16xf32>
      tpu.vector_store %arg8[%swap3A_88, %swap3A_89], %swap3A_92 {strides = array<i32>} : memref<128x128xf32, #tpu.memory_space<vmem>>, vector<1x16xf32>,
      %broadcast_in_dim3A_93 = arith.constant 0.000000e+00 : f32
      %broadcast_in_dim3A_94 = vector.broadcast %broadcast_in_dim3A_93 : f32 to vector<16xf32>
      %swap3A_95 = arith.index_cast %scan3A_44 : i32 to index
      %swap3A_96 = arith.constant 112 : index
      %swap3A_97 = tpu.vector_load %arg8[%swap3A_95, %swap3A_96] {strides = array<i32>} : memref<128x128xf32, #tpu.memory_space<vmem>>, vector<1x16xf32>,
      %swap3A_98 = vector.shape_cast %swap3A_97 : vector<1x16xf32> to vector<16xf32>
      %swap3A_99 = vector.shape_cast %broadcast_in_dim3A_94 : vector<16xf32> to vector<1x16xf32>
      tpu.vector_store %arg8[%swap3A_95, %swap3A_96], %swap3A_99 {strides = array<i32>} : memref<128x128xf32, #tpu.memory_space<vmem>>, vector<1x16xf32>,
      %scan3A_100 = arith.constant 0 : i32
      scf.yield %scan3A_100 : i32
    }
    %scan3A_5 = arith.constant 128 : i32
    %mul3A = arith.constant 640 : i32
    %mul3A_6 = arith.muli %arg1, %mul3A : i32
    %add3A = arith.constant 0 : i32
    %add3A_7 = arith.addi %mul3A_6, %add3A : i32
    "tpu.region"() ({
      %run_scoped3A = tpu.sem_alloc : memref<!tpu.dma_semaphore, #tpu.memory_space<semaphore_mem>>
      %dma_start3A = arith.constant 0 : i32
      %dma_start3A_44 = tpu.memref_slice %arg10[%add3A_7, %dma_start3A] : memref<10240x128xf32, #tpu.memory_space<vmem_shared>> -> memref<128x128xf32, #tpu.memory_space<vmem_shared>>
      %dma_start3A_45 = arith.constant 0 : i32
      %dma_start3A_46 = tpu.memref_slice %arg10[%add3A_7, %dma_start3A_45] : memref<10240x128xf32, #tpu.memory_space<vmem_shared>> -> memref<128x128xf32, #tpu.memory_space<vmem_shared>>
      tpu.enqueue_dma source(%arg8 : memref<128x128xf32, #tpu.memory_space<vmem>>) target(%dma_start3A_46 : memref<128x128xf32, #tpu.memory_space<vmem_shared>>) target_semaphore(%run_scoped3A : memref<!tpu.dma_semaphore, #tpu.memory_space<semaphore_mem>>)
      %dma_wait3A = arith.constant 0 : i32
      %dma_wait3A_47 = tpu.memref_slice %arg10[%add3A_7, %dma_wait3A] : memref<10240x128xf32, #tpu.memory_space<vmem_shared>> -> memref<128x128xf32, #tpu.memory_space<vmem_shared>>
      %dma_wait3A_48 = arith.constant 0 : i32
      %dma_wait3A_49 = tpu.memref_slice %arg10[%add3A_7, %dma_wait3A_48] : memref<10240x128xf32, #tpu.memory_space<vmem_shared>> -> memref<128x128xf32, #tpu.memory_space<vmem_shared>>
      tpu.wait_dma2 semaphore(%run_scoped3A : memref<!tpu.dma_semaphore, #tpu.memory_space<semaphore_mem>>) src(%arg8 : memref<128x128xf32, #tpu.memory_space<vmem>>) dst(%dma_wait3A_49 : memref<128x128xf32, #tpu.memory_space<vmem_shared>>)
      tpu.yield
    }) : () -> ()
    %mul3A_8 = arith.constant 640 : i32
    %mul3A_9 = arith.muli %arg1, %mul3A_8 : i32
    %add3A_10 = arith.constant 128 : i32
    %add3A_11 = arith.addi %mul3A_9, %add3A_10 : i32
    "tpu.region"() ({
      %run_scoped3A = tpu.sem_alloc : memref<!tpu.dma_semaphore, #tpu.memory_space<semaphore_mem>>
      %dma_start3A = arith.constant 0 : i32
      %dma_start3A_44 = tpu.memref_slice %arg10[%add3A_11, %dma_start3A] : memref<10240x128xf32, #tpu.memory_space<vmem_shared>> -> memref<128x128xf32, #tpu.memory_space<vmem_shared>>
      %dma_start3A_45 = arith.constant 0 : i32
      %dma_start3A_46 = tpu.memref_slice %arg10[%add3A_11, %dma_start3A_45] : memref<10240x128xf32, #tpu.memory_space<vmem_shared>> -> memref<128x128xf32, #tpu.memory_space<vmem_shared>>
      tpu.enqueue_dma source(%arg8 : memref<128x128xf32, #tpu.memory_space<vmem>>) target(%dma_start3A_46 : memref<128x128xf32, #tpu.memory_space<vmem_shared>>) target_semaphore(%run_scoped3A : memref<!tpu.dma_semaphore, #tpu.memory_space<semaphore_mem>>)
      %dma_wait3A = arith.constant 0 : i32
      %dma_wait3A_47 = tpu.memref_slice %arg10[%add3A_11, %dma_wait3A] : memref<10240x128xf32, #tpu.memory_space<vmem_shared>> -> memref<128x128xf32, #tpu.memory_space<vmem_shared>>
      %dma_wait3A_48 = arith.constant 0 : i32
      %dma_wait3A_49 = tpu.memref_slice %arg10[%add3A_11, %dma_wait3A_48] : memref<10240x128xf32, #tpu.memory_space<vmem_shared>> -> memref<128x128xf32, #tpu.memory_space<vmem_shared>>
      tpu.wait_dma2 semaphore(%run_scoped3A : memref<!tpu.dma_semaphore, #tpu.memory_space<semaphore_mem>>) src(%arg8 : memref<128x128xf32, #tpu.memory_space<vmem>>) dst(%dma_wait3A_49 : memref<128x128xf32, #tpu.memory_space<vmem_shared>>)
      tpu.yield
    }) : () -> ()
    %mul3A_12 = arith.constant 640 : i32
    %mul3A_13 = arith.muli %arg1, %mul3A_12 : i32
    %add3A_14 = arith.constant 256 : i32
    %add3A_15 = arith.addi %mul3A_13, %add3A_14 : i32
    "tpu.region"() ({
      %run_scoped3A = tpu.sem_alloc : memref<!tpu.dma_semaphore, #tpu.memory_space<semaphore_mem>>
      %dma_start3A = arith.constant 0 : i32
      %dma_start3A_44 = tpu.memref_slice %arg10[%add3A_15, %dma_start3A] : memref<10240x128xf32, #tpu.memory_space<vmem_shared>> -> memref<128x128xf32, #tpu.memory_space<vmem_shared>>
      %dma_start3A_45 = arith.constant 0 : i32
      %dma_start3A_46 = tpu.memref_slice %arg10[%add3A_15, %dma_start3A_45] : memref<10240x128xf32, #tpu.memory_space<vmem_shared>> -> memref<128x128xf32, #tpu.memory_space<vmem_shared>>
      tpu.enqueue_dma source(%arg8 : memref<128x128xf32, #tpu.memory_space<vmem>>) target(%dma_start3A_46 : memref<128x128xf32, #tpu.memory_space<vmem_shared>>) target_semaphore(%run_scoped3A : memref<!tpu.dma_semaphore, #tpu.memory_space<semaphore_mem>>)
      %dma_wait3A = arith.constant 0 : i32
      %dma_wait3A_47 = tpu.memref_slice %arg10[%add3A_15, %dma_wait3A] : memref<10240x128xf32, #tpu.memory_space<vmem_shared>> -> memref<128x128xf32, #tpu.memory_space<vmem_shared>>
      %dma_wait3A_48 = arith.constant 0 : i32
      %dma_wait3A_49 = tpu.memref_slice %arg10[%add3A_15, %dma_wait3A_48] : memref<10240x128xf32, #tpu.memory_space<vmem_shared>> -> memref<128x128xf32, #tpu.memory_space<vmem_shared>>
      tpu.wait_dma2 semaphore(%run_scoped3A : memref<!tpu.dma_semaphore, #tpu.memory_space<semaphore_mem>>) src(%arg8 : memref<128x128xf32, #tpu.memory_space<vmem>>) dst(%dma_wait3A_49 : memref<128x128xf32, #tpu.memory_space<vmem_shared>>)
      tpu.yield
    }) : () -> ()
    %mul3A_16 = arith.constant 640 : i32
    %mul3A_17 = arith.muli %arg1, %mul3A_16 : i32
    %add3A_18 = arith.constant 384 : i32
    %add3A_19 = arith.addi %mul3A_17, %add3A_18 : i32
    "tpu.region"() ({
      %run_scoped3A = tpu.sem_alloc : memref<!tpu.dma_semaphore, #tpu.memory_space<semaphore_mem>>
      %dma_start3A = arith.constant 0 : i32
      %dma_start3A_44 = tpu.memref_slice %arg10[%add3A_19, %dma_start3A] : memref<10240x128xf32, #tpu.memory_space<vmem_shared>> -> memref<128x128xf32, #tpu.memory_space<vmem_shared>>
      %dma_start3A_45 = arith.constant 0 : i32
      %dma_start3A_46 = tpu.memref_slice %arg10[%add3A_19, %dma_start3A_45] : memref<10240x128xf32, #tpu.memory_space<vmem_shared>> -> memref<128x128xf32, #tpu.memory_space<vmem_shared>>
      tpu.enqueue_dma source(%arg8 : memref<128x128xf32, #tpu.memory_space<vmem>>) target(%dma_start3A_46 : memref<128x128xf32, #tpu.memory_space<vmem_shared>>) target_semaphore(%run_scoped3A : memref<!tpu.dma_semaphore, #tpu.memory_space<semaphore_mem>>)
      %dma_wait3A = arith.constant 0 : i32
      %dma_wait3A_47 = tpu.memref_slice %arg10[%add3A_19, %dma_wait3A] : memref<10240x128xf32, #tpu.memory_space<vmem_shared>> -> memref<128x128xf32, #tpu.memory_space<vmem_shared>>
      %dma_wait3A_48 = arith.constant 0 : i32
      %dma_wait3A_49 = tpu.memref_slice %arg10[%add3A_19, %dma_wait3A_48] : memref<10240x128xf32, #tpu.memory_space<vmem_shared>> -> memref<128x128xf32, #tpu.memory_space<vmem_shared>>
      tpu.wait_dma2 semaphore(%run_scoped3A : memref<!tpu.dma_semaphore, #tpu.memory_space<semaphore_mem>>) src(%arg8 : memref<128x128xf32, #tpu.memory_space<vmem>>) dst(%dma_wait3A_49 : memref<128x128xf32, #tpu.memory_space<vmem_shared>>)
      tpu.yield
    }) : () -> ()
    %mul3A_20 = arith.constant 640 : i32
    %mul3A_21 = arith.muli %arg1, %mul3A_20 : i32
    %add3A_22 = arith.constant 512 : i32
    %add3A_23 = arith.addi %mul3A_21, %add3A_22 : i32
    "tpu.region"() ({
      %run_scoped3A = tpu.sem_alloc : memref<!tpu.dma_semaphore, #tpu.memory_space<semaphore_mem>>
      %dma_start3A = arith.constant 0 : i32
      %dma_start3A_44 = tpu.memref_slice %arg10[%add3A_23, %dma_start3A] : memref<10240x128xf32, #tpu.memory_space<vmem_shared>> -> memref<128x128xf32, #tpu.memory_space<vmem_shared>>
      %dma_start3A_45 = arith.constant 0 : i32
      %dma_start3A_46 = tpu.memref_slice %arg10[%add3A_23, %dma_start3A_45] : memref<10240x128xf32, #tpu.memory_space<vmem_shared>> -> memref<128x128xf32, #tpu.memory_space<vmem_shared>>
      tpu.enqueue_dma source(%arg8 : memref<128x128xf32, #tpu.memory_space<vmem>>) target(%dma_start3A_46 : memref<128x128xf32, #tpu.memory_space<vmem_shared>>) target_semaphore(%run_scoped3A : memref<!tpu.dma_semaphore, #tpu.memory_space<semaphore_mem>>)
      %dma_wait3A = arith.constant 0 : i32
      %dma_wait3A_47 = tpu.memref_slice %arg10[%add3A_23, %dma_wait3A] : memref<10240x128xf32, #tpu.memory_space<vmem_shared>> -> memref<128x128xf32, #tpu.memory_space<vmem_shared>>
      %dma_wait3A_48 = arith.constant 0 : i32
      %dma_wait3A_49 = tpu.memref_slice %arg10[%add3A_23, %dma_wait3A_48] : memref<10240x128xf32, #tpu.memory_space<vmem_shared>> -> memref<128x128xf32, #tpu.memory_space<vmem_shared>>
      tpu.wait_dma2 semaphore(%run_scoped3A : memref<!tpu.dma_semaphore, #tpu.memory_space<semaphore_mem>>) src(%arg8 : memref<128x128xf32, #tpu.memory_space<vmem>>) dst(%dma_wait3A_49 : memref<128x128xf32, #tpu.memory_space<vmem_shared>>)
      tpu.yield
    }) : () -> ()
    %barrier3A = arith.constant 0 : index
    tpu.barrier barrier_id(%barrier3A)
    %eq3A = arith.constant 0 : i32
    %eq3A_24 = arith.cmpi eq, %arg0, %eq3A : i32
    %convert_element_type3A = arith.extui %eq3A_24 : i1 to i32
    %cond3A = arith.constant 0 : i32
    %cond3A_25 = arith.cmpi ne, %convert_element_type3A, %cond3A : i32
    scf.if %cond3A_25 {
      "tpu.region"() ({
        %run_scoped3A = tpu.sem_alloc : memref<!tpu.dma_semaphore, #tpu.memory_space<semaphore_mem>>
        %dma_start3A_64 = arith.constant 0 : i32
        %dma_start3A_65 = arith.constant 0 : i32
        %dma_start3A_66 = tpu.memref_slice %arg3[%arg1, %dma_start3A_64, %dma_start3A_65] : memref<16x160x128xi32, #tpu.memory_space<hbm>> -> memref<1x40x128xi32, #tpu.memory_space<hbm>>
        %dma_start3A_67 = tpu.memref_squeeze %dma_start3A_66 : memref<1x40x128xi32, #tpu.memory_space<hbm>> -> memref<40x128xi32, #tpu.memory_space<hbm>>
        %dma_start3A_68 = arith.constant 0 : i32
        %dma_start3A_69 = arith.constant 0 : i32
        %dma_start3A_70 = tpu.memref_slice %arg3[%arg1, %dma_start3A_68, %dma_start3A_69] : memref<16x160x128xi32, #tpu.memory_space<hbm>> -> memref<1x40x128xi32, #tpu.memory_space<hbm>>
        %dma_start3A_71 = tpu.memref_squeeze %dma_start3A_70 : memref<1x40x128xi32, #tpu.memory_space<hbm>> -> memref<40x128xi32, #tpu.memory_space<hbm>>
        tpu.enqueue_dma source(%dma_start3A_71 : memref<40x128xi32, #tpu.memory_space<hbm>>) target(%arg6 : memref<40x128xi32, #tpu.memory_space<vmem>>) target_semaphore(%run_scoped3A : memref<!tpu.dma_semaphore, #tpu.memory_space<semaphore_mem>>)
        %dma_wait3A = arith.constant 0 : i32
        %dma_wait3A_72 = arith.constant 0 : i32
        %dma_wait3A_73 = tpu.memref_slice %arg3[%arg1, %dma_wait3A, %dma_wait3A_72] : memref<16x160x128xi32, #tpu.memory_space<hbm>> -> memref<1x40x128xi32, #tpu.memory_space<hbm>>
        %dma_wait3A_74 = tpu.memref_squeeze %dma_wait3A_73 : memref<1x40x128xi32, #tpu.memory_space<hbm>> -> memref<40x128xi32, #tpu.memory_space<hbm>>
        %dma_wait3A_75 = arith.constant 0 : i32
        %dma_wait3A_76 = arith.constant 0 : i32
        %dma_wait3A_77 = tpu.memref_slice %arg3[%arg1, %dma_wait3A_75, %dma_wait3A_76] : memref<16x160x128xi32, #tpu.memory_space<hbm>> -> memref<1x40x128xi32, #tpu.memory_space<hbm>>
        %dma_wait3A_78 = tpu.memref_squeeze %dma_wait3A_77 : memref<1x40x128xi32, #tpu.memory_space<hbm>> -> memref<40x128xi32, #tpu.memory_space<hbm>>
        tpu.wait_dma2 semaphore(%run_scoped3A : memref<!tpu.dma_semaphore, #tpu.memory_space<semaphore_mem>>) src(%dma_wait3A_78 : memref<40x128xi32, #tpu.memory_space<hbm>>) dst(%arg6 : memref<40x128xi32, #tpu.memory_space<vmem>>)
        tpu.yield
      }) : () -> ()
      "tpu.region"() ({
        %run_scoped3A = tpu.sem_alloc : memref<!tpu.dma_semaphore, #tpu.memory_space<semaphore_mem>>
        %dma_start3A_64 = arith.constant 0 : i32
        %dma_start3A_65 = arith.constant 0 : i32
        %dma_start3A_66 = tpu.memref_slice %arg4[%arg1, %dma_start3A_64, %dma_start3A_65] : memref<16x160x128xi32, #tpu.memory_space<hbm>> -> memref<1x40x128xi32, #tpu.memory_space<hbm>>
        %dma_start3A_67 = tpu.memref_squeeze %dma_start3A_66 : memref<1x40x128xi32, #tpu.memory_space<hbm>> -> memref<40x128xi32, #tpu.memory_space<hbm>>
        %dma_start3A_68 = arith.constant 0 : i32
        %dma_start3A_69 = arith.constant 0 : i32
        %dma_start3A_70 = tpu.memref_slice %arg4[%arg1, %dma_start3A_68, %dma_start3A_69] : memref<16x160x128xi32, #tpu.memory_space<hbm>> -> memref<1x40x128xi32, #tpu.memory_space<hbm>>
        %dma_start3A_71 = tpu.memref_squeeze %dma_start3A_70 : memref<1x40x128xi32, #tpu.memory_space<hbm>> -> memref<40x128xi32, #tpu.memory_space<hbm>>
        tpu.enqueue_dma source(%dma_start3A_71 : memref<40x128xi32, #tpu.memory_space<hbm>>) target(%arg7 : memref<40x128xi32, #tpu.memory_space<vmem>>) target_semaphore(%run_scoped3A : memref<!tpu.dma_semaphore, #tpu.memory_space<semaphore_mem>>)
        %dma_wait3A = arith.constant 0 : i32
        %dma_wait3A_72 = arith.constant 0 : i32
        %dma_wait3A_73 = tpu.memref_slice %arg4[%arg1, %dma_wait3A, %dma_wait3A_72] : memref<16x160x128xi32, #tpu.memory_space<hbm>> -> memref<1x40x128xi32, #tpu.memory_space<hbm>>
        %dma_wait3A_74 = tpu.memref_squeeze %dma_wait3A_73 : memref<1x40x128xi32, #tpu.memory_space<hbm>> -> memref<40x128xi32, #tpu.memory_space<hbm>>
        %dma_wait3A_75 = arith.constant 0 : i32
        %dma_wait3A_76 = arith.constant 0 : i32
        %dma_wait3A_77 = tpu.memref_slice %arg4[%arg1, %dma_wait3A_75, %dma_wait3A_76] : memref<16x160x128xi32, #tpu.memory_space<hbm>> -> memref<1x40x128xi32, #tpu.memory_space<hbm>>
        %dma_wait3A_78 = tpu.memref_squeeze %dma_wait3A_77 : memref<1x40x128xi32, #tpu.memory_space<hbm>> -> memref<40x128xi32, #tpu.memory_space<hbm>>
        tpu.wait_dma2 semaphore(%run_scoped3A : memref<!tpu.dma_semaphore, #tpu.memory_space<semaphore_mem>>) src(%dma_wait3A_78 : memref<40x128xi32, #tpu.memory_space<hbm>>) dst(%arg7 : memref<40x128xi32, #tpu.memory_space<vmem>>)
        tpu.yield
      }) : () -> ()
      %dma_start3A = arith.constant 0 : i32
      %dma_start3A_44 = arith.constant 0 : i32
      %dma_start3A_45 = tpu.memref_slice %arg6[%dma_start3A, %dma_start3A_44] : memref<40x128xi32, #tpu.memory_space<vmem>> -> memref<1x128xi32, #tpu.memory_space<vmem>>
      %dma_start3A_46 = tpu.memref_squeeze %dma_start3A_45 : memref<1x128xi32, #tpu.memory_space<vmem>> -> memref<128xi32, #tpu.memory_space<vmem>>
      %dma_start3A_47 = arith.constant 0 : i32
      %dma_start3A_48 = arith.constant 0 : i32
      %dma_start3A_49 = tpu.memref_slice %arg2[%dma_start3A_47, %dma_start3A_48] : memref<10240x128xf32, #tpu.memory_space<hbm>> -> memref<10240x128xf32, #tpu.memory_space<hbm>>
      tpu.enqueue_indirect_dma source(%dma_start3A_49 : memref<10240x128xf32, #tpu.memory_space<hbm>>) target(%arg8 : memref<128x128xf32, #tpu.memory_space<vmem>>) offsets(%dma_start3A_46 : memref<128xi32, #tpu.memory_space<vmem>>) semaphore(%arg11 : memref<!tpu.dma_semaphore, #tpu.memory_space<semaphore_mem>>)
      %dma_start3A_50 = arith.constant 1 : i32
      %dma_start3A_51 = arith.constant 0 : i32
      %dma_start3A_52 = tpu.memref_slice %arg6[%dma_start3A_50, %dma_start3A_51] : memref<40x128xi32, #tpu.memory_space<vmem>> -> memref<1x128xi32, #tpu.memory_space<vmem>>
      %dma_start3A_53 = tpu.memref_squeeze %dma_start3A_52 : memref<1x128xi32, #tpu.memory_space<vmem>> -> memref<128xi32, #tpu.memory_space<vmem>>
      %dma_start3A_54 = arith.constant 0 : i32
      %dma_start3A_55 = arith.constant 0 : i32
      %dma_start3A_56 = tpu.memref_slice %arg2[%dma_start3A_54, %dma_start3A_55] : memref<10240x128xf32, #tpu.memory_space<hbm>> -> memref<10240x128xf32, #tpu.memory_space<hbm>>
      tpu.enqueue_indirect_dma source(%dma_start3A_56 : memref<10240x128xf32, #tpu.memory_space<hbm>>) target(%arg9 : memref<128x128xf32, #tpu.memory_space<vmem>>) offsets(%dma_start3A_53 : memref<128xi32, #tpu.memory_space<vmem>>) semaphore(%arg12 : memref<!tpu.dma_semaphore, #tpu.memory_space<semaphore_mem>>)
      %scan3A_57 = arith.constant 0 : i32
      %scan3A_58 = arith.constant 0 : i32
      %scan3A_59 = arith.constant 20 : i32
      %scan3A_60 = arith.addi %scan3A_58, %scan3A_59 : i32
      %scan3A_61 = arith.constant 1 : i32
      %scan3A_62 = scf.for %scan3A_64 = %scan3A_58 to %scan3A_60 step %scan3A_61 iter_args(%scan3A_65 = %scan3A_57) -> (i32)  : i32 {
        %mul3A_66 = arith.constant 2 : i32
        %mul3A_67 = arith.muli %mul3A_66, %scan3A_64 : i32
        %dma_wait3A = arith.constant 0 : i32
        %dma_wait3A_68 = tpu.memref_slice %arg6[%mul3A_67, %dma_wait3A] : memref<40x128xi32, #tpu.memory_space<vmem>> -> memref<1x128xi32, #tpu.memory_space<vmem>>
        %dma_wait3A_69 = tpu.memref_squeeze %dma_wait3A_68 : memref<1x128xi32, #tpu.memory_space<vmem>> -> memref<128xi32, #tpu.memory_space<vmem>>
        %dma_wait3A_70 = arith.constant 0 : i32
        %dma_wait3A_71 = arith.constant 0 : i32
        %dma_wait3A_72 = tpu.memref_slice %arg2[%dma_wait3A_70, %dma_wait3A_71] : memref<10240x128xf32, #tpu.memory_space<hbm>> -> memref<10240x128xf32, #tpu.memory_space<hbm>>
        tpu.wait_indirect_dma semaphore(%arg11 : memref<!tpu.dma_semaphore, #tpu.memory_space<semaphore_mem>>) src(%dma_wait3A_72 : memref<10240x128xf32, #tpu.memory_space<hbm>>) dst(%arg8 : memref<128x128xf32, #tpu.memory_space<vmem>>)
        "tpu.region"() ({
          %run_scoped3A = tpu.sem_alloc : memref<!tpu.dma_semaphore, #tpu.memory_space<semaphore_mem>>
          %dma_start3A_97 = arith.constant 0 : i32
          %dma_start3A_98 = tpu.memref_slice %arg7[%mul3A_67, %dma_start3A_97] : memref<40x128xi32, #tpu.memory_space<vmem>> -> memref<1x128xi32, #tpu.memory_space<vmem>>
          %dma_start3A_99 = tpu.memref_squeeze %dma_start3A_98 : memref<1x128xi32, #tpu.memory_space<vmem>> -> memref<128xi32, #tpu.memory_space<vmem>>
          %dma_start3A_100 = arith.constant 0 : i32
          %dma_start3A_101 = arith.constant 0 : i32
          %dma_start3A_102 = tpu.memref_slice %arg10[%dma_start3A_100, %dma_start3A_101] : memref<10240x128xf32, #tpu.memory_space<vmem_shared>> -> memref<10240x128xf32, #tpu.memory_space<vmem_shared>>
          tpu.enqueue_indirect_dma source(%arg8 : memref<128x128xf32, #tpu.memory_space<vmem>>) target(%dma_start3A_102 : memref<10240x128xf32, #tpu.memory_space<vmem_shared>>) offsets(%dma_start3A_99 : memref<128xi32, #tpu.memory_space<vmem>>) semaphore(%run_scoped3A : memref<!tpu.dma_semaphore, #tpu.memory_space<semaphore_mem>>) {add = true}
          %dma_wait3A_103 = arith.constant 0 : i32
          %dma_wait3A_104 = tpu.memref_slice %arg7[%mul3A_67, %dma_wait3A_103] : memref<40x128xi32, #tpu.memory_space<vmem>> -> memref<1x128xi32, #tpu.memory_space<vmem>>
          %dma_wait3A_105 = tpu.memref_squeeze %dma_wait3A_104 : memref<1x128xi32, #tpu.memory_space<vmem>> -> memref<128xi32, #tpu.memory_space<vmem>>
          %dma_wait3A_106 = arith.constant 0 : i32
          %dma_wait3A_107 = arith.constant 0 : i32
          %dma_wait3A_108 = tpu.memref_slice %arg10[%dma_wait3A_106, %dma_wait3A_107] : memref<10240x128xf32, #tpu.memory_space<vmem_shared>> -> memref<10240x128xf32, #tpu.memory_space<vmem_shared>>
          tpu.wait_indirect_dma semaphore(%run_scoped3A : memref<!tpu.dma_semaphore, #tpu.memory_space<semaphore_mem>>) src(%arg8 : memref<128x128xf32, #tpu.memory_space<vmem>>) dst(%dma_wait3A_108 : memref<10240x128xf32, #tpu.memory_space<vmem_shared>>)
          tpu.yield
        }) : () -> ()
        %add3A_73 = arith.constant 1 : i32
        %add3A_74 = arith.addi %scan3A_64, %add3A_73 : i32
        %lt3A = arith.constant 20 : i32
        %lt3A_75 = arith.cmpi slt, %add3A_74, %lt3A : i32
        %convert_element_type3A_76 = arith.extui %lt3A_75 : i1 to i32
        %cond3A_77 = arith.constant 0 : i32
        %cond3A_78 = arith.cmpi ne, %convert_element_type3A_76, %cond3A_77 : i32
        scf.if %cond3A_78 {
          %add3A_97 = arith.constant 2 : i32
          %add3A_98 = arith.addi %mul3A_67, %add3A_97 : i32
          %dma_start3A_99 = arith.constant 0 : i32
          %dma_start3A_100 = tpu.memref_slice %arg6[%add3A_98, %dma_start3A_99] : memref<40x128xi32, #tpu.memory_space<vmem>> -> memref<1x128xi32, #tpu.memory_space<vmem>>
          %dma_start3A_101 = tpu.memref_squeeze %dma_start3A_100 : memref<1x128xi32, #tpu.memory_space<vmem>> -> memref<128xi32, #tpu.memory_space<vmem>>
          %dma_start3A_102 = arith.constant 0 : i32
          %dma_start3A_103 = arith.constant 0 : i32
          %dma_start3A_104 = tpu.memref_slice %arg2[%dma_start3A_102, %dma_start3A_103] : memref<10240x128xf32, #tpu.memory_space<hbm>> -> memref<10240x128xf32, #tpu.memory_space<hbm>>
          tpu.enqueue_indirect_dma source(%dma_start3A_104 : memref<10240x128xf32, #tpu.memory_space<hbm>>) target(%arg8 : memref<128x128xf32, #tpu.memory_space<vmem>>) offsets(%dma_start3A_101 : memref<128xi32, #tpu.memory_space<vmem>>) semaphore(%arg11 : memref<!tpu.dma_semaphore, #tpu.memory_space<semaphore_mem>>)
        } else {
        }
        %add3A_79 = arith.constant 1 : i32
        %add3A_80 = arith.addi %mul3A_67, %add3A_79 : i32
        %dma_wait3A_81 = arith.constant 0 : i32
        %dma_wait3A_82 = tpu.memref_slice %arg6[%add3A_80, %dma_wait3A_81] : memref<40x128xi32, #tpu.memory_space<vmem>> -> memref<1x128xi32, #tpu.memory_space<vmem>>
        %dma_wait3A_83 = tpu.memref_squeeze %dma_wait3A_82 : memref<1x128xi32, #tpu.memory_space<vmem>> -> memref<128xi32, #tpu.memory_space<vmem>>
        %dma_wait3A_84 = arith.constant 0 : i32
        %dma_wait3A_85 = arith.constant 0 : i32
        %dma_wait3A_86 = tpu.memref_slice %arg2[%dma_wait3A_84, %dma_wait3A_85] : memref<10240x128xf32, #tpu.memory_space<hbm>> -> memref<10240x128xf32, #tpu.memory_space<hbm>>
        tpu.wait_indirect_dma semaphore(%arg12 : memref<!tpu.dma_semaphore, #tpu.memory_space<semaphore_mem>>) src(%dma_wait3A_86 : memref<10240x128xf32, #tpu.memory_space<hbm>>) dst(%arg9 : memref<128x128xf32, #tpu.memory_space<vmem>>)
        %add3A_87 = arith.constant 1 : i32
        %add3A_88 = arith.addi %mul3A_67, %add3A_87 : i32
        "tpu.region"() ({
          %run_scoped3A = tpu.sem_alloc : memref<!tpu.dma_semaphore, #tpu.memory_space<semaphore_mem>>
          %dma_start3A_97 = arith.constant 0 : i32
          %dma_start3A_98 = tpu.memref_slice %arg7[%add3A_88, %dma_start3A_97] : memref<40x128xi32, #tpu.memory_space<vmem>> -> memref<1x128xi32, #tpu.memory_space<vmem>>
          %dma_start3A_99 = tpu.memref_squeeze %dma_start3A_98 : memref<1x128xi32, #tpu.memory_space<vmem>> -> memref<128xi32, #tpu.memory_space<vmem>>
          %dma_start3A_100 = arith.constant 0 : i32
          %dma_start3A_101 = arith.constant 0 : i32
          %dma_start3A_102 = tpu.memref_slice %arg10[%dma_start3A_100, %dma_start3A_101] : memref<10240x128xf32, #tpu.memory_space<vmem_shared>> -> memref<10240x128xf32, #tpu.memory_space<vmem_shared>>
          tpu.enqueue_indirect_dma source(%arg9 : memref<128x128xf32, #tpu.memory_space<vmem>>) target(%dma_start3A_102 : memref<10240x128xf32, #tpu.memory_space<vmem_shared>>) offsets(%dma_start3A_99 : memref<128xi32, #tpu.memory_space<vmem>>) semaphore(%run_scoped3A : memref<!tpu.dma_semaphore, #tpu.memory_space<semaphore_mem>>) {add = true}
          %dma_wait3A_103 = arith.constant 0 : i32
          %dma_wait3A_104 = tpu.memref_slice %arg7[%add3A_88, %dma_wait3A_103] : memref<40x128xi32, #tpu.memory_space<vmem>> -> memref<1x128xi32, #tpu.memory_space<vmem>>
          %dma_wait3A_105 = tpu.memref_squeeze %dma_wait3A_104 : memref<1x128xi32, #tpu.memory_space<vmem>> -> memref<128xi32, #tpu.memory_space<vmem>>
          %dma_wait3A_106 = arith.constant 0 : i32
          %dma_wait3A_107 = arith.constant 0 : i32
          %dma_wait3A_108 = tpu.memref_slice %arg10[%dma_wait3A_106, %dma_wait3A_107] : memref<10240x128xf32, #tpu.memory_space<vmem_shared>> -> memref<10240x128xf32, #tpu.memory_space<vmem_shared>>
          tpu.wait_indirect_dma semaphore(%run_scoped3A : memref<!tpu.dma_semaphore, #tpu.memory_space<semaphore_mem>>) src(%arg9 : memref<128x128xf32, #tpu.memory_space<vmem>>) dst(%dma_wait3A_108 : memref<10240x128xf32, #tpu.memory_space<vmem_shared>>)
          tpu.yield
        }) : () -> ()
        %add3A_89 = arith.constant 1 : i32
        %add3A_90 = arith.addi %scan3A_64, %add3A_89 : i32
        %lt3A_91 = arith.constant 20 : i32
        %lt3A_92 = arith.cmpi slt, %add3A_90, %lt3A_91 : i32
        %convert_element_type3A_93 = arith.extui %lt3A_92 : i1 to i32
        %cond3A_94 = arith.constant 0 : i32
        %cond3A_95 = arith.cmpi ne, %convert_element_type3A_93, %cond3A_94 : i32
        scf.if %cond3A_95 {
          %add3A_97 = arith.constant 3 : i32
          %add3A_98 = arith.addi %mul3A_67, %add3A_97 : i32
          %dma_start3A_99 = arith.constant 0 : i32
          %dma_start3A_100 = tpu.memref_slice %arg6[%add3A_98, %dma_start3A_99] : memref<40x128xi32, #tpu.memory_space<vmem>> -> memref<1x128xi32, #tpu.memory_space<vmem>>
          %dma_start3A_101 = tpu.memref_squeeze %dma_start3A_100 : memref<1x128xi32, #tpu.memory_space<vmem>> -> memref<128xi32, #tpu.memory_space<vmem>>
          %dma_start3A_102 = arith.constant 0 : i32
          %dma_start3A_103 = arith.constant 0 : i32
          %dma_start3A_104 = tpu.memref_slice %arg2[%dma_start3A_102, %dma_start3A_103] : memref<10240x128xf32, #tpu.memory_space<hbm>> -> memref<10240x128xf32, #tpu.memory_space<hbm>>
          tpu.enqueue_indirect_dma source(%dma_start3A_104 : memref<10240x128xf32, #tpu.memory_space<hbm>>) target(%arg9 : memref<128x128xf32, #tpu.memory_space<vmem>>) offsets(%dma_start3A_101 : memref<128xi32, #tpu.memory_space<vmem>>) semaphore(%arg12 : memref<!tpu.dma_semaphore, #tpu.memory_space<semaphore_mem>>)
        } else {
        }
        %scan3A_96 = arith.constant 0 : i32
        scf.yield %scan3A_96 : i32
      }
      %scan3A_63 = arith.constant 20 : i32
    } else {
    }
    %eq3A_26 = arith.constant 0 : i32
    %eq3A_27 = arith.cmpi eq, %arg0, %eq3A_26 : i32
    %convert_element_type3A_28 = arith.extui %eq3A_27 : i1 to i32
    %cond3A_29 = arith.constant 0 : i32
    %cond3A_30 = arith.cmpi ne, %convert_element_type3A_28, %cond3A_29 : i32
    scf.if %cond3A_30 {
      "tpu.region"() ({
        %run_scoped3A = tpu.sem_alloc : memref<!tpu.dma_semaphore, #tpu.memory_space<semaphore_mem>>
        %dma_start3A_64 = arith.constant 40 : i32
        %dma_start3A_65 = arith.constant 0 : i32
        %dma_start3A_66 = tpu.memref_slice %arg3[%arg1, %dma_start3A_64, %dma_start3A_65] : memref<16x160x128xi32, #tpu.memory_space<hbm>> -> memref<1x40x128xi32, #tpu.memory_space<hbm>>
        %dma_start3A_67 = tpu.memref_squeeze %dma_start3A_66 : memref<1x40x128xi32, #tpu.memory_space<hbm>> -> memref<40x128xi32, #tpu.memory_space<hbm>>
        %dma_start3A_68 = arith.constant 40 : i32
        %dma_start3A_69 = arith.constant 0 : i32
        %dma_start3A_70 = tpu.memref_slice %arg3[%arg1, %dma_start3A_68, %dma_start3A_69] : memref<16x160x128xi32, #tpu.memory_space<hbm>> -> memref<1x40x128xi32, #tpu.memory_space<hbm>>
        %dma_start3A_71 = tpu.memref_squeeze %dma_start3A_70 : memref<1x40x128xi32, #tpu.memory_space<hbm>> -> memref<40x128xi32, #tpu.memory_space<hbm>>
        tpu.enqueue_dma source(%dma_start3A_71 : memref<40x128xi32, #tpu.memory_space<hbm>>) target(%arg6 : memref<40x128xi32, #tpu.memory_space<vmem>>) target_semaphore(%run_scoped3A : memref<!tpu.dma_semaphore, #tpu.memory_space<semaphore_mem>>)
        %dma_wait3A = arith.constant 40 : i32
        %dma_wait3A_72 = arith.constant 0 : i32
        %dma_wait3A_73 = tpu.memref_slice %arg3[%arg1, %dma_wait3A, %dma_wait3A_72] : memref<16x160x128xi32, #tpu.memory_space<hbm>> -> memref<1x40x128xi32, #tpu.memory_space<hbm>>
        %dma_wait3A_74 = tpu.memref_squeeze %dma_wait3A_73 : memref<1x40x128xi32, #tpu.memory_space<hbm>> -> memref<40x128xi32, #tpu.memory_space<hbm>>
        %dma_wait3A_75 = arith.constant 40 : i32
        %dma_wait3A_76 = arith.constant 0 : i32
        %dma_wait3A_77 = tpu.memref_slice %arg3[%arg1, %dma_wait3A_75, %dma_wait3A_76] : memref<16x160x128xi32, #tpu.memory_space<hbm>> -> memref<1x40x128xi32, #tpu.memory_space<hbm>>
        %dma_wait3A_78 = tpu.memref_squeeze %dma_wait3A_77 : memref<1x40x128xi32, #tpu.memory_space<hbm>> -> memref<40x128xi32, #tpu.memory_space<hbm>>
        tpu.wait_dma2 semaphore(%run_scoped3A : memref<!tpu.dma_semaphore, #tpu.memory_space<semaphore_mem>>) src(%dma_wait3A_78 : memref<40x128xi32, #tpu.memory_space<hbm>>) dst(%arg6 : memref<40x128xi32, #tpu.memory_space<vmem>>)
        tpu.yield
      }) : () -> ()
      "tpu.region"() ({
        %run_scoped3A = tpu.sem_alloc : memref<!tpu.dma_semaphore, #tpu.memory_space<semaphore_mem>>
        %dma_start3A_64 = arith.constant 40 : i32
        %dma_start3A_65 = arith.constant 0 : i32
        %dma_start3A_66 = tpu.memref_slice %arg4[%arg1, %dma_start3A_64, %dma_start3A_65] : memref<16x160x128xi32, #tpu.memory_space<hbm>> -> memref<1x40x128xi32, #tpu.memory_space<hbm>>
        %dma_start3A_67 = tpu.memref_squeeze %dma_start3A_66 : memref<1x40x128xi32, #tpu.memory_space<hbm>> -> memref<40x128xi32, #tpu.memory_space<hbm>>
        %dma_start3A_68 = arith.constant 40 : i32
        %dma_start3A_69 = arith.constant 0 : i32
        %dma_start3A_70 = tpu.memref_slice %arg4[%arg1, %dma_start3A_68, %dma_start3A_69] : memref<16x160x128xi32, #tpu.memory_space<hbm>> -> memref<1x40x128xi32, #tpu.memory_space<hbm>>
        %dma_start3A_71 = tpu.memref_squeeze %dma_start3A_70 : memref<1x40x128xi32, #tpu.memory_space<hbm>> -> memref<40x128xi32, #tpu.memory_space<hbm>>
        tpu.enqueue_dma source(%dma_start3A_71 : memref<40x128xi32, #tpu.memory_space<hbm>>) target(%arg7 : memref<40x128xi32, #tpu.memory_space<vmem>>) target_semaphore(%run_scoped3A : memref<!tpu.dma_semaphore, #tpu.memory_space<semaphore_mem>>)
        %dma_wait3A = arith.constant 40 : i32
        %dma_wait3A_72 = arith.constant 0 : i32
        %dma_wait3A_73 = tpu.memref_slice %arg4[%arg1, %dma_wait3A, %dma_wait3A_72] : memref<16x160x128xi32, #tpu.memory_space<hbm>> -> memref<1x40x128xi32, #tpu.memory_space<hbm>>
        %dma_wait3A_74 = tpu.memref_squeeze %dma_wait3A_73 : memref<1x40x128xi32, #tpu.memory_space<hbm>> -> memref<40x128xi32, #tpu.memory_space<hbm>>
        %dma_wait3A_75 = arith.constant 40 : i32
        %dma_wait3A_76 = arith.constant 0 : i32
        %dma_wait3A_77 = tpu.memref_slice %arg4[%arg1, %dma_wait3A_75, %dma_wait3A_76] : memref<16x160x128xi32, #tpu.memory_space<hbm>> -> memref<1x40x128xi32, #tpu.memory_space<hbm>>
        %dma_wait3A_78 = tpu.memref_squeeze %dma_wait3A_77 : memref<1x40x128xi32, #tpu.memory_space<hbm>> -> memref<40x128xi32, #tpu.memory_space<hbm>>
        tpu.wait_dma2 semaphore(%run_scoped3A : memref<!tpu.dma_semaphore, #tpu.memory_space<semaphore_mem>>) src(%dma_wait3A_78 : memref<40x128xi32, #tpu.memory_space<hbm>>) dst(%arg7 : memref<40x128xi32, #tpu.memory_space<vmem>>)
        tpu.yield
      }) : () -> ()
      %dma_start3A = arith.constant 0 : i32
      %dma_start3A_44 = arith.constant 0 : i32
      %dma_start3A_45 = tpu.memref_slice %arg6[%dma_start3A, %dma_start3A_44] : memref<40x128xi32, #tpu.memory_space<vmem>> -> memref<1x128xi32, #tpu.memory_space<vmem>>
      %dma_start3A_46 = tpu.memref_squeeze %dma_start3A_45 : memref<1x128xi32, #tpu.memory_space<vmem>> -> memref<128xi32, #tpu.memory_space<vmem>>
      %dma_start3A_47 = arith.constant 0 : i32
      %dma_start3A_48 = arith.constant 0 : i32
      %dma_start3A_49 = tpu.memref_slice %arg2[%dma_start3A_47, %dma_start3A_48] : memref<10240x128xf32, #tpu.memory_space<hbm>> -> memref<10240x128xf32, #tpu.memory_space<hbm>>
      tpu.enqueue_indirect_dma source(%dma_start3A_49 : memref<10240x128xf32, #tpu.memory_space<hbm>>) target(%arg8 : memref<128x128xf32, #tpu.memory_space<vmem>>) offsets(%dma_start3A_46 : memref<128xi32, #tpu.memory_space<vmem>>) semaphore(%arg11 : memref<!tpu.dma_semaphore, #tpu.memory_space<semaphore_mem>>)
      %dma_start3A_50 = arith.constant 1 : i32
      %dma_start3A_51 = arith.constant 0 : i32
      %dma_start3A_52 = tpu.memref_slice %arg6[%dma_start3A_50, %dma_start3A_51] : memref<40x128xi32, #tpu.memory_space<vmem>> -> memref<1x128xi32, #tpu.memory_space<vmem>>
      %dma_start3A_53 = tpu.memref_squeeze %dma_start3A_52 : memref<1x128xi32, #tpu.memory_space<vmem>> -> memref<128xi32, #tpu.memory_space<vmem>>
      %dma_start3A_54 = arith.constant 0 : i32
      %dma_start3A_55 = arith.constant 0 : i32
      %dma_start3A_56 = tpu.memref_slice %arg2[%dma_start3A_54, %dma_start3A_55] : memref<10240x128xf32, #tpu.memory_space<hbm>> -> memref<10240x128xf32, #tpu.memory_space<hbm>>
      tpu.enqueue_indirect_dma source(%dma_start3A_56 : memref<10240x128xf32, #tpu.memory_space<hbm>>) target(%arg9 : memref<128x128xf32, #tpu.memory_space<vmem>>) offsets(%dma_start3A_53 : memref<128xi32, #tpu.memory_space<vmem>>) semaphore(%arg12 : memref<!tpu.dma_semaphore, #tpu.memory_space<semaphore_mem>>)
      %scan3A_57 = arith.constant 0 : i32
      %scan3A_58 = arith.constant 0 : i32
      %scan3A_59 = arith.constant 20 : i32
      %scan3A_60 = arith.addi %scan3A_58, %scan3A_59 : i32
      %scan3A_61 = arith.constant 1 : i32
      %scan3A_62 = scf.for %scan3A_64 = %scan3A_58 to %scan3A_60 step %scan3A_61 iter_args(%scan3A_65 = %scan3A_57) -> (i32)  : i32 {
        %mul3A_66 = arith.constant 2 : i32
        %mul3A_67 = arith.muli %mul3A_66, %scan3A_64 : i32
        %dma_wait3A = arith.constant 0 : i32
        %dma_wait3A_68 = tpu.memref_slice %arg6[%mul3A_67, %dma_wait3A] : memref<40x128xi32, #tpu.memory_space<vmem>> -> memref<1x128xi32, #tpu.memory_space<vmem>>
        %dma_wait3A_69 = tpu.memref_squeeze %dma_wait3A_68 : memref<1x128xi32, #tpu.memory_space<vmem>> -> memref<128xi32, #tpu.memory_space<vmem>>
        %dma_wait3A_70 = arith.constant 0 : i32
        %dma_wait3A_71 = arith.constant 0 : i32
        %dma_wait3A_72 = tpu.memref_slice %arg2[%dma_wait3A_70, %dma_wait3A_71] : memref<10240x128xf32, #tpu.memory_space<hbm>> -> memref<10240x128xf32, #tpu.memory_space<hbm>>
        tpu.wait_indirect_dma semaphore(%arg11 : memref<!tpu.dma_semaphore, #tpu.memory_space<semaphore_mem>>) src(%dma_wait3A_72 : memref<10240x128xf32, #tpu.memory_space<hbm>>) dst(%arg8 : memref<128x128xf32, #tpu.memory_space<vmem>>)
        "tpu.region"() ({
          %run_scoped3A = tpu.sem_alloc : memref<!tpu.dma_semaphore, #tpu.memory_space<semaphore_mem>>
          %dma_start3A_97 = arith.constant 0 : i32
          %dma_start3A_98 = tpu.memref_slice %arg7[%mul3A_67, %dma_start3A_97] : memref<40x128xi32, #tpu.memory_space<vmem>> -> memref<1x128xi32, #tpu.memory_space<vmem>>
          %dma_start3A_99 = tpu.memref_squeeze %dma_start3A_98 : memref<1x128xi32, #tpu.memory_space<vmem>> -> memref<128xi32, #tpu.memory_space<vmem>>
          %dma_start3A_100 = arith.constant 0 : i32
          %dma_start3A_101 = arith.constant 0 : i32
          %dma_start3A_102 = tpu.memref_slice %arg10[%dma_start3A_100, %dma_start3A_101] : memref<10240x128xf32, #tpu.memory_space<vmem_shared>> -> memref<10240x128xf32, #tpu.memory_space<vmem_shared>>
          tpu.enqueue_indirect_dma source(%arg8 : memref<128x128xf32, #tpu.memory_space<vmem>>) target(%dma_start3A_102 : memref<10240x128xf32, #tpu.memory_space<vmem_shared>>) offsets(%dma_start3A_99 : memref<128xi32, #tpu.memory_space<vmem>>) semaphore(%run_scoped3A : memref<!tpu.dma_semaphore, #tpu.memory_space<semaphore_mem>>) {add = true}
          %dma_wait3A_103 = arith.constant 0 : i32
          %dma_wait3A_104 = tpu.memref_slice %arg7[%mul3A_67, %dma_wait3A_103] : memref<40x128xi32, #tpu.memory_space<vmem>> -> memref<1x128xi32, #tpu.memory_space<vmem>>
          %dma_wait3A_105 = tpu.memref_squeeze %dma_wait3A_104 : memref<1x128xi32, #tpu.memory_space<vmem>> -> memref<128xi32, #tpu.memory_space<vmem>>
          %dma_wait3A_106 = arith.constant 0 : i32
          %dma_wait3A_107 = arith.constant 0 : i32
          %dma_wait3A_108 = tpu.memref_slice %arg10[%dma_wait3A_106, %dma_wait3A_107] : memref<10240x128xf32, #tpu.memory_space<vmem_shared>> -> memref<10240x128xf32, #tpu.memory_space<vmem_shared>>
          tpu.wait_indirect_dma semaphore(%run_scoped3A : memref<!tpu.dma_semaphore, #tpu.memory_space<semaphore_mem>>) src(%arg8 : memref<128x128xf32, #tpu.memory_space<vmem>>) dst(%dma_wait3A_108 : memref<10240x128xf32, #tpu.memory_space<vmem_shared>>)
          tpu.yield
        }) : () -> ()
        %add3A_73 = arith.constant 1 : i32
        %add3A_74 = arith.addi %scan3A_64, %add3A_73 : i32
        %lt3A = arith.constant 20 : i32
        %lt3A_75 = arith.cmpi slt, %add3A_74, %lt3A : i32
        %convert_element_type3A_76 = arith.extui %lt3A_75 : i1 to i32
        %cond3A_77 = arith.constant 0 : i32
        %cond3A_78 = arith.cmpi ne, %convert_element_type3A_76, %cond3A_77 : i32
        scf.if %cond3A_78 {
          %add3A_97 = arith.constant 2 : i32
          %add3A_98 = arith.addi %mul3A_67, %add3A_97 : i32
          %dma_start3A_99 = arith.constant 0 : i32
          %dma_start3A_100 = tpu.memref_slice %arg6[%add3A_98, %dma_start3A_99] : memref<40x128xi32, #tpu.memory_space<vmem>> -> memref<1x128xi32, #tpu.memory_space<vmem>>
          %dma_start3A_101 = tpu.memref_squeeze %dma_start3A_100 : memref<1x128xi32, #tpu.memory_space<vmem>> -> memref<128xi32, #tpu.memory_space<vmem>>
          %dma_start3A_102 = arith.constant 0 : i32
          %dma_start3A_103 = arith.constant 0 : i32
          %dma_start3A_104 = tpu.memref_slice %arg2[%dma_start3A_102, %dma_start3A_103] : memref<10240x128xf32, #tpu.memory_space<hbm>> -> memref<10240x128xf32, #tpu.memory_space<hbm>>
          tpu.enqueue_indirect_dma source(%dma_start3A_104 : memref<10240x128xf32, #tpu.memory_space<hbm>>) target(%arg8 : memref<128x128xf32, #tpu.memory_space<vmem>>) offsets(%dma_start3A_101 : memref<128xi32, #tpu.memory_space<vmem>>) semaphore(%arg11 : memref<!tpu.dma_semaphore, #tpu.memory_space<semaphore_mem>>)
        } else {
        }
        %add3A_79 = arith.constant 1 : i32
        %add3A_80 = arith.addi %mul3A_67, %add3A_79 : i32
        %dma_wait3A_81 = arith.constant 0 : i32
        %dma_wait3A_82 = tpu.memref_slice %arg6[%add3A_80, %dma_wait3A_81] : memref<40x128xi32, #tpu.memory_space<vmem>> -> memref<1x128xi32, #tpu.memory_space<vmem>>
        %dma_wait3A_83 = tpu.memref_squeeze %dma_wait3A_82 : memref<1x128xi32, #tpu.memory_space<vmem>> -> memref<128xi32, #tpu.memory_space<vmem>>
        %dma_wait3A_84 = arith.constant 0 : i32
        %dma_wait3A_85 = arith.constant 0 : i32
        %dma_wait3A_86 = tpu.memref_slice %arg2[%dma_wait3A_84, %dma_wait3A_85] : memref<10240x128xf32, #tpu.memory_space<hbm>> -> memref<10240x128xf32, #tpu.memory_space<hbm>>
        tpu.wait_indirect_dma semaphore(%arg12 : memref<!tpu.dma_semaphore, #tpu.memory_space<semaphore_mem>>) src(%dma_wait3A_86 : memref<10240x128xf32, #tpu.memory_space<hbm>>) dst(%arg9 : memref<128x128xf32, #tpu.memory_space<vmem>>)
        %add3A_87 = arith.constant 1 : i32
        %add3A_88 = arith.addi %mul3A_67, %add3A_87 : i32
        "tpu.region"() ({
          %run_scoped3A = tpu.sem_alloc : memref<!tpu.dma_semaphore, #tpu.memory_space<semaphore_mem>>
          %dma_start3A_97 = arith.constant 0 : i32
          %dma_start3A_98 = tpu.memref_slice %arg7[%add3A_88, %dma_start3A_97] : memref<40x128xi32, #tpu.memory_space<vmem>> -> memref<1x128xi32, #tpu.memory_space<vmem>>
          %dma_start3A_99 = tpu.memref_squeeze %dma_start3A_98 : memref<1x128xi32, #tpu.memory_space<vmem>> -> memref<128xi32, #tpu.memory_space<vmem>>
          %dma_start3A_100 = arith.constant 0 : i32
          %dma_start3A_101 = arith.constant 0 : i32
          %dma_start3A_102 = tpu.memref_slice %arg10[%dma_start3A_100, %dma_start3A_101] : memref<10240x128xf32, #tpu.memory_space<vmem_shared>> -> memref<10240x128xf32, #tpu.memory_space<vmem_shared>>
          tpu.enqueue_indirect_dma source(%arg9 : memref<128x128xf32, #tpu.memory_space<vmem>>) target(%dma_start3A_102 : memref<10240x128xf32, #tpu.memory_space<vmem_shared>>) offsets(%dma_start3A_99 : memref<128xi32, #tpu.memory_space<vmem>>) semaphore(%run_scoped3A : memref<!tpu.dma_semaphore, #tpu.memory_space<semaphore_mem>>) {add = true}
          %dma_wait3A_103 = arith.constant 0 : i32
          %dma_wait3A_104 = tpu.memref_slice %arg7[%add3A_88, %dma_wait3A_103] : memref<40x128xi32, #tpu.memory_space<vmem>> -> memref<1x128xi32, #tpu.memory_space<vmem>>
          %dma_wait3A_105 = tpu.memref_squeeze %dma_wait3A_104 : memref<1x128xi32, #tpu.memory_space<vmem>> -> memref<128xi32, #tpu.memory_space<vmem>>
          %dma_wait3A_106 = arith.constant 0 : i32
          %dma_wait3A_107 = arith.constant 0 : i32
          %dma_wait3A_108 = tpu.memref_slice %arg10[%dma_wait3A_106, %dma_wait3A_107] : memref<10240x128xf32, #tpu.memory_space<vmem_shared>> -> memref<10240x128xf32, #tpu.memory_space<vmem_shared>>
          tpu.wait_indirect_dma semaphore(%run_scoped3A : memref<!tpu.dma_semaphore, #tpu.memory_space<semaphore_mem>>) src(%arg9 : memref<128x128xf32, #tpu.memory_space<vmem>>) dst(%dma_wait3A_108 : memref<10240x128xf32, #tpu.memory_space<vmem_shared>>)
          tpu.yield
        }) : () -> ()
        %add3A_89 = arith.constant 1 : i32
        %add3A_90 = arith.addi %scan3A_64, %add3A_89 : i32
        %lt3A_91 = arith.constant 20 : i32
        %lt3A_92 = arith.cmpi slt, %add3A_90, %lt3A_91 : i32
        %convert_element_type3A_93 = arith.extui %lt3A_92 : i1 to i32
        %cond3A_94 = arith.constant 0 : i32
        %cond3A_95 = arith.cmpi ne, %convert_element_type3A_93, %cond3A_94 : i32
        scf.if %cond3A_95 {
          %add3A_97 = arith.constant 3 : i32
          %add3A_98 = arith.addi %mul3A_67, %add3A_97 : i32
          %dma_start3A_99 = arith.constant 0 : i32
          %dma_start3A_100 = tpu.memref_slice %arg6[%add3A_98, %dma_start3A_99] : memref<40x128xi32, #tpu.memory_space<vmem>> -> memref<1x128xi32, #tpu.memory_space<vmem>>
          %dma_start3A_101 = tpu.memref_squeeze %dma_start3A_100 : memref<1x128xi32, #tpu.memory_space<vmem>> -> memref<128xi32, #tpu.memory_space<vmem>>
          %dma_start3A_102 = arith.constant 0 : i32
          %dma_start3A_103 = arith.constant 0 : i32
          %dma_start3A_104 = tpu.memref_slice %arg2[%dma_start3A_102, %dma_start3A_103] : memref<10240x128xf32, #tpu.memory_space<hbm>> -> memref<10240x128xf32, #tpu.memory_space<hbm>>
          tpu.enqueue_indirect_dma source(%dma_start3A_104 : memref<10240x128xf32, #tpu.memory_space<hbm>>) target(%arg9 : memref<128x128xf32, #tpu.memory_space<vmem>>) offsets(%dma_start3A_101 : memref<128xi32, #tpu.memory_space<vmem>>) semaphore(%arg12 : memref<!tpu.dma_semaphore, #tpu.memory_space<semaphore_mem>>)
        } else {
        }
        %scan3A_96 = arith.constant 0 : i32
        scf.yield %scan3A_96 : i32
      }
      %scan3A_63 = arith.constant 20 : i32
    } else {
    }
    %eq3A_31 = arith.constant 1 : i32
    %eq3A_32 = arith.cmpi eq, %arg0, %eq3A_31 : i32
    %convert_element_type3A_33 = arith.extui %eq3A_32 : i1 to i32
    %cond3A_34 = arith.constant 0 : i32
    %cond3A_35 = arith.cmpi ne, %convert_element_type3A_33, %cond3A_34 : i32
    scf.if %cond3A_35 {
      "tpu.region"() ({
        %run_scoped3A = tpu.sem_alloc : memref<!tpu.dma_semaphore, #tpu.memory_space<semaphore_mem>>
        %dma_start3A_64 = arith.constant 80 : i32
        %dma_start3A_65 = arith.constant 0 : i32
        %dma_start3A_66 = tpu.memref_slice %arg3[%arg1, %dma_start3A_64, %dma_start3A_65] : memref<16x160x128xi32, #tpu.memory_space<hbm>> -> memref<1x40x128xi32, #tpu.memory_space<hbm>>
        %dma_start3A_67 = tpu.memref_squeeze %dma_start3A_66 : memref<1x40x128xi32, #tpu.memory_space<hbm>> -> memref<40x128xi32, #tpu.memory_space<hbm>>
        %dma_start3A_68 = arith.constant 80 : i32
        %dma_start3A_69 = arith.constant 0 : i32
        %dma_start3A_70 = tpu.memref_slice %arg3[%arg1, %dma_start3A_68, %dma_start3A_69] : memref<16x160x128xi32, #tpu.memory_space<hbm>> -> memref<1x40x128xi32, #tpu.memory_space<hbm>>
        %dma_start3A_71 = tpu.memref_squeeze %dma_start3A_70 : memref<1x40x128xi32, #tpu.memory_space<hbm>> -> memref<40x128xi32, #tpu.memory_space<hbm>>
        tpu.enqueue_dma source(%dma_start3A_71 : memref<40x128xi32, #tpu.memory_space<hbm>>) target(%arg6 : memref<40x128xi32, #tpu.memory_space<vmem>>) target_semaphore(%run_scoped3A : memref<!tpu.dma_semaphore, #tpu.memory_space<semaphore_mem>>)
        %dma_wait3A = arith.constant 80 : i32
        %dma_wait3A_72 = arith.constant 0 : i32
        %dma_wait3A_73 = tpu.memref_slice %arg3[%arg1, %dma_wait3A, %dma_wait3A_72] : memref<16x160x128xi32, #tpu.memory_space<hbm>> -> memref<1x40x128xi32, #tpu.memory_space<hbm>>
        %dma_wait3A_74 = tpu.memref_squeeze %dma_wait3A_73 : memref<1x40x128xi32, #tpu.memory_space<hbm>> -> memref<40x128xi32, #tpu.memory_space<hbm>>
        %dma_wait3A_75 = arith.constant 80 : i32
        %dma_wait3A_76 = arith.constant 0 : i32
        %dma_wait3A_77 = tpu.memref_slice %arg3[%arg1, %dma_wait3A_75, %dma_wait3A_76] : memref<16x160x128xi32, #tpu.memory_space<hbm>> -> memref<1x40x128xi32, #tpu.memory_space<hbm>>
        %dma_wait3A_78 = tpu.memref_squeeze %dma_wait3A_77 : memref<1x40x128xi32, #tpu.memory_space<hbm>> -> memref<40x128xi32, #tpu.memory_space<hbm>>
        tpu.wait_dma2 semaphore(%run_scoped3A : memref<!tpu.dma_semaphore, #tpu.memory_space<semaphore_mem>>) src(%dma_wait3A_78 : memref<40x128xi32, #tpu.memory_space<hbm>>) dst(%arg6 : memref<40x128xi32, #tpu.memory_space<vmem>>)
        tpu.yield
      }) : () -> ()
      "tpu.region"() ({
        %run_scoped3A = tpu.sem_alloc : memref<!tpu.dma_semaphore, #tpu.memory_space<semaphore_mem>>
        %dma_start3A_64 = arith.constant 80 : i32
        %dma_start3A_65 = arith.constant 0 : i32
        %dma_start3A_66 = tpu.memref_slice %arg4[%arg1, %dma_start3A_64, %dma_start3A_65] : memref<16x160x128xi32, #tpu.memory_space<hbm>> -> memref<1x40x128xi32, #tpu.memory_space<hbm>>
        %dma_start3A_67 = tpu.memref_squeeze %dma_start3A_66 : memref<1x40x128xi32, #tpu.memory_space<hbm>> -> memref<40x128xi32, #tpu.memory_space<hbm>>
        %dma_start3A_68 = arith.constant 80 : i32
        %dma_start3A_69 = arith.constant 0 : i32
        %dma_start3A_70 = tpu.memref_slice %arg4[%arg1, %dma_start3A_68, %dma_start3A_69] : memref<16x160x128xi32, #tpu.memory_space<hbm>> -> memref<1x40x128xi32, #tpu.memory_space<hbm>>
        %dma_start3A_71 = tpu.memref_squeeze %dma_start3A_70 : memref<1x40x128xi32, #tpu.memory_space<hbm>> -> memref<40x128xi32, #tpu.memory_space<hbm>>
        tpu.enqueue_dma source(%dma_start3A_71 : memref<40x128xi32, #tpu.memory_space<hbm>>) target(%arg7 : memref<40x128xi32, #tpu.memory_space<vmem>>) target_semaphore(%run_scoped3A : memref<!tpu.dma_semaphore, #tpu.memory_space<semaphore_mem>>)
        %dma_wait3A = arith.constant 80 : i32
        %dma_wait3A_72 = arith.constant 0 : i32
        %dma_wait3A_73 = tpu.memref_slice %arg4[%arg1, %dma_wait3A, %dma_wait3A_72] : memref<16x160x128xi32, #tpu.memory_space<hbm>> -> memref<1x40x128xi32, #tpu.memory_space<hbm>>
        %dma_wait3A_74 = tpu.memref_squeeze %dma_wait3A_73 : memref<1x40x128xi32, #tpu.memory_space<hbm>> -> memref<40x128xi32, #tpu.memory_space<hbm>>
        %dma_wait3A_75 = arith.constant 80 : i32
        %dma_wait3A_76 = arith.constant 0 : i32
        %dma_wait3A_77 = tpu.memref_slice %arg4[%arg1, %dma_wait3A_75, %dma_wait3A_76] : memref<16x160x128xi32, #tpu.memory_space<hbm>> -> memref<1x40x128xi32, #tpu.memory_space<hbm>>
        %dma_wait3A_78 = tpu.memref_squeeze %dma_wait3A_77 : memref<1x40x128xi32, #tpu.memory_space<hbm>> -> memref<40x128xi32, #tpu.memory_space<hbm>>
        tpu.wait_dma2 semaphore(%run_scoped3A : memref<!tpu.dma_semaphore, #tpu.memory_space<semaphore_mem>>) src(%dma_wait3A_78 : memref<40x128xi32, #tpu.memory_space<hbm>>) dst(%arg7 : memref<40x128xi32, #tpu.memory_space<vmem>>)
        tpu.yield
      }) : () -> ()
      %dma_start3A = arith.constant 0 : i32
      %dma_start3A_44 = arith.constant 0 : i32
      %dma_start3A_45 = tpu.memref_slice %arg6[%dma_start3A, %dma_start3A_44] : memref<40x128xi32, #tpu.memory_space<vmem>> -> memref<1x128xi32, #tpu.memory_space<vmem>>
      %dma_start3A_46 = tpu.memref_squeeze %dma_start3A_45 : memref<1x128xi32, #tpu.memory_space<vmem>> -> memref<128xi32, #tpu.memory_space<vmem>>
      %dma_start3A_47 = arith.constant 0 : i32
      %dma_start3A_48 = arith.constant 0 : i32
      %dma_start3A_49 = tpu.memref_slice %arg2[%dma_start3A_47, %dma_start3A_48] : memref<10240x128xf32, #tpu.memory_space<hbm>> -> memref<10240x128xf32, #tpu.memory_space<hbm>>
      tpu.enqueue_indirect_dma source(%dma_start3A_49 : memref<10240x128xf32, #tpu.memory_space<hbm>>) target(%arg8 : memref<128x128xf32, #tpu.memory_space<vmem>>) offsets(%dma_start3A_46 : memref<128xi32, #tpu.memory_space<vmem>>) semaphore(%arg11 : memref<!tpu.dma_semaphore, #tpu.memory_space<semaphore_mem>>)
      %dma_start3A_50 = arith.constant 1 : i32
      %dma_start3A_51 = arith.constant 0 : i32
      %dma_start3A_52 = tpu.memref_slice %arg6[%dma_start3A_50, %dma_start3A_51] : memref<40x128xi32, #tpu.memory_space<vmem>> -> memref<1x128xi32, #tpu.memory_space<vmem>>
      %dma_start3A_53 = tpu.memref_squeeze %dma_start3A_52 : memref<1x128xi32, #tpu.memory_space<vmem>> -> memref<128xi32, #tpu.memory_space<vmem>>
      %dma_start3A_54 = arith.constant 0 : i32
      %dma_start3A_55 = arith.constant 0 : i32
      %dma_start3A_56 = tpu.memref_slice %arg2[%dma_start3A_54, %dma_start3A_55] : memref<10240x128xf32, #tpu.memory_space<hbm>> -> memref<10240x128xf32, #tpu.memory_space<hbm>>
      tpu.enqueue_indirect_dma source(%dma_start3A_56 : memref<10240x128xf32, #tpu.memory_space<hbm>>) target(%arg9 : memref<128x128xf32, #tpu.memory_space<vmem>>) offsets(%dma_start3A_53 : memref<128xi32, #tpu.memory_space<vmem>>) semaphore(%arg12 : memref<!tpu.dma_semaphore, #tpu.memory_space<semaphore_mem>>)
      %scan3A_57 = arith.constant 0 : i32
      %scan3A_58 = arith.constant 0 : i32
      %scan3A_59 = arith.constant 20 : i32
      %scan3A_60 = arith.addi %scan3A_58, %scan3A_59 : i32
      %scan3A_61 = arith.constant 1 : i32
      %scan3A_62 = scf.for %scan3A_64 = %scan3A_58 to %scan3A_60 step %scan3A_61 iter_args(%scan3A_65 = %scan3A_57) -> (i32)  : i32 {
        %mul3A_66 = arith.constant 2 : i32
        %mul3A_67 = arith.muli %mul3A_66, %scan3A_64 : i32
        %dma_wait3A = arith.constant 0 : i32
        %dma_wait3A_68 = tpu.memref_slice %arg6[%mul3A_67, %dma_wait3A] : memref<40x128xi32, #tpu.memory_space<vmem>> -> memref<1x128xi32, #tpu.memory_space<vmem>>
        %dma_wait3A_69 = tpu.memref_squeeze %dma_wait3A_68 : memref<1x128xi32, #tpu.memory_space<vmem>> -> memref<128xi32, #tpu.memory_space<vmem>>
        %dma_wait3A_70 = arith.constant 0 : i32
        %dma_wait3A_71 = arith.constant 0 : i32
        %dma_wait3A_72 = tpu.memref_slice %arg2[%dma_wait3A_70, %dma_wait3A_71] : memref<10240x128xf32, #tpu.memory_space<hbm>> -> memref<10240x128xf32, #tpu.memory_space<hbm>>
        tpu.wait_indirect_dma semaphore(%arg11 : memref<!tpu.dma_semaphore, #tpu.memory_space<semaphore_mem>>) src(%dma_wait3A_72 : memref<10240x128xf32, #tpu.memory_space<hbm>>) dst(%arg8 : memref<128x128xf32, #tpu.memory_space<vmem>>)
        "tpu.region"() ({
          %run_scoped3A = tpu.sem_alloc : memref<!tpu.dma_semaphore, #tpu.memory_space<semaphore_mem>>
          %dma_start3A_97 = arith.constant 0 : i32
          %dma_start3A_98 = tpu.memref_slice %arg7[%mul3A_67, %dma_start3A_97] : memref<40x128xi32, #tpu.memory_space<vmem>> -> memref<1x128xi32, #tpu.memory_space<vmem>>
          %dma_start3A_99 = tpu.memref_squeeze %dma_start3A_98 : memref<1x128xi32, #tpu.memory_space<vmem>> -> memref<128xi32, #tpu.memory_space<vmem>>
          %dma_start3A_100 = arith.constant 0 : i32
          %dma_start3A_101 = arith.constant 0 : i32
          %dma_start3A_102 = tpu.memref_slice %arg10[%dma_start3A_100, %dma_start3A_101] : memref<10240x128xf32, #tpu.memory_space<vmem_shared>> -> memref<10240x128xf32, #tpu.memory_space<vmem_shared>>
          tpu.enqueue_indirect_dma source(%arg8 : memref<128x128xf32, #tpu.memory_space<vmem>>) target(%dma_start3A_102 : memref<10240x128xf32, #tpu.memory_space<vmem_shared>>) offsets(%dma_start3A_99 : memref<128xi32, #tpu.memory_space<vmem>>) semaphore(%run_scoped3A : memref<!tpu.dma_semaphore, #tpu.memory_space<semaphore_mem>>) {add = true}
          %dma_wait3A_103 = arith.constant 0 : i32
          %dma_wait3A_104 = tpu.memref_slice %arg7[%mul3A_67, %dma_wait3A_103] : memref<40x128xi32, #tpu.memory_space<vmem>> -> memref<1x128xi32, #tpu.memory_space<vmem>>
          %dma_wait3A_105 = tpu.memref_squeeze %dma_wait3A_104 : memref<1x128xi32, #tpu.memory_space<vmem>> -> memref<128xi32, #tpu.memory_space<vmem>>
          %dma_wait3A_106 = arith.constant 0 : i32
          %dma_wait3A_107 = arith.constant 0 : i32
          %dma_wait3A_108 = tpu.memref_slice %arg10[%dma_wait3A_106, %dma_wait3A_107] : memref<10240x128xf32, #tpu.memory_space<vmem_shared>> -> memref<10240x128xf32, #tpu.memory_space<vmem_shared>>
          tpu.wait_indirect_dma semaphore(%run_scoped3A : memref<!tpu.dma_semaphore, #tpu.memory_space<semaphore_mem>>) src(%arg8 : memref<128x128xf32, #tpu.memory_space<vmem>>) dst(%dma_wait3A_108 : memref<10240x128xf32, #tpu.memory_space<vmem_shared>>)
          tpu.yield
        }) : () -> ()
        %add3A_73 = arith.constant 1 : i32
        %add3A_74 = arith.addi %scan3A_64, %add3A_73 : i32
        %lt3A = arith.constant 20 : i32
        %lt3A_75 = arith.cmpi slt, %add3A_74, %lt3A : i32
        %convert_element_type3A_76 = arith.extui %lt3A_75 : i1 to i32
        %cond3A_77 = arith.constant 0 : i32
        %cond3A_78 = arith.cmpi ne, %convert_element_type3A_76, %cond3A_77 : i32
        scf.if %cond3A_78 {
          %add3A_97 = arith.constant 2 : i32
          %add3A_98 = arith.addi %mul3A_67, %add3A_97 : i32
          %dma_start3A_99 = arith.constant 0 : i32
          %dma_start3A_100 = tpu.memref_slice %arg6[%add3A_98, %dma_start3A_99] : memref<40x128xi32, #tpu.memory_space<vmem>> -> memref<1x128xi32, #tpu.memory_space<vmem>>
          %dma_start3A_101 = tpu.memref_squeeze %dma_start3A_100 : memref<1x128xi32, #tpu.memory_space<vmem>> -> memref<128xi32, #tpu.memory_space<vmem>>
          %dma_start3A_102 = arith.constant 0 : i32
          %dma_start3A_103 = arith.constant 0 : i32
          %dma_start3A_104 = tpu.memref_slice %arg2[%dma_start3A_102, %dma_start3A_103] : memref<10240x128xf32, #tpu.memory_space<hbm>> -> memref<10240x128xf32, #tpu.memory_space<hbm>>
          tpu.enqueue_indirect_dma source(%dma_start3A_104 : memref<10240x128xf32, #tpu.memory_space<hbm>>) target(%arg8 : memref<128x128xf32, #tpu.memory_space<vmem>>) offsets(%dma_start3A_101 : memref<128xi32, #tpu.memory_space<vmem>>) semaphore(%arg11 : memref<!tpu.dma_semaphore, #tpu.memory_space<semaphore_mem>>)
        } else {
        }
        %add3A_79 = arith.constant 1 : i32
        %add3A_80 = arith.addi %mul3A_67, %add3A_79 : i32
        %dma_wait3A_81 = arith.constant 0 : i32
        %dma_wait3A_82 = tpu.memref_slice %arg6[%add3A_80, %dma_wait3A_81] : memref<40x128xi32, #tpu.memory_space<vmem>> -> memref<1x128xi32, #tpu.memory_space<vmem>>
        %dma_wait3A_83 = tpu.memref_squeeze %dma_wait3A_82 : memref<1x128xi32, #tpu.memory_space<vmem>> -> memref<128xi32, #tpu.memory_space<vmem>>
        %dma_wait3A_84 = arith.constant 0 : i32
        %dma_wait3A_85 = arith.constant 0 : i32
        %dma_wait3A_86 = tpu.memref_slice %arg2[%dma_wait3A_84, %dma_wait3A_85] : memref<10240x128xf32, #tpu.memory_space<hbm>> -> memref<10240x128xf32, #tpu.memory_space<hbm>>
        tpu.wait_indirect_dma semaphore(%arg12 : memref<!tpu.dma_semaphore, #tpu.memory_space<semaphore_mem>>) src(%dma_wait3A_86 : memref<10240x128xf32, #tpu.memory_space<hbm>>) dst(%arg9 : memref<128x128xf32, #tpu.memory_space<vmem>>)
        %add3A_87 = arith.constant 1 : i32
        %add3A_88 = arith.addi %mul3A_67, %add3A_87 : i32
        "tpu.region"() ({
          %run_scoped3A = tpu.sem_alloc : memref<!tpu.dma_semaphore, #tpu.memory_space<semaphore_mem>>
          %dma_start3A_97 = arith.constant 0 : i32
          %dma_start3A_98 = tpu.memref_slice %arg7[%add3A_88, %dma_start3A_97] : memref<40x128xi32, #tpu.memory_space<vmem>> -> memref<1x128xi32, #tpu.memory_space<vmem>>
          %dma_start3A_99 = tpu.memref_squeeze %dma_start3A_98 : memref<1x128xi32, #tpu.memory_space<vmem>> -> memref<128xi32, #tpu.memory_space<vmem>>
          %dma_start3A_100 = arith.constant 0 : i32
          %dma_start3A_101 = arith.constant 0 : i32
          %dma_start3A_102 = tpu.memref_slice %arg10[%dma_start3A_100, %dma_start3A_101] : memref<10240x128xf32, #tpu.memory_space<vmem_shared>> -> memref<10240x128xf32, #tpu.memory_space<vmem_shared>>
          tpu.enqueue_indirect_dma source(%arg9 : memref<128x128xf32, #tpu.memory_space<vmem>>) target(%dma_start3A_102 : memref<10240x128xf32, #tpu.memory_space<vmem_shared>>) offsets(%dma_start3A_99 : memref<128xi32, #tpu.memory_space<vmem>>) semaphore(%run_scoped3A : memref<!tpu.dma_semaphore, #tpu.memory_space<semaphore_mem>>) {add = true}
          %dma_wait3A_103 = arith.constant 0 : i32
          %dma_wait3A_104 = tpu.memref_slice %arg7[%add3A_88, %dma_wait3A_103] : memref<40x128xi32, #tpu.memory_space<vmem>> -> memref<1x128xi32, #tpu.memory_space<vmem>>
          %dma_wait3A_105 = tpu.memref_squeeze %dma_wait3A_104 : memref<1x128xi32, #tpu.memory_space<vmem>> -> memref<128xi32, #tpu.memory_space<vmem>>
          %dma_wait3A_106 = arith.constant 0 : i32
          %dma_wait3A_107 = arith.constant 0 : i32
          %dma_wait3A_108 = tpu.memref_slice %arg10[%dma_wait3A_106, %dma_wait3A_107] : memref<10240x128xf32, #tpu.memory_space<vmem_shared>> -> memref<10240x128xf32, #tpu.memory_space<vmem_shared>>
          tpu.wait_indirect_dma semaphore(%run_scoped3A : memref<!tpu.dma_semaphore, #tpu.memory_space<semaphore_mem>>) src(%arg9 : memref<128x128xf32, #tpu.memory_space<vmem>>) dst(%dma_wait3A_108 : memref<10240x128xf32, #tpu.memory_space<vmem_shared>>)
          tpu.yield
        }) : () -> ()
        %add3A_89 = arith.constant 1 : i32
        %add3A_90 = arith.addi %scan3A_64, %add3A_89 : i32
        %lt3A_91 = arith.constant 20 : i32
        %lt3A_92 = arith.cmpi slt, %add3A_90, %lt3A_91 : i32
        %convert_element_type3A_93 = arith.extui %lt3A_92 : i1 to i32
        %cond3A_94 = arith.constant 0 : i32
        %cond3A_95 = arith.cmpi ne, %convert_element_type3A_93, %cond3A_94 : i32
        scf.if %cond3A_95 {
          %add3A_97 = arith.constant 3 : i32
          %add3A_98 = arith.addi %mul3A_67, %add3A_97 : i32
          %dma_start3A_99 = arith.constant 0 : i32
          %dma_start3A_100 = tpu.memref_slice %arg6[%add3A_98, %dma_start3A_99] : memref<40x128xi32, #tpu.memory_space<vmem>> -> memref<1x128xi32, #tpu.memory_space<vmem>>
          %dma_start3A_101 = tpu.memref_squeeze %dma_start3A_100 : memref<1x128xi32, #tpu.memory_space<vmem>> -> memref<128xi32, #tpu.memory_space<vmem>>
          %dma_start3A_102 = arith.constant 0 : i32
          %dma_start3A_103 = arith.constant 0 : i32
          %dma_start3A_104 = tpu.memref_slice %arg2[%dma_start3A_102, %dma_start3A_103] : memref<10240x128xf32, #tpu.memory_space<hbm>> -> memref<10240x128xf32, #tpu.memory_space<hbm>>
          tpu.enqueue_indirect_dma source(%dma_start3A_104 : memref<10240x128xf32, #tpu.memory_space<hbm>>) target(%arg9 : memref<128x128xf32, #tpu.memory_space<vmem>>) offsets(%dma_start3A_101 : memref<128xi32, #tpu.memory_space<vmem>>) semaphore(%arg12 : memref<!tpu.dma_semaphore, #tpu.memory_space<semaphore_mem>>)
        } else {
        }
        %scan3A_96 = arith.constant 0 : i32
        scf.yield %scan3A_96 : i32
      }
      %scan3A_63 = arith.constant 20 : i32
    } else {
    }
    %eq3A_36 = arith.constant 1 : i32
    %eq3A_37 = arith.cmpi eq, %arg0, %eq3A_36 : i32
    %convert_element_type3A_38 = arith.extui %eq3A_37 : i1 to i32
    %cond3A_39 = arith.constant 0 : i32
    %cond3A_40 = arith.cmpi ne, %convert_element_type3A_38, %cond3A_39 : i32
    scf.if %cond3A_40 {
      "tpu.region"() ({
        %run_scoped3A = tpu.sem_alloc : memref<!tpu.dma_semaphore, #tpu.memory_space<semaphore_mem>>
        %dma_start3A_64 = arith.constant 120 : i32
        %dma_start3A_65 = arith.constant 0 : i32
        %dma_start3A_66 = tpu.memref_slice %arg3[%arg1, %dma_start3A_64, %dma_start3A_65] : memref<16x160x128xi32, #tpu.memory_space<hbm>> -> memref<1x40x128xi32, #tpu.memory_space<hbm>>
        %dma_start3A_67 = tpu.memref_squeeze %dma_start3A_66 : memref<1x40x128xi32, #tpu.memory_space<hbm>> -> memref<40x128xi32, #tpu.memory_space<hbm>>
        %dma_start3A_68 = arith.constant 120 : i32
        %dma_start3A_69 = arith.constant 0 : i32
        %dma_start3A_70 = tpu.memref_slice %arg3[%arg1, %dma_start3A_68, %dma_start3A_69] : memref<16x160x128xi32, #tpu.memory_space<hbm>> -> memref<1x40x128xi32, #tpu.memory_space<hbm>>
        %dma_start3A_71 = tpu.memref_squeeze %dma_start3A_70 : memref<1x40x128xi32, #tpu.memory_space<hbm>> -> memref<40x128xi32, #tpu.memory_space<hbm>>
        tpu.enqueue_dma source(%dma_start3A_71 : memref<40x128xi32, #tpu.memory_space<hbm>>) target(%arg6 : memref<40x128xi32, #tpu.memory_space<vmem>>) target_semaphore(%run_scoped3A : memref<!tpu.dma_semaphore, #tpu.memory_space<semaphore_mem>>)
        %dma_wait3A = arith.constant 120 : i32
        %dma_wait3A_72 = arith.constant 0 : i32
        %dma_wait3A_73 = tpu.memref_slice %arg3[%arg1, %dma_wait3A, %dma_wait3A_72] : memref<16x160x128xi32, #tpu.memory_space<hbm>> -> memref<1x40x128xi32, #tpu.memory_space<hbm>>
        %dma_wait3A_74 = tpu.memref_squeeze %dma_wait3A_73 : memref<1x40x128xi32, #tpu.memory_space<hbm>> -> memref<40x128xi32, #tpu.memory_space<hbm>>
        %dma_wait3A_75 = arith.constant 120 : i32
        %dma_wait3A_76 = arith.constant 0 : i32
        %dma_wait3A_77 = tpu.memref_slice %arg3[%arg1, %dma_wait3A_75, %dma_wait3A_76] : memref<16x160x128xi32, #tpu.memory_space<hbm>> -> memref<1x40x128xi32, #tpu.memory_space<hbm>>
        %dma_wait3A_78 = tpu.memref_squeeze %dma_wait3A_77 : memref<1x40x128xi32, #tpu.memory_space<hbm>> -> memref<40x128xi32, #tpu.memory_space<hbm>>
        tpu.wait_dma2 semaphore(%run_scoped3A : memref<!tpu.dma_semaphore, #tpu.memory_space<semaphore_mem>>) src(%dma_wait3A_78 : memref<40x128xi32, #tpu.memory_space<hbm>>) dst(%arg6 : memref<40x128xi32, #tpu.memory_space<vmem>>)
        tpu.yield
      }) : () -> ()
      "tpu.region"() ({
        %run_scoped3A = tpu.sem_alloc : memref<!tpu.dma_semaphore, #tpu.memory_space<semaphore_mem>>
        %dma_start3A_64 = arith.constant 120 : i32
        %dma_start3A_65 = arith.constant 0 : i32
        %dma_start3A_66 = tpu.memref_slice %arg4[%arg1, %dma_start3A_64, %dma_start3A_65] : memref<16x160x128xi32, #tpu.memory_space<hbm>> -> memref<1x40x128xi32, #tpu.memory_space<hbm>>
        %dma_start3A_67 = tpu.memref_squeeze %dma_start3A_66 : memref<1x40x128xi32, #tpu.memory_space<hbm>> -> memref<40x128xi32, #tpu.memory_space<hbm>>
        %dma_start3A_68 = arith.constant 120 : i32
        %dma_start3A_69 = arith.constant 0 : i32
        %dma_start3A_70 = tpu.memref_slice %arg4[%arg1, %dma_start3A_68, %dma_start3A_69] : memref<16x160x128xi32, #tpu.memory_space<hbm>> -> memref<1x40x128xi32, #tpu.memory_space<hbm>>
        %dma_start3A_71 = tpu.memref_squeeze %dma_start3A_70 : memref<1x40x128xi32, #tpu.memory_space<hbm>> -> memref<40x128xi32, #tpu.memory_space<hbm>>
        tpu.enqueue_dma source(%dma_start3A_71 : memref<40x128xi32, #tpu.memory_space<hbm>>) target(%arg7 : memref<40x128xi32, #tpu.memory_space<vmem>>) target_semaphore(%run_scoped3A : memref<!tpu.dma_semaphore, #tpu.memory_space<semaphore_mem>>)
        %dma_wait3A = arith.constant 120 : i32
        %dma_wait3A_72 = arith.constant 0 : i32
        %dma_wait3A_73 = tpu.memref_slice %arg4[%arg1, %dma_wait3A, %dma_wait3A_72] : memref<16x160x128xi32, #tpu.memory_space<hbm>> -> memref<1x40x128xi32, #tpu.memory_space<hbm>>
        %dma_wait3A_74 = tpu.memref_squeeze %dma_wait3A_73 : memref<1x40x128xi32, #tpu.memory_space<hbm>> -> memref<40x128xi32, #tpu.memory_space<hbm>>
        %dma_wait3A_75 = arith.constant 120 : i32
        %dma_wait3A_76 = arith.constant 0 : i32
        %dma_wait3A_77 = tpu.memref_slice %arg4[%arg1, %dma_wait3A_75, %dma_wait3A_76] : memref<16x160x128xi32, #tpu.memory_space<hbm>> -> memref<1x40x128xi32, #tpu.memory_space<hbm>>
        %dma_wait3A_78 = tpu.memref_squeeze %dma_wait3A_77 : memref<1x40x128xi32, #tpu.memory_space<hbm>> -> memref<40x128xi32, #tpu.memory_space<hbm>>
        tpu.wait_dma2 semaphore(%run_scoped3A : memref<!tpu.dma_semaphore, #tpu.memory_space<semaphore_mem>>) src(%dma_wait3A_78 : memref<40x128xi32, #tpu.memory_space<hbm>>) dst(%arg7 : memref<40x128xi32, #tpu.memory_space<vmem>>)
        tpu.yield
      }) : () -> ()
      %dma_start3A = arith.constant 0 : i32
      %dma_start3A_44 = arith.constant 0 : i32
      %dma_start3A_45 = tpu.memref_slice %arg6[%dma_start3A, %dma_start3A_44] : memref<40x128xi32, #tpu.memory_space<vmem>> -> memref<1x128xi32, #tpu.memory_space<vmem>>
      %dma_start3A_46 = tpu.memref_squeeze %dma_start3A_45 : memref<1x128xi32, #tpu.memory_space<vmem>> -> memref<128xi32, #tpu.memory_space<vmem>>
      %dma_start3A_47 = arith.constant 0 : i32
      %dma_start3A_48 = arith.constant 0 : i32
      %dma_start3A_49 = tpu.memref_slice %arg2[%dma_start3A_47, %dma_start3A_48] : memref<10240x128xf32, #tpu.memory_space<hbm>> -> memref<10240x128xf32, #tpu.memory_space<hbm>>
      tpu.enqueue_indirect_dma source(%dma_start3A_49 : memref<10240x128xf32, #tpu.memory_space<hbm>>) target(%arg8 : memref<128x128xf32, #tpu.memory_space<vmem>>) offsets(%dma_start3A_46 : memref<128xi32, #tpu.memory_space<vmem>>) semaphore(%arg11 : memref<!tpu.dma_semaphore, #tpu.memory_space<semaphore_mem>>)
      %dma_start3A_50 = arith.constant 1 : i32
      %dma_start3A_51 = arith.constant 0 : i32
      %dma_start3A_52 = tpu.memref_slice %arg6[%dma_start3A_50, %dma_start3A_51] : memref<40x128xi32, #tpu.memory_space<vmem>> -> memref<1x128xi32, #tpu.memory_space<vmem>>
      %dma_start3A_53 = tpu.memref_squeeze %dma_start3A_52 : memref<1x128xi32, #tpu.memory_space<vmem>> -> memref<128xi32, #tpu.memory_space<vmem>>
      %dma_start3A_54 = arith.constant 0 : i32
      %dma_start3A_55 = arith.constant 0 : i32
      %dma_start3A_56 = tpu.memref_slice %arg2[%dma_start3A_54, %dma_start3A_55] : memref<10240x128xf32, #tpu.memory_space<hbm>> -> memref<10240x128xf32, #tpu.memory_space<hbm>>
      tpu.enqueue_indirect_dma source(%dma_start3A_56 : memref<10240x128xf32, #tpu.memory_space<hbm>>) target(%arg9 : memref<128x128xf32, #tpu.memory_space<vmem>>) offsets(%dma_start3A_53 : memref<128xi32, #tpu.memory_space<vmem>>) semaphore(%arg12 : memref<!tpu.dma_semaphore, #tpu.memory_space<semaphore_mem>>)
      %scan3A_57 = arith.constant 0 : i32
      %scan3A_58 = arith.constant 0 : i32
      %scan3A_59 = arith.constant 20 : i32
      %scan3A_60 = arith.addi %scan3A_58, %scan3A_59 : i32
      %scan3A_61 = arith.constant 1 : i32
      %scan3A_62 = scf.for %scan3A_64 = %scan3A_58 to %scan3A_60 step %scan3A_61 iter_args(%scan3A_65 = %scan3A_57) -> (i32)  : i32 {
        %mul3A_66 = arith.constant 2 : i32
        %mul3A_67 = arith.muli %mul3A_66, %scan3A_64 : i32
        %dma_wait3A = arith.constant 0 : i32
        %dma_wait3A_68 = tpu.memref_slice %arg6[%mul3A_67, %dma_wait3A] : memref<40x128xi32, #tpu.memory_space<vmem>> -> memref<1x128xi32, #tpu.memory_space<vmem>>
        %dma_wait3A_69 = tpu.memref_squeeze %dma_wait3A_68 : memref<1x128xi32, #tpu.memory_space<vmem>> -> memref<128xi32, #tpu.memory_space<vmem>>
        %dma_wait3A_70 = arith.constant 0 : i32
        %dma_wait3A_71 = arith.constant 0 : i32
        %dma_wait3A_72 = tpu.memref_slice %arg2[%dma_wait3A_70, %dma_wait3A_71] : memref<10240x128xf32, #tpu.memory_space<hbm>> -> memref<10240x128xf32, #tpu.memory_space<hbm>>
        tpu.wait_indirect_dma semaphore(%arg11 : memref<!tpu.dma_semaphore, #tpu.memory_space<semaphore_mem>>) src(%dma_wait3A_72 : memref<10240x128xf32, #tpu.memory_space<hbm>>) dst(%arg8 : memref<128x128xf32, #tpu.memory_space<vmem>>)
        "tpu.region"() ({
          %run_scoped3A = tpu.sem_alloc : memref<!tpu.dma_semaphore, #tpu.memory_space<semaphore_mem>>
          %dma_start3A_97 = arith.constant 0 : i32
          %dma_start3A_98 = tpu.memref_slice %arg7[%mul3A_67, %dma_start3A_97] : memref<40x128xi32, #tpu.memory_space<vmem>> -> memref<1x128xi32, #tpu.memory_space<vmem>>
          %dma_start3A_99 = tpu.memref_squeeze %dma_start3A_98 : memref<1x128xi32, #tpu.memory_space<vmem>> -> memref<128xi32, #tpu.memory_space<vmem>>
          %dma_start3A_100 = arith.constant 0 : i32
          %dma_start3A_101 = arith.constant 0 : i32
          %dma_start3A_102 = tpu.memref_slice %arg10[%dma_start3A_100, %dma_start3A_101] : memref<10240x128xf32, #tpu.memory_space<vmem_shared>> -> memref<10240x128xf32, #tpu.memory_space<vmem_shared>>
          tpu.enqueue_indirect_dma source(%arg8 : memref<128x128xf32, #tpu.memory_space<vmem>>) target(%dma_start3A_102 : memref<10240x128xf32, #tpu.memory_space<vmem_shared>>) offsets(%dma_start3A_99 : memref<128xi32, #tpu.memory_space<vmem>>) semaphore(%run_scoped3A : memref<!tpu.dma_semaphore, #tpu.memory_space<semaphore_mem>>) {add = true}
          %dma_wait3A_103 = arith.constant 0 : i32
          %dma_wait3A_104 = tpu.memref_slice %arg7[%mul3A_67, %dma_wait3A_103] : memref<40x128xi32, #tpu.memory_space<vmem>> -> memref<1x128xi32, #tpu.memory_space<vmem>>
          %dma_wait3A_105 = tpu.memref_squeeze %dma_wait3A_104 : memref<1x128xi32, #tpu.memory_space<vmem>> -> memref<128xi32, #tpu.memory_space<vmem>>
          %dma_wait3A_106 = arith.constant 0 : i32
          %dma_wait3A_107 = arith.constant 0 : i32
          %dma_wait3A_108 = tpu.memref_slice %arg10[%dma_wait3A_106, %dma_wait3A_107] : memref<10240x128xf32, #tpu.memory_space<vmem_shared>> -> memref<10240x128xf32, #tpu.memory_space<vmem_shared>>
          tpu.wait_indirect_dma semaphore(%run_scoped3A : memref<!tpu.dma_semaphore, #tpu.memory_space<semaphore_mem>>) src(%arg8 : memref<128x128xf32, #tpu.memory_space<vmem>>) dst(%dma_wait3A_108 : memref<10240x128xf32, #tpu.memory_space<vmem_shared>>)
          tpu.yield
        }) : () -> ()
        %add3A_73 = arith.constant 1 : i32
        %add3A_74 = arith.addi %scan3A_64, %add3A_73 : i32
        %lt3A = arith.constant 20 : i32
        %lt3A_75 = arith.cmpi slt, %add3A_74, %lt3A : i32
        %convert_element_type3A_76 = arith.extui %lt3A_75 : i1 to i32
        %cond3A_77 = arith.constant 0 : i32
        %cond3A_78 = arith.cmpi ne, %convert_element_type3A_76, %cond3A_77 : i32
        scf.if %cond3A_78 {
          %add3A_97 = arith.constant 2 : i32
          %add3A_98 = arith.addi %mul3A_67, %add3A_97 : i32
          %dma_start3A_99 = arith.constant 0 : i32
          %dma_start3A_100 = tpu.memref_slice %arg6[%add3A_98, %dma_start3A_99] : memref<40x128xi32, #tpu.memory_space<vmem>> -> memref<1x128xi32, #tpu.memory_space<vmem>>
          %dma_start3A_101 = tpu.memref_squeeze %dma_start3A_100 : memref<1x128xi32, #tpu.memory_space<vmem>> -> memref<128xi32, #tpu.memory_space<vmem>>
          %dma_start3A_102 = arith.constant 0 : i32
          %dma_start3A_103 = arith.constant 0 : i32
          %dma_start3A_104 = tpu.memref_slice %arg2[%dma_start3A_102, %dma_start3A_103] : memref<10240x128xf32, #tpu.memory_space<hbm>> -> memref<10240x128xf32, #tpu.memory_space<hbm>>
          tpu.enqueue_indirect_dma source(%dma_start3A_104 : memref<10240x128xf32, #tpu.memory_space<hbm>>) target(%arg8 : memref<128x128xf32, #tpu.memory_space<vmem>>) offsets(%dma_start3A_101 : memref<128xi32, #tpu.memory_space<vmem>>) semaphore(%arg11 : memref<!tpu.dma_semaphore, #tpu.memory_space<semaphore_mem>>)
        } else {
        }
        %add3A_79 = arith.constant 1 : i32
        %add3A_80 = arith.addi %mul3A_67, %add3A_79 : i32
        %dma_wait3A_81 = arith.constant 0 : i32
        %dma_wait3A_82 = tpu.memref_slice %arg6[%add3A_80, %dma_wait3A_81] : memref<40x128xi32, #tpu.memory_space<vmem>> -> memref<1x128xi32, #tpu.memory_space<vmem>>
        %dma_wait3A_83 = tpu.memref_squeeze %dma_wait3A_82 : memref<1x128xi32, #tpu.memory_space<vmem>> -> memref<128xi32, #tpu.memory_space<vmem>>
        %dma_wait3A_84 = arith.constant 0 : i32
        %dma_wait3A_85 = arith.constant 0 : i32
        %dma_wait3A_86 = tpu.memref_slice %arg2[%dma_wait3A_84, %dma_wait3A_85] : memref<10240x128xf32, #tpu.memory_space<hbm>> -> memref<10240x128xf32, #tpu.memory_space<hbm>>
        tpu.wait_indirect_dma semaphore(%arg12 : memref<!tpu.dma_semaphore, #tpu.memory_space<semaphore_mem>>) src(%dma_wait3A_86 : memref<10240x128xf32, #tpu.memory_space<hbm>>) dst(%arg9 : memref<128x128xf32, #tpu.memory_space<vmem>>)
        %add3A_87 = arith.constant 1 : i32
        %add3A_88 = arith.addi %mul3A_67, %add3A_87 : i32
        "tpu.region"() ({
          %run_scoped3A = tpu.sem_alloc : memref<!tpu.dma_semaphore, #tpu.memory_space<semaphore_mem>>
          %dma_start3A_97 = arith.constant 0 : i32
          %dma_start3A_98 = tpu.memref_slice %arg7[%add3A_88, %dma_start3A_97] : memref<40x128xi32, #tpu.memory_space<vmem>> -> memref<1x128xi32, #tpu.memory_space<vmem>>
          %dma_start3A_99 = tpu.memref_squeeze %dma_start3A_98 : memref<1x128xi32, #tpu.memory_space<vmem>> -> memref<128xi32, #tpu.memory_space<vmem>>
          %dma_start3A_100 = arith.constant 0 : i32
          %dma_start3A_101 = arith.constant 0 : i32
          %dma_start3A_102 = tpu.memref_slice %arg10[%dma_start3A_100, %dma_start3A_101] : memref<10240x128xf32, #tpu.memory_space<vmem_shared>> -> memref<10240x128xf32, #tpu.memory_space<vmem_shared>>
          tpu.enqueue_indirect_dma source(%arg9 : memref<128x128xf32, #tpu.memory_space<vmem>>) target(%dma_start3A_102 : memref<10240x128xf32, #tpu.memory_space<vmem_shared>>) offsets(%dma_start3A_99 : memref<128xi32, #tpu.memory_space<vmem>>) semaphore(%run_scoped3A : memref<!tpu.dma_semaphore, #tpu.memory_space<semaphore_mem>>) {add = true}
          %dma_wait3A_103 = arith.constant 0 : i32
          %dma_wait3A_104 = tpu.memref_slice %arg7[%add3A_88, %dma_wait3A_103] : memref<40x128xi32, #tpu.memory_space<vmem>> -> memref<1x128xi32, #tpu.memory_space<vmem>>
          %dma_wait3A_105 = tpu.memref_squeeze %dma_wait3A_104 : memref<1x128xi32, #tpu.memory_space<vmem>> -> memref<128xi32, #tpu.memory_space<vmem>>
          %dma_wait3A_106 = arith.constant 0 : i32
          %dma_wait3A_107 = arith.constant 0 : i32
          %dma_wait3A_108 = tpu.memref_slice %arg10[%dma_wait3A_106, %dma_wait3A_107] : memref<10240x128xf32, #tpu.memory_space<vmem_shared>> -> memref<10240x128xf32, #tpu.memory_space<vmem_shared>>
          tpu.wait_indirect_dma semaphore(%run_scoped3A : memref<!tpu.dma_semaphore, #tpu.memory_space<semaphore_mem>>) src(%arg9 : memref<128x128xf32, #tpu.memory_space<vmem>>) dst(%dma_wait3A_108 : memref<10240x128xf32, #tpu.memory_space<vmem_shared>>)
          tpu.yield
        }) : () -> ()
        %add3A_89 = arith.constant 1 : i32
        %add3A_90 = arith.addi %scan3A_64, %add3A_89 : i32
        %lt3A_91 = arith.constant 20 : i32
        %lt3A_92 = arith.cmpi slt, %add3A_90, %lt3A_91 : i32
        %convert_element_type3A_93 = arith.extui %lt3A_92 : i1 to i32
        %cond3A_94 = arith.constant 0 : i32
        %cond3A_95 = arith.cmpi ne, %convert_element_type3A_93, %cond3A_94 : i32
        scf.if %cond3A_95 {
          %add3A_97 = arith.constant 3 : i32
          %add3A_98 = arith.addi %mul3A_67, %add3A_97 : i32
          %dma_start3A_99 = arith.constant 0 : i32
          %dma_start3A_100 = tpu.memref_slice %arg6[%add3A_98, %dma_start3A_99] : memref<40x128xi32, #tpu.memory_space<vmem>> -> memref<1x128xi32, #tpu.memory_space<vmem>>
          %dma_start3A_101 = tpu.memref_squeeze %dma_start3A_100 : memref<1x128xi32, #tpu.memory_space<vmem>> -> memref<128xi32, #tpu.memory_space<vmem>>
          %dma_start3A_102 = arith.constant 0 : i32
          %dma_start3A_103 = arith.constant 0 : i32
          %dma_start3A_104 = tpu.memref_slice %arg2[%dma_start3A_102, %dma_start3A_103] : memref<10240x128xf32, #tpu.memory_space<hbm>> -> memref<10240x128xf32, #tpu.memory_space<hbm>>
          tpu.enqueue_indirect_dma source(%dma_start3A_104 : memref<10240x128xf32, #tpu.memory_space<hbm>>) target(%arg9 : memref<128x128xf32, #tpu.memory_space<vmem>>) offsets(%dma_start3A_101 : memref<128xi32, #tpu.memory_space<vmem>>) semaphore(%arg12 : memref<!tpu.dma_semaphore, #tpu.memory_space<semaphore_mem>>)
        } else {
        }
        %scan3A_96 = arith.constant 0 : i32
        scf.yield %scan3A_96 : i32
      }
      %scan3A_63 = arith.constant 20 : i32
    } else {
    }
    %barrier3A_41 = arith.constant 0 : index
    tpu.barrier barrier_id(%barrier3A_41)
    %mul3A_42 = arith.constant 640 : i32
    %mul3A_43 = arith.muli %arg1, %mul3A_42 : i32
    "tpu.region"() ({
      %run_scoped3A = tpu.sem_alloc : memref<!tpu.dma_semaphore, #tpu.memory_space<semaphore_mem>>
      %dma_start3A = arith.constant 0 : i32
      %dma_start3A_44 = tpu.memref_slice %arg5[%arg0, %mul3A_43, %dma_start3A] : memref<2x10240x128xf32, #tpu.memory_space<hbm>> -> memref<1x640x128xf32, #tpu.memory_space<hbm>>
      %dma_start3A_45 = tpu.memref_squeeze %dma_start3A_44 : memref<1x640x128xf32, #tpu.memory_space<hbm>> -> memref<640x128xf32, #tpu.memory_space<hbm>>
      %dma_start3A_46 = arith.constant 0 : i32
      %dma_start3A_47 = tpu.memref_slice %arg10[%mul3A_43, %dma_start3A_46] : memref<10240x128xf32, #tpu.memory_space<vmem_shared>> -> memref<640x128xf32, #tpu.memory_space<vmem_shared>>
      tpu.enqueue_dma source(%dma_start3A_47 : memref<640x128xf32, #tpu.memory_space<vmem_shared>>) target(%dma_start3A_45 : memref<640x128xf32, #tpu.memory_space<hbm>>) target_semaphore(%run_scoped3A : memref<!tpu.dma_semaphore, #tpu.memory_space<semaphore_mem>>)
      %dma_wait3A = arith.constant 0 : i32
      %dma_wait3A_48 = tpu.memref_slice %arg5[%arg0, %mul3A_43, %dma_wait3A] : memref<2x10240x128xf32, #tpu.memory_space<hbm>> -> memref<1x640x128xf32, #tpu.memory_space<hbm>>
      %dma_wait3A_49 = tpu.memref_squeeze %dma_wait3A_48 : memref<1x640x128xf32, #tpu.memory_space<hbm>> -> memref<640x128xf32, #tpu.memory_space<hbm>>
      %dma_wait3A_50 = arith.constant 0 : i32
      %dma_wait3A_51 = tpu.memref_slice %arg10[%mul3A_43, %dma_wait3A_50] : memref<10240x128xf32, #tpu.memory_space<vmem_shared>> -> memref<640x128xf32, #tpu.memory_space<vmem_shared>>
      tpu.wait_dma2 semaphore(%run_scoped3A : memref<!tpu.dma_semaphore, #tpu.memory_space<semaphore_mem>>) src(%dma_wait3A_51 : memref<640x128xf32, #tpu.memory_space<vmem_shared>>) dst(%dma_wait3A_49 : memref<640x128xf32, #tpu.memory_space<hbm>>)
      tpu.yield
    }) : () -> ()
    return
  }
}

#map = affine_map<(d0, d1) -> (0, 0, 0)>
module attributes {stable_mosaic.version = 14 : i64} {
  func.func @_deg(%arg0: i32, %arg1: i32, %arg2: memref<16x160x128xi32, #tpu.memory_space<hbm>>, %arg3: memref<16x160x128xi32, #tpu.memory_space<hbm>>, %arg4: memref<2x10240x128xf32, #tpu.memory_space<hbm>>, %arg5: memref<40x128xi32, #tpu.memory_space<vmem>>, %arg6: memref<128x128xf32, #tpu.memory_space<vmem>>, %arg7: memref<10240x128xf32, #tpu.memory_space<vmem_shared>>) attributes {dimension_semantics = [#tpu.dimension_semantics<core_parallel>, #tpu.dimension_semantics<subcore_parallel>], iteration_bounds = array<i64: 2, 16>, scalar_prefetch = 0 : i64, scratch_operands = 3 : i64, tpu.core_type = #tpu.core_type<sc_vector_subcore>, window_params = [{transform_indices = #map}, {transform_indices = #map}, {transform_indices = #map}]} {
    %scan3A = arith.constant 0 : i32
    %scan3A_0 = arith.constant 0 : i32
    %scan3A_1 = arith.constant 128 : i32
    %scan3A_2 = arith.addi %scan3A_0, %scan3A_1 : i32
    %scan3A_3 = arith.constant 1 : i32
    %scan3A_4 = scf.for %scan3A_99 = %scan3A_0 to %scan3A_2 step %scan3A_3 iter_args(%scan3A_100 = %scan3A) -> (i32)  : i32 {
      %broadcast_in_dim3A = arith.constant 0.000000e+00 : f32
      %broadcast_in_dim3A_101 = vector.broadcast %broadcast_in_dim3A : f32 to vector<16xf32>
      %swap3A = arith.index_cast %scan3A_99 : i32 to index
      %swap3A_102 = arith.constant 0 : index
      %swap3A_103 = tpu.vector_load %arg6[%swap3A, %swap3A_102] {strides = array<i32>} : memref<128x128xf32, #tpu.memory_space<vmem>>, vector<1x16xf32>,
      %swap3A_104 = vector.shape_cast %swap3A_103 : vector<1x16xf32> to vector<16xf32>
      %swap3A_105 = vector.shape_cast %broadcast_in_dim3A_101 : vector<16xf32> to vector<1x16xf32>
      tpu.vector_store %arg6[%swap3A, %swap3A_102], %swap3A_105 {strides = array<i32>} : memref<128x128xf32, #tpu.memory_space<vmem>>, vector<1x16xf32>,
      %broadcast_in_dim3A_106 = arith.constant 0.000000e+00 : f32
      %broadcast_in_dim3A_107 = vector.broadcast %broadcast_in_dim3A_106 : f32 to vector<16xf32>
      %swap3A_108 = arith.index_cast %scan3A_99 : i32 to index
      %swap3A_109 = arith.constant 16 : index
      %swap3A_110 = tpu.vector_load %arg6[%swap3A_108, %swap3A_109] {strides = array<i32>} : memref<128x128xf32, #tpu.memory_space<vmem>>, vector<1x16xf32>,
      %swap3A_111 = vector.shape_cast %swap3A_110 : vector<1x16xf32> to vector<16xf32>
      %swap3A_112 = vector.shape_cast %broadcast_in_dim3A_107 : vector<16xf32> to vector<1x16xf32>
      tpu.vector_store %arg6[%swap3A_108, %swap3A_109], %swap3A_112 {strides = array<i32>} : memref<128x128xf32, #tpu.memory_space<vmem>>, vector<1x16xf32>,
      %broadcast_in_dim3A_113 = arith.constant 0.000000e+00 : f32
      %broadcast_in_dim3A_114 = vector.broadcast %broadcast_in_dim3A_113 : f32 to vector<16xf32>
      %swap3A_115 = arith.index_cast %scan3A_99 : i32 to index
      %swap3A_116 = arith.constant 32 : index
      %swap3A_117 = tpu.vector_load %arg6[%swap3A_115, %swap3A_116] {strides = array<i32>} : memref<128x128xf32, #tpu.memory_space<vmem>>, vector<1x16xf32>,
      %swap3A_118 = vector.shape_cast %swap3A_117 : vector<1x16xf32> to vector<16xf32>
      %swap3A_119 = vector.shape_cast %broadcast_in_dim3A_114 : vector<16xf32> to vector<1x16xf32>
      tpu.vector_store %arg6[%swap3A_115, %swap3A_116], %swap3A_119 {strides = array<i32>} : memref<128x128xf32, #tpu.memory_space<vmem>>, vector<1x16xf32>,
      %broadcast_in_dim3A_120 = arith.constant 0.000000e+00 : f32
      %broadcast_in_dim3A_121 = vector.broadcast %broadcast_in_dim3A_120 : f32 to vector<16xf32>
      %swap3A_122 = arith.index_cast %scan3A_99 : i32 to index
      %swap3A_123 = arith.constant 48 : index
      %swap3A_124 = tpu.vector_load %arg6[%swap3A_122, %swap3A_123] {strides = array<i32>} : memref<128x128xf32, #tpu.memory_space<vmem>>, vector<1x16xf32>,
      %swap3A_125 = vector.shape_cast %swap3A_124 : vector<1x16xf32> to vector<16xf32>
      %swap3A_126 = vector.shape_cast %broadcast_in_dim3A_121 : vector<16xf32> to vector<1x16xf32>
      tpu.vector_store %arg6[%swap3A_122, %swap3A_123], %swap3A_126 {strides = array<i32>} : memref<128x128xf32, #tpu.memory_space<vmem>>, vector<1x16xf32>,
      %broadcast_in_dim3A_127 = arith.constant 0.000000e+00 : f32
      %broadcast_in_dim3A_128 = vector.broadcast %broadcast_in_dim3A_127 : f32 to vector<16xf32>
      %swap3A_129 = arith.index_cast %scan3A_99 : i32 to index
      %swap3A_130 = arith.constant 64 : index
      %swap3A_131 = tpu.vector_load %arg6[%swap3A_129, %swap3A_130] {strides = array<i32>} : memref<128x128xf32, #tpu.memory_space<vmem>>, vector<1x16xf32>,
      %swap3A_132 = vector.shape_cast %swap3A_131 : vector<1x16xf32> to vector<16xf32>
      %swap3A_133 = vector.shape_cast %broadcast_in_dim3A_128 : vector<16xf32> to vector<1x16xf32>
      tpu.vector_store %arg6[%swap3A_129, %swap3A_130], %swap3A_133 {strides = array<i32>} : memref<128x128xf32, #tpu.memory_space<vmem>>, vector<1x16xf32>,
      %broadcast_in_dim3A_134 = arith.constant 0.000000e+00 : f32
      %broadcast_in_dim3A_135 = vector.broadcast %broadcast_in_dim3A_134 : f32 to vector<16xf32>
      %swap3A_136 = arith.index_cast %scan3A_99 : i32 to index
      %swap3A_137 = arith.constant 80 : index
      %swap3A_138 = tpu.vector_load %arg6[%swap3A_136, %swap3A_137] {strides = array<i32>} : memref<128x128xf32, #tpu.memory_space<vmem>>, vector<1x16xf32>,
      %swap3A_139 = vector.shape_cast %swap3A_138 : vector<1x16xf32> to vector<16xf32>
      %swap3A_140 = vector.shape_cast %broadcast_in_dim3A_135 : vector<16xf32> to vector<1x16xf32>
      tpu.vector_store %arg6[%swap3A_136, %swap3A_137], %swap3A_140 {strides = array<i32>} : memref<128x128xf32, #tpu.memory_space<vmem>>, vector<1x16xf32>,
      %broadcast_in_dim3A_141 = arith.constant 0.000000e+00 : f32
      %broadcast_in_dim3A_142 = vector.broadcast %broadcast_in_dim3A_141 : f32 to vector<16xf32>
      %swap3A_143 = arith.index_cast %scan3A_99 : i32 to index
      %swap3A_144 = arith.constant 96 : index
      %swap3A_145 = tpu.vector_load %arg6[%swap3A_143, %swap3A_144] {strides = array<i32>} : memref<128x128xf32, #tpu.memory_space<vmem>>, vector<1x16xf32>,
      %swap3A_146 = vector.shape_cast %swap3A_145 : vector<1x16xf32> to vector<16xf32>
      %swap3A_147 = vector.shape_cast %broadcast_in_dim3A_142 : vector<16xf32> to vector<1x16xf32>
      tpu.vector_store %arg6[%swap3A_143, %swap3A_144], %swap3A_147 {strides = array<i32>} : memref<128x128xf32, #tpu.memory_space<vmem>>, vector<1x16xf32>,
      %broadcast_in_dim3A_148 = arith.constant 0.000000e+00 : f32
      %broadcast_in_dim3A_149 = vector.broadcast %broadcast_in_dim3A_148 : f32 to vector<16xf32>
      %swap3A_150 = arith.index_cast %scan3A_99 : i32 to index
      %swap3A_151 = arith.constant 112 : index
      %swap3A_152 = tpu.vector_load %arg6[%swap3A_150, %swap3A_151] {strides = array<i32>} : memref<128x128xf32, #tpu.memory_space<vmem>>, vector<1x16xf32>,
      %swap3A_153 = vector.shape_cast %swap3A_152 : vector<1x16xf32> to vector<16xf32>
      %swap3A_154 = vector.shape_cast %broadcast_in_dim3A_149 : vector<16xf32> to vector<1x16xf32>
      tpu.vector_store %arg6[%swap3A_150, %swap3A_151], %swap3A_154 {strides = array<i32>} : memref<128x128xf32, #tpu.memory_space<vmem>>, vector<1x16xf32>,
      %scan3A_155 = arith.constant 0 : i32
      scf.yield %scan3A_155 : i32
    }
    %scan3A_5 = arith.constant 128 : i32
    %mul3A = arith.constant 640 : i32
    %mul3A_6 = arith.muli %arg1, %mul3A : i32
    %add3A = arith.constant 0 : i32
    %add3A_7 = arith.addi %mul3A_6, %add3A : i32
    "tpu.region"() ({
      %run_scoped3A = tpu.sem_alloc : memref<!tpu.dma_semaphore, #tpu.memory_space<semaphore_mem>>
      %dma_start3A = arith.constant 0 : i32
      %dma_start3A_99 = tpu.memref_slice %arg7[%add3A_7, %dma_start3A] : memref<10240x128xf32, #tpu.memory_space<vmem_shared>> -> memref<128x128xf32, #tpu.memory_space<vmem_shared>>
      %dma_start3A_100 = arith.constant 0 : i32
      %dma_start3A_101 = tpu.memref_slice %arg7[%add3A_7, %dma_start3A_100] : memref<10240x128xf32, #tpu.memory_space<vmem_shared>> -> memref<128x128xf32, #tpu.memory_space<vmem_shared>>
      tpu.enqueue_dma source(%arg6 : memref<128x128xf32, #tpu.memory_space<vmem>>) target(%dma_start3A_101 : memref<128x128xf32, #tpu.memory_space<vmem_shared>>) target_semaphore(%run_scoped3A : memref<!tpu.dma_semaphore, #tpu.memory_space<semaphore_mem>>)
      %dma_wait3A = arith.constant 0 : i32
      %dma_wait3A_102 = tpu.memref_slice %arg7[%add3A_7, %dma_wait3A] : memref<10240x128xf32, #tpu.memory_space<vmem_shared>> -> memref<128x128xf32, #tpu.memory_space<vmem_shared>>
      %dma_wait3A_103 = arith.constant 0 : i32
      %dma_wait3A_104 = tpu.memref_slice %arg7[%add3A_7, %dma_wait3A_103] : memref<10240x128xf32, #tpu.memory_space<vmem_shared>> -> memref<128x128xf32, #tpu.memory_space<vmem_shared>>
      tpu.wait_dma2 semaphore(%run_scoped3A : memref<!tpu.dma_semaphore, #tpu.memory_space<semaphore_mem>>) src(%arg6 : memref<128x128xf32, #tpu.memory_space<vmem>>) dst(%dma_wait3A_104 : memref<128x128xf32, #tpu.memory_space<vmem_shared>>)
      tpu.yield
    }) : () -> ()
    %mul3A_8 = arith.constant 640 : i32
    %mul3A_9 = arith.muli %arg1, %mul3A_8 : i32
    %add3A_10 = arith.constant 128 : i32
    %add3A_11 = arith.addi %mul3A_9, %add3A_10 : i32
    "tpu.region"() ({
      %run_scoped3A = tpu.sem_alloc : memref<!tpu.dma_semaphore, #tpu.memory_space<semaphore_mem>>
      %dma_start3A = arith.constant 0 : i32
      %dma_start3A_99 = tpu.memref_slice %arg7[%add3A_11, %dma_start3A] : memref<10240x128xf32, #tpu.memory_space<vmem_shared>> -> memref<128x128xf32, #tpu.memory_space<vmem_shared>>
      %dma_start3A_100 = arith.constant 0 : i32
      %dma_start3A_101 = tpu.memref_slice %arg7[%add3A_11, %dma_start3A_100] : memref<10240x128xf32, #tpu.memory_space<vmem_shared>> -> memref<128x128xf32, #tpu.memory_space<vmem_shared>>
      tpu.enqueue_dma source(%arg6 : memref<128x128xf32, #tpu.memory_space<vmem>>) target(%dma_start3A_101 : memref<128x128xf32, #tpu.memory_space<vmem_shared>>) target_semaphore(%run_scoped3A : memref<!tpu.dma_semaphore, #tpu.memory_space<semaphore_mem>>)
      %dma_wait3A = arith.constant 0 : i32
      %dma_wait3A_102 = tpu.memref_slice %arg7[%add3A_11, %dma_wait3A] : memref<10240x128xf32, #tpu.memory_space<vmem_shared>> -> memref<128x128xf32, #tpu.memory_space<vmem_shared>>
      %dma_wait3A_103 = arith.constant 0 : i32
      %dma_wait3A_104 = tpu.memref_slice %arg7[%add3A_11, %dma_wait3A_103] : memref<10240x128xf32, #tpu.memory_space<vmem_shared>> -> memref<128x128xf32, #tpu.memory_space<vmem_shared>>
      tpu.wait_dma2 semaphore(%run_scoped3A : memref<!tpu.dma_semaphore, #tpu.memory_space<semaphore_mem>>) src(%arg6 : memref<128x128xf32, #tpu.memory_space<vmem>>) dst(%dma_wait3A_104 : memref<128x128xf32, #tpu.memory_space<vmem_shared>>)
      tpu.yield
    }) : () -> ()
    %mul3A_12 = arith.constant 640 : i32
    %mul3A_13 = arith.muli %arg1, %mul3A_12 : i32
    %add3A_14 = arith.constant 256 : i32
    %add3A_15 = arith.addi %mul3A_13, %add3A_14 : i32
    "tpu.region"() ({
      %run_scoped3A = tpu.sem_alloc : memref<!tpu.dma_semaphore, #tpu.memory_space<semaphore_mem>>
      %dma_start3A = arith.constant 0 : i32
      %dma_start3A_99 = tpu.memref_slice %arg7[%add3A_15, %dma_start3A] : memref<10240x128xf32, #tpu.memory_space<vmem_shared>> -> memref<128x128xf32, #tpu.memory_space<vmem_shared>>
      %dma_start3A_100 = arith.constant 0 : i32
      %dma_start3A_101 = tpu.memref_slice %arg7[%add3A_15, %dma_start3A_100] : memref<10240x128xf32, #tpu.memory_space<vmem_shared>> -> memref<128x128xf32, #tpu.memory_space<vmem_shared>>
      tpu.enqueue_dma source(%arg6 : memref<128x128xf32, #tpu.memory_space<vmem>>) target(%dma_start3A_101 : memref<128x128xf32, #tpu.memory_space<vmem_shared>>) target_semaphore(%run_scoped3A : memref<!tpu.dma_semaphore, #tpu.memory_space<semaphore_mem>>)
      %dma_wait3A = arith.constant 0 : i32
      %dma_wait3A_102 = tpu.memref_slice %arg7[%add3A_15, %dma_wait3A] : memref<10240x128xf32, #tpu.memory_space<vmem_shared>> -> memref<128x128xf32, #tpu.memory_space<vmem_shared>>
      %dma_wait3A_103 = arith.constant 0 : i32
      %dma_wait3A_104 = tpu.memref_slice %arg7[%add3A_15, %dma_wait3A_103] : memref<10240x128xf32, #tpu.memory_space<vmem_shared>> -> memref<128x128xf32, #tpu.memory_space<vmem_shared>>
      tpu.wait_dma2 semaphore(%run_scoped3A : memref<!tpu.dma_semaphore, #tpu.memory_space<semaphore_mem>>) src(%arg6 : memref<128x128xf32, #tpu.memory_space<vmem>>) dst(%dma_wait3A_104 : memref<128x128xf32, #tpu.memory_space<vmem_shared>>)
      tpu.yield
    }) : () -> ()
    %mul3A_16 = arith.constant 640 : i32
    %mul3A_17 = arith.muli %arg1, %mul3A_16 : i32
    %add3A_18 = arith.constant 384 : i32
    %add3A_19 = arith.addi %mul3A_17, %add3A_18 : i32
    "tpu.region"() ({
      %run_scoped3A = tpu.sem_alloc : memref<!tpu.dma_semaphore, #tpu.memory_space<semaphore_mem>>
      %dma_start3A = arith.constant 0 : i32
      %dma_start3A_99 = tpu.memref_slice %arg7[%add3A_19, %dma_start3A] : memref<10240x128xf32, #tpu.memory_space<vmem_shared>> -> memref<128x128xf32, #tpu.memory_space<vmem_shared>>
      %dma_start3A_100 = arith.constant 0 : i32
      %dma_start3A_101 = tpu.memref_slice %arg7[%add3A_19, %dma_start3A_100] : memref<10240x128xf32, #tpu.memory_space<vmem_shared>> -> memref<128x128xf32, #tpu.memory_space<vmem_shared>>
      tpu.enqueue_dma source(%arg6 : memref<128x128xf32, #tpu.memory_space<vmem>>) target(%dma_start3A_101 : memref<128x128xf32, #tpu.memory_space<vmem_shared>>) target_semaphore(%run_scoped3A : memref<!tpu.dma_semaphore, #tpu.memory_space<semaphore_mem>>)
      %dma_wait3A = arith.constant 0 : i32
      %dma_wait3A_102 = tpu.memref_slice %arg7[%add3A_19, %dma_wait3A] : memref<10240x128xf32, #tpu.memory_space<vmem_shared>> -> memref<128x128xf32, #tpu.memory_space<vmem_shared>>
      %dma_wait3A_103 = arith.constant 0 : i32
      %dma_wait3A_104 = tpu.memref_slice %arg7[%add3A_19, %dma_wait3A_103] : memref<10240x128xf32, #tpu.memory_space<vmem_shared>> -> memref<128x128xf32, #tpu.memory_space<vmem_shared>>
      tpu.wait_dma2 semaphore(%run_scoped3A : memref<!tpu.dma_semaphore, #tpu.memory_space<semaphore_mem>>) src(%arg6 : memref<128x128xf32, #tpu.memory_space<vmem>>) dst(%dma_wait3A_104 : memref<128x128xf32, #tpu.memory_space<vmem_shared>>)
      tpu.yield
    }) : () -> ()
    %mul3A_20 = arith.constant 640 : i32
    %mul3A_21 = arith.muli %arg1, %mul3A_20 : i32
    %add3A_22 = arith.constant 512 : i32
    %add3A_23 = arith.addi %mul3A_21, %add3A_22 : i32
    "tpu.region"() ({
      %run_scoped3A = tpu.sem_alloc : memref<!tpu.dma_semaphore, #tpu.memory_space<semaphore_mem>>
      %dma_start3A = arith.constant 0 : i32
      %dma_start3A_99 = tpu.memref_slice %arg7[%add3A_23, %dma_start3A] : memref<10240x128xf32, #tpu.memory_space<vmem_shared>> -> memref<128x128xf32, #tpu.memory_space<vmem_shared>>
      %dma_start3A_100 = arith.constant 0 : i32
      %dma_start3A_101 = tpu.memref_slice %arg7[%add3A_23, %dma_start3A_100] : memref<10240x128xf32, #tpu.memory_space<vmem_shared>> -> memref<128x128xf32, #tpu.memory_space<vmem_shared>>
      tpu.enqueue_dma source(%arg6 : memref<128x128xf32, #tpu.memory_space<vmem>>) target(%dma_start3A_101 : memref<128x128xf32, #tpu.memory_space<vmem_shared>>) target_semaphore(%run_scoped3A : memref<!tpu.dma_semaphore, #tpu.memory_space<semaphore_mem>>)
      %dma_wait3A = arith.constant 0 : i32
      %dma_wait3A_102 = tpu.memref_slice %arg7[%add3A_23, %dma_wait3A] : memref<10240x128xf32, #tpu.memory_space<vmem_shared>> -> memref<128x128xf32, #tpu.memory_space<vmem_shared>>
      %dma_wait3A_103 = arith.constant 0 : i32
      %dma_wait3A_104 = tpu.memref_slice %arg7[%add3A_23, %dma_wait3A_103] : memref<10240x128xf32, #tpu.memory_space<vmem_shared>> -> memref<128x128xf32, #tpu.memory_space<vmem_shared>>
      tpu.wait_dma2 semaphore(%run_scoped3A : memref<!tpu.dma_semaphore, #tpu.memory_space<semaphore_mem>>) src(%arg6 : memref<128x128xf32, #tpu.memory_space<vmem>>) dst(%dma_wait3A_104 : memref<128x128xf32, #tpu.memory_space<vmem_shared>>)
      tpu.yield
    }) : () -> ()
    %scan3A_24 = arith.constant 0 : i32
    %scan3A_25 = arith.constant 0 : i32
    %scan3A_26 = arith.constant 128 : i32
    %scan3A_27 = arith.addi %scan3A_25, %scan3A_26 : i32
    %scan3A_28 = arith.constant 1 : i32
    %scan3A_29 = scf.for %scan3A_99 = %scan3A_25 to %scan3A_27 step %scan3A_28 iter_args(%scan3A_100 = %scan3A_24) -> (i32)  : i32 {
      %broadcast_in_dim3A = arith.constant 1.000000e+00 : f32
      %broadcast_in_dim3A_101 = vector.broadcast %broadcast_in_dim3A : f32 to vector<16xf32>
      %swap3A = arith.index_cast %scan3A_99 : i32 to index
      %swap3A_102 = arith.constant 0 : index
      %swap3A_103 = tpu.vector_load %arg6[%swap3A, %swap3A_102] {strides = array<i32>} : memref<128x128xf32, #tpu.memory_space<vmem>>, vector<1x16xf32>,
      %swap3A_104 = vector.shape_cast %swap3A_103 : vector<1x16xf32> to vector<16xf32>
      %swap3A_105 = vector.shape_cast %broadcast_in_dim3A_101 : vector<16xf32> to vector<1x16xf32>
      tpu.vector_store %arg6[%swap3A, %swap3A_102], %swap3A_105 {strides = array<i32>} : memref<128x128xf32, #tpu.memory_space<vmem>>, vector<1x16xf32>,
      %broadcast_in_dim3A_106 = arith.constant 1.000000e+00 : f32
      %broadcast_in_dim3A_107 = vector.broadcast %broadcast_in_dim3A_106 : f32 to vector<16xf32>
      %swap3A_108 = arith.index_cast %scan3A_99 : i32 to index
      %swap3A_109 = arith.constant 16 : index
      %swap3A_110 = tpu.vector_load %arg6[%swap3A_108, %swap3A_109] {strides = array<i32>} : memref<128x128xf32, #tpu.memory_space<vmem>>, vector<1x16xf32>,
      %swap3A_111 = vector.shape_cast %swap3A_110 : vector<1x16xf32> to vector<16xf32>
      %swap3A_112 = vector.shape_cast %broadcast_in_dim3A_107 : vector<16xf32> to vector<1x16xf32>
      tpu.vector_store %arg6[%swap3A_108, %swap3A_109], %swap3A_112 {strides = array<i32>} : memref<128x128xf32, #tpu.memory_space<vmem>>, vector<1x16xf32>,
      %broadcast_in_dim3A_113 = arith.constant 1.000000e+00 : f32
      %broadcast_in_dim3A_114 = vector.broadcast %broadcast_in_dim3A_113 : f32 to vector<16xf32>
      %swap3A_115 = arith.index_cast %scan3A_99 : i32 to index
      %swap3A_116 = arith.constant 32 : index
      %swap3A_117 = tpu.vector_load %arg6[%swap3A_115, %swap3A_116] {strides = array<i32>} : memref<128x128xf32, #tpu.memory_space<vmem>>, vector<1x16xf32>,
      %swap3A_118 = vector.shape_cast %swap3A_117 : vector<1x16xf32> to vector<16xf32>
      %swap3A_119 = vector.shape_cast %broadcast_in_dim3A_114 : vector<16xf32> to vector<1x16xf32>
      tpu.vector_store %arg6[%swap3A_115, %swap3A_116], %swap3A_119 {strides = array<i32>} : memref<128x128xf32, #tpu.memory_space<vmem>>, vector<1x16xf32>,
      %broadcast_in_dim3A_120 = arith.constant 1.000000e+00 : f32
      %broadcast_in_dim3A_121 = vector.broadcast %broadcast_in_dim3A_120 : f32 to vector<16xf32>
      %swap3A_122 = arith.index_cast %scan3A_99 : i32 to index
      %swap3A_123 = arith.constant 48 : index
      %swap3A_124 = tpu.vector_load %arg6[%swap3A_122, %swap3A_123] {strides = array<i32>} : memref<128x128xf32, #tpu.memory_space<vmem>>, vector<1x16xf32>,
      %swap3A_125 = vector.shape_cast %swap3A_124 : vector<1x16xf32> to vector<16xf32>
      %swap3A_126 = vector.shape_cast %broadcast_in_dim3A_121 : vector<16xf32> to vector<1x16xf32>
      tpu.vector_store %arg6[%swap3A_122, %swap3A_123], %swap3A_126 {strides = array<i32>} : memref<128x128xf32, #tpu.memory_space<vmem>>, vector<1x16xf32>,
      %broadcast_in_dim3A_127 = arith.constant 1.000000e+00 : f32
      %broadcast_in_dim3A_128 = vector.broadcast %broadcast_in_dim3A_127 : f32 to vector<16xf32>
      %swap3A_129 = arith.index_cast %scan3A_99 : i32 to index
      %swap3A_130 = arith.constant 64 : index
      %swap3A_131 = tpu.vector_load %arg6[%swap3A_129, %swap3A_130] {strides = array<i32>} : memref<128x128xf32, #tpu.memory_space<vmem>>, vector<1x16xf32>,
      %swap3A_132 = vector.shape_cast %swap3A_131 : vector<1x16xf32> to vector<16xf32>
      %swap3A_133 = vector.shape_cast %broadcast_in_dim3A_128 : vector<16xf32> to vector<1x16xf32>
      tpu.vector_store %arg6[%swap3A_129, %swap3A_130], %swap3A_133 {strides = array<i32>} : memref<128x128xf32, #tpu.memory_space<vmem>>, vector<1x16xf32>,
      %broadcast_in_dim3A_134 = arith.constant 1.000000e+00 : f32
      %broadcast_in_dim3A_135 = vector.broadcast %broadcast_in_dim3A_134 : f32 to vector<16xf32>
      %swap3A_136 = arith.index_cast %scan3A_99 : i32 to index
      %swap3A_137 = arith.constant 80 : index
      %swap3A_138 = tpu.vector_load %arg6[%swap3A_136, %swap3A_137] {strides = array<i32>} : memref<128x128xf32, #tpu.memory_space<vmem>>, vector<1x16xf32>,
      %swap3A_139 = vector.shape_cast %swap3A_138 : vector<1x16xf32> to vector<16xf32>
      %swap3A_140 = vector.shape_cast %broadcast_in_dim3A_135 : vector<16xf32> to vector<1x16xf32>
      tpu.vector_store %arg6[%swap3A_136, %swap3A_137], %swap3A_140 {strides = array<i32>} : memref<128x128xf32, #tpu.memory_space<vmem>>, vector<1x16xf32>,
      %broadcast_in_dim3A_141 = arith.constant 1.000000e+00 : f32
      %broadcast_in_dim3A_142 = vector.broadcast %broadcast_in_dim3A_141 : f32 to vector<16xf32>
      %swap3A_143 = arith.index_cast %scan3A_99 : i32 to index
      %swap3A_144 = arith.constant 96 : index
      %swap3A_145 = tpu.vector_load %arg6[%swap3A_143, %swap3A_144] {strides = array<i32>} : memref<128x128xf32, #tpu.memory_space<vmem>>, vector<1x16xf32>,
      %swap3A_146 = vector.shape_cast %swap3A_145 : vector<1x16xf32> to vector<16xf32>
      %swap3A_147 = vector.shape_cast %broadcast_in_dim3A_142 : vector<16xf32> to vector<1x16xf32>
      tpu.vector_store %arg6[%swap3A_143, %swap3A_144], %swap3A_147 {strides = array<i32>} : memref<128x128xf32, #tpu.memory_space<vmem>>, vector<1x16xf32>,
      %broadcast_in_dim3A_148 = arith.constant 1.000000e+00 : f32
      %broadcast_in_dim3A_149 = vector.broadcast %broadcast_in_dim3A_148 : f32 to vector<16xf32>
      %swap3A_150 = arith.index_cast %scan3A_99 : i32 to index
      %swap3A_151 = arith.constant 112 : index
      %swap3A_152 = tpu.vector_load %arg6[%swap3A_150, %swap3A_151] {strides = array<i32>} : memref<128x128xf32, #tpu.memory_space<vmem>>, vector<1x16xf32>,
      %swap3A_153 = vector.shape_cast %swap3A_152 : vector<1x16xf32> to vector<16xf32>
      %swap3A_154 = vector.shape_cast %broadcast_in_dim3A_149 : vector<16xf32> to vector<1x16xf32>
      tpu.vector_store %arg6[%swap3A_150, %swap3A_151], %swap3A_154 {strides = array<i32>} : memref<128x128xf32, #tpu.memory_space<vmem>>, vector<1x16xf32>,
      %scan3A_155 = arith.constant 0 : i32
      scf.yield %scan3A_155 : i32
    }
    %scan3A_30 = arith.constant 128 : i32
    %barrier3A = arith.constant 0 : index
    tpu.barrier barrier_id(%barrier3A)
    %eq3A = arith.constant 0 : i32
    %eq3A_31 = arith.cmpi eq, %arg0, %eq3A : i32
    %convert_element_type3A = arith.extui %eq3A_31 : i1 to i32
    %cond3A = arith.constant 0 : i32
    %cond3A_32 = arith.cmpi ne, %convert_element_type3A, %cond3A : i32
    scf.if %cond3A_32 {
      "tpu.region"() ({
        %run_scoped3A = tpu.sem_alloc : memref<!tpu.dma_semaphore, #tpu.memory_space<semaphore_mem>>
        %dma_start3A = arith.constant 0 : i32
        %dma_start3A_99 = arith.constant 0 : i32
        %dma_start3A_100 = tpu.memref_slice %arg2[%arg1, %dma_start3A, %dma_start3A_99] : memref<16x160x128xi32, #tpu.memory_space<hbm>> -> memref<1x40x128xi32, #tpu.memory_space<hbm>>
        %dma_start3A_101 = tpu.memref_squeeze %dma_start3A_100 : memref<1x40x128xi32, #tpu.memory_space<hbm>> -> memref<40x128xi32, #tpu.memory_space<hbm>>
        %dma_start3A_102 = arith.constant 0 : i32
        %dma_start3A_103 = arith.constant 0 : i32
        %dma_start3A_104 = tpu.memref_slice %arg2[%arg1, %dma_start3A_102, %dma_start3A_103] : memref<16x160x128xi32, #tpu.memory_space<hbm>> -> memref<1x40x128xi32, #tpu.memory_space<hbm>>
        %dma_start3A_105 = tpu.memref_squeeze %dma_start3A_104 : memref<1x40x128xi32, #tpu.memory_space<hbm>> -> memref<40x128xi32, #tpu.memory_space<hbm>>
        tpu.enqueue_dma source(%dma_start3A_105 : memref<40x128xi32, #tpu.memory_space<hbm>>) target(%arg5 : memref<40x128xi32, #tpu.memory_space<vmem>>) target_semaphore(%run_scoped3A : memref<!tpu.dma_semaphore, #tpu.memory_space<semaphore_mem>>)
        %dma_wait3A = arith.constant 0 : i32
        %dma_wait3A_106 = arith.constant 0 : i32
        %dma_wait3A_107 = tpu.memref_slice %arg2[%arg1, %dma_wait3A, %dma_wait3A_106] : memref<16x160x128xi32, #tpu.memory_space<hbm>> -> memref<1x40x128xi32, #tpu.memory_space<hbm>>
        %dma_wait3A_108 = tpu.memref_squeeze %dma_wait3A_107 : memref<1x40x128xi32, #tpu.memory_space<hbm>> -> memref<40x128xi32, #tpu.memory_space<hbm>>
        %dma_wait3A_109 = arith.constant 0 : i32
        %dma_wait3A_110 = arith.constant 0 : i32
        %dma_wait3A_111 = tpu.memref_slice %arg2[%arg1, %dma_wait3A_109, %dma_wait3A_110] : memref<16x160x128xi32, #tpu.memory_space<hbm>> -> memref<1x40x128xi32, #tpu.memory_space<hbm>>
        %dma_wait3A_112 = tpu.memref_squeeze %dma_wait3A_111 : memref<1x40x128xi32, #tpu.memory_space<hbm>> -> memref<40x128xi32, #tpu.memory_space<hbm>>
        tpu.wait_dma2 semaphore(%run_scoped3A : memref<!tpu.dma_semaphore, #tpu.memory_space<semaphore_mem>>) src(%dma_wait3A_112 : memref<40x128xi32, #tpu.memory_space<hbm>>) dst(%arg5 : memref<40x128xi32, #tpu.memory_space<vmem>>)
        tpu.yield
      }) : () -> ()
    } else {
    }
    %eq3A_33 = arith.constant 1 : i32
    %eq3A_34 = arith.cmpi eq, %arg0, %eq3A_33 : i32
    %convert_element_type3A_35 = arith.extui %eq3A_34 : i1 to i32
    %cond3A_36 = arith.constant 0 : i32
    %cond3A_37 = arith.cmpi ne, %convert_element_type3A_35, %cond3A_36 : i32
    scf.if %cond3A_37 {
      "tpu.region"() ({
        %run_scoped3A = tpu.sem_alloc : memref<!tpu.dma_semaphore, #tpu.memory_space<semaphore_mem>>
        %dma_start3A = arith.constant 0 : i32
        %dma_start3A_99 = arith.constant 0 : i32
        %dma_start3A_100 = tpu.memref_slice %arg3[%arg1, %dma_start3A, %dma_start3A_99] : memref<16x160x128xi32, #tpu.memory_space<hbm>> -> memref<1x40x128xi32, #tpu.memory_space<hbm>>
        %dma_start3A_101 = tpu.memref_squeeze %dma_start3A_100 : memref<1x40x128xi32, #tpu.memory_space<hbm>> -> memref<40x128xi32, #tpu.memory_space<hbm>>
        %dma_start3A_102 = arith.constant 0 : i32
        %dma_start3A_103 = arith.constant 0 : i32
        %dma_start3A_104 = tpu.memref_slice %arg3[%arg1, %dma_start3A_102, %dma_start3A_103] : memref<16x160x128xi32, #tpu.memory_space<hbm>> -> memref<1x40x128xi32, #tpu.memory_space<hbm>>
        %dma_start3A_105 = tpu.memref_squeeze %dma_start3A_104 : memref<1x40x128xi32, #tpu.memory_space<hbm>> -> memref<40x128xi32, #tpu.memory_space<hbm>>
        tpu.enqueue_dma source(%dma_start3A_105 : memref<40x128xi32, #tpu.memory_space<hbm>>) target(%arg5 : memref<40x128xi32, #tpu.memory_space<vmem>>) target_semaphore(%run_scoped3A : memref<!tpu.dma_semaphore, #tpu.memory_space<semaphore_mem>>)
        %dma_wait3A = arith.constant 0 : i32
        %dma_wait3A_106 = arith.constant 0 : i32
        %dma_wait3A_107 = tpu.memref_slice %arg3[%arg1, %dma_wait3A, %dma_wait3A_106] : memref<16x160x128xi32, #tpu.memory_space<hbm>> -> memref<1x40x128xi32, #tpu.memory_space<hbm>>
        %dma_wait3A_108 = tpu.memref_squeeze %dma_wait3A_107 : memref<1x40x128xi32, #tpu.memory_space<hbm>> -> memref<40x128xi32, #tpu.memory_space<hbm>>
        %dma_wait3A_109 = arith.constant 0 : i32
        %dma_wait3A_110 = arith.constant 0 : i32
        %dma_wait3A_111 = tpu.memref_slice %arg3[%arg1, %dma_wait3A_109, %dma_wait3A_110] : memref<16x160x128xi32, #tpu.memory_space<hbm>> -> memref<1x40x128xi32, #tpu.memory_space<hbm>>
        %dma_wait3A_112 = tpu.memref_squeeze %dma_wait3A_111 : memref<1x40x128xi32, #tpu.memory_space<hbm>> -> memref<40x128xi32, #tpu.memory_space<hbm>>
        tpu.wait_dma2 semaphore(%run_scoped3A : memref<!tpu.dma_semaphore, #tpu.memory_space<semaphore_mem>>) src(%dma_wait3A_112 : memref<40x128xi32, #tpu.memory_space<hbm>>) dst(%arg5 : memref<40x128xi32, #tpu.memory_space<vmem>>)
        tpu.yield
      }) : () -> ()
    } else {
    }
    %scan3A_38 = arith.constant 0 : i32
    %scan3A_39 = arith.constant 0 : i32
    %scan3A_40 = arith.constant 40 : i32
    %scan3A_41 = arith.addi %scan3A_39, %scan3A_40 : i32
    %scan3A_42 = arith.constant 1 : i32
    %scan3A_43 = scf.for %scan3A_99 = %scan3A_39 to %scan3A_41 step %scan3A_42 iter_args(%scan3A_100 = %scan3A_38) -> (i32)  : i32 {
      "tpu.region"() ({
        %run_scoped3A = tpu.sem_alloc : memref<!tpu.dma_semaphore, #tpu.memory_space<semaphore_mem>>
        %dma_start3A = arith.constant 0 : i32
        %dma_start3A_102 = tpu.memref_slice %arg5[%scan3A_99, %dma_start3A] : memref<40x128xi32, #tpu.memory_space<vmem>> -> memref<1x128xi32, #tpu.memory_space<vmem>>
        %dma_start3A_103 = tpu.memref_squeeze %dma_start3A_102 : memref<1x128xi32, #tpu.memory_space<vmem>> -> memref<128xi32, #tpu.memory_space<vmem>>
        %dma_start3A_104 = arith.constant 0 : i32
        %dma_start3A_105 = arith.constant 0 : i32
        %dma_start3A_106 = tpu.memref_slice %arg7[%dma_start3A_104, %dma_start3A_105] : memref<10240x128xf32, #tpu.memory_space<vmem_shared>> -> memref<10240x128xf32, #tpu.memory_space<vmem_shared>>
        tpu.enqueue_indirect_dma source(%arg6 : memref<128x128xf32, #tpu.memory_space<vmem>>) target(%dma_start3A_106 : memref<10240x128xf32, #tpu.memory_space<vmem_shared>>) offsets(%dma_start3A_103 : memref<128xi32, #tpu.memory_space<vmem>>) semaphore(%run_scoped3A : memref<!tpu.dma_semaphore, #tpu.memory_space<semaphore_mem>>) {add = true}
        %dma_wait3A = arith.constant 0 : i32
        %dma_wait3A_107 = tpu.memref_slice %arg5[%scan3A_99, %dma_wait3A] : memref<40x128xi32, #tpu.memory_space<vmem>> -> memref<1x128xi32, #tpu.memory_space<vmem>>
        %dma_wait3A_108 = tpu.memref_squeeze %dma_wait3A_107 : memref<1x128xi32, #tpu.memory_space<vmem>> -> memref<128xi32, #tpu.memory_space<vmem>>
        %dma_wait3A_109 = arith.constant 0 : i32
        %dma_wait3A_110 = arith.constant 0 : i32
        %dma_wait3A_111 = tpu.memref_slice %arg7[%dma_wait3A_109, %dma_wait3A_110] : memref<10240x128xf32, #tpu.memory_space<vmem_shared>> -> memref<10240x128xf32, #tpu.memory_space<vmem_shared>>
        tpu.wait_indirect_dma semaphore(%run_scoped3A : memref<!tpu.dma_semaphore, #tpu.memory_space<semaphore_mem>>) src(%arg6 : memref<128x128xf32, #tpu.memory_space<vmem>>) dst(%dma_wait3A_111 : memref<10240x128xf32, #tpu.memory_space<vmem_shared>>)
        tpu.yield
      }) : () -> ()
      %scan3A_101 = arith.constant 0 : i32
      scf.yield %scan3A_101 : i32
    }
    %scan3A_44 = arith.constant 40 : i32
    %eq3A_45 = arith.constant 0 : i32
    %eq3A_46 = arith.cmpi eq, %arg0, %eq3A_45 : i32
    %convert_element_type3A_47 = arith.extui %eq3A_46 : i1 to i32
    %cond3A_48 = arith.constant 0 : i32
    %cond3A_49 = arith.cmpi ne, %convert_element_type3A_47, %cond3A_48 : i32
    scf.if %cond3A_49 {
      "tpu.region"() ({
        %run_scoped3A = tpu.sem_alloc : memref<!tpu.dma_semaphore, #tpu.memory_space<semaphore_mem>>
        %dma_start3A = arith.constant 40 : i32
        %dma_start3A_99 = arith.constant 0 : i32
        %dma_start3A_100 = tpu.memref_slice %arg2[%arg1, %dma_start3A, %dma_start3A_99] : memref<16x160x128xi32, #tpu.memory_space<hbm>> -> memref<1x40x128xi32, #tpu.memory_space<hbm>>
        %dma_start3A_101 = tpu.memref_squeeze %dma_start3A_100 : memref<1x40x128xi32, #tpu.memory_space<hbm>> -> memref<40x128xi32, #tpu.memory_space<hbm>>
        %dma_start3A_102 = arith.constant 40 : i32
        %dma_start3A_103 = arith.constant 0 : i32
        %dma_start3A_104 = tpu.memref_slice %arg2[%arg1, %dma_start3A_102, %dma_start3A_103] : memref<16x160x128xi32, #tpu.memory_space<hbm>> -> memref<1x40x128xi32, #tpu.memory_space<hbm>>
        %dma_start3A_105 = tpu.memref_squeeze %dma_start3A_104 : memref<1x40x128xi32, #tpu.memory_space<hbm>> -> memref<40x128xi32, #tpu.memory_space<hbm>>
        tpu.enqueue_dma source(%dma_start3A_105 : memref<40x128xi32, #tpu.memory_space<hbm>>) target(%arg5 : memref<40x128xi32, #tpu.memory_space<vmem>>) target_semaphore(%run_scoped3A : memref<!tpu.dma_semaphore, #tpu.memory_space<semaphore_mem>>)
        %dma_wait3A = arith.constant 40 : i32
        %dma_wait3A_106 = arith.constant 0 : i32
        %dma_wait3A_107 = tpu.memref_slice %arg2[%arg1, %dma_wait3A, %dma_wait3A_106] : memref<16x160x128xi32, #tpu.memory_space<hbm>> -> memref<1x40x128xi32, #tpu.memory_space<hbm>>
        %dma_wait3A_108 = tpu.memref_squeeze %dma_wait3A_107 : memref<1x40x128xi32, #tpu.memory_space<hbm>> -> memref<40x128xi32, #tpu.memory_space<hbm>>
        %dma_wait3A_109 = arith.constant 40 : i32
        %dma_wait3A_110 = arith.constant 0 : i32
        %dma_wait3A_111 = tpu.memref_slice %arg2[%arg1, %dma_wait3A_109, %dma_wait3A_110] : memref<16x160x128xi32, #tpu.memory_space<hbm>> -> memref<1x40x128xi32, #tpu.memory_space<hbm>>
        %dma_wait3A_112 = tpu.memref_squeeze %dma_wait3A_111 : memref<1x40x128xi32, #tpu.memory_space<hbm>> -> memref<40x128xi32, #tpu.memory_space<hbm>>
        tpu.wait_dma2 semaphore(%run_scoped3A : memref<!tpu.dma_semaphore, #tpu.memory_space<semaphore_mem>>) src(%dma_wait3A_112 : memref<40x128xi32, #tpu.memory_space<hbm>>) dst(%arg5 : memref<40x128xi32, #tpu.memory_space<vmem>>)
        tpu.yield
      }) : () -> ()
    } else {
    }
    %eq3A_50 = arith.constant 1 : i32
    %eq3A_51 = arith.cmpi eq, %arg0, %eq3A_50 : i32
    %convert_element_type3A_52 = arith.extui %eq3A_51 : i1 to i32
    %cond3A_53 = arith.constant 0 : i32
    %cond3A_54 = arith.cmpi ne, %convert_element_type3A_52, %cond3A_53 : i32
    scf.if %cond3A_54 {
      "tpu.region"() ({
        %run_scoped3A = tpu.sem_alloc : memref<!tpu.dma_semaphore, #tpu.memory_space<semaphore_mem>>
        %dma_start3A = arith.constant 40 : i32
        %dma_start3A_99 = arith.constant 0 : i32
        %dma_start3A_100 = tpu.memref_slice %arg3[%arg1, %dma_start3A, %dma_start3A_99] : memref<16x160x128xi32, #tpu.memory_space<hbm>> -> memref<1x40x128xi32, #tpu.memory_space<hbm>>
        %dma_start3A_101 = tpu.memref_squeeze %dma_start3A_100 : memref<1x40x128xi32, #tpu.memory_space<hbm>> -> memref<40x128xi32, #tpu.memory_space<hbm>>
        %dma_start3A_102 = arith.constant 40 : i32
        %dma_start3A_103 = arith.constant 0 : i32
        %dma_start3A_104 = tpu.memref_slice %arg3[%arg1, %dma_start3A_102, %dma_start3A_103] : memref<16x160x128xi32, #tpu.memory_space<hbm>> -> memref<1x40x128xi32, #tpu.memory_space<hbm>>
        %dma_start3A_105 = tpu.memref_squeeze %dma_start3A_104 : memref<1x40x128xi32, #tpu.memory_space<hbm>> -> memref<40x128xi32, #tpu.memory_space<hbm>>
        tpu.enqueue_dma source(%dma_start3A_105 : memref<40x128xi32, #tpu.memory_space<hbm>>) target(%arg5 : memref<40x128xi32, #tpu.memory_space<vmem>>) target_semaphore(%run_scoped3A : memref<!tpu.dma_semaphore, #tpu.memory_space<semaphore_mem>>)
        %dma_wait3A = arith.constant 40 : i32
        %dma_wait3A_106 = arith.constant 0 : i32
        %dma_wait3A_107 = tpu.memref_slice %arg3[%arg1, %dma_wait3A, %dma_wait3A_106] : memref<16x160x128xi32, #tpu.memory_space<hbm>> -> memref<1x40x128xi32, #tpu.memory_space<hbm>>
        %dma_wait3A_108 = tpu.memref_squeeze %dma_wait3A_107 : memref<1x40x128xi32, #tpu.memory_space<hbm>> -> memref<40x128xi32, #tpu.memory_space<hbm>>
        %dma_wait3A_109 = arith.constant 40 : i32
        %dma_wait3A_110 = arith.constant 0 : i32
        %dma_wait3A_111 = tpu.memref_slice %arg3[%arg1, %dma_wait3A_109, %dma_wait3A_110] : memref<16x160x128xi32, #tpu.memory_space<hbm>> -> memref<1x40x128xi32, #tpu.memory_space<hbm>>
        %dma_wait3A_112 = tpu.memref_squeeze %dma_wait3A_111 : memref<1x40x128xi32, #tpu.memory_space<hbm>> -> memref<40x128xi32, #tpu.memory_space<hbm>>
        tpu.wait_dma2 semaphore(%run_scoped3A : memref<!tpu.dma_semaphore, #tpu.memory_space<semaphore_mem>>) src(%dma_wait3A_112 : memref<40x128xi32, #tpu.memory_space<hbm>>) dst(%arg5 : memref<40x128xi32, #tpu.memory_space<vmem>>)
        tpu.yield
      }) : () -> ()
    } else {
    }
    %scan3A_55 = arith.constant 0 : i32
    %scan3A_56 = arith.constant 0 : i32
    %scan3A_57 = arith.constant 40 : i32
    %scan3A_58 = arith.addi %scan3A_56, %scan3A_57 : i32
    %scan3A_59 = arith.constant 1 : i32
    %scan3A_60 = scf.for %scan3A_99 = %scan3A_56 to %scan3A_58 step %scan3A_59 iter_args(%scan3A_100 = %scan3A_55) -> (i32)  : i32 {
      "tpu.region"() ({
        %run_scoped3A = tpu.sem_alloc : memref<!tpu.dma_semaphore, #tpu.memory_space<semaphore_mem>>
        %dma_start3A = arith.constant 0 : i32
        %dma_start3A_102 = tpu.memref_slice %arg5[%scan3A_99, %dma_start3A] : memref<40x128xi32, #tpu.memory_space<vmem>> -> memref<1x128xi32, #tpu.memory_space<vmem>>
        %dma_start3A_103 = tpu.memref_squeeze %dma_start3A_102 : memref<1x128xi32, #tpu.memory_space<vmem>> -> memref<128xi32, #tpu.memory_space<vmem>>
        %dma_start3A_104 = arith.constant 0 : i32
        %dma_start3A_105 = arith.constant 0 : i32
        %dma_start3A_106 = tpu.memref_slice %arg7[%dma_start3A_104, %dma_start3A_105] : memref<10240x128xf32, #tpu.memory_space<vmem_shared>> -> memref<10240x128xf32, #tpu.memory_space<vmem_shared>>
        tpu.enqueue_indirect_dma source(%arg6 : memref<128x128xf32, #tpu.memory_space<vmem>>) target(%dma_start3A_106 : memref<10240x128xf32, #tpu.memory_space<vmem_shared>>) offsets(%dma_start3A_103 : memref<128xi32, #tpu.memory_space<vmem>>) semaphore(%run_scoped3A : memref<!tpu.dma_semaphore, #tpu.memory_space<semaphore_mem>>) {add = true}
        %dma_wait3A = arith.constant 0 : i32
        %dma_wait3A_107 = tpu.memref_slice %arg5[%scan3A_99, %dma_wait3A] : memref<40x128xi32, #tpu.memory_space<vmem>> -> memref<1x128xi32, #tpu.memory_space<vmem>>
        %dma_wait3A_108 = tpu.memref_squeeze %dma_wait3A_107 : memref<1x128xi32, #tpu.memory_space<vmem>> -> memref<128xi32, #tpu.memory_space<vmem>>
        %dma_wait3A_109 = arith.constant 0 : i32
        %dma_wait3A_110 = arith.constant 0 : i32
        %dma_wait3A_111 = tpu.memref_slice %arg7[%dma_wait3A_109, %dma_wait3A_110] : memref<10240x128xf32, #tpu.memory_space<vmem_shared>> -> memref<10240x128xf32, #tpu.memory_space<vmem_shared>>
        tpu.wait_indirect_dma semaphore(%run_scoped3A : memref<!tpu.dma_semaphore, #tpu.memory_space<semaphore_mem>>) src(%arg6 : memref<128x128xf32, #tpu.memory_space<vmem>>) dst(%dma_wait3A_111 : memref<10240x128xf32, #tpu.memory_space<vmem_shared>>)
        tpu.yield
      }) : () -> ()
      %scan3A_101 = arith.constant 0 : i32
      scf.yield %scan3A_101 : i32
    }
    %scan3A_61 = arith.constant 40 : i32
    %eq3A_62 = arith.constant 0 : i32
    %eq3A_63 = arith.cmpi eq, %arg0, %eq3A_62 : i32
    %convert_element_type3A_64 = arith.extui %eq3A_63 : i1 to i32
    %cond3A_65 = arith.constant 0 : i32
    %cond3A_66 = arith.cmpi ne, %convert_element_type3A_64, %cond3A_65 : i32
    scf.if %cond3A_66 {
      "tpu.region"() ({
        %run_scoped3A = tpu.sem_alloc : memref<!tpu.dma_semaphore, #tpu.memory_space<semaphore_mem>>
        %dma_start3A = arith.constant 80 : i32
        %dma_start3A_99 = arith.constant 0 : i32
        %dma_start3A_100 = tpu.memref_slice %arg2[%arg1, %dma_start3A, %dma_start3A_99] : memref<16x160x128xi32, #tpu.memory_space<hbm>> -> memref<1x40x128xi32, #tpu.memory_space<hbm>>
        %dma_start3A_101 = tpu.memref_squeeze %dma_start3A_100 : memref<1x40x128xi32, #tpu.memory_space<hbm>> -> memref<40x128xi32, #tpu.memory_space<hbm>>
        %dma_start3A_102 = arith.constant 80 : i32
        %dma_start3A_103 = arith.constant 0 : i32
        %dma_start3A_104 = tpu.memref_slice %arg2[%arg1, %dma_start3A_102, %dma_start3A_103] : memref<16x160x128xi32, #tpu.memory_space<hbm>> -> memref<1x40x128xi32, #tpu.memory_space<hbm>>
        %dma_start3A_105 = tpu.memref_squeeze %dma_start3A_104 : memref<1x40x128xi32, #tpu.memory_space<hbm>> -> memref<40x128xi32, #tpu.memory_space<hbm>>
        tpu.enqueue_dma source(%dma_start3A_105 : memref<40x128xi32, #tpu.memory_space<hbm>>) target(%arg5 : memref<40x128xi32, #tpu.memory_space<vmem>>) target_semaphore(%run_scoped3A : memref<!tpu.dma_semaphore, #tpu.memory_space<semaphore_mem>>)
        %dma_wait3A = arith.constant 80 : i32
        %dma_wait3A_106 = arith.constant 0 : i32
        %dma_wait3A_107 = tpu.memref_slice %arg2[%arg1, %dma_wait3A, %dma_wait3A_106] : memref<16x160x128xi32, #tpu.memory_space<hbm>> -> memref<1x40x128xi32, #tpu.memory_space<hbm>>
        %dma_wait3A_108 = tpu.memref_squeeze %dma_wait3A_107 : memref<1x40x128xi32, #tpu.memory_space<hbm>> -> memref<40x128xi32, #tpu.memory_space<hbm>>
        %dma_wait3A_109 = arith.constant 80 : i32
        %dma_wait3A_110 = arith.constant 0 : i32
        %dma_wait3A_111 = tpu.memref_slice %arg2[%arg1, %dma_wait3A_109, %dma_wait3A_110] : memref<16x160x128xi32, #tpu.memory_space<hbm>> -> memref<1x40x128xi32, #tpu.memory_space<hbm>>
        %dma_wait3A_112 = tpu.memref_squeeze %dma_wait3A_111 : memref<1x40x128xi32, #tpu.memory_space<hbm>> -> memref<40x128xi32, #tpu.memory_space<hbm>>
        tpu.wait_dma2 semaphore(%run_scoped3A : memref<!tpu.dma_semaphore, #tpu.memory_space<semaphore_mem>>) src(%dma_wait3A_112 : memref<40x128xi32, #tpu.memory_space<hbm>>) dst(%arg5 : memref<40x128xi32, #tpu.memory_space<vmem>>)
        tpu.yield
      }) : () -> ()
    } else {
    }
    %eq3A_67 = arith.constant 1 : i32
    %eq3A_68 = arith.cmpi eq, %arg0, %eq3A_67 : i32
    %convert_element_type3A_69 = arith.extui %eq3A_68 : i1 to i32
    %cond3A_70 = arith.constant 0 : i32
    %cond3A_71 = arith.cmpi ne, %convert_element_type3A_69, %cond3A_70 : i32
    scf.if %cond3A_71 {
      "tpu.region"() ({
        %run_scoped3A = tpu.sem_alloc : memref<!tpu.dma_semaphore, #tpu.memory_space<semaphore_mem>>
        %dma_start3A = arith.constant 80 : i32
        %dma_start3A_99 = arith.constant 0 : i32
        %dma_start3A_100 = tpu.memref_slice %arg3[%arg1, %dma_start3A, %dma_start3A_99] : memref<16x160x128xi32, #tpu.memory_space<hbm>> -> memref<1x40x128xi32, #tpu.memory_space<hbm>>
        %dma_start3A_101 = tpu.memref_squeeze %dma_start3A_100 : memref<1x40x128xi32, #tpu.memory_space<hbm>> -> memref<40x128xi32, #tpu.memory_space<hbm>>
        %dma_start3A_102 = arith.constant 80 : i32
        %dma_start3A_103 = arith.constant 0 : i32
        %dma_start3A_104 = tpu.memref_slice %arg3[%arg1, %dma_start3A_102, %dma_start3A_103] : memref<16x160x128xi32, #tpu.memory_space<hbm>> -> memref<1x40x128xi32, #tpu.memory_space<hbm>>
        %dma_start3A_105 = tpu.memref_squeeze %dma_start3A_104 : memref<1x40x128xi32, #tpu.memory_space<hbm>> -> memref<40x128xi32, #tpu.memory_space<hbm>>
        tpu.enqueue_dma source(%dma_start3A_105 : memref<40x128xi32, #tpu.memory_space<hbm>>) target(%arg5 : memref<40x128xi32, #tpu.memory_space<vmem>>) target_semaphore(%run_scoped3A : memref<!tpu.dma_semaphore, #tpu.memory_space<semaphore_mem>>)
        %dma_wait3A = arith.constant 80 : i32
        %dma_wait3A_106 = arith.constant 0 : i32
        %dma_wait3A_107 = tpu.memref_slice %arg3[%arg1, %dma_wait3A, %dma_wait3A_106] : memref<16x160x128xi32, #tpu.memory_space<hbm>> -> memref<1x40x128xi32, #tpu.memory_space<hbm>>
        %dma_wait3A_108 = tpu.memref_squeeze %dma_wait3A_107 : memref<1x40x128xi32, #tpu.memory_space<hbm>> -> memref<40x128xi32, #tpu.memory_space<hbm>>
        %dma_wait3A_109 = arith.constant 80 : i32
        %dma_wait3A_110 = arith.constant 0 : i32
        %dma_wait3A_111 = tpu.memref_slice %arg3[%arg1, %dma_wait3A_109, %dma_wait3A_110] : memref<16x160x128xi32, #tpu.memory_space<hbm>> -> memref<1x40x128xi32, #tpu.memory_space<hbm>>
        %dma_wait3A_112 = tpu.memref_squeeze %dma_wait3A_111 : memref<1x40x128xi32, #tpu.memory_space<hbm>> -> memref<40x128xi32, #tpu.memory_space<hbm>>
        tpu.wait_dma2 semaphore(%run_scoped3A : memref<!tpu.dma_semaphore, #tpu.memory_space<semaphore_mem>>) src(%dma_wait3A_112 : memref<40x128xi32, #tpu.memory_space<hbm>>) dst(%arg5 : memref<40x128xi32, #tpu.memory_space<vmem>>)
        tpu.yield
      }) : () -> ()
    } else {
    }
    %scan3A_72 = arith.constant 0 : i32
    %scan3A_73 = arith.constant 0 : i32
    %scan3A_74 = arith.constant 40 : i32
    %scan3A_75 = arith.addi %scan3A_73, %scan3A_74 : i32
    %scan3A_76 = arith.constant 1 : i32
    %scan3A_77 = scf.for %scan3A_99 = %scan3A_73 to %scan3A_75 step %scan3A_76 iter_args(%scan3A_100 = %scan3A_72) -> (i32)  : i32 {
      "tpu.region"() ({
        %run_scoped3A = tpu.sem_alloc : memref<!tpu.dma_semaphore, #tpu.memory_space<semaphore_mem>>
        %dma_start3A = arith.constant 0 : i32
        %dma_start3A_102 = tpu.memref_slice %arg5[%scan3A_99, %dma_start3A] : memref<40x128xi32, #tpu.memory_space<vmem>> -> memref<1x128xi32, #tpu.memory_space<vmem>>
        %dma_start3A_103 = tpu.memref_squeeze %dma_start3A_102 : memref<1x128xi32, #tpu.memory_space<vmem>> -> memref<128xi32, #tpu.memory_space<vmem>>
        %dma_start3A_104 = arith.constant 0 : i32
        %dma_start3A_105 = arith.constant 0 : i32
        %dma_start3A_106 = tpu.memref_slice %arg7[%dma_start3A_104, %dma_start3A_105] : memref<10240x128xf32, #tpu.memory_space<vmem_shared>> -> memref<10240x128xf32, #tpu.memory_space<vmem_shared>>
        tpu.enqueue_indirect_dma source(%arg6 : memref<128x128xf32, #tpu.memory_space<vmem>>) target(%dma_start3A_106 : memref<10240x128xf32, #tpu.memory_space<vmem_shared>>) offsets(%dma_start3A_103 : memref<128xi32, #tpu.memory_space<vmem>>) semaphore(%run_scoped3A : memref<!tpu.dma_semaphore, #tpu.memory_space<semaphore_mem>>) {add = true}
        %dma_wait3A = arith.constant 0 : i32
        %dma_wait3A_107 = tpu.memref_slice %arg5[%scan3A_99, %dma_wait3A] : memref<40x128xi32, #tpu.memory_space<vmem>> -> memref<1x128xi32, #tpu.memory_space<vmem>>
        %dma_wait3A_108 = tpu.memref_squeeze %dma_wait3A_107 : memref<1x128xi32, #tpu.memory_space<vmem>> -> memref<128xi32, #tpu.memory_space<vmem>>
        %dma_wait3A_109 = arith.constant 0 : i32
        %dma_wait3A_110 = arith.constant 0 : i32
        %dma_wait3A_111 = tpu.memref_slice %arg7[%dma_wait3A_109, %dma_wait3A_110] : memref<10240x128xf32, #tpu.memory_space<vmem_shared>> -> memref<10240x128xf32, #tpu.memory_space<vmem_shared>>
        tpu.wait_indirect_dma semaphore(%run_scoped3A : memref<!tpu.dma_semaphore, #tpu.memory_space<semaphore_mem>>) src(%arg6 : memref<128x128xf32, #tpu.memory_space<vmem>>) dst(%dma_wait3A_111 : memref<10240x128xf32, #tpu.memory_space<vmem_shared>>)
        tpu.yield
      }) : () -> ()
      %scan3A_101 = arith.constant 0 : i32
      scf.yield %scan3A_101 : i32
    }
    %scan3A_78 = arith.constant 40 : i32
    %eq3A_79 = arith.constant 0 : i32
    %eq3A_80 = arith.cmpi eq, %arg0, %eq3A_79 : i32
    %convert_element_type3A_81 = arith.extui %eq3A_80 : i1 to i32
    %cond3A_82 = arith.constant 0 : i32
    %cond3A_83 = arith.cmpi ne, %convert_element_type3A_81, %cond3A_82 : i32
    scf.if %cond3A_83 {
      "tpu.region"() ({
        %run_scoped3A = tpu.sem_alloc : memref<!tpu.dma_semaphore, #tpu.memory_space<semaphore_mem>>
        %dma_start3A = arith.constant 120 : i32
        %dma_start3A_99 = arith.constant 0 : i32
        %dma_start3A_100 = tpu.memref_slice %arg2[%arg1, %dma_start3A, %dma_start3A_99] : memref<16x160x128xi32, #tpu.memory_space<hbm>> -> memref<1x40x128xi32, #tpu.memory_space<hbm>>
        %dma_start3A_101 = tpu.memref_squeeze %dma_start3A_100 : memref<1x40x128xi32, #tpu.memory_space<hbm>> -> memref<40x128xi32, #tpu.memory_space<hbm>>
        %dma_start3A_102 = arith.constant 120 : i32
        %dma_start3A_103 = arith.constant 0 : i32
        %dma_start3A_104 = tpu.memref_slice %arg2[%arg1, %dma_start3A_102, %dma_start3A_103] : memref<16x160x128xi32, #tpu.memory_space<hbm>> -> memref<1x40x128xi32, #tpu.memory_space<hbm>>
        %dma_start3A_105 = tpu.memref_squeeze %dma_start3A_104 : memref<1x40x128xi32, #tpu.memory_space<hbm>> -> memref<40x128xi32, #tpu.memory_space<hbm>>
        tpu.enqueue_dma source(%dma_start3A_105 : memref<40x128xi32, #tpu.memory_space<hbm>>) target(%arg5 : memref<40x128xi32, #tpu.memory_space<vmem>>) target_semaphore(%run_scoped3A : memref<!tpu.dma_semaphore, #tpu.memory_space<semaphore_mem>>)
        %dma_wait3A = arith.constant 120 : i32
        %dma_wait3A_106 = arith.constant 0 : i32
        %dma_wait3A_107 = tpu.memref_slice %arg2[%arg1, %dma_wait3A, %dma_wait3A_106] : memref<16x160x128xi32, #tpu.memory_space<hbm>> -> memref<1x40x128xi32, #tpu.memory_space<hbm>>
        %dma_wait3A_108 = tpu.memref_squeeze %dma_wait3A_107 : memref<1x40x128xi32, #tpu.memory_space<hbm>> -> memref<40x128xi32, #tpu.memory_space<hbm>>
        %dma_wait3A_109 = arith.constant 120 : i32
        %dma_wait3A_110 = arith.constant 0 : i32
        %dma_wait3A_111 = tpu.memref_slice %arg2[%arg1, %dma_wait3A_109, %dma_wait3A_110] : memref<16x160x128xi32, #tpu.memory_space<hbm>> -> memref<1x40x128xi32, #tpu.memory_space<hbm>>
        %dma_wait3A_112 = tpu.memref_squeeze %dma_wait3A_111 : memref<1x40x128xi32, #tpu.memory_space<hbm>> -> memref<40x128xi32, #tpu.memory_space<hbm>>
        tpu.wait_dma2 semaphore(%run_scoped3A : memref<!tpu.dma_semaphore, #tpu.memory_space<semaphore_mem>>) src(%dma_wait3A_112 : memref<40x128xi32, #tpu.memory_space<hbm>>) dst(%arg5 : memref<40x128xi32, #tpu.memory_space<vmem>>)
        tpu.yield
      }) : () -> ()
    } else {
    }
    %eq3A_84 = arith.constant 1 : i32
    %eq3A_85 = arith.cmpi eq, %arg0, %eq3A_84 : i32
    %convert_element_type3A_86 = arith.extui %eq3A_85 : i1 to i32
    %cond3A_87 = arith.constant 0 : i32
    %cond3A_88 = arith.cmpi ne, %convert_element_type3A_86, %cond3A_87 : i32
    scf.if %cond3A_88 {
      "tpu.region"() ({
        %run_scoped3A = tpu.sem_alloc : memref<!tpu.dma_semaphore, #tpu.memory_space<semaphore_mem>>
        %dma_start3A = arith.constant 120 : i32
        %dma_start3A_99 = arith.constant 0 : i32
        %dma_start3A_100 = tpu.memref_slice %arg3[%arg1, %dma_start3A, %dma_start3A_99] : memref<16x160x128xi32, #tpu.memory_space<hbm>> -> memref<1x40x128xi32, #tpu.memory_space<hbm>>
        %dma_start3A_101 = tpu.memref_squeeze %dma_start3A_100 : memref<1x40x128xi32, #tpu.memory_space<hbm>> -> memref<40x128xi32, #tpu.memory_space<hbm>>
        %dma_start3A_102 = arith.constant 120 : i32
        %dma_start3A_103 = arith.constant 0 : i32
        %dma_start3A_104 = tpu.memref_slice %arg3[%arg1, %dma_start3A_102, %dma_start3A_103] : memref<16x160x128xi32, #tpu.memory_space<hbm>> -> memref<1x40x128xi32, #tpu.memory_space<hbm>>
        %dma_start3A_105 = tpu.memref_squeeze %dma_start3A_104 : memref<1x40x128xi32, #tpu.memory_space<hbm>> -> memref<40x128xi32, #tpu.memory_space<hbm>>
        tpu.enqueue_dma source(%dma_start3A_105 : memref<40x128xi32, #tpu.memory_space<hbm>>) target(%arg5 : memref<40x128xi32, #tpu.memory_space<vmem>>) target_semaphore(%run_scoped3A : memref<!tpu.dma_semaphore, #tpu.memory_space<semaphore_mem>>)
        %dma_wait3A = arith.constant 120 : i32
        %dma_wait3A_106 = arith.constant 0 : i32
        %dma_wait3A_107 = tpu.memref_slice %arg3[%arg1, %dma_wait3A, %dma_wait3A_106] : memref<16x160x128xi32, #tpu.memory_space<hbm>> -> memref<1x40x128xi32, #tpu.memory_space<hbm>>
        %dma_wait3A_108 = tpu.memref_squeeze %dma_wait3A_107 : memref<1x40x128xi32, #tpu.memory_space<hbm>> -> memref<40x128xi32, #tpu.memory_space<hbm>>
        %dma_wait3A_109 = arith.constant 120 : i32
        %dma_wait3A_110 = arith.constant 0 : i32
        %dma_wait3A_111 = tpu.memref_slice %arg3[%arg1, %dma_wait3A_109, %dma_wait3A_110] : memref<16x160x128xi32, #tpu.memory_space<hbm>> -> memref<1x40x128xi32, #tpu.memory_space<hbm>>
        %dma_wait3A_112 = tpu.memref_squeeze %dma_wait3A_111 : memref<1x40x128xi32, #tpu.memory_space<hbm>> -> memref<40x128xi32, #tpu.memory_space<hbm>>
        tpu.wait_dma2 semaphore(%run_scoped3A : memref<!tpu.dma_semaphore, #tpu.memory_space<semaphore_mem>>) src(%dma_wait3A_112 : memref<40x128xi32, #tpu.memory_space<hbm>>) dst(%arg5 : memref<40x128xi32, #tpu.memory_space<vmem>>)
        tpu.yield
      }) : () -> ()
    } else {
    }
    %scan3A_89 = arith.constant 0 : i32
    %scan3A_90 = arith.constant 0 : i32
    %scan3A_91 = arith.constant 40 : i32
    %scan3A_92 = arith.addi %scan3A_90, %scan3A_91 : i32
    %scan3A_93 = arith.constant 1 : i32
    %scan3A_94 = scf.for %scan3A_99 = %scan3A_90 to %scan3A_92 step %scan3A_93 iter_args(%scan3A_100 = %scan3A_89) -> (i32)  : i32 {
      "tpu.region"() ({
        %run_scoped3A = tpu.sem_alloc : memref<!tpu.dma_semaphore, #tpu.memory_space<semaphore_mem>>
        %dma_start3A = arith.constant 0 : i32
        %dma_start3A_102 = tpu.memref_slice %arg5[%scan3A_99, %dma_start3A] : memref<40x128xi32, #tpu.memory_space<vmem>> -> memref<1x128xi32, #tpu.memory_space<vmem>>
        %dma_start3A_103 = tpu.memref_squeeze %dma_start3A_102 : memref<1x128xi32, #tpu.memory_space<vmem>> -> memref<128xi32, #tpu.memory_space<vmem>>
        %dma_start3A_104 = arith.constant 0 : i32
        %dma_start3A_105 = arith.constant 0 : i32
        %dma_start3A_106 = tpu.memref_slice %arg7[%dma_start3A_104, %dma_start3A_105] : memref<10240x128xf32, #tpu.memory_space<vmem_shared>> -> memref<10240x128xf32, #tpu.memory_space<vmem_shared>>
        tpu.enqueue_indirect_dma source(%arg6 : memref<128x128xf32, #tpu.memory_space<vmem>>) target(%dma_start3A_106 : memref<10240x128xf32, #tpu.memory_space<vmem_shared>>) offsets(%dma_start3A_103 : memref<128xi32, #tpu.memory_space<vmem>>) semaphore(%run_scoped3A : memref<!tpu.dma_semaphore, #tpu.memory_space<semaphore_mem>>) {add = true}
        %dma_wait3A = arith.constant 0 : i32
        %dma_wait3A_107 = tpu.memref_slice %arg5[%scan3A_99, %dma_wait3A] : memref<40x128xi32, #tpu.memory_space<vmem>> -> memref<1x128xi32, #tpu.memory_space<vmem>>
        %dma_wait3A_108 = tpu.memref_squeeze %dma_wait3A_107 : memref<1x128xi32, #tpu.memory_space<vmem>> -> memref<128xi32, #tpu.memory_space<vmem>>
        %dma_wait3A_109 = arith.constant 0 : i32
        %dma_wait3A_110 = arith.constant 0 : i32
        %dma_wait3A_111 = tpu.memref_slice %arg7[%dma_wait3A_109, %dma_wait3A_110] : memref<10240x128xf32, #tpu.memory_space<vmem_shared>> -> memref<10240x128xf32, #tpu.memory_space<vmem_shared>>
        tpu.wait_indirect_dma semaphore(%run_scoped3A : memref<!tpu.dma_semaphore, #tpu.memory_space<semaphore_mem>>) src(%arg6 : memref<128x128xf32, #tpu.memory_space<vmem>>) dst(%dma_wait3A_111 : memref<10240x128xf32, #tpu.memory_space<vmem_shared>>)
        tpu.yield
      }) : () -> ()
      %scan3A_101 = arith.constant 0 : i32
      scf.yield %scan3A_101 : i32
    }
    %scan3A_95 = arith.constant 40 : i32
    %barrier3A_96 = arith.constant 0 : index
    tpu.barrier barrier_id(%barrier3A_96)
    %mul3A_97 = arith.constant 640 : i32
    %mul3A_98 = arith.muli %arg1, %mul3A_97 : i32
    "tpu.region"() ({
      %run_scoped3A = tpu.sem_alloc : memref<!tpu.dma_semaphore, #tpu.memory_space<semaphore_mem>>
      %dma_start3A = arith.constant 0 : i32
      %dma_start3A_99 = tpu.memref_slice %arg4[%arg0, %mul3A_98, %dma_start3A] : memref<2x10240x128xf32, #tpu.memory_space<hbm>> -> memref<1x640x128xf32, #tpu.memory_space<hbm>>
      %dma_start3A_100 = tpu.memref_squeeze %dma_start3A_99 : memref<1x640x128xf32, #tpu.memory_space<hbm>> -> memref<640x128xf32, #tpu.memory_space<hbm>>
      %dma_start3A_101 = arith.constant 0 : i32
      %dma_start3A_102 = tpu.memref_slice %arg7[%mul3A_98, %dma_start3A_101] : memref<10240x128xf32, #tpu.memory_space<vmem_shared>> -> memref<640x128xf32, #tpu.memory_space<vmem_shared>>
      tpu.enqueue_dma source(%dma_start3A_102 : memref<640x128xf32, #tpu.memory_space<vmem_shared>>) target(%dma_start3A_100 : memref<640x128xf32, #tpu.memory_space<hbm>>) target_semaphore(%run_scoped3A : memref<!tpu.dma_semaphore, #tpu.memory_space<semaphore_mem>>)
      %dma_wait3A = arith.constant 0 : i32
      %dma_wait3A_103 = tpu.memref_slice %arg4[%arg0, %mul3A_98, %dma_wait3A] : memref<2x10240x128xf32, #tpu.memory_space<hbm>> -> memref<1x640x128xf32, #tpu.memory_space<hbm>>
      %dma_wait3A_104 = tpu.memref_squeeze %dma_wait3A_103 : memref<1x640x128xf32, #tpu.memory_space<hbm>> -> memref<640x128xf32, #tpu.memory_space<hbm>>
      %dma_wait3A_105 = arith.constant 0 : i32
      %dma_wait3A_106 = tpu.memref_slice %arg7[%mul3A_98, %dma_wait3A_105] : memref<10240x128xf32, #tpu.memory_space<vmem_shared>> -> memref<640x128xf32, #tpu.memory_space<vmem_shared>>
      tpu.wait_dma2 semaphore(%run_scoped3A : memref<!tpu.dma_semaphore, #tpu.memory_space<semaphore_mem>>) src(%dma_wait3A_106 : memref<640x128xf32, #tpu.memory_space<vmem_shared>>) dst(%dma_wait3A_104 : memref<640x128xf32, #tpu.memory_space<hbm>>)
      tpu.yield
    }) : () -> ()
    return
  }
}

module attributes {stable_mosaic.version = 14 : i64} {
  func.func @_tc_a_body(%arg0: i32, %arg1: memref<1024x128xf32, #tpu.memory_space<vmem>>, %arg2: memref<128x128xf32, #tpu.memory_space<vmem>>, %arg3: memref<2x1024xf32, #tpu.memory_space<vmem>>, %arg4: memref<1024x128xf32, #tpu.memory_space<vmem>>, %arg5: memref<1024x1xf32, #tpu.memory_space<vmem>>, %arg6: memref<1024x1xf32, #tpu.memory_space<vmem>>) attributes {dimension_semantics = [#tpu.dimension_semantics<arbitrary>], iteration_bounds = array<i64: 10>, scalar_prefetch = 0 : i64, scratch_operands = 0 : i64, tpu.core_type = #tpu.core_type<tc>, window_params = [{transform_indices = @transform_0, window_bounds = array<i64: 1024, 128>}, {pipeline_mode = #tpu.pipeline_mode<synchronous>, transform_indices = @transform_1, window_bounds = array<i64: 128, 128>}, {transform_indices = @transform_2, window_bounds = array<i64: 2, 1024>}, {transform_indices = @transform_3, window_bounds = array<i64: 1024, 128>}, {transform_indices = @transform_4, window_bounds = array<i64: 1024, 1>}, {transform_indices = @transform_5, window_bounds = array<i64: 1024, 1>}]} {
    %get3A = arith.constant 0 : index
    %get3A_0 = arith.constant 0 : index
    %get3A_1 = vector.load %arg3[%get3A, %get3A_0] : memref<2x1024xf32, #tpu.memory_space<vmem>>, vector<2x1024xf32>
    %slice3A = vector.extract_strided_slice %get3A_1 {offsets = [0, 0], sizes = [1, 1024], strides = [1, 1]} : vector<2x1024xf32> to vector<1x1024xf32>
    %jit3A = arith.constant 1.000000e+00 : f32
    %max3A = vector.broadcast %jit3A : f32 to vector<1x1024xf32>
    %max3A_2 = arith.maximumf %max3A, %slice3A : vector<1x1024xf32>
    %rsqrt3A = math.rsqrt %max3A_2 : vector<1x1024xf32>
    %slice3A_3 = vector.extract_strided_slice %get3A_1 {offsets = [1, 0], sizes = [1, 1024], strides = [1, 1]} : vector<2x1024xf32> to vector<1x1024xf32>
    %jit3A_4 = arith.constant 1.000000e+00 : f32
    %max3A_5 = vector.broadcast %jit3A_4 : f32 to vector<1x1024xf32>
    %max3A_6 = arith.maximumf %max3A_5, %slice3A_3 : vector<1x1024xf32>
    %rsqrt3A_7 = math.rsqrt %max3A_6 : vector<1x1024xf32>
    %iota3A = tpu.iota {dimensions = array<i32: 0>} : vector<1024x1024xi32>
    %iota3A_8 = tpu.iota {dimensions = array<i32: 1>} : vector<1024x1024xi32>
    %eq3A = arith.cmpi eq, %iota3A, %iota3A_8 : vector<1024x1024xi32>
    %convert_element_type3A = arith.extui %eq3A : vector<1024x1024xi1> to vector<1024x1024xi32>
    %convert_element_type3A_9 = arith.sitofp %convert_element_type3A : vector<1024x1024xi32> to vector<1024x1024xf32>
    %dot_general3A = arith.constant dense<0.000000e+00> : vector<1024x1xf32>
    %dot_general3A_10 = tpu.matmul %convert_element_type3A_9, %rsqrt3A, %dot_general3A {dimension_numbers = #tpu.dot_dimension_numbers<[1], [1], [0], [0], [0, 0, 1, 0], [], []>, transpose_lhs_hint = false} : vector<1024x1024xf32>, vector<1x1024xf32>, vector<1024x1xf32> -> vector<1024x1xf32>
    %dot_general3A_11 = arith.constant dense<0.000000e+00> : vector<1024x1xf32>
    %dot_general3A_12 = tpu.matmul %convert_element_type3A_9, %rsqrt3A_7, %dot_general3A_11 {dimension_numbers = #tpu.dot_dimension_numbers<[1], [1], [0], [0], [0, 0, 1, 0], [], []>, transpose_lhs_hint = false} : vector<1024x1024xf32>, vector<1x1024xf32>, vector<1024x1xf32> -> vector<1024x1xf32>
    %get3A_13 = arith.constant 0 : index
    %get3A_14 = arith.constant 0 : index
    %get3A_15 = vector.load %arg1[%get3A_13, %get3A_14] : memref<1024x128xf32, #tpu.memory_space<vmem>>, vector<1024x128xf32>
    %get3A_16 = arith.constant 0 : index
    %get3A_17 = arith.constant 0 : index
    %get3A_18 = vector.load %arg2[%get3A_16, %get3A_17] : memref<128x128xf32, #tpu.memory_space<vmem>>, vector<128x128xf32>
    %dot_general3A_19 = arith.constant dense<0.000000e+00> : vector<1024x128xf32>
    %dot_general3A_20 = tpu.matmul %get3A_15, %get3A_18, %dot_general3A_19 {dimension_numbers = #tpu.dot_dimension_numbers<[1], [0], [0], [1], [0, 0, 1, 1], [], []>, transpose_lhs_hint = false} : vector<1024x128xf32>, vector<128x128xf32>, vector<1024x128xf32> -> vector<1024x128xf32>
    %mul3A = vector.broadcast %dot_general3A_10 : vector<1024x1xf32> to vector<1024x128xf32>
    %mul3A_21 = arith.mulf %dot_general3A_20, %mul3A : vector<1024x128xf32>
    %swap3A = arith.constant 0 : index
    %swap3A_22 = arith.constant 0 : index
    %swap3A_23 = vector.load %arg4[%swap3A, %swap3A_22] : memref<1024x128xf32, #tpu.memory_space<vmem>>, vector<1024x128xf32>
    tpu.vector_store %arg4[%swap3A, %swap3A_22], %mul3A_21 {strides = array<i32>} : memref<1024x128xf32, #tpu.memory_space<vmem>>, vector<1024x128xf32>,
    %swap3A_24 = arith.constant 0 : index
    %swap3A_25 = arith.constant 0 : index
    %swap3A_26 = vector.load %arg5[%swap3A_24, %swap3A_25] : memref<1024x1xf32, #tpu.memory_space<vmem>>, vector<1024x1xf32>
    tpu.vector_store %arg5[%swap3A_24, %swap3A_25], %dot_general3A_10 {strides = array<i32>} : memref<1024x1xf32, #tpu.memory_space<vmem>>, vector<1024x1xf32>,
    %swap3A_27 = arith.constant 0 : index
    %swap3A_28 = arith.constant 0 : index
    %swap3A_29 = vector.load %arg6[%swap3A_27, %swap3A_28] : memref<1024x1xf32, #tpu.memory_space<vmem>>, vector<1024x1xf32>
    tpu.vector_store %arg6[%swap3A_27, %swap3A_28], %dot_general3A_12 {strides = array<i32>} : memref<1024x1xf32, #tpu.memory_space<vmem>>, vector<1024x1xf32>,
    return
  }
  func.func @transform_0(%arg0: i32) -> (i32, i32) {
    %c0_i32 = arith.constant 0 : i32
    %c0_i32_0 = arith.constant 0 : i32
    return %arg0, %c0_i32 : i32, i32
  }
  func.func @transform_1(%arg0: i32) -> (i32, i32) {
    %c0_i32 = arith.constant 0 : i32
    %c0_i32_0 = arith.constant 0 : i32
    %c0_i32_1 = arith.constant 0 : i32
    return %c0_i32, %c0_i32_0 : i32, i32
  }
  func.func @transform_2(%arg0: i32) -> (i32, i32) {
    %c0_i32 = arith.constant 0 : i32
    %c0_i32_0 = arith.constant 0 : i32
    return %c0_i32, %arg0 : i32, i32
  }
  func.func @transform_3(%arg0: i32) -> (i32, i32) {
    %c0_i32 = arith.constant 0 : i32
    %c0_i32_0 = arith.constant 0 : i32
    return %arg0, %c0_i32 : i32, i32
  }
  func.func @transform_4(%arg0: i32) -> (i32, i32) {
    %c0_i32 = arith.constant 0 : i32
    %c0_i32_0 = arith.constant 0 : i32
    return %arg0, %c0_i32 : i32, i32
  }
  func.func @transform_5(%arg0: i32) -> (i32, i32) {
    %c0_i32 = arith.constant 0 : i32
    %c0_i32_0 = arith.constant 0 : i32
    return %arg0, %c0_i32 : i32, i32
  }
}

module attributes {stable_mosaic.version = 14 : i64} {
  func.func @_tc_b_body(%arg0: i32, %arg1: memref<2x1024x128xf32, #tpu.memory_space<vmem>>, %arg2: memref<1024x1xf32, #tpu.memory_space<vmem>>, %arg3: memref<1024x1xf32, #tpu.memory_space<vmem>>, %arg4: memref<1x128xf32, #tpu.memory_space<vmem>>, %arg5: memref<128x128xf32, #tpu.memory_space<vmem>>, %arg6: memref<1024x128xf32, #tpu.memory_space<vmem>>) attributes {dimension_semantics = [#tpu.dimension_semantics<arbitrary>], iteration_bounds = array<i64: 10>, scalar_prefetch = 0 : i64, scratch_operands = 0 : i64, tpu.core_type = #tpu.core_type<tc>, window_params = [{transform_indices = @transform_0, window_bounds = array<i64: 2, 1024, 128>}, {transform_indices = @transform_1, window_bounds = array<i64: 1024, 1>}, {transform_indices = @transform_2, window_bounds = array<i64: 1024, 1>}, {pipeline_mode = #tpu.pipeline_mode<synchronous>, transform_indices = @transform_3, window_bounds = array<i64: 1, 128>}, {pipeline_mode = #tpu.pipeline_mode<synchronous>, transform_indices = @transform_4, window_bounds = array<i64: 128, 128>}, {transform_indices = @transform_5, window_bounds = array<i64: 1024, 128>}]} {
    %get3A = arith.constant 0 : index
    %get3A_0 = arith.constant 0 : index
    %get3A_1 = arith.constant 0 : index
    %get3A_2 = vector.load %arg1[%get3A, %get3A_0, %get3A_1] : memref<2x1024x128xf32, #tpu.memory_space<vmem>>, vector<1x1024x128xf32>
    %get3A_3 = vector.shape_cast %get3A_2 : vector<1x1024x128xf32> to vector<1024x128xf32>
    %get3A_4 = arith.constant 1 : index
    %get3A_5 = arith.constant 0 : index
    %get3A_6 = arith.constant 0 : index
    %get3A_7 = vector.load %arg1[%get3A_4, %get3A_5, %get3A_6] : memref<2x1024x128xf32, #tpu.memory_space<vmem>>, vector<1x1024x128xf32>
    %get3A_8 = vector.shape_cast %get3A_7 : vector<1x1024x128xf32> to vector<1024x128xf32>
    %add3A = arith.addf %get3A_3, %get3A_8 : vector<1024x128xf32>
    %get3A_9 = arith.constant 0 : index
    %get3A_10 = arith.constant 0 : index
    %get3A_11 = vector.load %arg2[%get3A_9, %get3A_10] : memref<1024x1xf32, #tpu.memory_space<vmem>>, vector<1024x1xf32>
    %mul3A = vector.broadcast %get3A_11 : vector<1024x1xf32> to vector<1024x128xf32>
    %mul3A_12 = arith.mulf %add3A, %mul3A : vector<1024x128xf32>
    %get3A_13 = arith.constant 0 : index
    %get3A_14 = arith.constant 0 : index
    %get3A_15 = vector.load %arg4[%get3A_13, %get3A_14] : memref<1x128xf32, #tpu.memory_space<vmem>>, vector<1x128xf32>
    %add3A_16 = vector.broadcast %get3A_15 : vector<1x128xf32> to vector<1024x128xf32>
    %add3A_17 = arith.addf %mul3A_12, %add3A_16 : vector<1024x128xf32>
    %max3A = arith.constant 0.000000e+00 : f32
    %max3A_18 = vector.broadcast %max3A : f32 to vector<1024x128xf32>
    %max3A_19 = arith.maximumf %add3A_17, %max3A_18 : vector<1024x128xf32>
    %get3A_20 = arith.constant 0 : index
    %get3A_21 = arith.constant 0 : index
    %get3A_22 = vector.load %arg3[%get3A_20, %get3A_21] : memref<1024x1xf32, #tpu.memory_space<vmem>>, vector<1024x1xf32>
    %mul3A_23 = vector.broadcast %get3A_22 : vector<1024x1xf32> to vector<1024x128xf32>
    %mul3A_24 = arith.mulf %max3A_19, %mul3A_23 : vector<1024x128xf32>
    %get3A_25 = arith.constant 0 : index
    %get3A_26 = arith.constant 0 : index
    %get3A_27 = vector.load %arg5[%get3A_25, %get3A_26] : memref<128x128xf32, #tpu.memory_space<vmem>>, vector<128x128xf32>
    %dot_general3A = arith.constant dense<0.000000e+00> : vector<1024x128xf32>
    %dot_general3A_28 = tpu.matmul %mul3A_24, %get3A_27, %dot_general3A {dimension_numbers = #tpu.dot_dimension_numbers<[1], [0], [0], [1], [0, 0, 1, 1], [], []>, transpose_lhs_hint = false} : vector<1024x128xf32>, vector<128x128xf32>, vector<1024x128xf32> -> vector<1024x128xf32>
    %swap3A = arith.constant 0 : index
    %swap3A_29 = arith.constant 0 : index
    %swap3A_30 = vector.load %arg6[%swap3A, %swap3A_29] : memref<1024x128xf32, #tpu.memory_space<vmem>>, vector<1024x128xf32>
    tpu.vector_store %arg6[%swap3A, %swap3A_29], %dot_general3A_28 {strides = array<i32>} : memref<1024x128xf32, #tpu.memory_space<vmem>>, vector<1024x128xf32>,
    return
  }
  func.func @transform_0(%arg0: i32) -> (i32, i32, i32) {
    %c0_i32 = arith.constant 0 : i32
    %c0_i32_0 = arith.constant 0 : i32
    %c0_i32_1 = arith.constant 0 : i32
    return %c0_i32, %arg0, %c0_i32_0 : i32, i32, i32
  }
  func.func @transform_1(%arg0: i32) -> (i32, i32) {
    %c0_i32 = arith.constant 0 : i32
    %c0_i32_0 = arith.constant 0 : i32
    return %arg0, %c0_i32 : i32, i32
  }
  func.func @transform_2(%arg0: i32) -> (i32, i32) {
    %c0_i32 = arith.constant 0 : i32
    %c0_i32_0 = arith.constant 0 : i32
    return %arg0, %c0_i32 : i32, i32
  }
  func.func @transform_3(%arg0: i32) -> (i32, i32) {
    %c0_i32 = arith.constant 0 : i32
    %c0_i32_0 = arith.constant 0 : i32
    %c0_i32_1 = arith.constant 0 : i32
    return %c0_i32, %c0_i32_0 : i32, i32
  }
  func.func @transform_4(%arg0: i32) -> (i32, i32) {
    %c0_i32 = arith.constant 0 : i32
    %c0_i32_0 = arith.constant 0 : i32
    %c0_i32_1 = arith.constant 0 : i32
    return %c0_i32, %c0_i32_0 : i32, i32
  }
  func.func @transform_5(%arg0: i32) -> (i32, i32) {
    %c0_i32 = arith.constant 0 : i32
    %c0_i32_0 = arith.constant 0 : i32
    return %arg0, %c0_i32 : i32, i32
  }
}

module attributes {stable_mosaic.version = 14 : i64} {
  func.func @_tc_c_body(%arg0: i32, %arg1: memref<2x1024x128xf32, #tpu.memory_space<vmem>>, %arg2: memref<1024x1xf32, #tpu.memory_space<vmem>>, %arg3: memref<1x128xf32, #tpu.memory_space<vmem>>, %arg4: memref<1024x128xf32, #tpu.memory_space<vmem>>) attributes {dimension_semantics = [#tpu.dimension_semantics<arbitrary>], iteration_bounds = array<i64: 10>, scalar_prefetch = 0 : i64, scratch_operands = 0 : i64, tpu.core_type = #tpu.core_type<tc>, window_params = [{transform_indices = @transform_0, window_bounds = array<i64: 2, 1024, 128>}, {transform_indices = @transform_1, window_bounds = array<i64: 1024, 1>}, {pipeline_mode = #tpu.pipeline_mode<synchronous>, transform_indices = @transform_2, window_bounds = array<i64: 1, 128>}, {transform_indices = @transform_3, window_bounds = array<i64: 1024, 128>}]} {
    %get3A = arith.constant 0 : index
    %get3A_0 = arith.constant 0 : index
    %get3A_1 = arith.constant 0 : index
    %get3A_2 = vector.load %arg1[%get3A, %get3A_0, %get3A_1] : memref<2x1024x128xf32, #tpu.memory_space<vmem>>, vector<1x1024x128xf32>
    %get3A_3 = vector.shape_cast %get3A_2 : vector<1x1024x128xf32> to vector<1024x128xf32>
    %get3A_4 = arith.constant 1 : index
    %get3A_5 = arith.constant 0 : index
    %get3A_6 = arith.constant 0 : index
    %get3A_7 = vector.load %arg1[%get3A_4, %get3A_5, %get3A_6] : memref<2x1024x128xf32, #tpu.memory_space<vmem>>, vector<1x1024x128xf32>
    %get3A_8 = vector.shape_cast %get3A_7 : vector<1x1024x128xf32> to vector<1024x128xf32>
    %add3A = arith.addf %get3A_3, %get3A_8 : vector<1024x128xf32>
    %get3A_9 = arith.constant 0 : index
    %get3A_10 = arith.constant 0 : index
    %get3A_11 = vector.load %arg2[%get3A_9, %get3A_10] : memref<1024x1xf32, #tpu.memory_space<vmem>>, vector<1024x1xf32>
    %mul3A = vector.broadcast %get3A_11 : vector<1024x1xf32> to vector<1024x128xf32>
    %mul3A_12 = arith.mulf %add3A, %mul3A : vector<1024x128xf32>
    %get3A_13 = arith.constant 0 : index
    %get3A_14 = arith.constant 0 : index
    %get3A_15 = vector.load %arg3[%get3A_13, %get3A_14] : memref<1x128xf32, #tpu.memory_space<vmem>>, vector<1x128xf32>
    %add3A_16 = vector.broadcast %get3A_15 : vector<1x128xf32> to vector<1024x128xf32>
    %add3A_17 = arith.addf %mul3A_12, %add3A_16 : vector<1024x128xf32>
    %swap3A = arith.constant 0 : index
    %swap3A_18 = arith.constant 0 : index
    %swap3A_19 = vector.load %arg4[%swap3A, %swap3A_18] : memref<1024x128xf32, #tpu.memory_space<vmem>>, vector<1024x128xf32>
    tpu.vector_store %arg4[%swap3A, %swap3A_18], %add3A_17 {strides = array<i32>} : memref<1024x128xf32, #tpu.memory_space<vmem>>, vector<1024x128xf32>,
    return
  }
  func.func @transform_0(%arg0: i32) -> (i32, i32, i32) {
    %c0_i32 = arith.constant 0 : i32
    %c0_i32_0 = arith.constant 0 : i32
    %c0_i32_1 = arith.constant 0 : i32
    return %c0_i32, %arg0, %c0_i32_0 : i32, i32, i32
  }
  func.func @transform_1(%arg0: i32) -> (i32, i32) {
    %c0_i32 = arith.constant 0 : i32
    %c0_i32_0 = arith.constant 0 : i32
    return %arg0, %c0_i32 : i32, i32
  }
  func.func @transform_2(%arg0: i32) -> (i32, i32) {
    %c0_i32 = arith.constant 0 : i32
    %c0_i32_0 = arith.constant 0 : i32
    %c0_i32_1 = arith.constant 0 : i32
    return %c0_i32, %c0_i32_0 : i32, i32
  }
  func.func @transform_3(%arg0: i32) -> (i32, i32) {
    %c0_i32 = arith.constant 0 : i32
    %c0_i32_0 = arith.constant 0 : i32
    return %arg0, %c0_i32 : i32, i32
  }
}

</mosaic_0001>

<sc_bundles>
// kernel: kernel.11.cloned.1.call-start
scs
__scs_entry_jumppad:
0x0: {  	(pc) =	sbr.rel $0x88, $3  }
0x1: {  	(tag) =	ssettag $0x0;
	lr =	simm.s32 $0x1  }
0x2: {  	[smem:$0x3F9B] =	sst lr;
	_ =	strace $0xD0000000  }
0x3: {  	_ = 	snop  }
0x4: {  	_ = 	snop  }
0x5: {  	_ = 	snop  }
0x6: {  	_ = 	snop  }
0x7: {  	_ = 	snop  }
__scs_overlays_trampoline_lowered:
0x8: {  	[smem:$0x3FAA] =	sst s0  }
0x9: {  	[smem:$0x3FAB] =	sst s1  }
0xa: {  	[smem:$0x3FAC] =	sst s2  }
0xb: {  	[smem:$0x3FAD] =	sst s3  }
0xc: {  	[smem:$0x3FAE] =	sst s4  }
0xd: {  	[smem:$0x3FAF] =	sst s5  }
0xe: {  	[smem:$0x3FB0] =	sst s6  }
0xf: {  	[smem:$0x3FB1] =	sst s7  }
0x10: {  	[smem:$0x3FB2] =	sst s8  }
0x11: {  	[smem:$0x3FB3] =	sst s9;
	s0 =	simm.s32 @!p0 $0x0  }
0x12: {  	s1 =	sld [smem:$0x3F99];
	s0 =	simm.s32 @p0 $0x1  }
0x13: {  	[smem:$0x3FB4] =	sst s0;
	s0 =	simm.s32 @!p1 $0x0  }
0x14: {  	s2 =	sld [smem:$0x3F98];
	s0 =	simm.s32 @p1 $0x1  }
0x15: {  	[smem:$0x3FB5] =	sst s0;
	s0 =	simm.s32 @!p2 $0x0  }
0x16: {  	s3 =	sld [smem:$0x3FDB];
	s0 =	simm.s32 @p2 $0x1  }
0x17: {  	s4 =	simm.s32 $0x1BF5;
	[smem:$0x3FB7] =	sst s0  }
0x18: {  	s0 =	sld [smem:$0x3F9A];
	_ =	swait.ge [sflag:s4], $0x0  }
0x19: {  	s7 =	sld [smem:$0x3F9B]  }
0x1a: {  	s8 =	sadd.s32 $0xFFFFE003, lr  }
0x1b: {  	s9 =	sadd.s32 $0xFFFFFEF7, lr;
	s5 =	simm.s32 $0xFFFFFFFF;
	p2 =	slt.u32 s8, $0xFFFFF086  }
0x1c: {  	p1 =	slt.u32 s9, $0xF7A;
	s5 =	simm.s32 @!p2 $0x0  }
0x1d: {  	s5 =	simm.s32 @p1 $0x1;
	p0 =	seq.s32 s7, s2  }
0x1e: {  	s7 =	smul.u32 @!p0 $0xF7A, s2;
	p2 =	seq.s32 @!p0 s5, $0x0  }
0x1f: {  	s9 =	smul.u32 $0xF7A, s1;
	s8 =	simm.s32 @!p0 $0x1BF5;
	p2 =	por !p2, p0  }
0x20: {  	[sflag:s8] =	ssyncset.s32 @!p0 $0xFFFFF086;
	s6 =	sadd.s32 @!p0 s3, s7;
	s7 =	simm.s32 @!p0 $0x108  }
0x21: {  	s3 =	sadd.s32 s3, s9;
	s6 =	sadd.s32 @!p0 $0x88, s6;
	s7 =	simm.s32 @p2 $0x1082  }
0x22: {  	[simem:s7], [sflag:s8] =	dma.local @!p0 [hbm:s6], $0xF7A  }
0x23: {  	s9 =	sor.u32 $0xD0000000, s2;
	s6 =	simm.s32 $0x108;
	_ =	swait.ge @!p0 [sflag:s8], $0x0  }
0x24: {  	s3 =	sadd.s32 $0x88, s3;
	s6 =	simm.s32 @!p1 $0x1082;
	[sflag:s4] =	ssyncset.s32 $0xFFFFF086  }
0x25: {  	[simem:s6], [sflag:s4] =	dma.local [hbm:s3], $0xF7A  }
0x26: {  	[smem:$0x3F9B] =	sst s1;
	(tag) =	ssettag s2;
	_ =	strace s9  }
0x27: {  	s1 =	sld [smem:$0x3FAB]  }
0x28: {  	s2 =	sld [smem:$0x3FAC]  }
0x29: {  	s4 =	sld [smem:$0x3FAE]  }
0x2a: {  	p0 =	seq.s32 s5, $0x0;
	s5 =	sld [smem:$0x3FAF]  }
0x2b: {  	s6 =	sld [smem:$0x3FB0]  }
0x2c: {  	s7 =	sld [smem:$0x3FB1]  }
0x2d: {  	s3 =	simm.s32 $0x108;
	s8 =	sld [smem:$0x3FB2]  }
0x2e: {  	s3 =	simm.s32 @!p0 $0x1082;
	s9 =	sld [smem:$0x3FB3]  }
0x2f: {  	lr =	sadd.s32 s0, s3;
	s0 =	sld [smem:$0x3FAA]  }
0x30: {  	s3 =	sld [smem:$0x3FAD]  }
0x31: {  	[smem:$0x3FB6] =	sst s10  }
0x32: {  	s10 =	sld [smem:$0x3FB4];
	_ =	sdelay $0x3  }
0x33: {  	p0 =	seq.s32 s10, $0x1;
	s10 =	sld [smem:$0x3FB6];
	_ =	sdelay $0x3  }
0x34: {  	[smem:$0x3FB6] =	sst s10  }
0x35: {  	s10 =	sld [smem:$0x3FB5];
	_ =	sdelay $0x3  }
0x36: {  	p1 =	seq.s32 s10, $0x1;
	s10 =	sld [smem:$0x3FB6];
	_ =	sdelay $0x3  }
0x37: {  	[smem:$0x3FB6] =	sst s10  }
0x38: {  	s10 =	sld [smem:$0x3FB7]  }
0x39: {  	_ = 	snop;
	(pc) =	sbr.ind lr, $3  }
0x3a: {  	_ = 	snop  }
0x3b: {  	_ = 	snop  }
0x3c: {  	p2 =	seq.s32 s10, $0x1;
	s10 =	sld [smem:$0x3FB6]  }
0x3d: {  	_ =	shalt  }
0x3e: {  	_ =	shalt  }
0x3f: {  	_ =	shalt  }
0x40: {  	_ =	shalt  }
0x41: {  	_ =	shalt  }
0x42: {  	_ =	shalt  }
0x43: {  	_ =	shalt  }
0x44: {  	_ =	shalt  }
0x45: {  	_ =	shalt  }
0x46: {  	_ =	shalt  }
0x47: {  	_ =	shalt  }
0x48: {  	_ =	shalt  }
0x49: {  	_ =	shalt  }
0x4a: {  	_ =	shalt  }
0x4b: {  	_ =	shalt  }
0x4c: {  	_ =	shalt  }
0x4d: {  	_ =	shalt  }
0x4e: {  	_ =	shalt  }
0x4f: {  	_ =	shalt  }
0x50: {  	_ =	shalt  }
0x51: {  	_ =	shalt  }
0x52: {  	_ =	shalt  }
0x53: {  	_ =	shalt  }
0x54: {  	_ =	shalt  }
0x55: {  	_ =	shalt  }
0x56: {  	_ =	shalt  }
0x57: {  	_ =	shalt  }
0x58: {  	_ =	shalt  }
0x59: {  	_ =	shalt  }
0x5a: {  	_ =	shalt  }
0x5b: {  	_ =	shalt  }
0x5c: {  	_ =	shalt  }
0x5d: {  	_ =	shalt  }
0x5e: {  	_ =	shalt  }
0x5f: {  	_ =	shalt  }
0x60: {  	_ =	shalt  }
0x61: {  	_ =	shalt  }
0x62: {  	_ =	shalt  }
0x63: {  	_ =	shalt  }
0x64: {  	_ =	shalt  }
0x65: {  	_ =	shalt  }
0x66: {  	_ =	shalt  }
0x67: {  	_ =	shalt  }
0x68: {  	_ =	shalt  }
0x69: {  	_ =	shalt  }
0x6a: {  	_ =	shalt  }
0x6b: {  	_ =	shalt  }
0x6c: {  	_ =	shalt  }
0x6d: {  	_ =	shalt  }
0x6e: {  	_ =	shalt  }
0x6f: {  	_ =	shalt  }
0x70: {  	_ =	shalt  }
0x71: {  	_ =	shalt  }
0x72: {  	_ =	shalt  }
0x73: {  	_ =	shalt  }
0x74: {  	_ =	shalt  }
0x75: {  	_ =	shalt  }
0x76: {  	_ =	shalt  }
0x77: {  	_ =	shalt  }
0x78: {  	_ =	shalt  }
0x79: {  	_ =	shalt  }
0x7a: {  	_ =	shalt  }
0x7b: {  	_ =	shalt  }
0x7c: {  	_ =	shalt  }
0x7d: {  	_ =	shalt  }
0x7e: {  	_ =	shalt  }
0x7f: {  	_ =	shalt  }
0x80: {  	_ =	shalt  }
0x81: {  	_ =	shalt  }
0x82: {  	_ =	shalt  }
0x83: {  	_ =	shalt  }
0x84: {  	_ =	shalt  }
0x85: {  	_ =	shalt  }
0x86: {  	_ =	shalt  }
0x87: {  	_ =	shalt  }
.Lfunc_end0:
.L_simem_size_0:
called_computation.1_lowered:
.L_overlay_start_0:
0x88: {  	s2 =	sld [smem:$0x3FD9]  }
0x89: {  	s3 =	sld [smem:$0x3FFE];
	_ =	sdelay $0x1  }
0x8a: {  	s1 =	srdreg.scid  }
0x8b: {  	s0 =	sand.u32 $0x1, s1  }
0x8c: {  	s17 =	sshll.u32 s0, $0xA;
	s2 =	sadd.s32 s3, s2  }
0x8d: {  	s2 =	sadd.s32 s2, s17  }
0x8e: {  	[smem:$0x3FC2] =	sst s2  }
0x8f: {  	_ = 	snop  }
0x90: {  	s2 =	sld [smem:$0x3FD0];
	(tm) =	ssettm $0x1  }
0x91: {  	s18 =	sld [smem:$0x3FFB];
	_ =	sdelay $0x3  }
0x92: {  	_ =	strace s18  }
0x93: {  	s3 =	sld [smem:$0x3FFC];
	_ =	sdelay $0x3  }
0x94: {  	_ =	strace s3  }
0x95: {  	s3 =	sld [smem:$0x3FFD];
	_ =	sdelay $0x3  }
0x96: {  	_ =	strace s3  }
0x97: {  	_ =	strace $0x8FFFFFFF  }
0x98: {  	s19 =	sld [smem:$0x3FDB];
	_ =	sdelay $0x1  }
0x99: {  	s4 =	simm.s32 $_scs_section_size  }
0x9a: {  	s5 =	simm.s32 $_size__tile_overlayer_lowered;
	s6 =	simm.s32 $_tile_overlayer_lowered  }
0x9b: {  	s22 =	simm.s32 $0x1BFF;
	s21 =	sshll.u32 s6, $0x1;
	s3 =	sadd.s32 s4, s19  }
0x9c: {  	s7 =	simm.s32 $0x0;
	s20 =	sshll.u32 s5, $0x1;
	s5 =	sadd.s32 s21, s3  }
0x9d: {  	[timem:s7], [sflag:s22] =	dma.local [hbm:s5], s20  }
0x9e: {  	_ =	swait.ge [sflag:s22], s20  }
0x9f: {  	s4 =	ssub.s32 $0x0, s20;
	[sflag:s22] =	ssyncset.done $0x0  }
0xa0: {  	[sflag:s22] =	ssyncadd.s32 s4;
	_ =	sdelay $0x1  }
0xa1: {  	s23 =	simm.s32 $0x1B8B  }
0xa2: {  	_ =	swait.ge [sflag:s23], $0x1  }
0xa3: {  	[sflag:s23] =	ssyncset.done $0x0  }
0xa4: {  	s25 =	simm.s32 $0x1B8E;
	s24 =	sld [smem:$0x3FFE];
	[sflag:s23] =	ssyncadd.s32 $0xFFFFFFFF  }
0xa5: {  	s26 =	simm.s32 $execute0_lowered;
	[smem:$0x3FD2] =	sst s25  }
0xa6: {  	s5 =	sshll.u32 s26, $0x1;
	_ =	strace $0x80000049;
	[dreg:$0x1] =	wrdreg $0xFFFFFFFF  }
0xa7: {  	s28 =	simm.s32 $_size_execute0_lowered;
	s3 =	sadd.s32 s3, s5;
	[dreg:$0x0] =	wrdreg $0x0  }
0xa8: {  	s5 =	sshll.u32 s28, $0x1;
	[dreg:$0x2] =	wrdreg s3  }
0xa9: {  	[dreg:$0x3] =	wrdreg s5  }
0xaa: {  	[dreg:$0x4] =	wrdreg $0xC0  }
0xab: {  	_ =	task [dreg:s7], $0x5FFFF  }
0xac: {  	[dreg:$0x1] =	wrdreg $0xFFFFFFFF  }
0xad: {  	[dreg:$0x0] =	wrdreg $0x60  }
0xae: {  	[dreg:$0x2] =	wrdreg s24  }
0xaf: {  	[dreg:$0x3] =	wrdreg s2  }
0xb0: {  	[dreg:$0x4] =	wrdreg $0xA8000  }
0xb1: {  	[dreg:$0x5] =	wrdreg $0x9  }
0xb2: {  	_ =	task.clear_ibuf [dreg:s7], $0x6FFFF;
	_ =	strace $0x90000049  }
0xb3: {  	s29 =	simm.s32 $0x9;
	_ =	strace $0x8000004B  }
0xb4: {  	_ =	swait.ge [sflag:s29], $0x1  }
0xb5: {  	[sflag:s29] =	ssyncadd.s32 $0xFFFFFFFF  }
0xb6: {  	_ =	strace $0x9000004B  }
0xb7: {  	_ =	sfence  }
0xb8: {  	s30 =	sld [smem:$0x0];
	_ =	sdelay $0x2  }
0xb9: {  	s31 =	sshll.u32 s1, $0xD;
	s1 =	sshrl.u32 s1, $0x2  }
0xba: {  	s3 =	sand.u32 $0x4000, s31;
	s1 =	sadd.s32 s1, s30  }
0xbb: {  	s0 =	sor.u32 s3, s0;
	s1 =	sshll.u32 s1, $0x11  }
0xbc: {  	s0 =	sor.u32 s1, s0  }
0xbd: {  	s0 =	sadd.s32 $0x8F2B, s0  }
0xbe: {  	[sflag:s0] =	ssyncadd.remote.s32 $0x1  }
0xbf: {  	_ =	sfence.sel $0xFFFF  }
0xc0: {  	[dreg:$0x0] =	wrdreg $0xFFFFFFFF;
	(pc) =	sbr.abs _section_cstart, $3  }
0xc1: {  	[dreg:$0x1] =	wrdreg $0xFFFFFFFF  }
0xc2: {  	_ =	task.clear_ibuf [dreg:s7], $0x2FFFF;
	_ =	strace $0x9FFFFFFF  }
0xc3: {  	(tm) =	ssettm $0x7FFFFFFF  }
tec
execute0_lowered:
.L_overlay_start_1:
0x0: {  	(tag) =	ssettag $0x1  }
0x1: {  	s6 =	rddreg [dreg:$0x0]  }
0x2: {  	s17 =	rddreg [dreg:$0x1]  }
0x3: {  	s1 =	rddreg [dreg:$0x2];
	s2 =	srdreg.scid  }
0x4: {  	s3 =	simm.s32 $0x0;
	s21 =	simm.s32 $0x3;
	s22 =	simm.s32 $0x1400  }
0x5: {  	s23 =	simm.s32 $0x80;
	s24 =	simm.s32 $0x6800;
	s25 =	simm.s32 $0x1  }
0x6: {  	s26 =	simm.s32 $0x2;
	s28 =	simm.s32 $0x2700;
	s10 =	sand.u32 $0x1, s2  }
0x7: {  	s29 =	simm.s32 $0x2780;
	s2 =	stileid.u32;
	s5 =	smul.u32 $0x140000, s10  }
0x8: {  	[smem:$0x7FF] =	sst s3;
	s4 =	sadd.s32 $0xB400, s6;
	s7 =	smul.u32 $0x14000, s2  }
0x9: {  	s16 =	sadd.s32 $0x1400, s6;
	_ =	strace $0x8000004A;
	s8 =	smul.u32 $0x50000, s2  }
0xa: {  	s9 =	ssub.s32 $0x2, s10;
	s11 =	smul.u32 $0x5000, s2;
	p0 =	seq.s32 s10, $0x1  }
0xb: {  	s31 =	sshrl.u32 s9, $0x1;
	s5 =	sadd.s32 s7, s5;
	s30 =	sshrl.u32 s8, $0x2  }
0xc: {  	s19 =	ssub.s32 s9, s31;
	s14 =	sshrl.u32 s11, $0x3;
	s7 =	sshrl.u32 s5, $0x3  }
0xd: {  	s5 =	sadd.s32 s30, s1;
	s13 =	sadd.s32 $0x280, s14;
	s10 =	sadd.s32 s16, s14  }
0xe: {  	s11 =	sadd.s32 s17, s14;
	s15 =	sadd.s32 $0x500, s14;
	s20 =	sadd.s32 $0x780, s14  }
.Ltmp0:
0xf: {  	s19 =	smax.u32 s19, $0x1;
	s18 =	sadd.s32 s7, s6;
	(pc) =	sbr.rel .LBB2_1-.Ltmp0, $4  }
0x10: {  	s6 =	sadd.s32 $0x4000, s5;
	s7 =	sadd.s32 $0x8000, s5;
	s8 =	sadd.s32 $0xC000, s5  }
0x11: {  	s9 =	sadd.s32 $0x10000, s5;
	s12 =	sadd.s32 s16, s13;
	s13 =	sadd.s32 s17, s13  }
0x12: {  	s14 =	sadd.s32 s16, s15;
	s15 =	sadd.s32 s17, s15;
	s16 =	sadd.s32 s16, s20  }
0x13: {  	v0 =	vimm.f32 $0.0e+00;
	s17 =	sadd.s32 s17, s20;
	s20 =	simm.s32 $0x2800;
	s18 =	sadd.s32 $0x33400, s18  }
.LBB2_8:
0x14: {  	[tilespmem:s24], [sflag:$0x2] =	stream.indirect.gather [hbm4b:s4+s23], $0x80, s31, s23, $0xb8;
	[tilespmem:$0x1E800] =	vst v63  }
.LBB2_14:
0x15: {  	_ =	swait.ge [sflag:s25], $0x4000  }
0x16: {  	[sflag:s25] =	ssyncset.done $0x0  }
0x17: {  	[sflag:s25] =	ssyncadd.s32 $0xFFFFC000  }
0x18: {  	[spmem:s1] =	stream.indirect.scatter.add.f32 [tilespmem:s20], [sflag:$0x3], $0x80, s28, s23, $0xb8;
	[tilespmem:$0x1E800] =	vst v63  }
0x19: {  	_ =	swait.ge [sflag:s21], $0x4000  }
0x1a: {  	[sflag:s21] =	ssyncset.done $0x0  }
0x1b: {  	[sflag:s21] =	ssyncadd.s32 $0xFFFFC000  }
0x1c: {  	_ =	swait.ge [sflag:s26], $0x4000  }
0x1d: {  	[sflag:s26] =	ssyncset.done $0x0  }
0x1e: {  	[sflag:s26] =	ssyncadd.s32 $0xFFFFC000  }
0x1f: {  	[spmem:s1] =	stream.indirect.scatter.add.f32 [tilespmem:s24], [sflag:$0x3], $0x80, s29, s23, $0xb8;
	[tilespmem:$0x1E800] =	vst v63  }
0x20: {  	_ =	swait.ge [sflag:s21], $0x4000  }
0x21: {  	s0 =	sshll.u32 s2, $0x6;
	s3 =	sadd.s32 $0x1, s3;
	[sflag:s21] =	ssyncset.done $0x0  }
0x22: {  	s30 =	sshrl.u32 s5, $0x3;
	p1 =	sne.s32 s3, s19;
	[sflag:s21] =	ssyncadd.s32 $0xFFFFC000  }
.Ltmp1:
0x23: {  	s0 =	sor.u32 $0x1C03, s0;
	[bflag:$0x0] =	sbarrier.arrive $0xFFFF;
	(pc) =	sbr.rel @!p1 .LBB2_15-.Ltmp1, $4  }
0x24: {  	[hbm:s18], [sflag:s0] =	dma.local [spmem:s30], $0x2800  }
0x25: {  	_ =	swait.ge [sflag:s21], $0x2800  }
0x26: {  	[sflag:s21] =	ssyncset.done $0x0  }
0x27: {  	[sflag:s21] =	ssyncadd.s32 $0xFFFFD800  }
.LBB2_1:
0x28: {  	s30 =	simm.s32 $0x0;
	s31 =	simm.s32 $0x200  }
.LBB2_2:
0x29: {  	p1 =	sne.s32 s31, $0xFE00;
	[tilespmem:s30+$0x2870] =	vst v0  }
0x2a: {  	[tilespmem:s30+$0x2800] =	vst v0  }
0x2b: {  	[tilespmem:s30+$0x2810] =	vst v0  }
.Ltmp2:
0x2c: {  	[tilespmem:s30+$0x2820] =	vst v0;
	(pc) =	sbr.rel @p1 .LBB2_2-.Ltmp2, $4  }
0x2d: {  	[tilespmem:s30+$0x2830] =	vst v0  }
0x2e: {  	[tilespmem:s30+$0x2840] =	vst v0  }
0x2f: {  	[tilespmem:s30+$0x2850] =	vst v0  }
0x30: {  	[tilespmem:s30+$0x2860] =	vst v0;
	s30 =	sshra.s32 s31, $0x2;
	s31 =	sadd.s32 $0x200, s31  }
0x31: {  	[tilespmem:s30+$0x2870] =	vst v0  }
0x32: {  	[tilespmem:s30+$0x2800] =	vst v0  }
0x33: {  	[tilespmem:s30+$0x2810] =	vst v0  }
0x34: {  	[tilespmem:s30+$0x2820] =	vst v0  }
0x35: {  	[tilespmem:s30+$0x2830] =	vst v0  }
0x36: {  	[tilespmem:s30+$0x2840] =	vst v0  }
0x37: {  	[tilespmem:s30+$0x2850] =	vst v0  }
0x38: {  	[tilespmem:s30+$0x2860] =	vst v0  }
0x39: {  	[spmem:s5] =	stream.linear.scatter [tilespmem:s20], [sflag:$0x3], $0x4000, $0x38;
	[tilespmem:$0x1E800] =	vst v63  }
0x3a: {  	_ =	swait.ge [sflag:s21], $0x4000  }
0x3b: {  	[sflag:s21] =	ssyncset.done $0x0  }
0x3c: {  	[sflag:s21] =	ssyncadd.s32 $0xFFFFC000  }
0x3d: {  	[spmem:s6] =	stream.linear.scatter [tilespmem:s20], [sflag:$0x3], $0x4000, $0x38;
	[tilespmem:$0x1E800] =	vst v63  }
0x3e: {  	_ =	swait.ge [sflag:s21], $0x4000  }
0x3f: {  	[sflag:s21] =	ssyncset.done $0x0  }
0x40: {  	[sflag:s21] =	ssyncadd.s32 $0xFFFFC000  }
0x41: {  	[spmem:s7] =	stream.linear.scatter [tilespmem:s20], [sflag:$0x3], $0x4000, $0x38;
	[tilespmem:$0x1E800] =	vst v63  }
0x42: {  	_ =	swait.ge [sflag:s21], $0x4000  }
0x43: {  	[sflag:s21] =	ssyncset.done $0x0  }
0x44: {  	[sflag:s21] =	ssyncadd.s32 $0xFFFFC000  }
0x45: {  	[spmem:s8] =	stream.linear.scatter [tilespmem:s20], [sflag:$0x3], $0x4000, $0x38;
	[tilespmem:$0x1E800] =	vst v63  }
0x46: {  	_ =	swait.ge [sflag:s21], $0x4000  }
0x47: {  	[sflag:s21] =	ssyncset.done $0x0  }
0x48: {  	[sflag:s21] =	ssyncadd.s32 $0xFFFFC000  }
0x49: {  	[spmem:s9] =	stream.linear.scatter [tilespmem:s20], [sflag:$0x3], $0x4000, $0x38;
	[tilespmem:$0x1E800] =	vst v63  }
.Ltmp3:
0x4a: {  	_ =	swait.ge [sflag:s21], $0x4000;
	(pc) =	sbr.rel @!p0 .LBB2_4-.Ltmp3, $3  }
0x4b: {  	[sflag:s21] =	ssyncset.done $0x0  }
0x4c: {  	[sflag:s21] =	ssyncadd.s32 $0xFFFFC000  }
0x4d: {  	[bflag:$0x0] =	sbarrier.arrive $0xFFFF;
	_ =	sdelay $0x1  }
0x4e: {  	s0 =	simm.s32 $0x0  }
0x4f: {  	[tilespmem:s0], [sflag:$0x3] =	stream.linear.gather [hbm4b:s14+s0], $0x1400, $0x38;
	[tilespmem:$0x1E800] =	vst v63  }
0x50: {  	_ =	swait.ge [sflag:s21], $0x1400  }
0x51: {  	[sflag:s21] =	ssyncset.done $0x0  }
0x52: {  	[sflag:s21] =	ssyncadd.s32 $0xFFFFEC00  }
0x53: {  	[tilespmem:s22], [sflag:$0x3] =	stream.linear.gather [hbm4b:s15+s0], $0x1400, $0x38;
	[tilespmem:$0x1E800] =	vst v63  }
0x54: {  	_ =	swait.ge [sflag:s21], $0x1400  }
0x55: {  	[sflag:s21] =	ssyncset.done $0x0  }
0x56: {  	[sflag:s21] =	ssyncadd.s32 $0xFFFFEC00  }
0x57: {  	[tilespmem:s20], [sflag:$0x1] =	stream.indirect.gather [hbm4b:s4+s23], $0x80, s0, s23, $0xb8;
	[tilespmem:$0x1E800] =	vst v63  }
0x58: {  	_ = 	snop  }
0x59: {  	[tilespmem:s24], [sflag:$0x2] =	stream.indirect.gather [hbm4b:s4+s23], $0x80, s23, s23, $0xb8;
	[tilespmem:$0x1E800] =	vst v63  }
0x5a: {  	_ =	swait.ge [sflag:s25], $0x4000  }
0x5b: {  	[sflag:s25] =	ssyncset.done $0x0  }
0x5c: {  	s0 =	simm.s32 $0x1400;
	[sflag:s25] =	ssyncadd.s32 $0xFFFFC000  }
0x5d: {  	[spmem:s1] =	stream.indirect.scatter.add.f32 [tilespmem:s20], [sflag:$0x3], $0x80, s0, s23, $0xb8;
	[tilespmem:$0x1E800] =	vst v63  }
0x5e: {  	_ =	swait.ge [sflag:s21], $0x4000  }
0x5f: {  	[sflag:s21] =	ssyncset.done $0x0  }
0x60: {  	s0 =	simm.s32 $0x100;
	[sflag:s21] =	ssyncadd.s32 $0xFFFFC000  }
0x61: {  	[tilespmem:s20], [sflag:$0x1] =	stream.indirect.gather [hbm4b:s4+s23], $0x80, s0, s23, $0xb8;
	[tilespmem:$0x1E800] =	vst v63  }
0x62: {  	_ =	swait.ge [sflag:s26], $0x4000  }
0x63: {  	[sflag:s26] =	ssyncset.done $0x0  }
0x64: {  	s0 =	simm.s32 $0x1480;
	[sflag:s26] =	ssyncadd.s32 $0xFFFFC000  }
0x65: {  	[spmem:s1] =	stream.indirect.scatter.add.f32 [tilespmem:s24], [sflag:$0x3], $0x80, s0, s23, $0xb8;
	[tilespmem:$0x1E800] =	vst v63  }
0x66: {  	_ =	swait.ge [sflag:s21], $0x4000  }
0x67: {  	[sflag:s21] =	ssyncset.done $0x0  }
0x68: {  	s30 =	simm.s32 $0x400;
	s31 =	simm.s32 $0x180;
	[sflag:s21] =	ssyncadd.s32 $0xFFFFC000  }
.LBB2_10:
0x69: {  	[tilespmem:s24], [sflag:$0x2] =	stream.indirect.gather [hbm4b:s4+s23], $0x80, s31, s23, $0xb8;
	[tilespmem:$0x1E800] =	vst v63  }
0x6a: {  	s0 =	smov.u32 s30  }
0x6b: {  	p1 =	sne.s32 s30, $0x4800;
	s30 =	sadd.s32 $0x400, s30;
	_ =	swait.ge [sflag:s25], $0x4000  }
0x6c: {  	s0 =	sshra.s32 s0, $0x2;
	[sflag:s25] =	ssyncset.done $0x0  }
0x6d: {  	s31 =	sadd.s32 $0x1400, s0;
	[sflag:s25] =	ssyncadd.s32 $0xFFFFC000  }
0x6e: {  	[spmem:s1] =	stream.indirect.scatter.add.f32 [tilespmem:s20], [sflag:$0x3], $0x80, s31, s23, $0xb8;
	[tilespmem:$0x1E800] =	vst v63  }
0x6f: {  	_ =	swait.ge [sflag:s21], $0x4000  }
0x70: {  	[sflag:s21] =	ssyncset.done $0x0  }
0x71: {  	s31 =	sadd.s32 $0x100, s0;
	[sflag:s21] =	ssyncadd.s32 $0xFFFFC000  }
0x72: {  	[tilespmem:s20], [sflag:$0x1] =	stream.indirect.gather [hbm4b:s4+s23], $0x80, s31, s23, $0xb8;
	[tilespmem:$0x1E800] =	vst v63  }
0x73: {  	_ =	swait.ge [sflag:s26], $0x4000  }
0x74: {  	[sflag:s26] =	ssyncset.done $0x0  }
.Ltmp4:
0x75: {  	s31 =	sadd.s32 $0x1480, s0;
	[sflag:s26] =	ssyncadd.s32 $0xFFFFC000;
	(pc) =	sbr.rel @p1 .LBB2_10-.Ltmp4, $4  }
0x76: {  	[spmem:s1] =	stream.indirect.scatter.add.f32 [tilespmem:s24], [sflag:$0x3], $0x80, s31, s23, $0xb8;
	[tilespmem:$0x1E800] =	vst v63  }
0x77: {  	_ =	swait.ge [sflag:s21], $0x4000  }
0x78: {  	[sflag:s21] =	ssyncset.done $0x0  }
0x79: {  	s31 =	sadd.s32 $0x180, s0;
	[sflag:s21] =	ssyncadd.s32 $0xFFFFC000  }
0x7a: {  	[tilespmem:s24], [sflag:$0x2] =	stream.indirect.gather [hbm4b:s4+s23], $0x80, s31, s23, $0xb8;
	[tilespmem:$0x1E800] =	vst v63  }
0x7b: {  	_ =	swait.ge [sflag:s25], $0x4000  }
0x7c: {  	[sflag:s25] =	ssyncset.done $0x0  }
0x7d: {  	[sflag:s25] =	ssyncadd.s32 $0xFFFFC000  }
0x7e: {  	[spmem:s1] =	stream.indirect.scatter.add.f32 [tilespmem:s20], [sflag:$0x3], $0x80, s28, s23, $0xb8;
	[tilespmem:$0x1E800] =	vst v63  }
0x7f: {  	_ =	swait.ge [sflag:s21], $0x4000  }
0x80: {  	[sflag:s21] =	ssyncset.done $0x0  }
0x81: {  	[sflag:s21] =	ssyncadd.s32 $0xFFFFC000  }
0x82: {  	_ =	swait.ge [sflag:s26], $0x4000  }
0x83: {  	[sflag:s26] =	ssyncset.done $0x0  }
0x84: {  	[sflag:s26] =	ssyncadd.s32 $0xFFFFC000  }
0x85: {  	[spmem:s1] =	stream.indirect.scatter.add.f32 [tilespmem:s24], [sflag:$0x3], $0x80, s29, s23, $0xb8;
	[tilespmem:$0x1E800] =	vst v63  }
0x86: {  	_ =	swait.ge [sflag:s21], $0x4000  }
0x87: {  	[sflag:s21] =	ssyncset.done $0x0  }
0x88: {  	s0 =	simm.s32 $0x0;
	[sflag:s21] =	ssyncadd.s32 $0xFFFFC000  }
0x89: {  	[tilespmem:s0], [sflag:$0x3] =	stream.linear.gather [hbm4b:s16+s0], $0x1400, $0x38;
	[tilespmem:$0x1E800] =	vst v63  }
0x8a: {  	_ =	swait.ge [sflag:s21], $0x1400  }
0x8b: {  	[sflag:s21] =	ssyncset.done $0x0  }
0x8c: {  	[sflag:s21] =	ssyncadd.s32 $0xFFFFEC00  }
0x8d: {  	[tilespmem:s22], [sflag:$0x3] =	stream.linear.gather [hbm4b:s17+s0], $0x1400, $0x38;
	[tilespmem:$0x1E800] =	vst v63  }
0x8e: {  	_ =	swait.ge [sflag:s21], $0x1400  }
0x8f: {  	[sflag:s21] =	ssyncset.done $0x0  }
0x90: {  	[sflag:s21] =	ssyncadd.s32 $0xFFFFEC00  }
0x91: {  	[tilespmem:s20], [sflag:$0x1] =	stream.indirect.gather [hbm4b:s4+s23], $0x80, s0, s23, $0xb8;
	[tilespmem:$0x1E800] =	vst v63  }
0x92: {  	_ = 	snop  }
0x93: {  	[tilespmem:s24], [sflag:$0x2] =	stream.indirect.gather [hbm4b:s4+s23], $0x80, s23, s23, $0xb8;
	[tilespmem:$0x1E800] =	vst v63  }
0x94: {  	_ =	swait.ge [sflag:s25], $0x4000  }
0x95: {  	[sflag:s25] =	ssyncset.done $0x0  }
0x96: {  	s0 =	simm.s32 $0x1400;
	[sflag:s25] =	ssyncadd.s32 $0xFFFFC000  }
0x97: {  	[spmem:s1] =	stream.indirect.scatter.add.f32 [tilespmem:s20], [sflag:$0x3], $0x80, s0, s23, $0xb8;
	[tilespmem:$0x1E800] =	vst v63  }
0x98: {  	_ =	swait.ge [sflag:s21], $0x4000  }
0x99: {  	[sflag:s21] =	ssyncset.done $0x0  }
0x9a: {  	s0 =	simm.s32 $0x100;
	[sflag:s21] =	ssyncadd.s32 $0xFFFFC000  }
0x9b: {  	[tilespmem:s20], [sflag:$0x1] =	stream.indirect.gather [hbm4b:s4+s23], $0x80, s0, s23, $0xb8;
	[tilespmem:$0x1E800] =	vst v63  }
0x9c: {  	_ =	swait.ge [sflag:s26], $0x4000  }
0x9d: {  	[sflag:s26] =	ssyncset.done $0x0  }
0x9e: {  	s0 =	simm.s32 $0x1480;
	[sflag:s26] =	ssyncadd.s32 $0xFFFFC000  }
0x9f: {  	[spmem:s1] =	stream.indirect.scatter.add.f32 [tilespmem:s24], [sflag:$0x3], $0x80, s0, s23, $0xb8;
	[tilespmem:$0x1E800] =	vst v63  }
0xa0: {  	_ =	swait.ge [sflag:s21], $0x4000  }
0xa1: {  	[sflag:s21] =	ssyncset.done $0x0  }
0xa2: {  	s30 =	simm.s32 $0x400;
	s31 =	simm.s32 $0x180;
	[sflag:s21] =	ssyncadd.s32 $0xFFFFC000  }
.LBB2_12:
0xa3: {  	[tilespmem:s24], [sflag:$0x2] =	stream.indirect.gather [hbm4b:s4+s23], $0x80, s31, s23, $0xb8;
	[tilespmem:$0x1E800] =	vst v63  }
0xa4: {  	s0 =	smov.u32 s30  }
0xa5: {  	p1 =	sne.s32 s30, $0x4800;
	s30 =	sadd.s32 $0x400, s30;
	_ =	swait.ge [sflag:s25], $0x4000  }
0xa6: {  	s0 =	sshra.s32 s0, $0x2;
	[sflag:s25] =	ssyncset.done $0x0  }
0xa7: {  	s31 =	sadd.s32 $0x1400, s0;
	[sflag:s25] =	ssyncadd.s32 $0xFFFFC000  }
0xa8: {  	[spmem:s1] =	stream.indirect.scatter.add.f32 [tilespmem:s20], [sflag:$0x3], $0x80, s31, s23, $0xb8;
	[tilespmem:$0x1E800] =	vst v63  }
0xa9: {  	_ =	swait.ge [sflag:s21], $0x4000  }
0xaa: {  	[sflag:s21] =	ssyncset.done $0x0  }
0xab: {  	s31 =	sadd.s32 $0x100, s0;
	[sflag:s21] =	ssyncadd.s32 $0xFFFFC000  }
0xac: {  	[tilespmem:s20], [sflag:$0x1] =	stream.indirect.gather [hbm4b:s4+s23], $0x80, s31, s23, $0xb8;
	[tilespmem:$0x1E800] =	vst v63  }
0xad: {  	_ =	swait.ge [sflag:s26], $0x4000  }
0xae: {  	[sflag:s26] =	ssyncset.done $0x0  }
.Ltmp5:
0xaf: {  	s31 =	sadd.s32 $0x1480, s0;
	[sflag:s26] =	ssyncadd.s32 $0xFFFFC000;
	(pc) =	sbr.rel @p1 .LBB2_12-.Ltmp5, $4  }
0xb0: {  	[spmem:s1] =	stream.indirect.scatter.add.f32 [tilespmem:s24], [sflag:$0x3], $0x80, s31, s23, $0xb8;
	[tilespmem:$0x1E800] =	vst v63  }
0xb1: {  	_ =	swait.ge [sflag:s21], $0x4000  }
0xb2: {  	[sflag:s21] =	ssyncset.done $0x0  }
0xb3: {  	s31 =	sadd.s32 $0x180, s0;
	[sflag:s21] =	ssyncadd.s32 $0xFFFFC000  }
.Ltmp6:
0xb4: {  	(pc) =	sbr.rel .LBB2_14-.Ltmp6, $2  }
0xb5: {  	_ =	sdelay $0x2  }
0xb6: {  	[tilespmem:s24], [sflag:$0x2] =	stream.indirect.gather [hbm4b:s4+s23], $0x80, s31, s23, $0xb8;
	[tilespmem:$0x1E800] =	vst v63  }
.LBB2_4:
0xb7: {  	s30 =	simm.s32 $0x0  }
0xb8: {  	[tilespmem:s30], [sflag:$0x3] =	stream.linear.gather [hbm4b:s10+s30], $0x1400, $0x38;
	[tilespmem:$0x1E800] =	vst v63  }
0xb9: {  	_ =	swait.ge [sflag:s21], $0x1400  }
0xba: {  	[sflag:s21] =	ssyncset.done $0x0  }
0xbb: {  	[sflag:s21] =	ssyncadd.s32 $0xFFFFEC00  }
0xbc: {  	[tilespmem:s22], [sflag:$0x3] =	stream.linear.gather [hbm4b:s11+s30], $0x1400, $0x38;
	[tilespmem:$0x1E800] =	vst v63  }
0xbd: {  	_ =	swait.ge [sflag:s21], $0x1400  }
0xbe: {  	[sflag:s21] =	ssyncset.done $0x0  }
0xbf: {  	[sflag:s21] =	ssyncadd.s32 $0xFFFFEC00  }
0xc0: {  	[tilespmem:s20], [sflag:$0x1] =	stream.indirect.gather [hbm4b:s4+s23], $0x80, s30, s23, $0xb8;
	[tilespmem:$0x1E800] =	vst v63  }
0xc1: {  	_ = 	snop  }
0xc2: {  	[tilespmem:s24], [sflag:$0x2] =	stream.indirect.gather [hbm4b:s4+s23], $0x80, s23, s23, $0xb8;
	[tilespmem:$0x1E800] =	vst v63  }
0xc3: {  	_ =	swait.ge [sflag:s25], $0x4000  }
0xc4: {  	[sflag:s25] =	ssyncset.done $0x0  }
0xc5: {  	s30 =	simm.s32 $0x1400;
	[sflag:s25] =	ssyncadd.s32 $0xFFFFC000  }
0xc6: {  	[spmem:s1] =	stream.indirect.scatter.add.f32 [tilespmem:s20], [sflag:$0x3], $0x80, s30, s23, $0xb8;
	[tilespmem:$0x1E800] =	vst v63  }
0xc7: {  	_ =	swait.ge [sflag:s21], $0x4000  }
0xc8: {  	[sflag:s21] =	ssyncset.done $0x0  }
0xc9: {  	s30 =	simm.s32 $0x100;
	[sflag:s21] =	ssyncadd.s32 $0xFFFFC000  }
0xca: {  	[tilespmem:s20], [sflag:$0x1] =	stream.indirect.gather [hbm4b:s4+s23], $0x80, s30, s23, $0xb8;
	[tilespmem:$0x1E800] =	vst v63  }
0xcb: {  	_ =	swait.ge [sflag:s26], $0x4000  }
0xcc: {  	[sflag:s26] =	ssyncset.done $0x0  }
0xcd: {  	s30 =	simm.s32 $0x1480;
	[sflag:s26] =	ssyncadd.s32 $0xFFFFC000  }
0xce: {  	[spmem:s1] =	stream.indirect.scatter.add.f32 [tilespmem:s24], [sflag:$0x3], $0x80, s30, s23, $0xb8;
	[tilespmem:$0x1E800] =	vst v63  }
0xcf: {  	_ =	swait.ge [sflag:s21], $0x4000  }
0xd0: {  	[sflag:s21] =	ssyncset.done $0x0  }
0xd1: {  	s31 =	simm.s32 $0x180;
	s30 =	simm.s32 $0x400;
	[sflag:s21] =	ssyncadd.s32 $0xFFFFC000  }
.LBB2_5:
0xd2: {  	[tilespmem:s24], [sflag:$0x2] =	stream.indirect.gather [hbm4b:s4+s23], $0x80, s31, s23, $0xb8;
	[tilespmem:$0x1E800] =	vst v63  }
0xd3: {  	s31 =	smov.u32 s30  }
0xd4: {  	p1 =	sne.s32 s30, $0x4800;
	s30 =	sadd.s32 $0x400, s30;
	_ =	swait.ge [sflag:s25], $0x4000  }
0xd5: {  	s31 =	sshra.s32 s31, $0x2;
	[sflag:s25] =	ssyncset.done $0x0  }
0xd6: {  	s0 =	sadd.s32 $0x1400, s31;
	[sflag:s25] =	ssyncadd.s32 $0xFFFFC000  }
0xd7: {  	[spmem:s1] =	stream.indirect.scatter.add.f32 [tilespmem:s20], [sflag:$0x3], $0x80, s0, s23, $0xb8;
	[tilespmem:$0x1E800] =	vst v63  }
0xd8: {  	_ =	swait.ge [sflag:s21], $0x4000  }
0xd9: {  	[sflag:s21] =	ssyncset.done $0x0  }
0xda: {  	s0 =	sadd.s32 $0x100, s31;
	[sflag:s21] =	ssyncadd.s32 $0xFFFFC000  }
0xdb: {  	[tilespmem:s20], [sflag:$0x1] =	stream.indirect.gather [hbm4b:s4+s23], $0x80, s0, s23, $0xb8;
	[tilespmem:$0x1E800] =	vst v63  }
0xdc: {  	_ =	swait.ge [sflag:s26], $0x4000  }
0xdd: {  	[sflag:s26] =	ssyncset.done $0x0  }
.Ltmp7:
0xde: {  	s0 =	sadd.s32 $0x1480, s31;
	[sflag:s26] =	ssyncadd.s32 $0xFFFFC000;
	(pc) =	sbr.rel @p1 .LBB2_5-.Ltmp7, $4  }
0xdf: {  	[spmem:s1] =	stream.indirect.scatter.add.f32 [tilespmem:s24], [sflag:$0x3], $0x80, s0, s23, $0xb8;
	[tilespmem:$0x1E800] =	vst v63  }
0xe0: {  	_ =	swait.ge [sflag:s21], $0x4000  }
0xe1: {  	[sflag:s21] =	ssyncset.done $0x0  }
0xe2: {  	s31 =	sadd.s32 $0x180, s31;
	[sflag:s21] =	ssyncadd.s32 $0xFFFFC000  }
0xe3: {  	[tilespmem:s24], [sflag:$0x2] =	stream.indirect.gather [hbm4b:s4+s23], $0x80, s31, s23, $0xb8;
	[tilespmem:$0x1E800] =	vst v63  }
0xe4: {  	_ =	swait.ge [sflag:s25], $0x4000  }
0xe5: {  	[sflag:s25] =	ssyncset.done $0x0  }
0xe6: {  	[sflag:s25] =	ssyncadd.s32 $0xFFFFC000  }
0xe7: {  	[spmem:s1] =	stream.indirect.scatter.add.f32 [tilespmem:s20], [sflag:$0x3], $0x80, s28, s23, $0xb8;
	[tilespmem:$0x1E800] =	vst v63  }
0xe8: {  	_ =	swait.ge [sflag:s21], $0x4000  }
0xe9: {  	[sflag:s21] =	ssyncset.done $0x0  }
0xea: {  	[sflag:s21] =	ssyncadd.s32 $0xFFFFC000  }
0xeb: {  	_ =	swait.ge [sflag:s26], $0x4000  }
0xec: {  	[sflag:s26] =	ssyncset.done $0x0  }
0xed: {  	[sflag:s26] =	ssyncadd.s32 $0xFFFFC000  }
0xee: {  	[spmem:s1] =	stream.indirect.scatter.add.f32 [tilespmem:s24], [sflag:$0x3], $0x80, s29, s23, $0xb8;
	[tilespmem:$0x1E800] =	vst v63  }
0xef: {  	_ =	swait.ge [sflag:s21], $0x4000  }
0xf0: {  	[sflag:s21] =	ssyncset.done $0x0  }
0xf1: {  	s0 =	simm.s32 $0x0;
	[sflag:s21] =	ssyncadd.s32 $0xFFFFC000  }
0xf2: {  	[tilespmem:s0], [sflag:$0x3] =	stream.linear.gather [hbm4b:s12+s0], $0x1400, $0x38;
	[tilespmem:$0x1E800] =	vst v63  }
0xf3: {  	_ =	swait.ge [sflag:s21], $0x1400  }
0xf4: {  	[sflag:s21] =	ssyncset.done $0x0  }
0xf5: {  	[sflag:s21] =	ssyncadd.s32 $0xFFFFEC00  }
0xf6: {  	[tilespmem:s22], [sflag:$0x3] =	stream.linear.gather [hbm4b:s13+s0], $0x1400, $0x38;
	[tilespmem:$0x1E800] =	vst v63  }
0xf7: {  	_ =	swait.ge [sflag:s21], $0x1400  }
0xf8: {  	[sflag:s21] =	ssyncset.done $0x0  }
0xf9: {  	[sflag:s21] =	ssyncadd.s32 $0xFFFFEC00  }
0xfa: {  	[tilespmem:s20], [sflag:$0x1] =	stream.indirect.gather [hbm4b:s4+s23], $0x80, s0, s23, $0xb8;
	[tilespmem:$0x1E800] =	vst v63  }
0xfb: {  	_ = 	snop  }
0xfc: {  	[tilespmem:s24], [sflag:$0x2] =	stream.indirect.gather [hbm4b:s4+s23], $0x80, s23, s23, $0xb8;
	[tilespmem:$0x1E800] =	vst v63  }
0xfd: {  	_ =	swait.ge [sflag:s25], $0x4000  }
0xfe: {  	[sflag:s25] =	ssyncset.done $0x0  }
0xff: {  	s0 =	simm.s32 $0x1400;
	[sflag:s25] =	ssyncadd.s32 $0xFFFFC000  }
0x100: {  	[spmem:s1] =	stream.indirect.scatter.add.f32 [tilespmem:s20], [sflag:$0x3], $0x80, s0, s23, $0xb8;
	[tilespmem:$0x1E800] =	vst v63  }
0x101: {  	_ =	swait.ge [sflag:s21], $0x4000  }
0x102: {  	[sflag:s21] =	ssyncset.done $0x0  }
0x103: {  	s0 =	simm.s32 $0x100;
	[sflag:s21] =	ssyncadd.s32 $0xFFFFC000  }
0x104: {  	[tilespmem:s20], [sflag:$0x1] =	stream.indirect.gather [hbm4b:s4+s23], $0x80, s0, s23, $0xb8;
	[tilespmem:$0x1E800] =	vst v63  }
0x105: {  	_ =	swait.ge [sflag:s26], $0x4000  }
0x106: {  	[sflag:s26] =	ssyncset.done $0x0  }
0x107: {  	s0 =	simm.s32 $0x1480;
	[sflag:s26] =	ssyncadd.s32 $0xFFFFC000  }
0x108: {  	[spmem:s1] =	stream.indirect.scatter.add.f32 [tilespmem:s24], [sflag:$0x3], $0x80, s0, s23, $0xb8;
	[tilespmem:$0x1E800] =	vst v63  }
0x109: {  	_ =	swait.ge [sflag:s21], $0x4000  }
0x10a: {  	[sflag:s21] =	ssyncset.done $0x0  }
0x10b: {  	s30 =	simm.s32 $0x400;
	s31 =	simm.s32 $0x180;
	[sflag:s21] =	ssyncadd.s32 $0xFFFFC000  }
.LBB2_7:
0x10c: {  	[tilespmem:s24], [sflag:$0x2] =	stream.indirect.gather [hbm4b:s4+s23], $0x80, s31, s23, $0xb8;
	[tilespmem:$0x1E800] =	vst v63  }
0x10d: {  	s0 =	smov.u32 s30  }
0x10e: {  	p1 =	seq.s32 s30, $0x4800;
	s30 =	sadd.s32 $0x400, s30;
	_ =	swait.ge [sflag:s25], $0x4000  }
0x10f: {  	s0 =	sshra.s32 s0, $0x2;
	[sflag:s25] =	ssyncset.done $0x0  }
0x110: {  	s31 =	sadd.s32 $0x1400, s0;
	[sflag:s25] =	ssyncadd.s32 $0xFFFFC000  }
0x111: {  	[spmem:s1] =	stream.indirect.scatter.add.f32 [tilespmem:s20], [sflag:$0x3], $0x80, s31, s23, $0xb8;
	[tilespmem:$0x1E800] =	vst v63  }
0x112: {  	_ =	swait.ge [sflag:s21], $0x4000  }
0x113: {  	[sflag:s21] =	ssyncset.done $0x0  }
0x114: {  	s31 =	sadd.s32 $0x100, s0;
	[sflag:s21] =	ssyncadd.s32 $0xFFFFC000  }
0x115: {  	[tilespmem:s20], [sflag:$0x1] =	stream.indirect.gather [hbm4b:s4+s23], $0x80, s31, s23, $0xb8;
	[tilespmem:$0x1E800] =	vst v63  }
0x116: {  	_ =	swait.ge [sflag:s26], $0x4000  }
0x117: {  	[sflag:s26] =	ssyncset.done $0x0  }
.Ltmp8:
0x118: {  	s31 =	sadd.s32 $0x1480, s0;
	[sflag:s26] =	ssyncadd.s32 $0xFFFFC000;
	(pc) =	sbr.rel @!p1 .LBB2_7-.Ltmp8, $4  }
0x119: {  	[spmem:s1] =	stream.indirect.scatter.add.f32 [tilespmem:s24], [sflag:$0x3], $0x80, s31, s23, $0xb8;
	[tilespmem:$0x1E800] =	vst v63  }
0x11a: {  	_ =	swait.ge [sflag:s21], $0x4000  }
0x11b: {  	[sflag:s21] =	ssyncset.done $0x0  }
0x11c: {  	s31 =	sadd.s32 $0x180, s0;
	[sflag:s21] =	ssyncadd.s32 $0xFFFFC000  }
.Ltmp9:
0x11d: {  	_ = 	snop;
	(pc) =	sbr.rel .LBB2_8-.Ltmp9, $1  }
0x11e: {  	_ =	sdelay $0x3  }
.LBB2_15:
0x11f: {  	_ =	sfence.sel $0x180000  }
0x120: {  	[bflag:$0x0] =	sbarrier.arrive $0xFFFF  }
0x121: {  	_ =	strace $0x9000004A  }
0x122: {  	[bflag:$0x2] =	sbarrier.arrive $0xFFFF  }
0x123: {  	p0 =	sne.s32 s2, $0x0;
	s0 =	rddreg [dreg:$0x3]  }
0x124: {  	s0 =	sadd.s32 @!p0 $0x100000, s0  }
0x125: {  	[sflag:s0] =	ssyncadd.tile.s32 @!p0 $0x1;
	_ =	shalt  }
.Lfunc_end2:
_tile_overlayer_lowered:
.L_overlay_start_2:
0x126: {  	(tag) =	ssettag $0x2  }
0x127: {  	s0 =	rddreg [dreg:$0x0];
	s2 =	stileid.u32  }
0x128: {  	s1 =	rddreg [dreg:$0x1];
	p0 =	sne.s32 s2, $0x0  }
0x129: {  	s3 =	rddreg [dreg:$0x2];
	[bflag:$0x3] =	sbarrier.arrive $0xFFFF;
	s2 =	simm.s32 @!p0 $0x1C03  }
0x12a: {  	[timem:s3], [sflag:s2] =	dma.local @!p0 [hbm:s0], s1  }
0x12b: {  	s0 =	simm.s32 @!p0 $0x3  }
0x12c: {  	_ =	swait.ge @!p0 [sflag:s0], s1  }
0x12d: {  	s1 =	ssub.s32 @!p0 $0x0, s1;
	[sflag:s0] =	ssyncset.done @!p0 $0x0  }
0x12e: {  	[sflag:s0] =	ssyncadd.s32 @!p0 s1  }
0x12f: {  	[bflag:$0x3] =	sbarrier.arrive $0xFFFF  }
0x130: {  	_ =	shalt  }

// kernel: kernel.14.cloned.1.call-start
scs
__scs_entry_jumppad:
0x0: {  	(pc) =	sbr.rel $0x88, $3  }
0x1: {  	(tag) =	ssettag $0x0;
	lr =	simm.s32 $0x1  }
0x2: {  	[smem:$0x3F9B] =	sst lr;
	_ =	strace $0xD0000000  }
0x3: {  	_ = 	snop  }
0x4: {  	_ = 	snop  }
0x5: {  	_ = 	snop  }
0x6: {  	_ = 	snop  }
0x7: {  	_ = 	snop  }
__scs_overlays_trampoline_lowered:
0x8: {  	[smem:$0x3FAA] =	sst s0  }
0x9: {  	[smem:$0x3FAB] =	sst s1  }
0xa: {  	[smem:$0x3FAC] =	sst s2  }
0xb: {  	[smem:$0x3FAD] =	sst s3  }
0xc: {  	[smem:$0x3FAE] =	sst s4  }
0xd: {  	[smem:$0x3FAF] =	sst s5  }
0xe: {  	[smem:$0x3FB0] =	sst s6  }
0xf: {  	[smem:$0x3FB1] =	sst s7  }
0x10: {  	[smem:$0x3FB2] =	sst s8  }
0x11: {  	[smem:$0x3FB3] =	sst s9;
	s0 =	simm.s32 @!p0 $0x0  }
0x12: {  	s1 =	sld [smem:$0x3F99];
	s0 =	simm.s32 @p0 $0x1  }
0x13: {  	[smem:$0x3FB4] =	sst s0;
	s0 =	simm.s32 @!p1 $0x0  }
0x14: {  	s2 =	sld [smem:$0x3F98];
	s0 =	simm.s32 @p1 $0x1  }
0x15: {  	[smem:$0x3FB5] =	sst s0;
	s0 =	simm.s32 @!p2 $0x0  }
0x16: {  	s3 =	sld [smem:$0x3FDB];
	s0 =	simm.s32 @p2 $0x1  }
0x17: {  	s4 =	simm.s32 $0x1BF5;
	[smem:$0x3FB7] =	sst s0  }
0x18: {  	s0 =	sld [smem:$0x3F9A];
	_ =	swait.ge [sflag:s4], $0x0  }
0x19: {  	s7 =	sld [smem:$0x3F9B]  }
0x1a: {  	s8 =	sadd.s32 $0xFFFFE003, lr  }
0x1b: {  	s9 =	sadd.s32 $0xFFFFFEF7, lr;
	s5 =	simm.s32 $0xFFFFFFFF;
	p2 =	slt.u32 s8, $0xFFFFF086  }
0x1c: {  	p1 =	slt.u32 s9, $0xF7A;
	s5 =	simm.s32 @!p2 $0x0  }
0x1d: {  	s5 =	simm.s32 @p1 $0x1;
	p0 =	seq.s32 s7, s2  }
0x1e: {  	s7 =	smul.u32 @!p0 $0xF7A, s2;
	p2 =	seq.s32 @!p0 s5, $0x0  }
0x1f: {  	s9 =	smul.u32 $0xF7A, s1;
	s8 =	simm.s32 @!p0 $0x1BF5;
	p2 =	por !p2, p0  }
0x20: {  	[sflag:s8] =	ssyncset.s32 @!p0 $0xFFFFF086;
	s6 =	sadd.s32 @!p0 s3, s7;
	s7 =	simm.s32 @!p0 $0x108  }
0x21: {  	s3 =	sadd.s32 s3, s9;
	s6 =	sadd.s32 @!p0 $0x88, s6;
	s7 =	simm.s32 @p2 $0x1082  }
0x22: {  	[simem:s7], [sflag:s8] =	dma.local @!p0 [hbm:s6], $0xF7A  }
0x23: {  	s9 =	sor.u32 $0xD0000000, s2;
	s6 =	simm.s32 $0x108;
	_ =	swait.ge @!p0 [sflag:s8], $0x0  }
0x24: {  	s3 =	sadd.s32 $0x88, s3;
	s6 =	simm.s32 @!p1 $0x1082;
	[sflag:s4] =	ssyncset.s32 $0xFFFFF086  }
0x25: {  	[simem:s6], [sflag:s4] =	dma.local [hbm:s3], $0xF7A  }
0x26: {  	[smem:$0x3F9B] =	sst s1;
	(tag) =	ssettag s2;
	_ =	strace s9  }
0x27: {  	s1 =	sld [smem:$0x3FAB]  }
0x28: {  	s2 =	sld [smem:$0x3FAC]  }
0x29: {  	s4 =	sld [smem:$0x3FAE]  }
0x2a: {  	p0 =	seq.s32 s5, $0x0;
	s5 =	sld [smem:$0x3FAF]  }
0x2b: {  	s6 =	sld [smem:$0x3FB0]  }
0x2c: {  	s7 =	sld [smem:$0x3FB1]  }
0x2d: {  	s3 =	simm.s32 $0x108;
	s8 =	sld [smem:$0x3FB2]  }
0x2e: {  	s3 =	simm.s32 @!p0 $0x1082;
	s9 =	sld [smem:$0x3FB3]  }
0x2f: {  	lr =	sadd.s32 s0, s3;
	s0 =	sld [smem:$0x3FAA]  }
0x30: {  	s3 =	sld [smem:$0x3FAD]  }
0x31: {  	[smem:$0x3FB6] =	sst s10  }
0x32: {  	s10 =	sld [smem:$0x3FB4];
	_ =	sdelay $0x3  }
0x33: {  	p0 =	seq.s32 s10, $0x1;
	s10 =	sld [smem:$0x3FB6];
	_ =	sdelay $0x3  }
0x34: {  	[smem:$0x3FB6] =	sst s10  }
0x35: {  	s10 =	sld [smem:$0x3FB5];
	_ =	sdelay $0x3  }
0x36: {  	p1 =	seq.s32 s10, $0x1;
	s10 =	sld [smem:$0x3FB6];
	_ =	sdelay $0x3  }
0x37: {  	[smem:$0x3FB6] =	sst s10  }
0x38: {  	s10 =	sld [smem:$0x3FB7]  }
0x39: {  	_ = 	snop;
	(pc) =	sbr.ind lr, $3  }
0x3a: {  	_ = 	snop  }
0x3b: {  	_ = 	snop  }
0x3c: {  	p2 =	seq.s32 s10, $0x1;
	s10 =	sld [smem:$0x3FB6]  }
0x3d: {  	_ =	shalt  }
0x3e: {  	_ =	shalt  }
0x3f: {  	_ =	shalt  }
0x40: {  	_ =	shalt  }
0x41: {  	_ =	shalt  }
0x42: {  	_ =	shalt  }
0x43: {  	_ =	shalt  }
0x44: {  	_ =	shalt  }
0x45: {  	_ =	shalt  }
0x46: {  	_ =	shalt  }
0x47: {  	_ =	shalt  }
0x48: {  	_ =	shalt  }
0x49: {  	_ =	shalt  }
0x4a: {  	_ =	shalt  }
0x4b: {  	_ =	shalt  }
0x4c: {  	_ =	shalt  }
0x4d: {  	_ =	shalt  }
0x4e: {  	_ =	shalt  }
0x4f: {  	_ =	shalt  }
0x50: {  	_ =	shalt  }
0x51: {  	_ =	shalt  }
0x52: {  	_ =	shalt  }
0x53: {  	_ =	shalt  }
0x54: {  	_ =	shalt  }
0x55: {  	_ =	shalt  }
0x56: {  	_ =	shalt  }
0x57: {  	_ =	shalt  }
0x58: {  	_ =	shalt  }
0x59: {  	_ =	shalt  }
0x5a: {  	_ =	shalt  }
0x5b: {  	_ =	shalt  }
0x5c: {  	_ =	shalt  }
0x5d: {  	_ =	shalt  }
0x5e: {  	_ =	shalt  }
0x5f: {  	_ =	shalt  }
0x60: {  	_ =	shalt  }
0x61: {  	_ =	shalt  }
0x62: {  	_ =	shalt  }
0x63: {  	_ =	shalt  }
0x64: {  	_ =	shalt  }
0x65: {  	_ =	shalt  }
0x66: {  	_ =	shalt  }
0x67: {  	_ =	shalt  }
0x68: {  	_ =	shalt  }
0x69: {  	_ =	shalt  }
0x6a: {  	_ =	shalt  }
0x6b: {  	_ =	shalt  }
0x6c: {  	_ =	shalt  }
0x6d: {  	_ =	shalt  }
0x6e: {  	_ =	shalt  }
0x6f: {  	_ =	shalt  }
0x70: {  	_ =	shalt  }
0x71: {  	_ =	shalt  }
0x72: {  	_ =	shalt  }
0x73: {  	_ =	shalt  }
0x74: {  	_ =	shalt  }
0x75: {  	_ =	shalt  }
0x76: {  	_ =	shalt  }
0x77: {  	_ =	shalt  }
0x78: {  	_ =	shalt  }
0x79: {  	_ =	shalt  }
0x7a: {  	_ =	shalt  }
0x7b: {  	_ =	shalt  }
0x7c: {  	_ =	shalt  }
0x7d: {  	_ =	shalt  }
0x7e: {  	_ =	shalt  }
0x7f: {  	_ =	shalt  }
0x80: {  	_ =	shalt  }
0x81: {  	_ =	shalt  }
0x82: {  	_ =	shalt  }
0x83: {  	_ =	shalt  }
0x84: {  	_ =	shalt  }
0x85: {  	_ =	shalt  }
0x86: {  	_ =	shalt  }
0x87: {  	_ =	shalt  }
.Lfunc_end0:
.L_simem_size_0:
called_computation.2_lowered:
.L_overlay_start_0:
0x88: {  	s2 =	sld [smem:$0x3FD9]  }
0x89: {  	s3 =	sld [smem:$0x3FFE];
	_ =	sdelay $0x1  }
0x8a: {  	s1 =	srdreg.scid  }
0x8b: {  	s0 =	sand.u32 $0x1, s1  }
0x8c: {  	s17 =	sshll.u32 s0, $0xA;
	s2 =	sadd.s32 s3, s2  }
0x8d: {  	s2 =	sadd.s32 s2, s17  }
0x8e: {  	[smem:$0x3FC2] =	sst s2  }
0x8f: {  	_ = 	snop  }
0x90: {  	s2 =	sld [smem:$0x3FD0];
	(tm) =	ssettm $0x1  }
0x91: {  	s18 =	sld [smem:$0x3FFB];
	_ =	sdelay $0x3  }
0x92: {  	_ =	strace s18  }
0x93: {  	s3 =	sld [smem:$0x3FFC];
	_ =	sdelay $0x3  }
0x94: {  	_ =	strace s3  }
0x95: {  	s3 =	sld [smem:$0x3FFD];
	_ =	sdelay $0x3  }
0x96: {  	_ =	strace s3  }
0x97: {  	_ =	strace $0x8FFFFFFF  }
0x98: {  	s19 =	sld [smem:$0x3FDB];
	_ =	sdelay $0x1  }
0x99: {  	s4 =	simm.s32 $_scs_section_size  }
0x9a: {  	s5 =	simm.s32 $_size__tile_overlayer_lowered;
	s6 =	simm.s32 $_tile_overlayer_lowered  }
0x9b: {  	s22 =	simm.s32 $0x1BFF;
	s21 =	sshll.u32 s6, $0x1;
	s3 =	sadd.s32 s4, s19  }
0x9c: {  	s7 =	simm.s32 $0x0;
	s20 =	sshll.u32 s5, $0x1;
	s5 =	sadd.s32 s21, s3  }
0x9d: {  	[timem:s7], [sflag:s22] =	dma.local [hbm:s5], s20  }
0x9e: {  	_ =	swait.ge [sflag:s22], s20  }
0x9f: {  	s4 =	ssub.s32 $0x0, s20;
	[sflag:s22] =	ssyncset.done $0x0  }
0xa0: {  	[sflag:s22] =	ssyncadd.s32 s4;
	_ =	sdelay $0x1  }
0xa1: {  	s23 =	simm.s32 $0x1B8B  }
0xa2: {  	_ =	swait.ge [sflag:s23], $0x1  }
0xa3: {  	[sflag:s23] =	ssyncset.done $0x0  }
0xa4: {  	s25 =	simm.s32 $0x1B8E;
	s24 =	sld [smem:$0x3FFE];
	[sflag:s23] =	ssyncadd.s32 $0xFFFFFFFF  }
0xa5: {  	s26 =	simm.s32 $execute0_lowered;
	[smem:$0x3FD2] =	sst s25  }
0xa6: {  	s5 =	sshll.u32 s26, $0x1;
	_ =	strace $0x8000004C;
	[dreg:$0x1] =	wrdreg $0xFFFFFFFF  }
0xa7: {  	s28 =	simm.s32 $_size_execute0_lowered;
	s3 =	sadd.s32 s3, s5;
	[dreg:$0x0] =	wrdreg $0x0  }
0xa8: {  	s5 =	sshll.u32 s28, $0x1;
	[dreg:$0x2] =	wrdreg s3  }
0xa9: {  	[dreg:$0x3] =	wrdreg s5  }
0xaa: {  	[dreg:$0x4] =	wrdreg $0xC0  }
0xab: {  	_ =	task [dreg:s7], $0x5FFFF  }
0xac: {  	[dreg:$0x1] =	wrdreg $0xFFFFFFFF  }
0xad: {  	[dreg:$0x0] =	wrdreg $0x60  }
0xae: {  	[dreg:$0x2] =	wrdreg s24  }
0xaf: {  	[dreg:$0x3] =	wrdreg s2  }
0xb0: {  	[dreg:$0x4] =	wrdreg $0xA8000  }
0xb1: {  	[dreg:$0x5] =	wrdreg $0x9  }
0xb2: {  	_ =	task.clear_ibuf [dreg:s7], $0x6FFFF;
	_ =	strace $0x9000004C  }
0xb3: {  	s29 =	simm.s32 $0x9;
	_ =	strace $0x8000004E  }
0xb4: {  	_ =	swait.ge [sflag:s29], $0x1  }
0xb5: {  	[sflag:s29] =	ssyncadd.s32 $0xFFFFFFFF  }
0xb6: {  	_ =	strace $0x9000004E  }
0xb7: {  	_ =	sfence  }
0xb8: {  	s30 =	sld [smem:$0x0];
	_ =	sdelay $0x2  }
0xb9: {  	s31 =	sshll.u32 s1, $0xD;
	s1 =	sshrl.u32 s1, $0x2  }
0xba: {  	s3 =	sand.u32 $0x4000, s31;
	s1 =	sadd.s32 s1, s30  }
0xbb: {  	s0 =	sor.u32 s3, s0;
	s1 =	sshll.u32 s1, $0x11  }
0xbc: {  	s0 =	sor.u32 s1, s0  }
0xbd: {  	s0 =	sadd.s32 $0x8F2B, s0  }
0xbe: {  	[sflag:s0] =	ssyncadd.remote.s32 $0x1  }
0xbf: {  	_ =	sfence.sel $0xFFFF  }
0xc0: {  	[dreg:$0x0] =	wrdreg $0xFFFFFFFF;
	(pc) =	sbr.abs _section_cstart, $3  }
0xc1: {  	[dreg:$0x1] =	wrdreg $0xFFFFFFFF  }
0xc2: {  	_ =	task.clear_ibuf [dreg:s7], $0x2FFFF;
	_ =	strace $0x9FFFFFFF  }
0xc3: {  	(tm) =	ssettm $0x7FFFFFFF  }
tec
execute0_lowered:
.L_overlay_start_1:
0x0: {  	(tag) =	ssettag $0x1  }
0x1: {  	s6 =	rddreg [dreg:$0x0]  }
0x2: {  	s17 =	rddreg [dreg:$0x1]  }
0x3: {  	s1 =	rddreg [dreg:$0x2];
	s2 =	srdreg.scid  }
0x4: {  	s3 =	simm.s32 $0x0;
	s21 =	simm.s32 $0x3;
	s22 =	simm.s32 $0x1400  }
0x5: {  	s23 =	simm.s32 $0x80;
	s24 =	simm.s32 $0x6800;
	s25 =	simm.s32 $0x1  }
0x6: {  	s26 =	simm.s32 $0x2;
	s28 =	simm.s32 $0x2700;
	s10 =	sand.u32 $0x1, s2  }
0x7: {  	s29 =	simm.s32 $0x2780;
	s2 =	stileid.u32;
	s5 =	smul.u32 $0x140000, s10  }
0x8: {  	[smem:$0x7FF] =	sst s3;
	s4 =	sadd.s32 $0xB400, s6;
	s7 =	smul.u32 $0x14000, s2  }
0x9: {  	s16 =	sadd.s32 $0x1400, s6;
	_ =	strace $0x8000004D;
	s8 =	smul.u32 $0x50000, s2  }
0xa: {  	s9 =	ssub.s32 $0x2, s10;
	s11 =	smul.u32 $0x5000, s2;
	p0 =	seq.s32 s10, $0x1  }
0xb: {  	s31 =	sshrl.u32 s9, $0x1;
	s5 =	sadd.s32 s7, s5;
	s30 =	sshrl.u32 s8, $0x2  }
0xc: {  	s19 =	ssub.s32 s9, s31;
	s14 =	sshrl.u32 s11, $0x3;
	s7 =	sshrl.u32 s5, $0x3  }
0xd: {  	s5 =	sadd.s32 s30, s1;
	s13 =	sadd.s32 $0x280, s14;
	s10 =	sadd.s32 s16, s14  }
0xe: {  	s11 =	sadd.s32 s17, s14;
	s15 =	sadd.s32 $0x500, s14;
	s20 =	sadd.s32 $0x780, s14  }
.Ltmp0:
0xf: {  	s19 =	smax.u32 s19, $0x1;
	s18 =	sadd.s32 s7, s6;
	(pc) =	sbr.rel .LBB2_1-.Ltmp0, $4  }
0x10: {  	s6 =	sadd.s32 $0x4000, s5;
	s7 =	sadd.s32 $0x8000, s5;
	s8 =	sadd.s32 $0xC000, s5  }
0x11: {  	s9 =	sadd.s32 $0x10000, s5;
	s12 =	sadd.s32 s16, s13;
	s13 =	sadd.s32 s17, s13  }
0x12: {  	s14 =	sadd.s32 s16, s15;
	s15 =	sadd.s32 s17, s15;
	s16 =	sadd.s32 s16, s20  }
0x13: {  	v0 =	vimm.f32 $0.0e+00;
	s17 =	sadd.s32 s17, s20;
	s20 =	simm.s32 $0x2800;
	s18 =	sadd.s32 $0x33400, s18  }
.LBB2_8:
0x14: {  	[tilespmem:s24], [sflag:$0x2] =	stream.indirect.gather [hbm4b:s4+s23], $0x80, s31, s23, $0xb8;
	[tilespmem:$0x1E800] =	vst v63  }
.LBB2_14:
0x15: {  	_ =	swait.ge [sflag:s25], $0x4000  }
0x16: {  	[sflag:s25] =	ssyncset.done $0x0  }
0x17: {  	[sflag:s25] =	ssyncadd.s32 $0xFFFFC000  }
0x18: {  	[spmem:s1] =	stream.indirect.scatter.add.f32 [tilespmem:s20], [sflag:$0x3], $0x80, s28, s23, $0xb8;
	[tilespmem:$0x1E800] =	vst v63  }
0x19: {  	_ =	swait.ge [sflag:s21], $0x4000  }
0x1a: {  	[sflag:s21] =	ssyncset.done $0x0  }
0x1b: {  	[sflag:s21] =	ssyncadd.s32 $0xFFFFC000  }
0x1c: {  	_ =	swait.ge [sflag:s26], $0x4000  }
0x1d: {  	[sflag:s26] =	ssyncset.done $0x0  }
0x1e: {  	[sflag:s26] =	ssyncadd.s32 $0xFFFFC000  }
0x1f: {  	[spmem:s1] =	stream.indirect.scatter.add.f32 [tilespmem:s24], [sflag:$0x3], $0x80, s29, s23, $0xb8;
	[tilespmem:$0x1E800] =	vst v63  }
0x20: {  	_ =	swait.ge [sflag:s21], $0x4000  }
0x21: {  	s0 =	sshll.u32 s2, $0x6;
	s3 =	sadd.s32 $0x1, s3;
	[sflag:s21] =	ssyncset.done $0x0  }
0x22: {  	s30 =	sshrl.u32 s5, $0x3;
	p1 =	sne.s32 s3, s19;
	[sflag:s21] =	ssyncadd.s32 $0xFFFFC000  }
.Ltmp1:
0x23: {  	s0 =	sor.u32 $0x1C03, s0;
	[bflag:$0x0] =	sbarrier.arrive $0xFFFF;
	(pc) =	sbr.rel @!p1 .LBB2_15-.Ltmp1, $4  }
0x24: {  	[hbm:s18], [sflag:s0] =	dma.local [spmem:s30], $0x2800  }
0x25: {  	_ =	swait.ge [sflag:s21], $0x2800  }
0x26: {  	[sflag:s21] =	ssyncset.done $0x0  }
0x27: {  	[sflag:s21] =	ssyncadd.s32 $0xFFFFD800  }
.LBB2_1:
0x28: {  	s30 =	simm.s32 $0x0;
	s31 =	simm.s32 $0x200  }
.LBB2_2:
0x29: {  	p1 =	sne.s32 s31, $0xFE00;
	[tilespmem:s30+$0x2870] =	vst v0  }
0x2a: {  	[tilespmem:s30+$0x2800] =	vst v0  }
0x2b: {  	[tilespmem:s30+$0x2810] =	vst v0  }
.Ltmp2:
0x2c: {  	[tilespmem:s30+$0x2820] =	vst v0;
	(pc) =	sbr.rel @p1 .LBB2_2-.Ltmp2, $4  }
0x2d: {  	[tilespmem:s30+$0x2830] =	vst v0  }
0x2e: {  	[tilespmem:s30+$0x2840] =	vst v0  }
0x2f: {  	[tilespmem:s30+$0x2850] =	vst v0  }
0x30: {  	[tilespmem:s30+$0x2860] =	vst v0;
	s30 =	sshra.s32 s31, $0x2;
	s31 =	sadd.s32 $0x200, s31  }
0x31: {  	[tilespmem:s30+$0x2870] =	vst v0  }
0x32: {  	[tilespmem:s30+$0x2800] =	vst v0  }
0x33: {  	[tilespmem:s30+$0x2810] =	vst v0  }
0x34: {  	[tilespmem:s30+$0x2820] =	vst v0  }
0x35: {  	[tilespmem:s30+$0x2830] =	vst v0  }
0x36: {  	[tilespmem:s30+$0x2840] =	vst v0  }
0x37: {  	[tilespmem:s30+$0x2850] =	vst v0  }
0x38: {  	[tilespmem:s30+$0x2860] =	vst v0  }
0x39: {  	[spmem:s5] =	stream.linear.scatter [tilespmem:s20], [sflag:$0x3], $0x4000, $0x38;
	[tilespmem:$0x1E800] =	vst v63  }
0x3a: {  	_ =	swait.ge [sflag:s21], $0x4000  }
0x3b: {  	[sflag:s21] =	ssyncset.done $0x0  }
0x3c: {  	[sflag:s21] =	ssyncadd.s32 $0xFFFFC000  }
0x3d: {  	[spmem:s6] =	stream.linear.scatter [tilespmem:s20], [sflag:$0x3], $0x4000, $0x38;
	[tilespmem:$0x1E800] =	vst v63  }
0x3e: {  	_ =	swait.ge [sflag:s21], $0x4000  }
0x3f: {  	[sflag:s21] =	ssyncset.done $0x0  }
0x40: {  	[sflag:s21] =	ssyncadd.s32 $0xFFFFC000  }
0x41: {  	[spmem:s7] =	stream.linear.scatter [tilespmem:s20], [sflag:$0x3], $0x4000, $0x38;
	[tilespmem:$0x1E800] =	vst v63  }
0x42: {  	_ =	swait.ge [sflag:s21], $0x4000  }
0x43: {  	[sflag:s21] =	ssyncset.done $0x0  }
0x44: {  	[sflag:s21] =	ssyncadd.s32 $0xFFFFC000  }
0x45: {  	[spmem:s8] =	stream.linear.scatter [tilespmem:s20], [sflag:$0x3], $0x4000, $0x38;
	[tilespmem:$0x1E800] =	vst v63  }
0x46: {  	_ =	swait.ge [sflag:s21], $0x4000  }
0x47: {  	[sflag:s21] =	ssyncset.done $0x0  }
0x48: {  	[sflag:s21] =	ssyncadd.s32 $0xFFFFC000  }
0x49: {  	[spmem:s9] =	stream.linear.scatter [tilespmem:s20], [sflag:$0x3], $0x4000, $0x38;
	[tilespmem:$0x1E800] =	vst v63  }
.Ltmp3:
0x4a: {  	_ =	swait.ge [sflag:s21], $0x4000;
	(pc) =	sbr.rel @!p0 .LBB2_4-.Ltmp3, $3  }
0x4b: {  	[sflag:s21] =	ssyncset.done $0x0  }
0x4c: {  	[sflag:s21] =	ssyncadd.s32 $0xFFFFC000  }
0x4d: {  	[bflag:$0x0] =	sbarrier.arrive $0xFFFF;
	_ =	sdelay $0x1  }
0x4e: {  	s0 =	simm.s32 $0x0  }
0x4f: {  	[tilespmem:s0], [sflag:$0x3] =	stream.linear.gather [hbm4b:s14+s0], $0x1400, $0x38;
	[tilespmem:$0x1E800] =	vst v63  }
0x50: {  	_ =	swait.ge [sflag:s21], $0x1400  }
0x51: {  	[sflag:s21] =	ssyncset.done $0x0  }
0x52: {  	[sflag:s21] =	ssyncadd.s32 $0xFFFFEC00  }
0x53: {  	[tilespmem:s22], [sflag:$0x3] =	stream.linear.gather [hbm4b:s15+s0], $0x1400, $0x38;
	[tilespmem:$0x1E800] =	vst v63  }
0x54: {  	_ =	swait.ge [sflag:s21], $0x1400  }
0x55: {  	[sflag:s21] =	ssyncset.done $0x0  }
0x56: {  	[sflag:s21] =	ssyncadd.s32 $0xFFFFEC00  }
0x57: {  	[tilespmem:s20], [sflag:$0x1] =	stream.indirect.gather [hbm4b:s4+s23], $0x80, s0, s23, $0xb8;
	[tilespmem:$0x1E800] =	vst v63  }
0x58: {  	_ = 	snop  }
0x59: {  	[tilespmem:s24], [sflag:$0x2] =	stream.indirect.gather [hbm4b:s4+s23], $0x80, s23, s23, $0xb8;
	[tilespmem:$0x1E800] =	vst v63  }
0x5a: {  	_ =	swait.ge [sflag:s25], $0x4000  }
0x5b: {  	[sflag:s25] =	ssyncset.done $0x0  }
0x5c: {  	s0 =	simm.s32 $0x1400;
	[sflag:s25] =	ssyncadd.s32 $0xFFFFC000  }
0x5d: {  	[spmem:s1] =	stream.indirect.scatter.add.f32 [tilespmem:s20], [sflag:$0x3], $0x80, s0, s23, $0xb8;
	[tilespmem:$0x1E800] =	vst v63  }
0x5e: {  	_ =	swait.ge [sflag:s21], $0x4000  }
0x5f: {  	[sflag:s21] =	ssyncset.done $0x0  }
0x60: {  	s0 =	simm.s32 $0x100;
	[sflag:s21] =	ssyncadd.s32 $0xFFFFC000  }
0x61: {  	[tilespmem:s20], [sflag:$0x1] =	stream.indirect.gather [hbm4b:s4+s23], $0x80, s0, s23, $0xb8;
	[tilespmem:$0x1E800] =	vst v63  }
0x62: {  	_ =	swait.ge [sflag:s26], $0x4000  }
0x63: {  	[sflag:s26] =	ssyncset.done $0x0  }
0x64: {  	s0 =	simm.s32 $0x1480;
	[sflag:s26] =	ssyncadd.s32 $0xFFFFC000  }
0x65: {  	[spmem:s1] =	stream.indirect.scatter.add.f32 [tilespmem:s24], [sflag:$0x3], $0x80, s0, s23, $0xb8;
	[tilespmem:$0x1E800] =	vst v63  }
0x66: {  	_ =	swait.ge [sflag:s21], $0x4000  }
0x67: {  	[sflag:s21] =	ssyncset.done $0x0  }
0x68: {  	s30 =	simm.s32 $0x400;
	s31 =	simm.s32 $0x180;
	[sflag:s21] =	ssyncadd.s32 $0xFFFFC000  }
.LBB2_10:
0x69: {  	[tilespmem:s24], [sflag:$0x2] =	stream.indirect.gather [hbm4b:s4+s23], $0x80, s31, s23, $0xb8;
	[tilespmem:$0x1E800] =	vst v63  }
0x6a: {  	s0 =	smov.u32 s30  }
0x6b: {  	p1 =	sne.s32 s30, $0x4800;
	s30 =	sadd.s32 $0x400, s30;
	_ =	swait.ge [sflag:s25], $0x4000  }
0x6c: {  	s0 =	sshra.s32 s0, $0x2;
	[sflag:s25] =	ssyncset.done $0x0  }
0x6d: {  	s31 =	sadd.s32 $0x1400, s0;
	[sflag:s25] =	ssyncadd.s32 $0xFFFFC000  }
0x6e: {  	[spmem:s1] =	stream.indirect.scatter.add.f32 [tilespmem:s20], [sflag:$0x3], $0x80, s31, s23, $0xb8;
	[tilespmem:$0x1E800] =	vst v63  }
0x6f: {  	_ =	swait.ge [sflag:s21], $0x4000  }
0x70: {  	[sflag:s21] =	ssyncset.done $0x0  }
0x71: {  	s31 =	sadd.s32 $0x100, s0;
	[sflag:s21] =	ssyncadd.s32 $0xFFFFC000  }
0x72: {  	[tilespmem:s20], [sflag:$0x1] =	stream.indirect.gather [hbm4b:s4+s23], $0x80, s31, s23, $0xb8;
	[tilespmem:$0x1E800] =	vst v63  }
0x73: {  	_ =	swait.ge [sflag:s26], $0x4000  }
0x74: {  	[sflag:s26] =	ssyncset.done $0x0  }
.Ltmp4:
0x75: {  	s31 =	sadd.s32 $0x1480, s0;
	[sflag:s26] =	ssyncadd.s32 $0xFFFFC000;
	(pc) =	sbr.rel @p1 .LBB2_10-.Ltmp4, $4  }
0x76: {  	[spmem:s1] =	stream.indirect.scatter.add.f32 [tilespmem:s24], [sflag:$0x3], $0x80, s31, s23, $0xb8;
	[tilespmem:$0x1E800] =	vst v63  }
0x77: {  	_ =	swait.ge [sflag:s21], $0x4000  }
0x78: {  	[sflag:s21] =	ssyncset.done $0x0  }
0x79: {  	s31 =	sadd.s32 $0x180, s0;
	[sflag:s21] =	ssyncadd.s32 $0xFFFFC000  }
0x7a: {  	[tilespmem:s24], [sflag:$0x2] =	stream.indirect.gather [hbm4b:s4+s23], $0x80, s31, s23, $0xb8;
	[tilespmem:$0x1E800] =	vst v63  }
0x7b: {  	_ =	swait.ge [sflag:s25], $0x4000  }
0x7c: {  	[sflag:s25] =	ssyncset.done $0x0  }
0x7d: {  	[sflag:s25] =	ssyncadd.s32 $0xFFFFC000  }
0x7e: {  	[spmem:s1] =	stream.indirect.scatter.add.f32 [tilespmem:s20], [sflag:$0x3], $0x80, s28, s23, $0xb8;
	[tilespmem:$0x1E800] =	vst v63  }
0x7f: {  	_ =	swait.ge [sflag:s21], $0x4000  }
0x80: {  	[sflag:s21] =	ssyncset.done $0x0  }
0x81: {  	[sflag:s21] =	ssyncadd.s32 $0xFFFFC000  }
0x82: {  	_ =	swait.ge [sflag:s26], $0x4000  }
0x83: {  	[sflag:s26] =	ssyncset.done $0x0  }
0x84: {  	[sflag:s26] =	ssyncadd.s32 $0xFFFFC000  }
0x85: {  	[spmem:s1] =	stream.indirect.scatter.add.f32 [tilespmem:s24], [sflag:$0x3], $0x80, s29, s23, $0xb8;
	[tilespmem:$0x1E800] =	vst v63  }
0x86: {  	_ =	swait.ge [sflag:s21], $0x4000  }
0x87: {  	[sflag:s21] =	ssyncset.done $0x0  }
0x88: {  	s0 =	simm.s32 $0x0;
	[sflag:s21] =	ssyncadd.s32 $0xFFFFC000  }
0x89: {  	[tilespmem:s0], [sflag:$0x3] =	stream.linear.gather [hbm4b:s16+s0], $0x1400, $0x38;
	[tilespmem:$0x1E800] =	vst v63  }
0x8a: {  	_ =	swait.ge [sflag:s21], $0x1400  }
0x8b: {  	[sflag:s21] =	ssyncset.done $0x0  }
0x8c: {  	[sflag:s21] =	ssyncadd.s32 $0xFFFFEC00  }
0x8d: {  	[tilespmem:s22], [sflag:$0x3] =	stream.linear.gather [hbm4b:s17+s0], $0x1400, $0x38;
	[tilespmem:$0x1E800] =	vst v63  }
0x8e: {  	_ =	swait.ge [sflag:s21], $0x1400  }
0x8f: {  	[sflag:s21] =	ssyncset.done $0x0  }
0x90: {  	[sflag:s21] =	ssyncadd.s32 $0xFFFFEC00  }
0x91: {  	[tilespmem:s20], [sflag:$0x1] =	stream.indirect.gather [hbm4b:s4+s23], $0x80, s0, s23, $0xb8;
	[tilespmem:$0x1E800] =	vst v63  }
0x92: {  	_ = 	snop  }
0x93: {  	[tilespmem:s24], [sflag:$0x2] =	stream.indirect.gather [hbm4b:s4+s23], $0x80, s23, s23, $0xb8;
	[tilespmem:$0x1E800] =	vst v63  }
0x94: {  	_ =	swait.ge [sflag:s25], $0x4000  }
0x95: {  	[sflag:s25] =	ssyncset.done $0x0  }
0x96: {  	s0 =	simm.s32 $0x1400;
	[sflag:s25] =	ssyncadd.s32 $0xFFFFC000  }
0x97: {  	[spmem:s1] =	stream.indirect.scatter.add.f32 [tilespmem:s20], [sflag:$0x3], $0x80, s0, s23, $0xb8;
	[tilespmem:$0x1E800] =	vst v63  }
0x98: {  	_ =	swait.ge [sflag:s21], $0x4000  }
0x99: {  	[sflag:s21] =	ssyncset.done $0x0  }
0x9a: {  	s0 =	simm.s32 $0x100;
	[sflag:s21] =	ssyncadd.s32 $0xFFFFC000  }
0x9b: {  	[tilespmem:s20], [sflag:$0x1] =	stream.indirect.gather [hbm4b:s4+s23], $0x80, s0, s23, $0xb8;
	[tilespmem:$0x1E800] =	vst v63  }
0x9c: {  	_ =	swait.ge [sflag:s26], $0x4000  }
0x9d: {  	[sflag:s26] =	ssyncset.done $0x0  }
0x9e: {  	s0 =	simm.s32 $0x1480;
	[sflag:s26] =	ssyncadd.s32 $0xFFFFC000  }
0x9f: {  	[spmem:s1] =	stream.indirect.scatter.add.f32 [tilespmem:s24], [sflag:$0x3], $0x80, s0, s23, $0xb8;
	[tilespmem:$0x1E800] =	vst v63  }
0xa0: {  	_ =	swait.ge [sflag:s21], $0x4000  }
0xa1: {  	[sflag:s21] =	ssyncset.done $0x0  }
0xa2: {  	s30 =	simm.s32 $0x400;
	s31 =	simm.s32 $0x180;
	[sflag:s21] =	ssyncadd.s32 $0xFFFFC000  }
.LBB2_12:
0xa3: {  	[tilespmem:s24], [sflag:$0x2] =	stream.indirect.gather [hbm4b:s4+s23], $0x80, s31, s23, $0xb8;
	[tilespmem:$0x1E800] =	vst v63  }
0xa4: {  	s0 =	smov.u32 s30  }
0xa5: {  	p1 =	sne.s32 s30, $0x4800;
	s30 =	sadd.s32 $0x400, s30;
	_ =	swait.ge [sflag:s25], $0x4000  }
0xa6: {  	s0 =	sshra.s32 s0, $0x2;
	[sflag:s25] =	ssyncset.done $0x0  }
0xa7: {  	s31 =	sadd.s32 $0x1400, s0;
	[sflag:s25] =	ssyncadd.s32 $0xFFFFC000  }
0xa8: {  	[spmem:s1] =	stream.indirect.scatter.add.f32 [tilespmem:s20], [sflag:$0x3], $0x80, s31, s23, $0xb8;
	[tilespmem:$0x1E800] =	vst v63  }
0xa9: {  	_ =	swait.ge [sflag:s21], $0x4000  }
0xaa: {  	[sflag:s21] =	ssyncset.done $0x0  }
0xab: {  	s31 =	sadd.s32 $0x100, s0;
	[sflag:s21] =	ssyncadd.s32 $0xFFFFC000  }
0xac: {  	[tilespmem:s20], [sflag:$0x1] =	stream.indirect.gather [hbm4b:s4+s23], $0x80, s31, s23, $0xb8;
	[tilespmem:$0x1E800] =	vst v63  }
0xad: {  	_ =	swait.ge [sflag:s26], $0x4000  }
0xae: {  	[sflag:s26] =	ssyncset.done $0x0  }
.Ltmp5:
0xaf: {  	s31 =	sadd.s32 $0x1480, s0;
	[sflag:s26] =	ssyncadd.s32 $0xFFFFC000;
	(pc) =	sbr.rel @p1 .LBB2_12-.Ltmp5, $4  }
0xb0: {  	[spmem:s1] =	stream.indirect.scatter.add.f32 [tilespmem:s24], [sflag:$0x3], $0x80, s31, s23, $0xb8;
	[tilespmem:$0x1E800] =	vst v63  }
0xb1: {  	_ =	swait.ge [sflag:s21], $0x4000  }
0xb2: {  	[sflag:s21] =	ssyncset.done $0x0  }
0xb3: {  	s31 =	sadd.s32 $0x180, s0;
	[sflag:s21] =	ssyncadd.s32 $0xFFFFC000  }
.Ltmp6:
0xb4: {  	(pc) =	sbr.rel .LBB2_14-.Ltmp6, $2  }
0xb5: {  	_ =	sdelay $0x2  }
0xb6: {  	[tilespmem:s24], [sflag:$0x2] =	stream.indirect.gather [hbm4b:s4+s23], $0x80, s31, s23, $0xb8;
	[tilespmem:$0x1E800] =	vst v63  }
.LBB2_4:
0xb7: {  	s30 =	simm.s32 $0x0  }
0xb8: {  	[tilespmem:s30], [sflag:$0x3] =	stream.linear.gather [hbm4b:s10+s30], $0x1400, $0x38;
	[tilespmem:$0x1E800] =	vst v63  }
0xb9: {  	_ =	swait.ge [sflag:s21], $0x1400  }
0xba: {  	[sflag:s21] =	ssyncset.done $0x0  }
0xbb: {  	[sflag:s21] =	ssyncadd.s32 $0xFFFFEC00  }
0xbc: {  	[tilespmem:s22], [sflag:$0x3] =	stream.linear.gather [hbm4b:s11+s30], $0x1400, $0x38;
	[tilespmem:$0x1E800] =	vst v63  }
0xbd: {  	_ =	swait.ge [sflag:s21], $0x1400  }
0xbe: {  	[sflag:s21] =	ssyncset.done $0x0  }
0xbf: {  	[sflag:s21] =	ssyncadd.s32 $0xFFFFEC00  }
0xc0: {  	[tilespmem:s20], [sflag:$0x1] =	stream.indirect.gather [hbm4b:s4+s23], $0x80, s30, s23, $0xb8;
	[tilespmem:$0x1E800] =	vst v63  }
0xc1: {  	_ = 	snop  }
0xc2: {  	[tilespmem:s24], [sflag:$0x2] =	stream.indirect.gather [hbm4b:s4+s23], $0x80, s23, s23, $0xb8;
	[tilespmem:$0x1E800] =	vst v63  }
0xc3: {  	_ =	swait.ge [sflag:s25], $0x4000  }
0xc4: {  	[sflag:s25] =	ssyncset.done $0x0  }
0xc5: {  	s30 =	simm.s32 $0x1400;
	[sflag:s25] =	ssyncadd.s32 $0xFFFFC000  }
0xc6: {  	[spmem:s1] =	stream.indirect.scatter.add.f32 [tilespmem:s20], [sflag:$0x3], $0x80, s30, s23, $0xb8;
	[tilespmem:$0x1E800] =	vst v63  }
0xc7: {  	_ =	swait.ge [sflag:s21], $0x4000  }
0xc8: {  	[sflag:s21] =	ssyncset.done $0x0  }
0xc9: {  	s30 =	simm.s32 $0x100;
	[sflag:s21] =	ssyncadd.s32 $0xFFFFC000  }
0xca: {  	[tilespmem:s20], [sflag:$0x1] =	stream.indirect.gather [hbm4b:s4+s23], $0x80, s30, s23, $0xb8;
	[tilespmem:$0x1E800] =	vst v63  }
0xcb: {  	_ =	swait.ge [sflag:s26], $0x4000  }
0xcc: {  	[sflag:s26] =	ssyncset.done $0x0  }
0xcd: {  	s30 =	simm.s32 $0x1480;
	[sflag:s26] =	ssyncadd.s32 $0xFFFFC000  }
0xce: {  	[spmem:s1] =	stream.indirect.scatter.add.f32 [tilespmem:s24], [sflag:$0x3], $0x80, s30, s23, $0xb8;
	[tilespmem:$0x1E800] =	vst v63  }
0xcf: {  	_ =	swait.ge [sflag:s21], $0x4000  }
0xd0: {  	[sflag:s21] =	ssyncset.done $0x0  }
0xd1: {  	s31 =	simm.s32 $0x180;
	s30 =	simm.s32 $0x400;
	[sflag:s21] =	ssyncadd.s32 $0xFFFFC000  }
.LBB2_5:
0xd2: {  	[tilespmem:s24], [sflag:$0x2] =	stream.indirect.gather [hbm4b:s4+s23], $0x80, s31, s23, $0xb8;
	[tilespmem:$0x1E800] =	vst v63  }
0xd3: {  	s31 =	smov.u32 s30  }
0xd4: {  	p1 =	sne.s32 s30, $0x4800;
	s30 =	sadd.s32 $0x400, s30;
	_ =	swait.ge [sflag:s25], $0x4000  }
0xd5: {  	s31 =	sshra.s32 s31, $0x2;
	[sflag:s25] =	ssyncset.done $0x0  }
0xd6: {  	s0 =	sadd.s32 $0x1400, s31;
	[sflag:s25] =	ssyncadd.s32 $0xFFFFC000  }
0xd7: {  	[spmem:s1] =	stream.indirect.scatter.add.f32 [tilespmem:s20], [sflag:$0x3], $0x80, s0, s23, $0xb8;
	[tilespmem:$0x1E800] =	vst v63  }
0xd8: {  	_ =	swait.ge [sflag:s21], $0x4000  }
0xd9: {  	[sflag:s21] =	ssyncset.done $0x0  }
0xda: {  	s0 =	sadd.s32 $0x100, s31;
	[sflag:s21] =	ssyncadd.s32 $0xFFFFC000  }
0xdb: {  	[tilespmem:s20], [sflag:$0x1] =	stream.indirect.gather [hbm4b:s4+s23], $0x80, s0, s23, $0xb8;
	[tilespmem:$0x1E800] =	vst v63  }
0xdc: {  	_ =	swait.ge [sflag:s26], $0x4000  }
0xdd: {  	[sflag:s26] =	ssyncset.done $0x0  }
.Ltmp7:
0xde: {  	s0 =	sadd.s32 $0x1480, s31;
	[sflag:s26] =	ssyncadd.s32 $0xFFFFC000;
	(pc) =	sbr.rel @p1 .LBB2_5-.Ltmp7, $4  }
0xdf: {  	[spmem:s1] =	stream.indirect.scatter.add.f32 [tilespmem:s24], [sflag:$0x3], $0x80, s0, s23, $0xb8;
	[tilespmem:$0x1E800] =	vst v63  }
0xe0: {  	_ =	swait.ge [sflag:s21], $0x4000  }
0xe1: {  	[sflag:s21] =	ssyncset.done $0x0  }
0xe2: {  	s31 =	sadd.s32 $0x180, s31;
	[sflag:s21] =	ssyncadd.s32 $0xFFFFC000  }
0xe3: {  	[tilespmem:s24], [sflag:$0x2] =	stream.indirect.gather [hbm4b:s4+s23], $0x80, s31, s23, $0xb8;
	[tilespmem:$0x1E800] =	vst v63  }
0xe4: {  	_ =	swait.ge [sflag:s25], $0x4000  }
0xe5: {  	[sflag:s25] =	ssyncset.done $0x0  }
0xe6: {  	[sflag:s25] =	ssyncadd.s32 $0xFFFFC000  }
0xe7: {  	[spmem:s1] =	stream.indirect.scatter.add.f32 [tilespmem:s20], [sflag:$0x3], $0x80, s28, s23, $0xb8;
	[tilespmem:$0x1E800] =	vst v63  }
0xe8: {  	_ =	swait.ge [sflag:s21], $0x4000  }
0xe9: {  	[sflag:s21] =	ssyncset.done $0x0  }
0xea: {  	[sflag:s21] =	ssyncadd.s32 $0xFFFFC000  }
0xeb: {  	_ =	swait.ge [sflag:s26], $0x4000  }
0xec: {  	[sflag:s26] =	ssyncset.done $0x0  }
0xed: {  	[sflag:s26] =	ssyncadd.s32 $0xFFFFC000  }
0xee: {  	[spmem:s1] =	stream.indirect.scatter.add.f32 [tilespmem:s24], [sflag:$0x3], $0x80, s29, s23, $0xb8;
	[tilespmem:$0x1E800] =	vst v63  }
0xef: {  	_ =	swait.ge [sflag:s21], $0x4000  }
0xf0: {  	[sflag:s21] =	ssyncset.done $0x0  }
0xf1: {  	s0 =	simm.s32 $0x0;
	[sflag:s21] =	ssyncadd.s32 $0xFFFFC000  }
0xf2: {  	[tilespmem:s0], [sflag:$0x3] =	stream.linear.gather [hbm4b:s12+s0], $0x1400, $0x38;
	[tilespmem:$0x1E800] =	vst v63  }
0xf3: {  	_ =	swait.ge [sflag:s21], $0x1400  }
0xf4: {  	[sflag:s21] =	ssyncset.done $0x0  }
0xf5: {  	[sflag:s21] =	ssyncadd.s32 $0xFFFFEC00  }
0xf6: {  	[tilespmem:s22], [sflag:$0x3] =	stream.linear.gather [hbm4b:s13+s0], $0x1400, $0x38;
	[tilespmem:$0x1E800] =	vst v63  }
0xf7: {  	_ =	swait.ge [sflag:s21], $0x1400  }
0xf8: {  	[sflag:s21] =	ssyncset.done $0x0  }
0xf9: {  	[sflag:s21] =	ssyncadd.s32 $0xFFFFEC00  }
0xfa: {  	[tilespmem:s20], [sflag:$0x1] =	stream.indirect.gather [hbm4b:s4+s23], $0x80, s0, s23, $0xb8;
	[tilespmem:$0x1E800] =	vst v63  }
0xfb: {  	_ = 	snop  }
0xfc: {  	[tilespmem:s24], [sflag:$0x2] =	stream.indirect.gather [hbm4b:s4+s23], $0x80, s23, s23, $0xb8;
	[tilespmem:$0x1E800] =	vst v63  }
0xfd: {  	_ =	swait.ge [sflag:s25], $0x4000  }
0xfe: {  	[sflag:s25] =	ssyncset.done $0x0  }
0xff: {  	s0 =	simm.s32 $0x1400;
	[sflag:s25] =	ssyncadd.s32 $0xFFFFC000  }
0x100: {  	[spmem:s1] =	stream.indirect.scatter.add.f32 [tilespmem:s20], [sflag:$0x3], $0x80, s0, s23, $0xb8;
	[tilespmem:$0x1E800] =	vst v63  }
0x101: {  	_ =	swait.ge [sflag:s21], $0x4000  }
0x102: {  	[sflag:s21] =	ssyncset.done $0x0  }
0x103: {  	s0 =	simm.s32 $0x100;
	[sflag:s21] =	ssyncadd.s32 $0xFFFFC000  }
0x104: {  	[tilespmem:s20], [sflag:$0x1] =	stream.indirect.gather [hbm4b:s4+s23], $0x80, s0, s23, $0xb8;
	[tilespmem:$0x1E800] =	vst v63  }
0x105: {  	_ =	swait.ge [sflag:s26], $0x4000  }
0x106: {  	[sflag:s26] =	ssyncset.done $0x0  }
0x107: {  	s0 =	simm.s32 $0x1480;
	[sflag:s26] =	ssyncadd.s32 $0xFFFFC000  }
0x108: {  	[spmem:s1] =	stream.indirect.scatter.add.f32 [tilespmem:s24], [sflag:$0x3], $0x80, s0, s23, $0xb8;
	[tilespmem:$0x1E800] =	vst v63  }
0x109: {  	_ =	swait.ge [sflag:s21], $0x4000  }
0x10a: {  	[sflag:s21] =	ssyncset.done $0x0  }
0x10b: {  	s30 =	simm.s32 $0x400;
	s31 =	simm.s32 $0x180;
	[sflag:s21] =	ssyncadd.s32 $0xFFFFC000  }
.LBB2_7:
0x10c: {  	[tilespmem:s24], [sflag:$0x2] =	stream.indirect.gather [hbm4b:s4+s23], $0x80, s31, s23, $0xb8;
	[tilespmem:$0x1E800] =	vst v63  }
0x10d: {  	s0 =	smov.u32 s30  }
0x10e: {  	p1 =	seq.s32 s30, $0x4800;
	s30 =	sadd.s32 $0x400, s30;
	_ =	swait.ge [sflag:s25], $0x4000  }
0x10f: {  	s0 =	sshra.s32 s0, $0x2;
	[sflag:s25] =	ssyncset.done $0x0  }
0x110: {  	s31 =	sadd.s32 $0x1400, s0;
	[sflag:s25] =	ssyncadd.s32 $0xFFFFC000  }
0x111: {  	[spmem:s1] =	stream.indirect.scatter.add.f32 [tilespmem:s20], [sflag:$0x3], $0x80, s31, s23, $0xb8;
	[tilespmem:$0x1E800] =	vst v63  }
0x112: {  	_ =	swait.ge [sflag:s21], $0x4000  }
0x113: {  	[sflag:s21] =	ssyncset.done $0x0  }
0x114: {  	s31 =	sadd.s32 $0x100, s0;
	[sflag:s21] =	ssyncadd.s32 $0xFFFFC000  }
0x115: {  	[tilespmem:s20], [sflag:$0x1] =	stream.indirect.gather [hbm4b:s4+s23], $0x80, s31, s23, $0xb8;
	[tilespmem:$0x1E800] =	vst v63  }
0x116: {  	_ =	swait.ge [sflag:s26], $0x4000  }
0x117: {  	[sflag:s26] =	ssyncset.done $0x0  }
.Ltmp8:
0x118: {  	s31 =	sadd.s32 $0x1480, s0;
	[sflag:s26] =	ssyncadd.s32 $0xFFFFC000;
	(pc) =	sbr.rel @!p1 .LBB2_7-.Ltmp8, $4  }
0x119: {  	[spmem:s1] =	stream.indirect.scatter.add.f32 [tilespmem:s24], [sflag:$0x3], $0x80, s31, s23, $0xb8;
	[tilespmem:$0x1E800] =	vst v63  }
0x11a: {  	_ =	swait.ge [sflag:s21], $0x4000  }
0x11b: {  	[sflag:s21] =	ssyncset.done $0x0  }
0x11c: {  	s31 =	sadd.s32 $0x180, s0;
	[sflag:s21] =	ssyncadd.s32 $0xFFFFC000  }
.Ltmp9:
0x11d: {  	_ = 	snop;
	(pc) =	sbr.rel .LBB2_8-.Ltmp9, $1  }
0x11e: {  	_ =	sdelay $0x3  }
.LBB2_15:
0x11f: {  	_ =	sfence.sel $0x180000  }
0x120: {  	[bflag:$0x0] =	sbarrier.arrive $0xFFFF  }
0x121: {  	_ =	strace $0x9000004D  }
0x122: {  	[bflag:$0x2] =	sbarrier.arrive $0xFFFF  }
0x123: {  	p0 =	sne.s32 s2, $0x0;
	s0 =	rddreg [dreg:$0x3]  }
0x124: {  	s0 =	sadd.s32 @!p0 $0x100000, s0  }
0x125: {  	[sflag:s0] =	ssyncadd.tile.s32 @!p0 $0x1;
	_ =	shalt  }
.Lfunc_end2:
_tile_overlayer_lowered:
.L_overlay_start_2:
0x126: {  	(tag) =	ssettag $0x2  }
0x127: {  	s0 =	rddreg [dreg:$0x0];
	s2 =	stileid.u32  }
0x128: {  	s1 =	rddreg [dreg:$0x1];
	p0 =	sne.s32 s2, $0x0  }
0x129: {  	s3 =	rddreg [dreg:$0x2];
	[bflag:$0x3] =	sbarrier.arrive $0xFFFF;
	s2 =	simm.s32 @!p0 $0x1C03  }
0x12a: {  	[timem:s3], [sflag:s2] =	dma.local @!p0 [hbm:s0], s1  }
0x12b: {  	s0 =	simm.s32 @!p0 $0x3  }
0x12c: {  	_ =	swait.ge @!p0 [sflag:s0], s1  }
0x12d: {  	s1 =	ssub.s32 @!p0 $0x0, s1;
	[sflag:s0] =	ssyncset.done @!p0 $0x0  }
0x12e: {  	[sflag:s0] =	ssyncadd.s32 @!p0 s1  }
0x12f: {  	[bflag:$0x3] =	sbarrier.arrive $0xFFFF  }
0x130: {  	_ =	shalt  }

// kernel: kernel.8.cloned.1.call-start
scs
__scs_entry_jumppad:
0x0: {  	(pc) =	sbr.rel $0x88, $3  }
0x1: {  	(tag) =	ssettag $0x0;
	lr =	simm.s32 $0x1  }
0x2: {  	[smem:$0x3F9B] =	sst lr;
	_ =	strace $0xD0000000  }
0x3: {  	_ = 	snop  }
0x4: {  	_ = 	snop  }
0x5: {  	_ = 	snop  }
0x6: {  	_ = 	snop  }
0x7: {  	_ = 	snop  }
__scs_overlays_trampoline_lowered:
0x8: {  	[smem:$0x3FAA] =	sst s0  }
0x9: {  	[smem:$0x3FAB] =	sst s1  }
0xa: {  	[smem:$0x3FAC] =	sst s2  }
0xb: {  	[smem:$0x3FAD] =	sst s3  }
0xc: {  	[smem:$0x3FAE] =	sst s4  }
0xd: {  	[smem:$0x3FAF] =	sst s5  }
0xe: {  	[smem:$0x3FB0] =	sst s6  }
0xf: {  	[smem:$0x3FB1] =	sst s7  }
0x10: {  	[smem:$0x3FB2] =	sst s8  }
0x11: {  	[smem:$0x3FB3] =	sst s9;
	s0 =	simm.s32 @!p0 $0x0  }
0x12: {  	s1 =	sld [smem:$0x3F99];
	s0 =	simm.s32 @p0 $0x1  }
0x13: {  	[smem:$0x3FB4] =	sst s0;
	s0 =	simm.s32 @!p1 $0x0  }
0x14: {  	s2 =	sld [smem:$0x3F98];
	s0 =	simm.s32 @p1 $0x1  }
0x15: {  	[smem:$0x3FB5] =	sst s0;
	s0 =	simm.s32 @!p2 $0x0  }
0x16: {  	s3 =	sld [smem:$0x3FDB];
	s0 =	simm.s32 @p2 $0x1  }
0x17: {  	s4 =	simm.s32 $0x1BF5;
	[smem:$0x3FB7] =	sst s0  }
0x18: {  	s0 =	sld [smem:$0x3F9A];
	_ =	swait.ge [sflag:s4], $0x0  }
0x19: {  	s7 =	sld [smem:$0x3F9B]  }
0x1a: {  	s8 =	sadd.s32 $0xFFFFE003, lr  }
0x1b: {  	s9 =	sadd.s32 $0xFFFFFEF7, lr;
	s5 =	simm.s32 $0xFFFFFFFF;
	p2 =	slt.u32 s8, $0xFFFFF086  }
0x1c: {  	p1 =	slt.u32 s9, $0xF7A;
	s5 =	simm.s32 @!p2 $0x0  }
0x1d: {  	s5 =	simm.s32 @p1 $0x1;
	p0 =	seq.s32 s7, s2  }
0x1e: {  	s7 =	smul.u32 @!p0 $0xF7A, s2;
	p2 =	seq.s32 @!p0 s5, $0x0  }
0x1f: {  	s9 =	smul.u32 $0xF7A, s1;
	s8 =	simm.s32 @!p0 $0x1BF5;
	p2 =	por !p2, p0  }
0x20: {  	[sflag:s8] =	ssyncset.s32 @!p0 $0xFFFFF086;
	s6 =	sadd.s32 @!p0 s3, s7;
	s7 =	simm.s32 @!p0 $0x108  }
0x21: {  	s3 =	sadd.s32 s3, s9;
	s6 =	sadd.s32 @!p0 $0x88, s6;
	s7 =	simm.s32 @p2 $0x1082  }
0x22: {  	[simem:s7], [sflag:s8] =	dma.local @!p0 [hbm:s6], $0xF7A  }
0x23: {  	s9 =	sor.u32 $0xD0000000, s2;
	s6 =	simm.s32 $0x108;
	_ =	swait.ge @!p0 [sflag:s8], $0x0  }
0x24: {  	s3 =	sadd.s32 $0x88, s3;
	s6 =	simm.s32 @!p1 $0x1082;
	[sflag:s4] =	ssyncset.s32 $0xFFFFF086  }
0x25: {  	[simem:s6], [sflag:s4] =	dma.local [hbm:s3], $0xF7A  }
0x26: {  	[smem:$0x3F9B] =	sst s1;
	(tag) =	ssettag s2;
	_ =	strace s9  }
0x27: {  	s1 =	sld [smem:$0x3FAB]  }
0x28: {  	s2 =	sld [smem:$0x3FAC]  }
0x29: {  	s4 =	sld [smem:$0x3FAE]  }
0x2a: {  	p0 =	seq.s32 s5, $0x0;
	s5 =	sld [smem:$0x3FAF]  }
0x2b: {  	s6 =	sld [smem:$0x3FB0]  }
0x2c: {  	s7 =	sld [smem:$0x3FB1]  }
0x2d: {  	s3 =	simm.s32 $0x108;
	s8 =	sld [smem:$0x3FB2]  }
0x2e: {  	s3 =	simm.s32 @!p0 $0x1082;
	s9 =	sld [smem:$0x3FB3]  }
0x2f: {  	lr =	sadd.s32 s0, s3;
	s0 =	sld [smem:$0x3FAA]  }
0x30: {  	s3 =	sld [smem:$0x3FAD]  }
0x31: {  	[smem:$0x3FB6] =	sst s10  }
0x32: {  	s10 =	sld [smem:$0x3FB4];
	_ =	sdelay $0x3  }
0x33: {  	p0 =	seq.s32 s10, $0x1;
	s10 =	sld [smem:$0x3FB6];
	_ =	sdelay $0x3  }
0x34: {  	[smem:$0x3FB6] =	sst s10  }
0x35: {  	s10 =	sld [smem:$0x3FB5];
	_ =	sdelay $0x3  }
0x36: {  	p1 =	seq.s32 s10, $0x1;
	s10 =	sld [smem:$0x3FB6];
	_ =	sdelay $0x3  }
0x37: {  	[smem:$0x3FB6] =	sst s10  }
0x38: {  	s10 =	sld [smem:$0x3FB7]  }
0x39: {  	_ = 	snop;
	(pc) =	sbr.ind lr, $3  }
0x3a: {  	_ = 	snop  }
0x3b: {  	_ = 	snop  }
0x3c: {  	p2 =	seq.s32 s10, $0x1;
	s10 =	sld [smem:$0x3FB6]  }
0x3d: {  	_ =	shalt  }
0x3e: {  	_ =	shalt  }
0x3f: {  	_ =	shalt  }
0x40: {  	_ =	shalt  }
0x41: {  	_ =	shalt  }
0x42: {  	_ =	shalt  }
0x43: {  	_ =	shalt  }
0x44: {  	_ =	shalt  }
0x45: {  	_ =	shalt  }
0x46: {  	_ =	shalt  }
0x47: {  	_ =	shalt  }
0x48: {  	_ =	shalt  }
0x49: {  	_ =	shalt  }
0x4a: {  	_ =	shalt  }
0x4b: {  	_ =	shalt  }
0x4c: {  	_ =	shalt  }
0x4d: {  	_ =	shalt  }
0x4e: {  	_ =	shalt  }
0x4f: {  	_ =	shalt  }
0x50: {  	_ =	shalt  }
0x51: {  	_ =	shalt  }
0x52: {  	_ =	shalt  }
0x53: {  	_ =	shalt  }
0x54: {  	_ =	shalt  }
0x55: {  	_ =	shalt  }
0x56: {  	_ =	shalt  }
0x57: {  	_ =	shalt  }
0x58: {  	_ =	shalt  }
0x59: {  	_ =	shalt  }
0x5a: {  	_ =	shalt  }
0x5b: {  	_ =	shalt  }
0x5c: {  	_ =	shalt  }
0x5d: {  	_ =	shalt  }
0x5e: {  	_ =	shalt  }
0x5f: {  	_ =	shalt  }
0x60: {  	_ =	shalt  }
0x61: {  	_ =	shalt  }
0x62: {  	_ =	shalt  }
0x63: {  	_ =	shalt  }
0x64: {  	_ =	shalt  }
0x65: {  	_ =	shalt  }
0x66: {  	_ =	shalt  }
0x67: {  	_ =	shalt  }
0x68: {  	_ =	shalt  }
0x69: {  	_ =	shalt  }
0x6a: {  	_ =	shalt  }
0x6b: {  	_ =	shalt  }
0x6c: {  	_ =	shalt  }
0x6d: {  	_ =	shalt  }
0x6e: {  	_ =	shalt  }
0x6f: {  	_ =	shalt  }
0x70: {  	_ =	shalt  }
0x71: {  	_ =	shalt  }
0x72: {  	_ =	shalt  }
0x73: {  	_ =	shalt  }
0x74: {  	_ =	shalt  }
0x75: {  	_ =	shalt  }
0x76: {  	_ =	shalt  }
0x77: {  	_ =	shalt  }
0x78: {  	_ =	shalt  }
0x79: {  	_ =	shalt  }
0x7a: {  	_ =	shalt  }
0x7b: {  	_ =	shalt  }
0x7c: {  	_ =	shalt  }
0x7d: {  	_ =	shalt  }
0x7e: {  	_ =	shalt  }
0x7f: {  	_ =	shalt  }
0x80: {  	_ =	shalt  }
0x81: {  	_ =	shalt  }
0x82: {  	_ =	shalt  }
0x83: {  	_ =	shalt  }
0x84: {  	_ =	shalt  }
0x85: {  	_ =	shalt  }
0x86: {  	_ =	shalt  }
0x87: {  	_ =	shalt  }
.Lfunc_end0:
.L_simem_size_0:
called_computation_lowered:
.L_overlay_start_0:
0x88: {  	s2 =	sld [smem:$0x3FD9]  }
0x89: {  	s3 =	sld [smem:$0x3FFE];
	_ =	sdelay $0x1  }
0x8a: {  	s1 =	srdreg.scid  }
0x8b: {  	s0 =	sand.u32 $0x1, s1  }
0x8c: {  	s17 =	sshll.u32 s0, $0xA;
	s2 =	sadd.s32 s3, s2  }
0x8d: {  	s2 =	sadd.s32 s2, s17  }
0x8e: {  	[smem:$0x3FC2] =	sst s2  }
0x8f: {  	_ = 	snop  }
0x90: {  	s2 =	sld [smem:$0x3FD0];
	(tm) =	ssettm $0x1  }
0x91: {  	s18 =	sld [smem:$0x3FFB];
	_ =	sdelay $0x3  }
0x92: {  	_ =	strace s18  }
0x93: {  	s3 =	sld [smem:$0x3FFC];
	_ =	sdelay $0x3  }
0x94: {  	_ =	strace s3  }
0x95: {  	s3 =	sld [smem:$0x3FFD];
	_ =	sdelay $0x3  }
0x96: {  	_ =	strace s3  }
0x97: {  	_ =	strace $0x8FFFFFFF  }
0x98: {  	s19 =	sld [smem:$0x3FDB];
	_ =	sdelay $0x1  }
0x99: {  	s4 =	simm.s32 $_scs_section_size  }
0x9a: {  	s5 =	simm.s32 $_size__tile_overlayer_lowered;
	s6 =	simm.s32 $_tile_overlayer_lowered  }
0x9b: {  	s22 =	simm.s32 $0x1BFF;
	s21 =	sshll.u32 s6, $0x1;
	s3 =	sadd.s32 s4, s19  }
0x9c: {  	s7 =	simm.s32 $0x0;
	s20 =	sshll.u32 s5, $0x1;
	s5 =	sadd.s32 s21, s3  }
0x9d: {  	[timem:s7], [sflag:s22] =	dma.local [hbm:s5], s20  }
0x9e: {  	_ =	swait.ge [sflag:s22], s20  }
0x9f: {  	s4 =	ssub.s32 $0x0, s20;
	[sflag:s22] =	ssyncset.done $0x0  }
0xa0: {  	[sflag:s22] =	ssyncadd.s32 s4;
	_ =	sdelay $0x1  }
0xa1: {  	s23 =	simm.s32 $0x1B8B  }
0xa2: {  	_ =	swait.ge [sflag:s23], $0x1  }
0xa3: {  	[sflag:s23] =	ssyncset.done $0x0  }
0xa4: {  	s25 =	simm.s32 $0x1B8E;
	s24 =	sld [smem:$0x3FFE];
	[sflag:s23] =	ssyncadd.s32 $0xFFFFFFFF  }
0xa5: {  	s26 =	simm.s32 $execute0_lowered;
	[smem:$0x3FD2] =	sst s25  }
0xa6: {  	s5 =	sshll.u32 s26, $0x1;
	_ =	strace $0x80000046;
	[dreg:$0x1] =	wrdreg $0xFFFFFFFF  }
0xa7: {  	s28 =	simm.s32 $_size_execute0_lowered;
	s3 =	sadd.s32 s3, s5;
	[dreg:$0x0] =	wrdreg $0x0  }
0xa8: {  	s5 =	sshll.u32 s28, $0x1;
	[dreg:$0x2] =	wrdreg s3  }
0xa9: {  	[dreg:$0x3] =	wrdreg s5  }
0xaa: {  	[dreg:$0x4] =	wrdreg $0xC0  }
0xab: {  	_ =	task [dreg:s7], $0x5FFFF  }
0xac: {  	[dreg:$0x1] =	wrdreg $0xFFFFFFFF  }
0xad: {  	[dreg:$0x0] =	wrdreg $0x60  }
0xae: {  	[dreg:$0x2] =	wrdreg s24  }
0xaf: {  	[dreg:$0x3] =	wrdreg s2  }
0xb0: {  	[dreg:$0x4] =	wrdreg $0x54000  }
0xb1: {  	[dreg:$0x5] =	wrdreg $0x9  }
0xb2: {  	_ =	task.clear_ibuf [dreg:s7], $0x6FFFF;
	_ =	strace $0x90000046  }
0xb3: {  	s29 =	simm.s32 $0x9;
	_ =	strace $0x80000048  }
0xb4: {  	_ =	swait.ge [sflag:s29], $0x1  }
0xb5: {  	[sflag:s29] =	ssyncadd.s32 $0xFFFFFFFF  }
0xb6: {  	_ =	strace $0x90000048  }
0xb7: {  	_ =	sfence  }
0xb8: {  	s30 =	sld [smem:$0x0];
	_ =	sdelay $0x2  }
0xb9: {  	s31 =	sshll.u32 s1, $0xD;
	s1 =	sshrl.u32 s1, $0x2  }
0xba: {  	s3 =	sand.u32 $0x4000, s31;
	s1 =	sadd.s32 s1, s30  }
0xbb: {  	s0 =	sor.u32 s3, s0;
	s1 =	sshll.u32 s1, $0x11  }
0xbc: {  	s0 =	sor.u32 s1, s0  }
0xbd: {  	s0 =	sadd.s32 $0x8F2B, s0  }
0xbe: {  	[sflag:s0] =	ssyncadd.remote.s32 $0x1  }
0xbf: {  	_ =	sfence.sel $0xFFFF  }
0xc0: {  	[dreg:$0x0] =	wrdreg $0xFFFFFFFF;
	(pc) =	sbr.abs _section_cstart, $3  }
0xc1: {  	[dreg:$0x1] =	wrdreg $0xFFFFFFFF  }
0xc2: {  	_ =	task.clear_ibuf [dreg:s7], $0x2FFFF;
	_ =	strace $0x9FFFFFFF  }
0xc3: {  	(tm) =	ssettm $0x7FFFFFFF  }
tec
execute0_lowered:
.L_overlay_start_1:
0x0: {  	(tag) =	ssettag $0x1  }
0x1: {  	s4 =	rddreg [dreg:$0x0]  }
0x2: {  	s11 =	rddreg [dreg:$0x1];
	s0 =	srdreg.scid  }
0x3: {  	s2 =	rddreg [dreg:$0x2];
	s1 =	stileid.u32  }
0x4: {  	s3 =	simm.s32 $0x0;
	s15 =	simm.s32 $0x1400;
	s6 =	smul.u32 $0x14000, s1  }
0x5: {  	s16 =	simm.s32 $0x1;
	s17 =	simm.s32 $0x80;
	s28 =	smul.u32 $0x50000, s1  }
0x6: {  	s7 =	sand.u32 $0x1, s0;
	s0 =	rddreg [dreg:$0x3];
	s31 =	smul.u32 $0x5000, s1  }
0x7: {  	[smem:$0x7FF] =	sst s3;
	s8 =	sadd.s32 $0x1400, s4;
	s13 =	smul.u32 $0xA00, s1  }
0x8: {  	s5 =	smul.u32 $0x140000, s7;
	s9 =	ssub.s32 $0x2, s7;
	p0 =	seq.s32 s7, $0x0  }
0x9: {  	_ =	strace $0x80000047;
	s29 =	sshrl.u32 s9, $0x1;
	s11 =	smov.u32 @p0 s8  }
0xa: {  	s5 =	sadd.s32 s6, s5;
	s12 =	ssub.s32 s9, s29;
	s9 =	sshrl.u32 s31, $0x3  }
0xb: {  	s30 =	sshrl.u32 s28, $0x2;
	s5 =	sshrl.u32 s5, $0x3;
	s14 =	sadd.s32 s11, s9  }
0xc: {  	s11 =	sadd.s32 s11, s13;
	s10 =	sadd.s32 s5, s4;
	s4 =	sadd.s32 s30, s2  }
0xd: {  	s13 =	sadd.s32 $0x500, s14;
	s5 =	sadd.s32 $0x4000, s4;
	s6 =	sadd.s32 $0x8000, s4  }
0xe: {  	s7 =	sadd.s32 $0xC000, s4;
	s8 =	sadd.s32 $0x10000, s4;
	s9 =	sadd.s32 $0xB400, s10  }
0xf: {  	v0 =	vimm.f32 $0.0e+00;
	v1 =	vimm.f32 $1.000000000e+00;
	s10 =	smax.u32 s12, $0x1;
	s12 =	sadd.s32 $0x280, s14;
	s14 =	sadd.s32 $0x780, s14  }
.LBB2_1:
0x10: {  	s18 =	simm.s32 $0x0;
	s19 =	simm.s32 $0x200  }
.LBB2_2:
0x11: {  	p0 =	sne.s32 s19, $0xFE00;
	[tilespmem:s18+$0x1470] =	vst v0  }
0x12: {  	[tilespmem:s18+$0x1400] =	vst v0  }
0x13: {  	[tilespmem:s18+$0x1410] =	vst v0  }
.Ltmp0:
0x14: {  	[tilespmem:s18+$0x1420] =	vst v0;
	(pc) =	sbr.rel @p0 .LBB2_2-.Ltmp0, $4  }
0x15: {  	[tilespmem:s18+$0x1430] =	vst v0  }
0x16: {  	[tilespmem:s18+$0x1440] =	vst v0  }
0x17: {  	[tilespmem:s18+$0x1450] =	vst v0  }
0x18: {  	[tilespmem:s18+$0x1460] =	vst v0;
	s18 =	sshra.s32 s19, $0x2;
	s19 =	sadd.s32 $0x200, s19  }
0x19: {  	[tilespmem:s18+$0x1470] =	vst v0  }
0x1a: {  	[tilespmem:s18+$0x1400] =	vst v0  }
0x1b: {  	[tilespmem:s18+$0x1410] =	vst v0  }
0x1c: {  	[tilespmem:s18+$0x1420] =	vst v0  }
0x1d: {  	[tilespmem:s18+$0x1430] =	vst v0  }
0x1e: {  	[tilespmem:s18+$0x1440] =	vst v0  }
0x1f: {  	[tilespmem:s18+$0x1450] =	vst v0  }
0x20: {  	[tilespmem:s18+$0x1460] =	vst v0  }
0x21: {  	[spmem:s4] =	stream.linear.scatter [tilespmem:s15], [sflag:$0x1], $0x4000, $0x38;
	[tilespmem:$0x19400] =	vst v63  }
0x22: {  	_ =	swait.ge [sflag:s16], $0x4000  }
0x23: {  	[sflag:s16] =	ssyncset.done $0x0  }
0x24: {  	[sflag:s16] =	ssyncadd.s32 $0xFFFFC000  }
0x25: {  	[spmem:s5] =	stream.linear.scatter [tilespmem:s15], [sflag:$0x1], $0x4000, $0x38;
	[tilespmem:$0x19400] =	vst v63  }
0x26: {  	_ =	swait.ge [sflag:s16], $0x4000  }
0x27: {  	[sflag:s16] =	ssyncset.done $0x0  }
0x28: {  	[sflag:s16] =	ssyncadd.s32 $0xFFFFC000  }
0x29: {  	[spmem:s6] =	stream.linear.scatter [tilespmem:s15], [sflag:$0x1], $0x4000, $0x38;
	[tilespmem:$0x19400] =	vst v63  }
0x2a: {  	_ =	swait.ge [sflag:s16], $0x4000  }
0x2b: {  	[sflag:s16] =	ssyncset.done $0x0  }
0x2c: {  	[sflag:s16] =	ssyncadd.s32 $0xFFFFC000  }
0x2d: {  	[spmem:s7] =	stream.linear.scatter [tilespmem:s15], [sflag:$0x1], $0x4000, $0x38;
	[tilespmem:$0x19400] =	vst v63  }
0x2e: {  	_ =	swait.ge [sflag:s16], $0x4000  }
0x2f: {  	[sflag:s16] =	ssyncset.done $0x0  }
0x30: {  	[sflag:s16] =	ssyncadd.s32 $0xFFFFC000  }
0x31: {  	[spmem:s8] =	stream.linear.scatter [tilespmem:s15], [sflag:$0x1], $0x4000, $0x38;
	[tilespmem:$0x19400] =	vst v63  }
0x32: {  	_ =	swait.ge [sflag:s16], $0x4000  }
0x33: {  	[sflag:s16] =	ssyncset.done $0x0  }
0x34: {  	s18 =	simm.s32 $0x0;
	s19 =	simm.s32 $0x200;
	[sflag:s16] =	ssyncadd.s32 $0xFFFFC000  }
.LBB2_4:
0x35: {  	p0 =	sne.s32 s19, $0xFE00;
	[tilespmem:s18+$0x1470] =	vst v1  }
0x36: {  	[tilespmem:s18+$0x1400] =	vst v1  }
0x37: {  	[tilespmem:s18+$0x1410] =	vst v1  }
.Ltmp1:
0x38: {  	[tilespmem:s18+$0x1420] =	vst v1;
	(pc) =	sbr.rel @p0 .LBB2_4-.Ltmp1, $4  }
0x39: {  	[tilespmem:s18+$0x1430] =	vst v1  }
0x3a: {  	[tilespmem:s18+$0x1440] =	vst v1  }
0x3b: {  	[tilespmem:s18+$0x1450] =	vst v1  }
0x3c: {  	[tilespmem:s18+$0x1460] =	vst v1;
	s18 =	sshra.s32 s19, $0x2;
	s19 =	sadd.s32 $0x200, s19  }
0x3d: {  	[tilespmem:s18+$0x1470] =	vst v1  }
0x3e: {  	[tilespmem:s18+$0x1400] =	vst v1  }
0x3f: {  	[tilespmem:s18+$0x1410] =	vst v1  }
0x40: {  	[tilespmem:s18+$0x1420] =	vst v1  }
0x41: {  	[tilespmem:s18+$0x1430] =	vst v1  }
0x42: {  	[tilespmem:s18+$0x1440] =	vst v1  }
0x43: {  	[tilespmem:s18+$0x1450] =	vst v1  }
0x44: {  	[tilespmem:s18+$0x1460] =	vst v1  }
0x45: {  	s30 =	simm.s32 $0x0;
	[bflag:$0x0] =	sbarrier.arrive $0xFFFF  }
0x46: {  	[tilespmem:s30], [sflag:$0x1] =	stream.linear.gather [hbm4b:s11+s30], $0x1400, $0x38;
	[tilespmem:$0x19400] =	vst v63  }
0x47: {  	_ =	swait.ge [sflag:s16], $0x1400  }
0x48: {  	[sflag:s16] =	ssyncset.done $0x0  }
0x49: {  	s31 =	simm.s32 $0x0;
	[sflag:s16] =	ssyncadd.s32 $0xFFFFEC00  }
0x4a: {  	[spmem:s2] =	stream.indirect.scatter.add.f32 [tilespmem:s15], [sflag:$0x1], $0x80, s31, s17, $0xb8;
	[tilespmem:$0x19400] =	vst v63  }
0x4b: {  	_ =	swait.ge [sflag:s16], $0x4000  }
0x4c: {  	s18 =	simm.s32 $0x200;
	[sflag:s16] =	ssyncset.done $0x0  }
.LBB2_6:
0x4d: {  	s19 =	sshra.s32 s18, $0x2;
	[sflag:s16] =	ssyncadd.s32 $0xFFFFC000;
	p0 =	sne.s32 s18, $0x4E00  }
0x4e: {  	[spmem:s2] =	stream.indirect.scatter.add.f32 [tilespmem:s15], [sflag:$0x1], $0x80, s19, s17, $0xb8;
	[tilespmem:$0x19400] =	vst v63  }
.Ltmp2:
0x4f: {  	_ = 	snop;
	(pc) =	sbr.rel @p0 .LBB2_6-.Ltmp2, $4  }
0x50: {  	_ = 	snop  }
0x51: {  	s18 =	sadd.s32 $0x200, s18  }
0x52: {  	_ =	swait.ge [sflag:s16], $0x4000  }
0x53: {  	[sflag:s16] =	ssyncset.done $0x0  }
0x54: {  	[sflag:s16] =	ssyncadd.s32 $0xFFFFC000;
	s18 =	simm.s32 $0x0  }
0x55: {  	[tilespmem:s18], [sflag:$0x1] =	stream.linear.gather [hbm4b:s12+s18], $0x1400, $0x38;
	[tilespmem:$0x19400] =	vst v63  }
0x56: {  	_ =	swait.ge [sflag:s16], $0x1400  }
0x57: {  	[sflag:s16] =	ssyncset.done $0x0  }
0x58: {  	s31 =	simm.s32 $0x0;
	[sflag:s16] =	ssyncadd.s32 $0xFFFFEC00  }
0x59: {  	[spmem:s2] =	stream.indirect.scatter.add.f32 [tilespmem:s15], [sflag:$0x1], $0x80, s31, s17, $0xb8;
	[tilespmem:$0x19400] =	vst v63  }
0x5a: {  	_ =	swait.ge [sflag:s16], $0x4000  }
0x5b: {  	s18 =	simm.s32 $0x200;
	[sflag:s16] =	ssyncset.done $0x0  }
.LBB2_8:
0x5c: {  	s19 =	sshra.s32 s18, $0x2;
	[sflag:s16] =	ssyncadd.s32 $0xFFFFC000;
	p0 =	sne.s32 s18, $0x4E00  }
0x5d: {  	[spmem:s2] =	stream.indirect.scatter.add.f32 [tilespmem:s15], [sflag:$0x1], $0x80, s19, s17, $0xb8;
	[tilespmem:$0x19400] =	vst v63  }
.Ltmp3:
0x5e: {  	_ = 	snop;
	(pc) =	sbr.rel @p0 .LBB2_8-.Ltmp3, $4  }
0x5f: {  	_ = 	snop  }
0x60: {  	s18 =	sadd.s32 $0x200, s18  }
0x61: {  	_ =	swait.ge [sflag:s16], $0x4000  }
0x62: {  	[sflag:s16] =	ssyncset.done $0x0  }
0x63: {  	[sflag:s16] =	ssyncadd.s32 $0xFFFFC000;
	s18 =	simm.s32 $0x0  }
0x64: {  	[tilespmem:s18], [sflag:$0x1] =	stream.linear.gather [hbm4b:s13+s18], $0x1400, $0x38;
	[tilespmem:$0x19400] =	vst v63  }
0x65: {  	_ =	swait.ge [sflag:s16], $0x1400  }
0x66: {  	[sflag:s16] =	ssyncset.done $0x0  }
0x67: {  	s31 =	simm.s32 $0x0;
	[sflag:s16] =	ssyncadd.s32 $0xFFFFEC00  }
0x68: {  	[spmem:s2] =	stream.indirect.scatter.add.f32 [tilespmem:s15], [sflag:$0x1], $0x80, s31, s17, $0xb8;
	[tilespmem:$0x19400] =	vst v63  }
0x69: {  	_ =	swait.ge [sflag:s16], $0x4000  }
0x6a: {  	s18 =	simm.s32 $0x200;
	[sflag:s16] =	ssyncset.done $0x0  }
.LBB2_10:
0x6b: {  	s19 =	sshra.s32 s18, $0x2;
	[sflag:s16] =	ssyncadd.s32 $0xFFFFC000;
	p0 =	sne.s32 s18, $0x4E00  }
0x6c: {  	[spmem:s2] =	stream.indirect.scatter.add.f32 [tilespmem:s15], [sflag:$0x1], $0x80, s19, s17, $0xb8;
	[tilespmem:$0x19400] =	vst v63  }
.Ltmp4:
0x6d: {  	_ = 	snop;
	(pc) =	sbr.rel @p0 .LBB2_10-.Ltmp4, $4  }
0x6e: {  	_ = 	snop  }
0x6f: {  	s18 =	sadd.s32 $0x200, s18  }
0x70: {  	_ =	swait.ge [sflag:s16], $0x4000  }
0x71: {  	[sflag:s16] =	ssyncset.done $0x0  }
0x72: {  	[sflag:s16] =	ssyncadd.s32 $0xFFFFC000;
	s18 =	simm.s32 $0x0  }
0x73: {  	[tilespmem:s18], [sflag:$0x1] =	stream.linear.gather [hbm4b:s14+s18], $0x1400, $0x38;
	[tilespmem:$0x19400] =	vst v63  }
0x74: {  	_ =	swait.ge [sflag:s16], $0x1400  }
0x75: {  	[sflag:s16] =	ssyncset.done $0x0  }
0x76: {  	s31 =	simm.s32 $0x0;
	[sflag:s16] =	ssyncadd.s32 $0xFFFFEC00  }
0x77: {  	[spmem:s2] =	stream.indirect.scatter.add.f32 [tilespmem:s15], [sflag:$0x1], $0x80, s31, s17, $0xb8;
	[tilespmem:$0x19400] =	vst v63  }
0x78: {  	_ =	swait.ge [sflag:s16], $0x4000  }
0x79: {  	s18 =	simm.s32 $0x200;
	[sflag:s16] =	ssyncset.done $0x0  }
.LBB2_12:
0x7a: {  	s19 =	sshra.s32 s18, $0x2;
	[sflag:s16] =	ssyncadd.s32 $0xFFFFC000;
	p0 =	sne.s32 s18, $0x4E00  }
0x7b: {  	[spmem:s2] =	stream.indirect.scatter.add.f32 [tilespmem:s15], [sflag:$0x1], $0x80, s19, s17, $0xb8;
	[tilespmem:$0x19400] =	vst v63  }
.Ltmp5:
0x7c: {  	_ = 	snop;
	(pc) =	sbr.rel @p0 .LBB2_12-.Ltmp5, $4  }
0x7d: {  	_ = 	snop  }
0x7e: {  	s18 =	sadd.s32 $0x200, s18  }
0x7f: {  	_ =	swait.ge [sflag:s16], $0x4000  }
0x80: {  	[sflag:s16] =	ssyncset.done $0x0  }
0x81: {  	[sflag:s16] =	ssyncadd.s32 $0xFFFFC000;
	s3 =	sadd.s32 $0x1, s3  }
0x82: {  	s18 =	sshll.u32 s1, $0x6;
	s19 =	sshrl.u32 s4, $0x3;
	p0 =	sne.s32 s3, s10  }
.Ltmp6:
0x83: {  	[bflag:$0x0] =	sbarrier.arrive $0xFFFF;
	s18 =	sor.u32 $0x1C01, s18;
	(pc) =	sbr.rel @p0 .LBB2_1-.Ltmp6, $4  }
0x84: {  	[hbm:s9], [sflag:s18] =	dma.local [spmem:s19], $0x2800  }
0x85: {  	_ =	swait.ge [sflag:s16], $0x2800  }
0x86: {  	[sflag:s16] =	ssyncset.done $0x0  }
0x87: {  	[sflag:s16] =	ssyncadd.s32 $0xFFFFD800  }
0x88: {  	_ =	sfence.sel $0x180000  }
0x89: {  	[bflag:$0x0] =	sbarrier.arrive $0xFFFF  }
0x8a: {  	p0 =	sne.s32 s1, $0x0;
	_ =	strace $0x90000047  }
0x8b: {  	s0 =	sadd.s32 @!p0 $0x100000, s0;
	[bflag:$0x2] =	sbarrier.arrive $0xFFFF  }
0x8c: {  	[sflag:s0] =	ssyncadd.tile.s32 @!p0 $0x1;
	_ =	shalt  }
.Lfunc_end2:
_tile_overlayer_lowered:
.L_overlay_start_2:
0x8d: {  	(tag) =	ssettag $0x2  }
0x8e: {  	s0 =	rddreg [dreg:$0x0];
	s2 =	stileid.u32  }
0x8f: {  	s1 =	rddreg [dreg:$0x1];
	p0 =	sne.s32 s2, $0x0  }
0x90: {  	s3 =	rddreg [dreg:$0x2];
	[bflag:$0x3] =	sbarrier.arrive $0xFFFF;
	s2 =	simm.s32 @!p0 $0x1C01  }
0x91: {  	[timem:s3], [sflag:s2] =	dma.local @!p0 [hbm:s0], s1  }
0x92: {  	s0 =	simm.s32 @!p0 $0x1  }
0x93: {  	_ =	swait.ge @!p0 [sflag:s0], s1  }
0x94: {  	s1 =	ssub.s32 @!p0 $0x0, s1;
	[sflag:s0] =	ssyncset.done @!p0 $0x0  }
0x95: {  	[sflag:s0] =	ssyncadd.s32 @!p0 s1  }
0x96: {  	[bflag:$0x3] =	sbarrier.arrive $0xFFFF  }
0x97: {  	_ =	shalt  }

</sc_bundles>
